<compile_context>
chip_gen: v7x
topology: tpu7x:2x2x1
jax: 0.10.2.dev20260603
libtpu: 0.0.44.dev20260713+nightly
codegen_flags: <defaults>
</compile_context>

<pallas_src>
import jax
import jax.numpy as jnp
from jax import lax
from jax.experimental import pallas as pl
from jax.experimental.pallas import tpu as pltpu
from jax.experimental.pallas import tpu_sc as plsc

B = 16384
DIM = 64
PDIM = 128
NUM_CORES = 2
NUM_SUBCORES = 16
NW = NUM_CORES * NUM_SUBCORES
BPW = B // NW
CHUNK = 128
NCHUNK = BPW // CHUNK
L = 16
FGROUPS = DIM // L
BGROUPS = CHUNK // L


def _gather_body(rt_ref, ln_ref, tp_ref, w_ref, out_ref,
                 i0a, i1a, i2a, i0b, i1b, i2b,
                 r0a, r1a, r2a, r0b, r1b, r2b,
                 outT, sem_a, sem_b):
    wid = lax.axis_index("s") * NUM_CORES + lax.axis_index("c")
    base = wid * BPW
    irefs = (rt_ref, ln_ref, tp_ref)
    tabs = (w_ref, w_ref, w_ref)
    idxs = ((i0a, i1a, i2a), (i0b, i1b, i2b))
    rows = ((r0a, r1a, r2a), (r0b, r1b, r2b))
    sems = (sem_a, sem_b)

    iota = lax.iota(jnp.int32, L)
    perms = [lax.rem(iota + j, jnp.full((L,), L, jnp.int32)) for j in range(L)]

    def fire(k):
        s = k % 2
        b = base + k * CHUNK
        for c in range(3):
            pltpu.sync_copy(irefs[c].at[pl.ds(b, CHUNK)], idxs[s][c])
        return [pltpu.async_copy(tabs[c].at[idxs[s][c]], rows[s][c], sems[s])
                for c in range(3)]

    def transpose_block(src, outview, i):
        bg = lax.div(i, FGROUPS)
        fg = lax.rem(i, FGROUPS)
        ridx = bg * L + iota
        cidx0 = fg * L
        vals = []
        for j in range(L):
            vals.append(plsc.load_gather(src, [ridx, cidx0 + perms[j]]))
        for j in range(L):
            plsc.store_scatter(outview, [cidx0 + perms[j], ridx], vals[j])

    def process(k, descs):
        s = k % 2
        for d in descs:
            d.wait()
        for c in range(3):
            view = outT.at[pl.ds(DIM * c, DIM)]
            lax.fori_loop(
                0, BGROUPS * FGROUPS,
                lambda i, carry, c=c, view=view: (
                    transpose_block(rows[s][c], view, i), carry)[1],
                0)
        b = base + k * CHUNK
        pltpu.sync_copy(outT, out_ref.at[:, pl.ds(b, CHUNK)])

    descs = fire(0)
    for k in range(NCHUNK):
        nxt = fire(k + 1) if k + 1 < NCHUNK else None
        process(k, descs)
        descs = nxt


@jax.jit
def _lookup_concat(road_type, lane, time_period, W_road, W_lane, W_time):
    vocab = W_road.shape[0]
    w_all = jnp.pad(jnp.concatenate([W_road, W_lane, W_time], axis=0),
                    [(0, 0), (0, PDIM - DIM)])
    lane = lane + vocab
    time_period = time_period + 2 * vocab

    mesh = plsc.VectorSubcoreMesh(core_axis_name="c", subcore_axis_name="s")
    out_t = pl.kernel(
        _gather_body,
        out_type=jax.ShapeDtypeStruct((3 * DIM, B), jnp.float32),
        mesh=mesh,
        compiler_params=pltpu.CompilerParams(needs_layout_passes=False),
        scratch_types=[
            pltpu.VMEM((CHUNK,), jnp.int32),
            pltpu.VMEM((CHUNK,), jnp.int32),
            pltpu.VMEM((CHUNK,), jnp.int32),
            pltpu.VMEM((CHUNK,), jnp.int32),
            pltpu.VMEM((CHUNK,), jnp.int32),
            pltpu.VMEM((CHUNK,), jnp.int32),
            pltpu.VMEM((CHUNK, PDIM), jnp.float32),
            pltpu.VMEM((CHUNK, PDIM), jnp.float32),
            pltpu.VMEM((CHUNK, PDIM), jnp.float32),
            pltpu.VMEM((CHUNK, PDIM), jnp.float32),
            pltpu.VMEM((CHUNK, PDIM), jnp.float32),
            pltpu.VMEM((CHUNK, PDIM), jnp.float32),
            pltpu.VMEM((3 * DIM, CHUNK), jnp.float32),
            pltpu.SemaphoreType.DMA,
            pltpu.SemaphoreType.DMA,
        ],
    )(road_type, lane, time_period, w_all)
    return out_t.T


def kernel(road_type, lane, time_period, W_road, W_lane, W_time):
    return _lookup_concat(
        road_type.astype(jnp.int32),
        lane.astype(jnp.int32),
        time_period.astype(jnp.int32),
        W_road, W_lane, W_time,
    )

# --- scband reference (transcript-rebuilt; emitter-appended) ---
"""Pipeline reference for scband-semantic-embedding-8693013807206 (READ-ONLY COPY).

The authoritative reference and input builder live on the scoring server;
editing this copy changes nothing except your own understanding.
"""

import jax, jax.numpy as jnp
import numpy as np

B = 16384
VOCAB = 1000
DIM = 64

def setup_inputs(seed: int = 0) -> dict:
    key = jax.random.key(seed)
    k1, k2, k3, k4, k5, k6 = jax.random.split(key, 6)
    road_type = jax.random.randint(k1, (B,), 0, VOCAB, dtype=jnp.int64) if jax.config.jax_enable_x64 else jax.random.randint(k1, (B,), 0, VOCAB).astype(jnp.int32)
    lane = jax.random.randint(k2, (B,), 0, VOCAB).astype(road_type.dtype)
    time_period = jax.random.randint(k3, (B,), 0, VOCAB).astype(road_type.dtype)
    W_road = jax.random.normal(k4, (VOCAB, DIM), dtype=jnp.float32)
    W_lane = jax.random.normal(k5, (VOCAB, DIM), dtype=jnp.float32)
    W_time = jax.random.normal(k6, (VOCAB, DIM), dtype=jnp.float32)
    return {"road_type": road_type, "lane": lane, "time_period": time_period,
            "W_road": W_road, "W_lane": W_lane, "W_time": W_time}

def reference(road_type, lane, time_period, W_road, W_lane, W_time):
    road_emb = jnp.take(W_road, road_type, axis=0)
    lane_emb = jnp.take(W_lane, lane, axis=0)
    time_emb = jnp.take(W_time, time_period, axis=0)
    return jnp.concatenate([road_emb, lane_emb, time_emb], axis=-1)

if __name__ == "__main__":
    import jax
    _d = setup_inputs()
    print(jax.jit(kernel)(*tuple(_d.values())))

</pallas_src>

<mosaic_0001>
#map = affine_map<(d0, d1) -> (0)>
#map1 = affine_map<(d0, d1) -> (0, 0)>
module attributes {stable_mosaic.version = 14 : i64} {
  func.func @_gather_body(%arg0: i32, %arg1: i32, %arg2: memref<16384xi32, #tpu.memory_space<hbm>>, %arg3: memref<16384xi32, #tpu.memory_space<hbm>>, %arg4: memref<16384xi32, #tpu.memory_space<hbm>>, %arg5: memref<3000x128xf32, #tpu.memory_space<hbm>>, %arg6: memref<192x16384xf32, #tpu.memory_space<hbm>>, %arg7: memref<128xi32, #tpu.memory_space<vmem>>, %arg8: memref<128xi32, #tpu.memory_space<vmem>>, %arg9: memref<128xi32, #tpu.memory_space<vmem>>, %arg10: memref<128xi32, #tpu.memory_space<vmem>>, %arg11: memref<128xi32, #tpu.memory_space<vmem>>, %arg12: memref<128xi32, #tpu.memory_space<vmem>>, %arg13: memref<128x128xf32, #tpu.memory_space<vmem>>, %arg14: memref<128x128xf32, #tpu.memory_space<vmem>>, %arg15: memref<128x128xf32, #tpu.memory_space<vmem>>, %arg16: memref<128x128xf32, #tpu.memory_space<vmem>>, %arg17: memref<128x128xf32, #tpu.memory_space<vmem>>, %arg18: memref<128x128xf32, #tpu.memory_space<vmem>>, %arg19: memref<192x128xf32, #tpu.memory_space<vmem>>, %arg20: memref<!tpu.dma_semaphore, #tpu.memory_space<semaphore_mem>>, %arg21: memref<!tpu.dma_semaphore, #tpu.memory_space<semaphore_mem>>) attributes {dimension_semantics = [#tpu.dimension_semantics<core_parallel>, #tpu.dimension_semantics<subcore_parallel>], iteration_bounds = array<i64: 2, 16>, scalar_prefetch = 0 : i64, scratch_operands = 15 : i64, tpu.core_type = #tpu.core_type<sc_vector_subcore>, window_params = [{transform_indices = #map}, {transform_indices = #map}, {transform_indices = #map}, {transform_indices = #map1}, {transform_indices = #map1}]} {
    %mul3A = arith.constant 2 : i32
    %mul3A_0 = arith.muli %arg1, %mul3A : i32
    %add3A = arith.addi %mul3A_0, %arg0 : i32
    %mul3A_1 = arith.constant 512 : i32
    %mul3A_2 = arith.muli %add3A, %mul3A_1 : i32
    %iota3A = tpu.iota {dimensions = array<i32: 0>} : vector<16xi32>
    %add3A_3 = arith.constant 0 : i32
    %add3A_4 = vector.broadcast %add3A_3 : i32 to vector<16xi32>
    %add3A_5 = arith.addi %iota3A, %add3A_4 : vector<16xi32>
    %broadcast_in_dim3A = arith.constant 16 : i32
    %broadcast_in_dim3A_6 = vector.broadcast %broadcast_in_dim3A : i32 to vector<16xi32>
    %rem3A = arith.remsi %add3A_5, %broadcast_in_dim3A_6 : vector<16xi32>
    %add3A_7 = arith.constant 1 : i32
    %add3A_8 = vector.broadcast %add3A_7 : i32 to vector<16xi32>
    %add3A_9 = arith.addi %iota3A, %add3A_8 : vector<16xi32>
    %broadcast_in_dim3A_10 = arith.constant 16 : i32
    %broadcast_in_dim3A_11 = vector.broadcast %broadcast_in_dim3A_10 : i32 to vector<16xi32>
    %rem3A_12 = arith.remsi %add3A_9, %broadcast_in_dim3A_11 : vector<16xi32>
    %add3A_13 = arith.constant 2 : i32
    %add3A_14 = vector.broadcast %add3A_13 : i32 to vector<16xi32>
    %add3A_15 = arith.addi %iota3A, %add3A_14 : vector<16xi32>
    %broadcast_in_dim3A_16 = arith.constant 16 : i32
    %broadcast_in_dim3A_17 = vector.broadcast %broadcast_in_dim3A_16 : i32 to vector<16xi32>
    %rem3A_18 = arith.remsi %add3A_15, %broadcast_in_dim3A_17 : vector<16xi32>
    %add3A_19 = arith.constant 3 : i32
    %add3A_20 = vector.broadcast %add3A_19 : i32 to vector<16xi32>
    %add3A_21 = arith.addi %iota3A, %add3A_20 : vector<16xi32>
    %broadcast_in_dim3A_22 = arith.constant 16 : i32
    %broadcast_in_dim3A_23 = vector.broadcast %broadcast_in_dim3A_22 : i32 to vector<16xi32>
    %rem3A_24 = arith.remsi %add3A_21, %broadcast_in_dim3A_23 : vector<16xi32>
    %add3A_25 = arith.constant 4 : i32
    %add3A_26 = vector.broadcast %add3A_25 : i32 to vector<16xi32>
    %add3A_27 = arith.addi %iota3A, %add3A_26 : vector<16xi32>
    %broadcast_in_dim3A_28 = arith.constant 16 : i32
    %broadcast_in_dim3A_29 = vector.broadcast %broadcast_in_dim3A_28 : i32 to vector<16xi32>
    %rem3A_30 = arith.remsi %add3A_27, %broadcast_in_dim3A_29 : vector<16xi32>
    %add3A_31 = arith.constant 5 : i32
    %add3A_32 = vector.broadcast %add3A_31 : i32 to vector<16xi32>
    %add3A_33 = arith.addi %iota3A, %add3A_32 : vector<16xi32>
    %broadcast_in_dim3A_34 = arith.constant 16 : i32
    %broadcast_in_dim3A_35 = vector.broadcast %broadcast_in_dim3A_34 : i32 to vector<16xi32>
    %rem3A_36 = arith.remsi %add3A_33, %broadcast_in_dim3A_35 : vector<16xi32>
    %add3A_37 = arith.constant 6 : i32
    %add3A_38 = vector.broadcast %add3A_37 : i32 to vector<16xi32>
    %add3A_39 = arith.addi %iota3A, %add3A_38 : vector<16xi32>
    %broadcast_in_dim3A_40 = arith.constant 16 : i32
    %broadcast_in_dim3A_41 = vector.broadcast %broadcast_in_dim3A_40 : i32 to vector<16xi32>
    %rem3A_42 = arith.remsi %add3A_39, %broadcast_in_dim3A_41 : vector<16xi32>
    %add3A_43 = arith.constant 7 : i32
    %add3A_44 = vector.broadcast %add3A_43 : i32 to vector<16xi32>
    %add3A_45 = arith.addi %iota3A, %add3A_44 : vector<16xi32>
    %broadcast_in_dim3A_46 = arith.constant 16 : i32
    %broadcast_in_dim3A_47 = vector.broadcast %broadcast_in_dim3A_46 : i32 to vector<16xi32>
    %rem3A_48 = arith.remsi %add3A_45, %broadcast_in_dim3A_47 : vector<16xi32>
    %add3A_49 = arith.constant 8 : i32
    %add3A_50 = vector.broadcast %add3A_49 : i32 to vector<16xi32>
    %add3A_51 = arith.addi %iota3A, %add3A_50 : vector<16xi32>
    %broadcast_in_dim3A_52 = arith.constant 16 : i32
    %broadcast_in_dim3A_53 = vector.broadcast %broadcast_in_dim3A_52 : i32 to vector<16xi32>
    %rem3A_54 = arith.remsi %add3A_51, %broadcast_in_dim3A_53 : vector<16xi32>
    %add3A_55 = arith.constant 9 : i32
    %add3A_56 = vector.broadcast %add3A_55 : i32 to vector<16xi32>
    %add3A_57 = arith.addi %iota3A, %add3A_56 : vector<16xi32>
    %broadcast_in_dim3A_58 = arith.constant 16 : i32
    %broadcast_in_dim3A_59 = vector.broadcast %broadcast_in_dim3A_58 : i32 to vector<16xi32>
    %rem3A_60 = arith.remsi %add3A_57, %broadcast_in_dim3A_59 : vector<16xi32>
    %add3A_61 = arith.constant 10 : i32
    %add3A_62 = vector.broadcast %add3A_61 : i32 to vector<16xi32>
    %add3A_63 = arith.addi %iota3A, %add3A_62 : vector<16xi32>
    %broadcast_in_dim3A_64 = arith.constant 16 : i32
    %broadcast_in_dim3A_65 = vector.broadcast %broadcast_in_dim3A_64 : i32 to vector<16xi32>
    %rem3A_66 = arith.remsi %add3A_63, %broadcast_in_dim3A_65 : vector<16xi32>
    %add3A_67 = arith.constant 11 : i32
    %add3A_68 = vector.broadcast %add3A_67 : i32 to vector<16xi32>
    %add3A_69 = arith.addi %iota3A, %add3A_68 : vector<16xi32>
    %broadcast_in_dim3A_70 = arith.constant 16 : i32
    %broadcast_in_dim3A_71 = vector.broadcast %broadcast_in_dim3A_70 : i32 to vector<16xi32>
    %rem3A_72 = arith.remsi %add3A_69, %broadcast_in_dim3A_71 : vector<16xi32>
    %add3A_73 = arith.constant 12 : i32
    %add3A_74 = vector.broadcast %add3A_73 : i32 to vector<16xi32>
    %add3A_75 = arith.addi %iota3A, %add3A_74 : vector<16xi32>
    %broadcast_in_dim3A_76 = arith.constant 16 : i32
    %broadcast_in_dim3A_77 = vector.broadcast %broadcast_in_dim3A_76 : i32 to vector<16xi32>
    %rem3A_78 = arith.remsi %add3A_75, %broadcast_in_dim3A_77 : vector<16xi32>
    %add3A_79 = arith.constant 13 : i32
    %add3A_80 = vector.broadcast %add3A_79 : i32 to vector<16xi32>
    %add3A_81 = arith.addi %iota3A, %add3A_80 : vector<16xi32>
    %broadcast_in_dim3A_82 = arith.constant 16 : i32
    %broadcast_in_dim3A_83 = vector.broadcast %broadcast_in_dim3A_82 : i32 to vector<16xi32>
    %rem3A_84 = arith.remsi %add3A_81, %broadcast_in_dim3A_83 : vector<16xi32>
    %add3A_85 = arith.constant 14 : i32
    %add3A_86 = vector.broadcast %add3A_85 : i32 to vector<16xi32>
    %add3A_87 = arith.addi %iota3A, %add3A_86 : vector<16xi32>
    %broadcast_in_dim3A_88 = arith.constant 16 : i32
    %broadcast_in_dim3A_89 = vector.broadcast %broadcast_in_dim3A_88 : i32 to vector<16xi32>
    %rem3A_90 = arith.remsi %add3A_87, %broadcast_in_dim3A_89 : vector<16xi32>
    %add3A_91 = arith.constant 15 : i32
    %add3A_92 = vector.broadcast %add3A_91 : i32 to vector<16xi32>
    %add3A_93 = arith.addi %iota3A, %add3A_92 : vector<16xi32>
    %broadcast_in_dim3A_94 = arith.constant 16 : i32
    %broadcast_in_dim3A_95 = vector.broadcast %broadcast_in_dim3A_94 : i32 to vector<16xi32>
    %rem3A_96 = arith.remsi %add3A_93, %broadcast_in_dim3A_95 : vector<16xi32>
    %add3A_97 = arith.constant 0 : i32
    %add3A_98 = arith.addi %mul3A_2, %add3A_97 : i32
    "tpu.region"() ({
      %run_scoped3A = tpu.sem_alloc : memref<!tpu.dma_semaphore, #tpu.memory_space<semaphore_mem>>
      %dma_start3A_254 = tpu.memref_slice %arg2[%add3A_98] : memref<16384xi32, #tpu.memory_space<hbm>> -> memref<128xi32, #tpu.memory_space<hbm>>
      %dma_start3A_255 = tpu.memref_slice %arg2[%add3A_98] : memref<16384xi32, #tpu.memory_space<hbm>> -> memref<128xi32, #tpu.memory_space<hbm>>
      tpu.enqueue_dma source(%dma_start3A_255 : memref<128xi32, #tpu.memory_space<hbm>>) target(%arg7 : memref<128xi32, #tpu.memory_space<vmem>>) target_semaphore(%run_scoped3A : memref<!tpu.dma_semaphore, #tpu.memory_space<semaphore_mem>>)
      %dma_wait3A_256 = tpu.memref_slice %arg2[%add3A_98] : memref<16384xi32, #tpu.memory_space<hbm>> -> memref<128xi32, #tpu.memory_space<hbm>>
      %dma_wait3A_257 = tpu.memref_slice %arg2[%add3A_98] : memref<16384xi32, #tpu.memory_space<hbm>> -> memref<128xi32, #tpu.memory_space<hbm>>
      tpu.wait_dma2 semaphore(%run_scoped3A : memref<!tpu.dma_semaphore, #tpu.memory_space<semaphore_mem>>) src(%dma_wait3A_257 : memref<128xi32, #tpu.memory_space<hbm>>) dst(%arg7 : memref<128xi32, #tpu.memory_space<vmem>>)
      tpu.yield
    }) : () -> ()
    "tpu.region"() ({
      %run_scoped3A = tpu.sem_alloc : memref<!tpu.dma_semaphore, #tpu.memory_space<semaphore_mem>>
      %dma_start3A_254 = tpu.memref_slice %arg3[%add3A_98] : memref<16384xi32, #tpu.memory_space<hbm>> -> memref<128xi32, #tpu.memory_space<hbm>>
      %dma_start3A_255 = tpu.memref_slice %arg3[%add3A_98] : memref<16384xi32, #tpu.memory_space<hbm>> -> memref<128xi32, #tpu.memory_space<hbm>>
      tpu.enqueue_dma source(%dma_start3A_255 : memref<128xi32, #tpu.memory_space<hbm>>) target(%arg8 : memref<128xi32, #tpu.memory_space<vmem>>) target_semaphore(%run_scoped3A : memref<!tpu.dma_semaphore, #tpu.memory_space<semaphore_mem>>)
      %dma_wait3A_256 = tpu.memref_slice %arg3[%add3A_98] : memref<16384xi32, #tpu.memory_space<hbm>> -> memref<128xi32, #tpu.memory_space<hbm>>
      %dma_wait3A_257 = tpu.memref_slice %arg3[%add3A_98] : memref<16384xi32, #tpu.memory_space<hbm>> -> memref<128xi32, #tpu.memory_space<hbm>>
      tpu.wait_dma2 semaphore(%run_scoped3A : memref<!tpu.dma_semaphore, #tpu.memory_space<semaphore_mem>>) src(%dma_wait3A_257 : memref<128xi32, #tpu.memory_space<hbm>>) dst(%arg8 : memref<128xi32, #tpu.memory_space<vmem>>)
      tpu.yield
    }) : () -> ()
    "tpu.region"() ({
      %run_scoped3A = tpu.sem_alloc : memref<!tpu.dma_semaphore, #tpu.memory_space<semaphore_mem>>
      %dma_start3A_254 = tpu.memref_slice %arg4[%add3A_98] : memref<16384xi32, #tpu.memory_space<hbm>> -> memref<128xi32, #tpu.memory_space<hbm>>
      %dma_start3A_255 = tpu.memref_slice %arg4[%add3A_98] : memref<16384xi32, #tpu.memory_space<hbm>> -> memref<128xi32, #tpu.memory_space<hbm>>
      tpu.enqueue_dma source(%dma_start3A_255 : memref<128xi32, #tpu.memory_space<hbm>>) target(%arg9 : memref<128xi32, #tpu.memory_space<vmem>>) target_semaphore(%run_scoped3A : memref<!tpu.dma_semaphore, #tpu.memory_space<semaphore_mem>>)
      %dma_wait3A_256 = tpu.memref_slice %arg4[%add3A_98] : memref<16384xi32, #tpu.memory_space<hbm>> -> memref<128xi32, #tpu.memory_space<hbm>>
      %dma_wait3A_257 = tpu.memref_slice %arg4[%add3A_98] : memref<16384xi32, #tpu.memory_space<hbm>> -> memref<128xi32, #tpu.memory_space<hbm>>
      tpu.wait_dma2 semaphore(%run_scoped3A : memref<!tpu.dma_semaphore, #tpu.memory_space<semaphore_mem>>) src(%dma_wait3A_257 : memref<128xi32, #tpu.memory_space<hbm>>) dst(%arg9 : memref<128xi32, #tpu.memory_space<vmem>>)
      tpu.yield
    }) : () -> ()
    %dma_start3A = arith.constant 0 : i32
    %dma_start3A_99 = arith.constant 0 : i32
    %dma_start3A_100 = tpu.memref_slice %arg5[%dma_start3A, %dma_start3A_99] : memref<3000x128xf32, #tpu.memory_space<hbm>> -> memref<3000x128xf32, #tpu.memory_space<hbm>>
    tpu.enqueue_indirect_dma source(%dma_start3A_100 : memref<3000x128xf32, #tpu.memory_space<hbm>>) target(%arg13 : memref<128x128xf32, #tpu.memory_space<vmem>>) offsets(%arg7 : memref<128xi32, #tpu.memory_space<vmem>>) semaphore(%arg20 : memref<!tpu.dma_semaphore, #tpu.memory_space<semaphore_mem>>)
    %dma_start3A_101 = arith.constant 0 : i32
    %dma_start3A_102 = arith.constant 0 : i32
    %dma_start3A_103 = tpu.memref_slice %arg5[%dma_start3A_101, %dma_start3A_102] : memref<3000x128xf32, #tpu.memory_space<hbm>> -> memref<3000x128xf32, #tpu.memory_space<hbm>>
    tpu.enqueue_indirect_dma source(%dma_start3A_103 : memref<3000x128xf32, #tpu.memory_space<hbm>>) target(%arg14 : memref<128x128xf32, #tpu.memory_space<vmem>>) offsets(%arg8 : memref<128xi32, #tpu.memory_space<vmem>>) semaphore(%arg20 : memref<!tpu.dma_semaphore, #tpu.memory_space<semaphore_mem>>)
    %dma_start3A_104 = arith.constant 0 : i32
    %dma_start3A_105 = arith.constant 0 : i32
    %dma_start3A_106 = tpu.memref_slice %arg5[%dma_start3A_104, %dma_start3A_105] : memref<3000x128xf32, #tpu.memory_space<hbm>> -> memref<3000x128xf32, #tpu.memory_space<hbm>>
    tpu.enqueue_indirect_dma source(%dma_start3A_106 : memref<3000x128xf32, #tpu.memory_space<hbm>>) target(%arg15 : memref<128x128xf32, #tpu.memory_space<vmem>>) offsets(%arg9 : memref<128xi32, #tpu.memory_space<vmem>>) semaphore(%arg20 : memref<!tpu.dma_semaphore, #tpu.memory_space<semaphore_mem>>)
    %add3A_107 = arith.constant 128 : i32
    %add3A_108 = arith.addi %mul3A_2, %add3A_107 : i32
    "tpu.region"() ({
      %run_scoped3A = tpu.sem_alloc : memref<!tpu.dma_semaphore, #tpu.memory_space<semaphore_mem>>
      %dma_start3A_254 = tpu.memref_slice %arg2[%add3A_108] : memref<16384xi32, #tpu.memory_space<hbm>> -> memref<128xi32, #tpu.memory_space<hbm>>
      %dma_start3A_255 = tpu.memref_slice %arg2[%add3A_108] : memref<16384xi32, #tpu.memory_space<hbm>> -> memref<128xi32, #tpu.memory_space<hbm>>
      tpu.enqueue_dma source(%dma_start3A_255 : memref<128xi32, #tpu.memory_space<hbm>>) target(%arg10 : memref<128xi32, #tpu.memory_space<vmem>>) target_semaphore(%run_scoped3A : memref<!tpu.dma_semaphore, #tpu.memory_space<semaphore_mem>>)
      %dma_wait3A_256 = tpu.memref_slice %arg2[%add3A_108] : memref<16384xi32, #tpu.memory_space<hbm>> -> memref<128xi32, #tpu.memory_space<hbm>>
      %dma_wait3A_257 = tpu.memref_slice %arg2[%add3A_108] : memref<16384xi32, #tpu.memory_space<hbm>> -> memref<128xi32, #tpu.memory_space<hbm>>
      tpu.wait_dma2 semaphore(%run_scoped3A : memref<!tpu.dma_semaphore, #tpu.memory_space<semaphore_mem>>) src(%dma_wait3A_257 : memref<128xi32, #tpu.memory_space<hbm>>) dst(%arg10 : memref<128xi32, #tpu.memory_space<vmem>>)
      tpu.yield
    }) : () -> ()
    "tpu.region"() ({
      %run_scoped3A = tpu.sem_alloc : memref<!tpu.dma_semaphore, #tpu.memory_space<semaphore_mem>>
      %dma_start3A_254 = tpu.memref_slice %arg3[%add3A_108] : memref<16384xi32, #tpu.memory_space<hbm>> -> memref<128xi32, #tpu.memory_space<hbm>>
      %dma_start3A_255 = tpu.memref_slice %arg3[%add3A_108] : memref<16384xi32, #tpu.memory_space<hbm>> -> memref<128xi32, #tpu.memory_space<hbm>>
      tpu.enqueue_dma source(%dma_start3A_255 : memref<128xi32, #tpu.memory_space<hbm>>) target(%arg11 : memref<128xi32, #tpu.memory_space<vmem>>) target_semaphore(%run_scoped3A : memref<!tpu.dma_semaphore, #tpu.memory_space<semaphore_mem>>)
      %dma_wait3A_256 = tpu.memref_slice %arg3[%add3A_108] : memref<16384xi32, #tpu.memory_space<hbm>> -> memref<128xi32, #tpu.memory_space<hbm>>
      %dma_wait3A_257 = tpu.memref_slice %arg3[%add3A_108] : memref<16384xi32, #tpu.memory_space<hbm>> -> memref<128xi32, #tpu.memory_space<hbm>>
      tpu.wait_dma2 semaphore(%run_scoped3A : memref<!tpu.dma_semaphore, #tpu.memory_space<semaphore_mem>>) src(%dma_wait3A_257 : memref<128xi32, #tpu.memory_space<hbm>>) dst(%arg11 : memref<128xi32, #tpu.memory_space<vmem>>)
      tpu.yield
    }) : () -> ()
    "tpu.region"() ({
      %run_scoped3A = tpu.sem_alloc : memref<!tpu.dma_semaphore, #tpu.memory_space<semaphore_mem>>
      %dma_start3A_254 = tpu.memref_slice %arg4[%add3A_108] : memref<16384xi32, #tpu.memory_space<hbm>> -> memref<128xi32, #tpu.memory_space<hbm>>
      %dma_start3A_255 = tpu.memref_slice %arg4[%add3A_108] : memref<16384xi32, #tpu.memory_space<hbm>> -> memref<128xi32, #tpu.memory_space<hbm>>
      tpu.enqueue_dma source(%dma_start3A_255 : memref<128xi32, #tpu.memory_space<hbm>>) target(%arg12 : memref<128xi32, #tpu.memory_space<vmem>>) target_semaphore(%run_scoped3A : memref<!tpu.dma_semaphore, #tpu.memory_space<semaphore_mem>>)
      %dma_wait3A_256 = tpu.memref_slice %arg4[%add3A_108] : memref<16384xi32, #tpu.memory_space<hbm>> -> memref<128xi32, #tpu.memory_space<hbm>>
      %dma_wait3A_257 = tpu.memref_slice %arg4[%add3A_108] : memref<16384xi32, #tpu.memory_space<hbm>> -> memref<128xi32, #tpu.memory_space<hbm>>
      tpu.wait_dma2 semaphore(%run_scoped3A : memref<!tpu.dma_semaphore, #tpu.memory_space<semaphore_mem>>) src(%dma_wait3A_257 : memref<128xi32, #tpu.memory_space<hbm>>) dst(%arg12 : memref<128xi32, #tpu.memory_space<vmem>>)
      tpu.yield
    }) : () -> ()
    %dma_start3A_109 = arith.constant 0 : i32
    %dma_start3A_110 = arith.constant 0 : i32
    %dma_start3A_111 = tpu.memref_slice %arg5[%dma_start3A_109, %dma_start3A_110] : memref<3000x128xf32, #tpu.memory_space<hbm>> -> memref<3000x128xf32, #tpu.memory_space<hbm>>
    tpu.enqueue_indirect_dma source(%dma_start3A_111 : memref<3000x128xf32, #tpu.memory_space<hbm>>) target(%arg16 : memref<128x128xf32, #tpu.memory_space<vmem>>) offsets(%arg10 : memref<128xi32, #tpu.memory_space<vmem>>) semaphore(%arg21 : memref<!tpu.dma_semaphore, #tpu.memory_space<semaphore_mem>>)
    %dma_start3A_112 = arith.constant 0 : i32
    %dma_start3A_113 = arith.constant 0 : i32
    %dma_start3A_114 = tpu.memref_slice %arg5[%dma_start3A_112, %dma_start3A_113] : memref<3000x128xf32, #tpu.memory_space<hbm>> -> memref<3000x128xf32, #tpu.memory_space<hbm>>
    tpu.enqueue_indirect_dma source(%dma_start3A_114 : memref<3000x128xf32, #tpu.memory_space<hbm>>) target(%arg17 : memref<128x128xf32, #tpu.memory_space<vmem>>) offsets(%arg11 : memref<128xi32, #tpu.memory_space<vmem>>) semaphore(%arg21 : memref<!tpu.dma_semaphore, #tpu.memory_space<semaphore_mem>>)
    %dma_start3A_115 = arith.constant 0 : i32
    %dma_start3A_116 = arith.constant 0 : i32
    %dma_start3A_117 = tpu.memref_slice %arg5[%dma_start3A_115, %dma_start3A_116] : memref<3000x128xf32, #tpu.memory_space<hbm>> -> memref<3000x128xf32, #tpu.memory_space<hbm>>
    tpu.enqueue_indirect_dma source(%dma_start3A_117 : memref<3000x128xf32, #tpu.memory_space<hbm>>) target(%arg18 : memref<128x128xf32, #tpu.memory_space<vmem>>) offsets(%arg12 : memref<128xi32, #tpu.memory_space<vmem>>) semaphore(%arg21 : memref<!tpu.dma_semaphore, #tpu.memory_space<semaphore_mem>>)
    %dma_wait3A = arith.constant 0 : i32
    %dma_wait3A_118 = arith.constant 0 : i32
    %dma_wait3A_119 = tpu.memref_slice %arg5[%dma_wait3A, %dma_wait3A_118] : memref<3000x128xf32, #tpu.memory_space<hbm>> -> memref<3000x128xf32, #tpu.memory_space<hbm>>
    tpu.wait_indirect_dma semaphore(%arg20 : memref<!tpu.dma_semaphore, #tpu.memory_space<semaphore_mem>>) src(%dma_wait3A_119 : memref<3000x128xf32, #tpu.memory_space<hbm>>) dst(%arg13 : memref<128x128xf32, #tpu.memory_space<vmem>>)
    %dma_wait3A_120 = arith.constant 0 : i32
    %dma_wait3A_121 = arith.constant 0 : i32
    %dma_wait3A_122 = tpu.memref_slice %arg5[%dma_wait3A_120, %dma_wait3A_121] : memref<3000x128xf32, #tpu.memory_space<hbm>> -> memref<3000x128xf32, #tpu.memory_space<hbm>>
    tpu.wait_indirect_dma semaphore(%arg20 : memref<!tpu.dma_semaphore, #tpu.memory_space<semaphore_mem>>) src(%dma_wait3A_122 : memref<3000x128xf32, #tpu.memory_space<hbm>>) dst(%arg14 : memref<128x128xf32, #tpu.memory_space<vmem>>)
    %dma_wait3A_123 = arith.constant 0 : i32
    %dma_wait3A_124 = arith.constant 0 : i32
    %dma_wait3A_125 = tpu.memref_slice %arg5[%dma_wait3A_123, %dma_wait3A_124] : memref<3000x128xf32, #tpu.memory_space<hbm>> -> memref<3000x128xf32, #tpu.memory_space<hbm>>
    tpu.wait_indirect_dma semaphore(%arg20 : memref<!tpu.dma_semaphore, #tpu.memory_space<semaphore_mem>>) src(%dma_wait3A_125 : memref<3000x128xf32, #tpu.memory_space<hbm>>) dst(%arg15 : memref<128x128xf32, #tpu.memory_space<vmem>>)
    %scan3A = arith.constant 0 : i32
    %scan3A_126 = arith.constant 0 : i32
    %scan3A_127 = arith.constant 32 : i32
    %scan3A_128 = arith.addi %scan3A_126, %scan3A_127 : i32
    %scan3A_129 = arith.constant 1 : i32
    scf.for %scan3A_254 = %scan3A_126 to %scan3A_128 step %scan3A_129  : i32 {
      %div3A = arith.constant 4 : i32
      %div3A_255 = arith.divsi %scan3A_254, %div3A : i32
      %rem3A_256 = arith.constant 4 : i32
      %rem3A_257 = arith.remsi %scan3A_254, %rem3A_256 : i32
      %mul3A_258 = arith.constant 16 : i32
      %mul3A_259 = arith.muli %div3A_255, %mul3A_258 : i32
      %add3A_260 = vector.broadcast %mul3A_259 : i32 to vector<16xi32>
      %add3A_261 = arith.addi %add3A_260, %iota3A : vector<16xi32>
      %mul3A_262 = arith.constant 16 : i32
      %mul3A_263 = arith.muli %rem3A_257, %mul3A_262 : i32
      %add3A_264 = vector.broadcast %mul3A_263 : i32 to vector<16xi32>
      %add3A_265 = arith.addi %add3A_264, %rem3A : vector<16xi32>
      %gather3A = tpu.vector_load_idx %arg13[%add3A_261, %add3A_265] : memref<128x128xf32, #tpu.memory_space<vmem>>[vector<16xi32>, vector<16xi32>], vector<16xf32>,
      %add3A_266 = vector.broadcast %mul3A_263 : i32 to vector<16xi32>
      %add3A_267 = arith.addi %add3A_266, %rem3A_12 : vector<16xi32>
      %gather3A_268 = tpu.vector_load_idx %arg13[%add3A_261, %add3A_267] : memref<128x128xf32, #tpu.memory_space<vmem>>[vector<16xi32>, vector<16xi32>], vector<16xf32>,
      %add3A_269 = vector.broadcast %mul3A_263 : i32 to vector<16xi32>
      %add3A_270 = arith.addi %add3A_269, %rem3A_18 : vector<16xi32>
      %gather3A_271 = tpu.vector_load_idx %arg13[%add3A_261, %add3A_270] : memref<128x128xf32, #tpu.memory_space<vmem>>[vector<16xi32>, vector<16xi32>], vector<16xf32>,
      %add3A_272 = vector.broadcast %mul3A_263 : i32 to vector<16xi32>
      %add3A_273 = arith.addi %add3A_272, %rem3A_24 : vector<16xi32>
      %gather3A_274 = tpu.vector_load_idx %arg13[%add3A_261, %add3A_273] : memref<128x128xf32, #tpu.memory_space<vmem>>[vector<16xi32>, vector<16xi32>], vector<16xf32>,
      %add3A_275 = vector.broadcast %mul3A_263 : i32 to vector<16xi32>
      %add3A_276 = arith.addi %add3A_275, %rem3A_30 : vector<16xi32>
      %gather3A_277 = tpu.vector_load_idx %arg13[%add3A_261, %add3A_276] : memref<128x128xf32, #tpu.memory_space<vmem>>[vector<16xi32>, vector<16xi32>], vector<16xf32>,
      %add3A_278 = vector.broadcast %mul3A_263 : i32 to vector<16xi32>
      %add3A_279 = arith.addi %add3A_278, %rem3A_36 : vector<16xi32>
      %gather3A_280 = tpu.vector_load_idx %arg13[%add3A_261, %add3A_279] : memref<128x128xf32, #tpu.memory_space<vmem>>[vector<16xi32>, vector<16xi32>], vector<16xf32>,
      %add3A_281 = vector.broadcast %mul3A_263 : i32 to vector<16xi32>
      %add3A_282 = arith.addi %add3A_281, %rem3A_42 : vector<16xi32>
      %gather3A_283 = tpu.vector_load_idx %arg13[%add3A_261, %add3A_282] : memref<128x128xf32, #tpu.memory_space<vmem>>[vector<16xi32>, vector<16xi32>], vector<16xf32>,
      %add3A_284 = vector.broadcast %mul3A_263 : i32 to vector<16xi32>
      %add3A_285 = arith.addi %add3A_284, %rem3A_48 : vector<16xi32>
      %gather3A_286 = tpu.vector_load_idx %arg13[%add3A_261, %add3A_285] : memref<128x128xf32, #tpu.memory_space<vmem>>[vector<16xi32>, vector<16xi32>], vector<16xf32>,
      %add3A_287 = vector.broadcast %mul3A_263 : i32 to vector<16xi32>
      %add3A_288 = arith.addi %add3A_287, %rem3A_54 : vector<16xi32>
      %gather3A_289 = tpu.vector_load_idx %arg13[%add3A_261, %add3A_288] : memref<128x128xf32, #tpu.memory_space<vmem>>[vector<16xi32>, vector<16xi32>], vector<16xf32>,
      %add3A_290 = vector.broadcast %mul3A_263 : i32 to vector<16xi32>
      %add3A_291 = arith.addi %add3A_290, %rem3A_60 : vector<16xi32>
      %gather3A_292 = tpu.vector_load_idx %arg13[%add3A_261, %add3A_291] : memref<128x128xf32, #tpu.memory_space<vmem>>[vector<16xi32>, vector<16xi32>], vector<16xf32>,
      %add3A_293 = vector.broadcast %mul3A_263 : i32 to vector<16xi32>
      %add3A_294 = arith.addi %add3A_293, %rem3A_66 : vector<16xi32>
      %gather3A_295 = tpu.vector_load_idx %arg13[%add3A_261, %add3A_294] : memref<128x128xf32, #tpu.memory_space<vmem>>[vector<16xi32>, vector<16xi32>], vector<16xf32>,
      %add3A_296 = vector.broadcast %mul3A_263 : i32 to vector<16xi32>
      %add3A_297 = arith.addi %add3A_296, %rem3A_72 : vector<16xi32>
      %gather3A_298 = tpu.vector_load_idx %arg13[%add3A_261, %add3A_297] : memref<128x128xf32, #tpu.memory_space<vmem>>[vector<16xi32>, vector<16xi32>], vector<16xf32>,
      %add3A_299 = vector.broadcast %mul3A_263 : i32 to vector<16xi32>
      %add3A_300 = arith.addi %add3A_299, %rem3A_78 : vector<16xi32>
      %gather3A_301 = tpu.vector_load_idx %arg13[%add3A_261, %add3A_300] : memref<128x128xf32, #tpu.memory_space<vmem>>[vector<16xi32>, vector<16xi32>], vector<16xf32>,
      %add3A_302 = vector.broadcast %mul3A_263 : i32 to vector<16xi32>
      %add3A_303 = arith.addi %add3A_302, %rem3A_84 : vector<16xi32>
      %gather3A_304 = tpu.vector_load_idx %arg13[%add3A_261, %add3A_303] : memref<128x128xf32, #tpu.memory_space<vmem>>[vector<16xi32>, vector<16xi32>], vector<16xf32>,
      %add3A_305 = vector.broadcast %mul3A_263 : i32 to vector<16xi32>
      %add3A_306 = arith.addi %add3A_305, %rem3A_90 : vector<16xi32>
      %gather3A_307 = tpu.vector_load_idx %arg13[%add3A_261, %add3A_306] : memref<128x128xf32, #tpu.memory_space<vmem>>[vector<16xi32>, vector<16xi32>], vector<16xf32>,
      %add3A_308 = vector.broadcast %mul3A_263 : i32 to vector<16xi32>
      %add3A_309 = arith.addi %add3A_308, %rem3A_96 : vector<16xi32>
      %gather3A_310 = tpu.vector_load_idx %arg13[%add3A_261, %add3A_309] : memref<128x128xf32, #tpu.memory_space<vmem>>[vector<16xi32>, vector<16xi32>], vector<16xf32>,
      %add3A_311 = vector.broadcast %mul3A_263 : i32 to vector<16xi32>
      %add3A_312 = arith.addi %add3A_311, %rem3A : vector<16xi32>
      %scatter3A = arith.constant 0 : i32
      %scatter3A_313 = arith.constant 0 : i32
      %scatter3A_314 = tpu.memref_slice %arg19[%scatter3A, %scatter3A_313] : memref<192x128xf32, #tpu.memory_space<vmem>> -> memref<64x128xf32, #tpu.memory_space<vmem>>
      tpu.vector_store_idx %scatter3A_314[%add3A_312, %add3A_261], %gather3A : memref<64x128xf32, #tpu.memory_space<vmem>>[vector<16xi32>, vector<16xi32>], vector<16xf32>,
      %add3A_315 = vector.broadcast %mul3A_263 : i32 to vector<16xi32>
      %add3A_316 = arith.addi %add3A_315, %rem3A_12 : vector<16xi32>
      %scatter3A_317 = arith.constant 0 : i32
      %scatter3A_318 = arith.constant 0 : i32
      %scatter3A_319 = tpu.memref_slice %arg19[%scatter3A_317, %scatter3A_318] : memref<192x128xf32, #tpu.memory_space<vmem>> -> memref<64x128xf32, #tpu.memory_space<vmem>>
      tpu.vector_store_idx %scatter3A_319[%add3A_316, %add3A_261], %gather3A_268 : memref<64x128xf32, #tpu.memory_space<vmem>>[vector<16xi32>, vector<16xi32>], vector<16xf32>,
      %add3A_320 = vector.broadcast %mul3A_263 : i32 to vector<16xi32>
      %add3A_321 = arith.addi %add3A_320, %rem3A_18 : vector<16xi32>
      %scatter3A_322 = arith.constant 0 : i32
      %scatter3A_323 = arith.constant 0 : i32
      %scatter3A_324 = tpu.memref_slice %arg19[%scatter3A_322, %scatter3A_323] : memref<192x128xf32, #tpu.memory_space<vmem>> -> memref<64x128xf32, #tpu.memory_space<vmem>>
      tpu.vector_store_idx %scatter3A_324[%add3A_321, %add3A_261], %gather3A_271 : memref<64x128xf32, #tpu.memory_space<vmem>>[vector<16xi32>, vector<16xi32>], vector<16xf32>,
      %add3A_325 = vector.broadcast %mul3A_263 : i32 to vector<16xi32>
      %add3A_326 = arith.addi %add3A_325, %rem3A_24 : vector<16xi32>
      %scatter3A_327 = arith.constant 0 : i32
      %scatter3A_328 = arith.constant 0 : i32
      %scatter3A_329 = tpu.memref_slice %arg19[%scatter3A_327, %scatter3A_328] : memref<192x128xf32, #tpu.memory_space<vmem>> -> memref<64x128xf32, #tpu.memory_space<vmem>>
      tpu.vector_store_idx %scatter3A_329[%add3A_326, %add3A_261], %gather3A_274 : memref<64x128xf32, #tpu.memory_space<vmem>>[vector<16xi32>, vector<16xi32>], vector<16xf32>,
      %add3A_330 = vector.broadcast %mul3A_263 : i32 to vector<16xi32>
      %add3A_331 = arith.addi %add3A_330, %rem3A_30 : vector<16xi32>
      %scatter3A_332 = arith.constant 0 : i32
      %scatter3A_333 = arith.constant 0 : i32
      %scatter3A_334 = tpu.memref_slice %arg19[%scatter3A_332, %scatter3A_333] : memref<192x128xf32, #tpu.memory_space<vmem>> -> memref<64x128xf32, #tpu.memory_space<vmem>>
      tpu.vector_store_idx %scatter3A_334[%add3A_331, %add3A_261], %gather3A_277 : memref<64x128xf32, #tpu.memory_space<vmem>>[vector<16xi32>, vector<16xi32>], vector<16xf32>,
      %add3A_335 = vector.broadcast %mul3A_263 : i32 to vector<16xi32>
      %add3A_336 = arith.addi %add3A_335, %rem3A_36 : vector<16xi32>
      %scatter3A_337 = arith.constant 0 : i32
      %scatter3A_338 = arith.constant 0 : i32
      %scatter3A_339 = tpu.memref_slice %arg19[%scatter3A_337, %scatter3A_338] : memref<192x128xf32, #tpu.memory_space<vmem>> -> memref<64x128xf32, #tpu.memory_space<vmem>>
      tpu.vector_store_idx %scatter3A_339[%add3A_336, %add3A_261], %gather3A_280 : memref<64x128xf32, #tpu.memory_space<vmem>>[vector<16xi32>, vector<16xi32>], vector<16xf32>,
      %add3A_340 = vector.broadcast %mul3A_263 : i32 to vector<16xi32>
      %add3A_341 = arith.addi %add3A_340, %rem3A_42 : vector<16xi32>
      %scatter3A_342 = arith.constant 0 : i32
      %scatter3A_343 = arith.constant 0 : i32
      %scatter3A_344 = tpu.memref_slice %arg19[%scatter3A_342, %scatter3A_343] : memref<192x128xf32, #tpu.memory_space<vmem>> -> memref<64x128xf32, #tpu.memory_space<vmem>>
      tpu.vector_store_idx %scatter3A_344[%add3A_341, %add3A_261], %gather3A_283 : memref<64x128xf32, #tpu.memory_space<vmem>>[vector<16xi32>, vector<16xi32>], vector<16xf32>,
      %add3A_345 = vector.broadcast %mul3A_263 : i32 to vector<16xi32>
      %add3A_346 = arith.addi %add3A_345, %rem3A_48 : vector<16xi32>
      %scatter3A_347 = arith.constant 0 : i32
      %scatter3A_348 = arith.constant 0 : i32
      %scatter3A_349 = tpu.memref_slice %arg19[%scatter3A_347, %scatter3A_348] : memref<192x128xf32, #tpu.memory_space<vmem>> -> memref<64x128xf32, #tpu.memory_space<vmem>>
      tpu.vector_store_idx %scatter3A_349[%add3A_346, %add3A_261], %gather3A_286 : memref<64x128xf32, #tpu.memory_space<vmem>>[vector<16xi32>, vector<16xi32>], vector<16xf32>,
      %add3A_350 = vector.broadcast %mul3A_263 : i32 to vector<16xi32>
      %add3A_351 = arith.addi %add3A_350, %rem3A_54 : vector<16xi32>
      %scatter3A_352 = arith.constant 0 : i32
      %scatter3A_353 = arith.constant 0 : i32
      %scatter3A_354 = tpu.memref_slice %arg19[%scatter3A_352, %scatter3A_353] : memref<192x128xf32, #tpu.memory_space<vmem>> -> memref<64x128xf32, #tpu.memory_space<vmem>>
      tpu.vector_store_idx %scatter3A_354[%add3A_351, %add3A_261], %gather3A_289 : memref<64x128xf32, #tpu.memory_space<vmem>>[vector<16xi32>, vector<16xi32>], vector<16xf32>,
      %add3A_355 = vector.broadcast %mul3A_263 : i32 to vector<16xi32>
      %add3A_356 = arith.addi %add3A_355, %rem3A_60 : vector<16xi32>
      %scatter3A_357 = arith.constant 0 : i32
      %scatter3A_358 = arith.constant 0 : i32
      %scatter3A_359 = tpu.memref_slice %arg19[%scatter3A_357, %scatter3A_358] : memref<192x128xf32, #tpu.memory_space<vmem>> -> memref<64x128xf32, #tpu.memory_space<vmem>>
      tpu.vector_store_idx %scatter3A_359[%add3A_356, %add3A_261], %gather3A_292 : memref<64x128xf32, #tpu.memory_space<vmem>>[vector<16xi32>, vector<16xi32>], vector<16xf32>,
      %add3A_360 = vector.broadcast %mul3A_263 : i32 to vector<16xi32>
      %add3A_361 = arith.addi %add3A_360, %rem3A_66 : vector<16xi32>
      %scatter3A_362 = arith.constant 0 : i32
      %scatter3A_363 = arith.constant 0 : i32
      %scatter3A_364 = tpu.memref_slice %arg19[%scatter3A_362, %scatter3A_363] : memref<192x128xf32, #tpu.memory_space<vmem>> -> memref<64x128xf32, #tpu.memory_space<vmem>>
      tpu.vector_store_idx %scatter3A_364[%add3A_361, %add3A_261], %gather3A_295 : memref<64x128xf32, #tpu.memory_space<vmem>>[vector<16xi32>, vector<16xi32>], vector<16xf32>,
      %add3A_365 = vector.broadcast %mul3A_263 : i32 to vector<16xi32>
      %add3A_366 = arith.addi %add3A_365, %rem3A_72 : vector<16xi32>
      %scatter3A_367 = arith.constant 0 : i32
      %scatter3A_368 = arith.constant 0 : i32
      %scatter3A_369 = tpu.memref_slice %arg19[%scatter3A_367, %scatter3A_368] : memref<192x128xf32, #tpu.memory_space<vmem>> -> memref<64x128xf32, #tpu.memory_space<vmem>>
      tpu.vector_store_idx %scatter3A_369[%add3A_366, %add3A_261], %gather3A_298 : memref<64x128xf32, #tpu.memory_space<vmem>>[vector<16xi32>, vector<16xi32>], vector<16xf32>,
      %add3A_370 = vector.broadcast %mul3A_263 : i32 to vector<16xi32>
      %add3A_371 = arith.addi %add3A_370, %rem3A_78 : vector<16xi32>
      %scatter3A_372 = arith.constant 0 : i32
      %scatter3A_373 = arith.constant 0 : i32
      %scatter3A_374 = tpu.memref_slice %arg19[%scatter3A_372, %scatter3A_373] : memref<192x128xf32, #tpu.memory_space<vmem>> -> memref<64x128xf32, #tpu.memory_space<vmem>>
      tpu.vector_store_idx %scatter3A_374[%add3A_371, %add3A_261], %gather3A_301 : memref<64x128xf32, #tpu.memory_space<vmem>>[vector<16xi32>, vector<16xi32>], vector<16xf32>,
      %add3A_375 = vector.broadcast %mul3A_263 : i32 to vector<16xi32>
      %add3A_376 = arith.addi %add3A_375, %rem3A_84 : vector<16xi32>
      %scatter3A_377 = arith.constant 0 : i32
      %scatter3A_378 = arith.constant 0 : i32
      %scatter3A_379 = tpu.memref_slice %arg19[%scatter3A_377, %scatter3A_378] : memref<192x128xf32, #tpu.memory_space<vmem>> -> memref<64x128xf32, #tpu.memory_space<vmem>>
      tpu.vector_store_idx %scatter3A_379[%add3A_376, %add3A_261], %gather3A_304 : memref<64x128xf32, #tpu.memory_space<vmem>>[vector<16xi32>, vector<16xi32>], vector<16xf32>,
      %add3A_380 = vector.broadcast %mul3A_263 : i32 to vector<16xi32>
      %add3A_381 = arith.addi %add3A_380, %rem3A_90 : vector<16xi32>
      %scatter3A_382 = arith.constant 0 : i32
      %scatter3A_383 = arith.constant 0 : i32
      %scatter3A_384 = tpu.memref_slice %arg19[%scatter3A_382, %scatter3A_383] : memref<192x128xf32, #tpu.memory_space<vmem>> -> memref<64x128xf32, #tpu.memory_space<vmem>>
      tpu.vector_store_idx %scatter3A_384[%add3A_381, %add3A_261], %gather3A_307 : memref<64x128xf32, #tpu.memory_space<vmem>>[vector<16xi32>, vector<16xi32>], vector<16xf32>,
      %add3A_385 = vector.broadcast %mul3A_263 : i32 to vector<16xi32>
      %add3A_386 = arith.addi %add3A_385, %rem3A_96 : vector<16xi32>
      %scatter3A_387 = arith.constant 0 : i32
      %scatter3A_388 = arith.constant 0 : i32
      %scatter3A_389 = tpu.memref_slice %arg19[%scatter3A_387, %scatter3A_388] : memref<192x128xf32, #tpu.memory_space<vmem>> -> memref<64x128xf32, #tpu.memory_space<vmem>>
      tpu.vector_store_idx %scatter3A_389[%add3A_386, %add3A_261], %gather3A_310 : memref<64x128xf32, #tpu.memory_space<vmem>>[vector<16xi32>, vector<16xi32>], vector<16xf32>,
    }
    %scan3A_130 = arith.constant 32 : i32
    %scan3A_131 = arith.constant 0 : i32
    %scan3A_132 = arith.constant 0 : i32
    %scan3A_133 = arith.constant 32 : i32
    %scan3A_134 = arith.addi %scan3A_132, %scan3A_133 : i32
    %scan3A_135 = arith.constant 1 : i32
    scf.for %scan3A_254 = %scan3A_132 to %scan3A_134 step %scan3A_135  : i32 {
      %div3A = arith.constant 4 : i32
      %div3A_255 = arith.divsi %scan3A_254, %div3A : i32
      %rem3A_256 = arith.constant 4 : i32
      %rem3A_257 = arith.remsi %scan3A_254, %rem3A_256 : i32
      %mul3A_258 = arith.constant 16 : i32
      %mul3A_259 = arith.muli %div3A_255, %mul3A_258 : i32
      %add3A_260 = vector.broadcast %mul3A_259 : i32 to vector<16xi32>
      %add3A_261 = arith.addi %add3A_260, %iota3A : vector<16xi32>
      %mul3A_262 = arith.constant 16 : i32
      %mul3A_263 = arith.muli %rem3A_257, %mul3A_262 : i32
      %add3A_264 = vector.broadcast %mul3A_263 : i32 to vector<16xi32>
      %add3A_265 = arith.addi %add3A_264, %rem3A : vector<16xi32>
      %gather3A = tpu.vector_load_idx %arg14[%add3A_261, %add3A_265] : memref<128x128xf32, #tpu.memory_space<vmem>>[vector<16xi32>, vector<16xi32>], vector<16xf32>,
      %add3A_266 = vector.broadcast %mul3A_263 : i32 to vector<16xi32>
      %add3A_267 = arith.addi %add3A_266, %rem3A_12 : vector<16xi32>
      %gather3A_268 = tpu.vector_load_idx %arg14[%add3A_261, %add3A_267] : memref<128x128xf32, #tpu.memory_space<vmem>>[vector<16xi32>, vector<16xi32>], vector<16xf32>,
      %add3A_269 = vector.broadcast %mul3A_263 : i32 to vector<16xi32>
      %add3A_270 = arith.addi %add3A_269, %rem3A_18 : vector<16xi32>
      %gather3A_271 = tpu.vector_load_idx %arg14[%add3A_261, %add3A_270] : memref<128x128xf32, #tpu.memory_space<vmem>>[vector<16xi32>, vector<16xi32>], vector<16xf32>,
      %add3A_272 = vector.broadcast %mul3A_263 : i32 to vector<16xi32>
      %add3A_273 = arith.addi %add3A_272, %rem3A_24 : vector<16xi32>
      %gather3A_274 = tpu.vector_load_idx %arg14[%add3A_261, %add3A_273] : memref<128x128xf32, #tpu.memory_space<vmem>>[vector<16xi32>, vector<16xi32>], vector<16xf32>,
      %add3A_275 = vector.broadcast %mul3A_263 : i32 to vector<16xi32>
      %add3A_276 = arith.addi %add3A_275, %rem3A_30 : vector<16xi32>
      %gather3A_277 = tpu.vector_load_idx %arg14[%add3A_261, %add3A_276] : memref<128x128xf32, #tpu.memory_space<vmem>>[vector<16xi32>, vector<16xi32>], vector<16xf32>,
      %add3A_278 = vector.broadcast %mul3A_263 : i32 to vector<16xi32>
      %add3A_279 = arith.addi %add3A_278, %rem3A_36 : vector<16xi32>
      %gather3A_280 = tpu.vector_load_idx %arg14[%add3A_261, %add3A_279] : memref<128x128xf32, #tpu.memory_space<vmem>>[vector<16xi32>, vector<16xi32>], vector<16xf32>,
      %add3A_281 = vector.broadcast %mul3A_263 : i32 to vector<16xi32>
      %add3A_282 = arith.addi %add3A_281, %rem3A_42 : vector<16xi32>
      %gather3A_283 = tpu.vector_load_idx %arg14[%add3A_261, %add3A_282] : memref<128x128xf32, #tpu.memory_space<vmem>>[vector<16xi32>, vector<16xi32>], vector<16xf32>,
      %add3A_284 = vector.broadcast %mul3A_263 : i32 to vector<16xi32>
      %add3A_285 = arith.addi %add3A_284, %rem3A_48 : vector<16xi32>
      %gather3A_286 = tpu.vector_load_idx %arg14[%add3A_261, %add3A_285] : memref<128x128xf32, #tpu.memory_space<vmem>>[vector<16xi32>, vector<16xi32>], vector<16xf32>,
      %add3A_287 = vector.broadcast %mul3A_263 : i32 to vector<16xi32>
      %add3A_288 = arith.addi %add3A_287, %rem3A_54 : vector<16xi32>
      %gather3A_289 = tpu.vector_load_idx %arg14[%add3A_261, %add3A_288] : memref<128x128xf32, #tpu.memory_space<vmem>>[vector<16xi32>, vector<16xi32>], vector<16xf32>,
      %add3A_290 = vector.broadcast %mul3A_263 : i32 to vector<16xi32>
      %add3A_291 = arith.addi %add3A_290, %rem3A_60 : vector<16xi32>
      %gather3A_292 = tpu.vector_load_idx %arg14[%add3A_261, %add3A_291] : memref<128x128xf32, #tpu.memory_space<vmem>>[vector<16xi32>, vector<16xi32>], vector<16xf32>,
      %add3A_293 = vector.broadcast %mul3A_263 : i32 to vector<16xi32>
      %add3A_294 = arith.addi %add3A_293, %rem3A_66 : vector<16xi32>
      %gather3A_295 = tpu.vector_load_idx %arg14[%add3A_261, %add3A_294] : memref<128x128xf32, #tpu.memory_space<vmem>>[vector<16xi32>, vector<16xi32>], vector<16xf32>,
      %add3A_296 = vector.broadcast %mul3A_263 : i32 to vector<16xi32>
      %add3A_297 = arith.addi %add3A_296, %rem3A_72 : vector<16xi32>
      %gather3A_298 = tpu.vector_load_idx %arg14[%add3A_261, %add3A_297] : memref<128x128xf32, #tpu.memory_space<vmem>>[vector<16xi32>, vector<16xi32>], vector<16xf32>,
      %add3A_299 = vector.broadcast %mul3A_263 : i32 to vector<16xi32>
      %add3A_300 = arith.addi %add3A_299, %rem3A_78 : vector<16xi32>
      %gather3A_301 = tpu.vector_load_idx %arg14[%add3A_261, %add3A_300] : memref<128x128xf32, #tpu.memory_space<vmem>>[vector<16xi32>, vector<16xi32>], vector<16xf32>,
      %add3A_302 = vector.broadcast %mul3A_263 : i32 to vector<16xi32>
      %add3A_303 = arith.addi %add3A_302, %rem3A_84 : vector<16xi32>
      %gather3A_304 = tpu.vector_load_idx %arg14[%add3A_261, %add3A_303] : memref<128x128xf32, #tpu.memory_space<vmem>>[vector<16xi32>, vector<16xi32>], vector<16xf32>,
      %add3A_305 = vector.broadcast %mul3A_263 : i32 to vector<16xi32>
      %add3A_306 = arith.addi %add3A_305, %rem3A_90 : vector<16xi32>
      %gather3A_307 = tpu.vector_load_idx %arg14[%add3A_261, %add3A_306] : memref<128x128xf32, #tpu.memory_space<vmem>>[vector<16xi32>, vector<16xi32>], vector<16xf32>,
      %add3A_308 = vector.broadcast %mul3A_263 : i32 to vector<16xi32>
      %add3A_309 = arith.addi %add3A_308, %rem3A_96 : vector<16xi32>
      %gather3A_310 = tpu.vector_load_idx %arg14[%add3A_261, %add3A_309] : memref<128x128xf32, #tpu.memory_space<vmem>>[vector<16xi32>, vector<16xi32>], vector<16xf32>,
      %add3A_311 = vector.broadcast %mul3A_263 : i32 to vector<16xi32>
      %add3A_312 = arith.addi %add3A_311, %rem3A : vector<16xi32>
      %scatter3A = arith.constant 64 : i32
      %scatter3A_313 = arith.constant 0 : i32
      %scatter3A_314 = tpu.memref_slice %arg19[%scatter3A, %scatter3A_313] : memref<192x128xf32, #tpu.memory_space<vmem>> -> memref<64x128xf32, #tpu.memory_space<vmem>>
      tpu.vector_store_idx %scatter3A_314[%add3A_312, %add3A_261], %gather3A : memref<64x128xf32, #tpu.memory_space<vmem>>[vector<16xi32>, vector<16xi32>], vector<16xf32>,
      %add3A_315 = vector.broadcast %mul3A_263 : i32 to vector<16xi32>
      %add3A_316 = arith.addi %add3A_315, %rem3A_12 : vector<16xi32>
      %scatter3A_317 = arith.constant 64 : i32
      %scatter3A_318 = arith.constant 0 : i32
      %scatter3A_319 = tpu.memref_slice %arg19[%scatter3A_317, %scatter3A_318] : memref<192x128xf32, #tpu.memory_space<vmem>> -> memref<64x128xf32, #tpu.memory_space<vmem>>
      tpu.vector_store_idx %scatter3A_319[%add3A_316, %add3A_261], %gather3A_268 : memref<64x128xf32, #tpu.memory_space<vmem>>[vector<16xi32>, vector<16xi32>], vector<16xf32>,
      %add3A_320 = vector.broadcast %mul3A_263 : i32 to vector<16xi32>
      %add3A_321 = arith.addi %add3A_320, %rem3A_18 : vector<16xi32>
      %scatter3A_322 = arith.constant 64 : i32
      %scatter3A_323 = arith.constant 0 : i32
      %scatter3A_324 = tpu.memref_slice %arg19[%scatter3A_322, %scatter3A_323] : memref<192x128xf32, #tpu.memory_space<vmem>> -> memref<64x128xf32, #tpu.memory_space<vmem>>
      tpu.vector_store_idx %scatter3A_324[%add3A_321, %add3A_261], %gather3A_271 : memref<64x128xf32, #tpu.memory_space<vmem>>[vector<16xi32>, vector<16xi32>], vector<16xf32>,
      %add3A_325 = vector.broadcast %mul3A_263 : i32 to vector<16xi32>
      %add3A_326 = arith.addi %add3A_325, %rem3A_24 : vector<16xi32>
      %scatter3A_327 = arith.constant 64 : i32
      %scatter3A_328 = arith.constant 0 : i32
      %scatter3A_329 = tpu.memref_slice %arg19[%scatter3A_327, %scatter3A_328] : memref<192x128xf32, #tpu.memory_space<vmem>> -> memref<64x128xf32, #tpu.memory_space<vmem>>
      tpu.vector_store_idx %scatter3A_329[%add3A_326, %add3A_261], %gather3A_274 : memref<64x128xf32, #tpu.memory_space<vmem>>[vector<16xi32>, vector<16xi32>], vector<16xf32>,
      %add3A_330 = vector.broadcast %mul3A_263 : i32 to vector<16xi32>
      %add3A_331 = arith.addi %add3A_330, %rem3A_30 : vector<16xi32>
      %scatter3A_332 = arith.constant 64 : i32
      %scatter3A_333 = arith.constant 0 : i32
      %scatter3A_334 = tpu.memref_slice %arg19[%scatter3A_332, %scatter3A_333] : memref<192x128xf32, #tpu.memory_space<vmem>> -> memref<64x128xf32, #tpu.memory_space<vmem>>
      tpu.vector_store_idx %scatter3A_334[%add3A_331, %add3A_261], %gather3A_277 : memref<64x128xf32, #tpu.memory_space<vmem>>[vector<16xi32>, vector<16xi32>], vector<16xf32>,
      %add3A_335 = vector.broadcast %mul3A_263 : i32 to vector<16xi32>
      %add3A_336 = arith.addi %add3A_335, %rem3A_36 : vector<16xi32>
      %scatter3A_337 = arith.constant 64 : i32
      %scatter3A_338 = arith.constant 0 : i32
      %scatter3A_339 = tpu.memref_slice %arg19[%scatter3A_337, %scatter3A_338] : memref<192x128xf32, #tpu.memory_space<vmem>> -> memref<64x128xf32, #tpu.memory_space<vmem>>
      tpu.vector_store_idx %scatter3A_339[%add3A_336, %add3A_261], %gather3A_280 : memref<64x128xf32, #tpu.memory_space<vmem>>[vector<16xi32>, vector<16xi32>], vector<16xf32>,
      %add3A_340 = vector.broadcast %mul3A_263 : i32 to vector<16xi32>
      %add3A_341 = arith.addi %add3A_340, %rem3A_42 : vector<16xi32>
      %scatter3A_342 = arith.constant 64 : i32
      %scatter3A_343 = arith.constant 0 : i32
      %scatter3A_344 = tpu.memref_slice %arg19[%scatter3A_342, %scatter3A_343] : memref<192x128xf32, #tpu.memory_space<vmem>> -> memref<64x128xf32, #tpu.memory_space<vmem>>
      tpu.vector_store_idx %scatter3A_344[%add3A_341, %add3A_261], %gather3A_283 : memref<64x128xf32, #tpu.memory_space<vmem>>[vector<16xi32>, vector<16xi32>], vector<16xf32>,
      %add3A_345 = vector.broadcast %mul3A_263 : i32 to vector<16xi32>
      %add3A_346 = arith.addi %add3A_345, %rem3A_48 : vector<16xi32>
      %scatter3A_347 = arith.constant 64 : i32
      %scatter3A_348 = arith.constant 0 : i32
      %scatter3A_349 = tpu.memref_slice %arg19[%scatter3A_347, %scatter3A_348] : memref<192x128xf32, #tpu.memory_space<vmem>> -> memref<64x128xf32, #tpu.memory_space<vmem>>
      tpu.vector_store_idx %scatter3A_349[%add3A_346, %add3A_261], %gather3A_286 : memref<64x128xf32, #tpu.memory_space<vmem>>[vector<16xi32>, vector<16xi32>], vector<16xf32>,
      %add3A_350 = vector.broadcast %mul3A_263 : i32 to vector<16xi32>
      %add3A_351 = arith.addi %add3A_350, %rem3A_54 : vector<16xi32>
      %scatter3A_352 = arith.constant 64 : i32
      %scatter3A_353 = arith.constant 0 : i32
      %scatter3A_354 = tpu.memref_slice %arg19[%scatter3A_352, %scatter3A_353] : memref<192x128xf32, #tpu.memory_space<vmem>> -> memref<64x128xf32, #tpu.memory_space<vmem>>
      tpu.vector_store_idx %scatter3A_354[%add3A_351, %add3A_261], %gather3A_289 : memref<64x128xf32, #tpu.memory_space<vmem>>[vector<16xi32>, vector<16xi32>], vector<16xf32>,
      %add3A_355 = vector.broadcast %mul3A_263 : i32 to vector<16xi32>
      %add3A_356 = arith.addi %add3A_355, %rem3A_60 : vector<16xi32>
      %scatter3A_357 = arith.constant 64 : i32
      %scatter3A_358 = arith.constant 0 : i32
      %scatter3A_359 = tpu.memref_slice %arg19[%scatter3A_357, %scatter3A_358] : memref<192x128xf32, #tpu.memory_space<vmem>> -> memref<64x128xf32, #tpu.memory_space<vmem>>
      tpu.vector_store_idx %scatter3A_359[%add3A_356, %add3A_261], %gather3A_292 : memref<64x128xf32, #tpu.memory_space<vmem>>[vector<16xi32>, vector<16xi32>], vector<16xf32>,
      %add3A_360 = vector.broadcast %mul3A_263 : i32 to vector<16xi32>
      %add3A_361 = arith.addi %add3A_360, %rem3A_66 : vector<16xi32>
      %scatter3A_362 = arith.constant 64 : i32
      %scatter3A_363 = arith.constant 0 : i32
      %scatter3A_364 = tpu.memref_slice %arg19[%scatter3A_362, %scatter3A_363] : memref<192x128xf32, #tpu.memory_space<vmem>> -> memref<64x128xf32, #tpu.memory_space<vmem>>
      tpu.vector_store_idx %scatter3A_364[%add3A_361, %add3A_261], %gather3A_295 : memref<64x128xf32, #tpu.memory_space<vmem>>[vector<16xi32>, vector<16xi32>], vector<16xf32>,
      %add3A_365 = vector.broadcast %mul3A_263 : i32 to vector<16xi32>
      %add3A_366 = arith.addi %add3A_365, %rem3A_72 : vector<16xi32>
      %scatter3A_367 = arith.constant 64 : i32
      %scatter3A_368 = arith.constant 0 : i32
      %scatter3A_369 = tpu.memref_slice %arg19[%scatter3A_367, %scatter3A_368] : memref<192x128xf32, #tpu.memory_space<vmem>> -> memref<64x128xf32, #tpu.memory_space<vmem>>
      tpu.vector_store_idx %scatter3A_369[%add3A_366, %add3A_261], %gather3A_298 : memref<64x128xf32, #tpu.memory_space<vmem>>[vector<16xi32>, vector<16xi32>], vector<16xf32>,
      %add3A_370 = vector.broadcast %mul3A_263 : i32 to vector<16xi32>
      %add3A_371 = arith.addi %add3A_370, %rem3A_78 : vector<16xi32>
      %scatter3A_372 = arith.constant 64 : i32
      %scatter3A_373 = arith.constant 0 : i32
      %scatter3A_374 = tpu.memref_slice %arg19[%scatter3A_372, %scatter3A_373] : memref<192x128xf32, #tpu.memory_space<vmem>> -> memref<64x128xf32, #tpu.memory_space<vmem>>
      tpu.vector_store_idx %scatter3A_374[%add3A_371, %add3A_261], %gather3A_301 : memref<64x128xf32, #tpu.memory_space<vmem>>[vector<16xi32>, vector<16xi32>], vector<16xf32>,
      %add3A_375 = vector.broadcast %mul3A_263 : i32 to vector<16xi32>
      %add3A_376 = arith.addi %add3A_375, %rem3A_84 : vector<16xi32>
      %scatter3A_377 = arith.constant 64 : i32
      %scatter3A_378 = arith.constant 0 : i32
      %scatter3A_379 = tpu.memref_slice %arg19[%scatter3A_377, %scatter3A_378] : memref<192x128xf32, #tpu.memory_space<vmem>> -> memref<64x128xf32, #tpu.memory_space<vmem>>
      tpu.vector_store_idx %scatter3A_379[%add3A_376, %add3A_261], %gather3A_304 : memref<64x128xf32, #tpu.memory_space<vmem>>[vector<16xi32>, vector<16xi32>], vector<16xf32>,
      %add3A_380 = vector.broadcast %mul3A_263 : i32 to vector<16xi32>
      %add3A_381 = arith.addi %add3A_380, %rem3A_90 : vector<16xi32>
      %scatter3A_382 = arith.constant 64 : i32
      %scatter3A_383 = arith.constant 0 : i32
      %scatter3A_384 = tpu.memref_slice %arg19[%scatter3A_382, %scatter3A_383] : memref<192x128xf32, #tpu.memory_space<vmem>> -> memref<64x128xf32, #tpu.memory_space<vmem>>
      tpu.vector_store_idx %scatter3A_384[%add3A_381, %add3A_261], %gather3A_307 : memref<64x128xf32, #tpu.memory_space<vmem>>[vector<16xi32>, vector<16xi32>], vector<16xf32>,
      %add3A_385 = vector.broadcast %mul3A_263 : i32 to vector<16xi32>
      %add3A_386 = arith.addi %add3A_385, %rem3A_96 : vector<16xi32>
      %scatter3A_387 = arith.constant 64 : i32
      %scatter3A_388 = arith.constant 0 : i32
      %scatter3A_389 = tpu.memref_slice %arg19[%scatter3A_387, %scatter3A_388] : memref<192x128xf32, #tpu.memory_space<vmem>> -> memref<64x128xf32, #tpu.memory_space<vmem>>
      tpu.vector_store_idx %scatter3A_389[%add3A_386, %add3A_261], %gather3A_310 : memref<64x128xf32, #tpu.memory_space<vmem>>[vector<16xi32>, vector<16xi32>], vector<16xf32>,
    }
    %scan3A_136 = arith.constant 32 : i32
    %scan3A_137 = arith.constant 0 : i32
    %scan3A_138 = arith.constant 0 : i32
    %scan3A_139 = arith.constant 32 : i32
    %scan3A_140 = arith.addi %scan3A_138, %scan3A_139 : i32
    %scan3A_141 = arith.constant 1 : i32
    scf.for %scan3A_254 = %scan3A_138 to %scan3A_140 step %scan3A_141  : i32 {
      %div3A = arith.constant 4 : i32
      %div3A_255 = arith.divsi %scan3A_254, %div3A : i32
      %rem3A_256 = arith.constant 4 : i32
      %rem3A_257 = arith.remsi %scan3A_254, %rem3A_256 : i32
      %mul3A_258 = arith.constant 16 : i32
      %mul3A_259 = arith.muli %div3A_255, %mul3A_258 : i32
      %add3A_260 = vector.broadcast %mul3A_259 : i32 to vector<16xi32>
      %add3A_261 = arith.addi %add3A_260, %iota3A : vector<16xi32>
      %mul3A_262 = arith.constant 16 : i32
      %mul3A_263 = arith.muli %rem3A_257, %mul3A_262 : i32
      %add3A_264 = vector.broadcast %mul3A_263 : i32 to vector<16xi32>
      %add3A_265 = arith.addi %add3A_264, %rem3A : vector<16xi32>
      %gather3A = tpu.vector_load_idx %arg15[%add3A_261, %add3A_265] : memref<128x128xf32, #tpu.memory_space<vmem>>[vector<16xi32>, vector<16xi32>], vector<16xf32>,
      %add3A_266 = vector.broadcast %mul3A_263 : i32 to vector<16xi32>
      %add3A_267 = arith.addi %add3A_266, %rem3A_12 : vector<16xi32>
      %gather3A_268 = tpu.vector_load_idx %arg15[%add3A_261, %add3A_267] : memref<128x128xf32, #tpu.memory_space<vmem>>[vector<16xi32>, vector<16xi32>], vector<16xf32>,
      %add3A_269 = vector.broadcast %mul3A_263 : i32 to vector<16xi32>
      %add3A_270 = arith.addi %add3A_269, %rem3A_18 : vector<16xi32>
      %gather3A_271 = tpu.vector_load_idx %arg15[%add3A_261, %add3A_270] : memref<128x128xf32, #tpu.memory_space<vmem>>[vector<16xi32>, vector<16xi32>], vector<16xf32>,
      %add3A_272 = vector.broadcast %mul3A_263 : i32 to vector<16xi32>
      %add3A_273 = arith.addi %add3A_272, %rem3A_24 : vector<16xi32>
      %gather3A_274 = tpu.vector_load_idx %arg15[%add3A_261, %add3A_273] : memref<128x128xf32, #tpu.memory_space<vmem>>[vector<16xi32>, vector<16xi32>], vector<16xf32>,
      %add3A_275 = vector.broadcast %mul3A_263 : i32 to vector<16xi32>
      %add3A_276 = arith.addi %add3A_275, %rem3A_30 : vector<16xi32>
      %gather3A_277 = tpu.vector_load_idx %arg15[%add3A_261, %add3A_276] : memref<128x128xf32, #tpu.memory_space<vmem>>[vector<16xi32>, vector<16xi32>], vector<16xf32>,
      %add3A_278 = vector.broadcast %mul3A_263 : i32 to vector<16xi32>
      %add3A_279 = arith.addi %add3A_278, %rem3A_36 : vector<16xi32>
      %gather3A_280 = tpu.vector_load_idx %arg15[%add3A_261, %add3A_279] : memref<128x128xf32, #tpu.memory_space<vmem>>[vector<16xi32>, vector<16xi32>], vector<16xf32>,
      %add3A_281 = vector.broadcast %mul3A_263 : i32 to vector<16xi32>
      %add3A_282 = arith.addi %add3A_281, %rem3A_42 : vector<16xi32>
      %gather3A_283 = tpu.vector_load_idx %arg15[%add3A_261, %add3A_282] : memref<128x128xf32, #tpu.memory_space<vmem>>[vector<16xi32>, vector<16xi32>], vector<16xf32>,
      %add3A_284 = vector.broadcast %mul3A_263 : i32 to vector<16xi32>
      %add3A_285 = arith.addi %add3A_284, %rem3A_48 : vector<16xi32>
      %gather3A_286 = tpu.vector_load_idx %arg15[%add3A_261, %add3A_285] : memref<128x128xf32, #tpu.memory_space<vmem>>[vector<16xi32>, vector<16xi32>], vector<16xf32>,
      %add3A_287 = vector.broadcast %mul3A_263 : i32 to vector<16xi32>
      %add3A_288 = arith.addi %add3A_287, %rem3A_54 : vector<16xi32>
      %gather3A_289 = tpu.vector_load_idx %arg15[%add3A_261, %add3A_288] : memref<128x128xf32, #tpu.memory_space<vmem>>[vector<16xi32>, vector<16xi32>], vector<16xf32>,
      %add3A_290 = vector.broadcast %mul3A_263 : i32 to vector<16xi32>
      %add3A_291 = arith.addi %add3A_290, %rem3A_60 : vector<16xi32>
      %gather3A_292 = tpu.vector_load_idx %arg15[%add3A_261, %add3A_291] : memref<128x128xf32, #tpu.memory_space<vmem>>[vector<16xi32>, vector<16xi32>], vector<16xf32>,
      %add3A_293 = vector.broadcast %mul3A_263 : i32 to vector<16xi32>
      %add3A_294 = arith.addi %add3A_293, %rem3A_66 : vector<16xi32>
      %gather3A_295 = tpu.vector_load_idx %arg15[%add3A_261, %add3A_294] : memref<128x128xf32, #tpu.memory_space<vmem>>[vector<16xi32>, vector<16xi32>], vector<16xf32>,
      %add3A_296 = vector.broadcast %mul3A_263 : i32 to vector<16xi32>
      %add3A_297 = arith.addi %add3A_296, %rem3A_72 : vector<16xi32>
      %gather3A_298 = tpu.vector_load_idx %arg15[%add3A_261, %add3A_297] : memref<128x128xf32, #tpu.memory_space<vmem>>[vector<16xi32>, vector<16xi32>], vector<16xf32>,
      %add3A_299 = vector.broadcast %mul3A_263 : i32 to vector<16xi32>
      %add3A_300 = arith.addi %add3A_299, %rem3A_78 : vector<16xi32>
      %gather3A_301 = tpu.vector_load_idx %arg15[%add3A_261, %add3A_300] : memref<128x128xf32, #tpu.memory_space<vmem>>[vector<16xi32>, vector<16xi32>], vector<16xf32>,
      %add3A_302 = vector.broadcast %mul3A_263 : i32 to vector<16xi32>
      %add3A_303 = arith.addi %add3A_302, %rem3A_84 : vector<16xi32>
      %gather3A_304 = tpu.vector_load_idx %arg15[%add3A_261, %add3A_303] : memref<128x128xf32, #tpu.memory_space<vmem>>[vector<16xi32>, vector<16xi32>], vector<16xf32>,
      %add3A_305 = vector.broadcast %mul3A_263 : i32 to vector<16xi32>
      %add3A_306 = arith.addi %add3A_305, %rem3A_90 : vector<16xi32>
      %gather3A_307 = tpu.vector_load_idx %arg15[%add3A_261, %add3A_306] : memref<128x128xf32, #tpu.memory_space<vmem>>[vector<16xi32>, vector<16xi32>], vector<16xf32>,
      %add3A_308 = vector.broadcast %mul3A_263 : i32 to vector<16xi32>
      %add3A_309 = arith.addi %add3A_308, %rem3A_96 : vector<16xi32>
      %gather3A_310 = tpu.vector_load_idx %arg15[%add3A_261, %add3A_309] : memref<128x128xf32, #tpu.memory_space<vmem>>[vector<16xi32>, vector<16xi32>], vector<16xf32>,
      %add3A_311 = vector.broadcast %mul3A_263 : i32 to vector<16xi32>
      %add3A_312 = arith.addi %add3A_311, %rem3A : vector<16xi32>
      %scatter3A = arith.constant 128 : i32
      %scatter3A_313 = arith.constant 0 : i32
      %scatter3A_314 = tpu.memref_slice %arg19[%scatter3A, %scatter3A_313] : memref<192x128xf32, #tpu.memory_space<vmem>> -> memref<64x128xf32, #tpu.memory_space<vmem>>
      tpu.vector_store_idx %scatter3A_314[%add3A_312, %add3A_261], %gather3A : memref<64x128xf32, #tpu.memory_space<vmem>>[vector<16xi32>, vector<16xi32>], vector<16xf32>,
      %add3A_315 = vector.broadcast %mul3A_263 : i32 to vector<16xi32>
      %add3A_316 = arith.addi %add3A_315, %rem3A_12 : vector<16xi32>
      %scatter3A_317 = arith.constant 128 : i32
      %scatter3A_318 = arith.constant 0 : i32
      %scatter3A_319 = tpu.memref_slice %arg19[%scatter3A_317, %scatter3A_318] : memref<192x128xf32, #tpu.memory_space<vmem>> -> memref<64x128xf32, #tpu.memory_space<vmem>>
      tpu.vector_store_idx %scatter3A_319[%add3A_316, %add3A_261], %gather3A_268 : memref<64x128xf32, #tpu.memory_space<vmem>>[vector<16xi32>, vector<16xi32>], vector<16xf32>,
      %add3A_320 = vector.broadcast %mul3A_263 : i32 to vector<16xi32>
      %add3A_321 = arith.addi %add3A_320, %rem3A_18 : vector<16xi32>
      %scatter3A_322 = arith.constant 128 : i32
      %scatter3A_323 = arith.constant 0 : i32
      %scatter3A_324 = tpu.memref_slice %arg19[%scatter3A_322, %scatter3A_323] : memref<192x128xf32, #tpu.memory_space<vmem>> -> memref<64x128xf32, #tpu.memory_space<vmem>>
      tpu.vector_store_idx %scatter3A_324[%add3A_321, %add3A_261], %gather3A_271 : memref<64x128xf32, #tpu.memory_space<vmem>>[vector<16xi32>, vector<16xi32>], vector<16xf32>,
      %add3A_325 = vector.broadcast %mul3A_263 : i32 to vector<16xi32>
      %add3A_326 = arith.addi %add3A_325, %rem3A_24 : vector<16xi32>
      %scatter3A_327 = arith.constant 128 : i32
      %scatter3A_328 = arith.constant 0 : i32
      %scatter3A_329 = tpu.memref_slice %arg19[%scatter3A_327, %scatter3A_328] : memref<192x128xf32, #tpu.memory_space<vmem>> -> memref<64x128xf32, #tpu.memory_space<vmem>>
      tpu.vector_store_idx %scatter3A_329[%add3A_326, %add3A_261], %gather3A_274 : memref<64x128xf32, #tpu.memory_space<vmem>>[vector<16xi32>, vector<16xi32>], vector<16xf32>,
      %add3A_330 = vector.broadcast %mul3A_263 : i32 to vector<16xi32>
      %add3A_331 = arith.addi %add3A_330, %rem3A_30 : vector<16xi32>
      %scatter3A_332 = arith.constant 128 : i32
      %scatter3A_333 = arith.constant 0 : i32
      %scatter3A_334 = tpu.memref_slice %arg19[%scatter3A_332, %scatter3A_333] : memref<192x128xf32, #tpu.memory_space<vmem>> -> memref<64x128xf32, #tpu.memory_space<vmem>>
      tpu.vector_store_idx %scatter3A_334[%add3A_331, %add3A_261], %gather3A_277 : memref<64x128xf32, #tpu.memory_space<vmem>>[vector<16xi32>, vector<16xi32>], vector<16xf32>,
      %add3A_335 = vector.broadcast %mul3A_263 : i32 to vector<16xi32>
      %add3A_336 = arith.addi %add3A_335, %rem3A_36 : vector<16xi32>
      %scatter3A_337 = arith.constant 128 : i32
      %scatter3A_338 = arith.constant 0 : i32
      %scatter3A_339 = tpu.memref_slice %arg19[%scatter3A_337, %scatter3A_338] : memref<192x128xf32, #tpu.memory_space<vmem>> -> memref<64x128xf32, #tpu.memory_space<vmem>>
      tpu.vector_store_idx %scatter3A_339[%add3A_336, %add3A_261], %gather3A_280 : memref<64x128xf32, #tpu.memory_space<vmem>>[vector<16xi32>, vector<16xi32>], vector<16xf32>,
      %add3A_340 = vector.broadcast %mul3A_263 : i32 to vector<16xi32>
      %add3A_341 = arith.addi %add3A_340, %rem3A_42 : vector<16xi32>
      %scatter3A_342 = arith.constant 128 : i32
      %scatter3A_343 = arith.constant 0 : i32
      %scatter3A_344 = tpu.memref_slice %arg19[%scatter3A_342, %scatter3A_343] : memref<192x128xf32, #tpu.memory_space<vmem>> -> memref<64x128xf32, #tpu.memory_space<vmem>>
      tpu.vector_store_idx %scatter3A_344[%add3A_341, %add3A_261], %gather3A_283 : memref<64x128xf32, #tpu.memory_space<vmem>>[vector<16xi32>, vector<16xi32>], vector<16xf32>,
      %add3A_345 = vector.broadcast %mul3A_263 : i32 to vector<16xi32>
      %add3A_346 = arith.addi %add3A_345, %rem3A_48 : vector<16xi32>
      %scatter3A_347 = arith.constant 128 : i32
      %scatter3A_348 = arith.constant 0 : i32
      %scatter3A_349 = tpu.memref_slice %arg19[%scatter3A_347, %scatter3A_348] : memref<192x128xf32, #tpu.memory_space<vmem>> -> memref<64x128xf32, #tpu.memory_space<vmem>>
      tpu.vector_store_idx %scatter3A_349[%add3A_346, %add3A_261], %gather3A_286 : memref<64x128xf32, #tpu.memory_space<vmem>>[vector<16xi32>, vector<16xi32>], vector<16xf32>,
      %add3A_350 = vector.broadcast %mul3A_263 : i32 to vector<16xi32>
      %add3A_351 = arith.addi %add3A_350, %rem3A_54 : vector<16xi32>
      %scatter3A_352 = arith.constant 128 : i32
      %scatter3A_353 = arith.constant 0 : i32
      %scatter3A_354 = tpu.memref_slice %arg19[%scatter3A_352, %scatter3A_353] : memref<192x128xf32, #tpu.memory_space<vmem>> -> memref<64x128xf32, #tpu.memory_space<vmem>>
      tpu.vector_store_idx %scatter3A_354[%add3A_351, %add3A_261], %gather3A_289 : memref<64x128xf32, #tpu.memory_space<vmem>>[vector<16xi32>, vector<16xi32>], vector<16xf32>,
      %add3A_355 = vector.broadcast %mul3A_263 : i32 to vector<16xi32>
      %add3A_356 = arith.addi %add3A_355, %rem3A_60 : vector<16xi32>
      %scatter3A_357 = arith.constant 128 : i32
      %scatter3A_358 = arith.constant 0 : i32
      %scatter3A_359 = tpu.memref_slice %arg19[%scatter3A_357, %scatter3A_358] : memref<192x128xf32, #tpu.memory_space<vmem>> -> memref<64x128xf32, #tpu.memory_space<vmem>>
      tpu.vector_store_idx %scatter3A_359[%add3A_356, %add3A_261], %gather3A_292 : memref<64x128xf32, #tpu.memory_space<vmem>>[vector<16xi32>, vector<16xi32>], vector<16xf32>,
      %add3A_360 = vector.broadcast %mul3A_263 : i32 to vector<16xi32>
      %add3A_361 = arith.addi %add3A_360, %rem3A_66 : vector<16xi32>
      %scatter3A_362 = arith.constant 128 : i32
      %scatter3A_363 = arith.constant 0 : i32
      %scatter3A_364 = tpu.memref_slice %arg19[%scatter3A_362, %scatter3A_363] : memref<192x128xf32, #tpu.memory_space<vmem>> -> memref<64x128xf32, #tpu.memory_space<vmem>>
      tpu.vector_store_idx %scatter3A_364[%add3A_361, %add3A_261], %gather3A_295 : memref<64x128xf32, #tpu.memory_space<vmem>>[vector<16xi32>, vector<16xi32>], vector<16xf32>,
      %add3A_365 = vector.broadcast %mul3A_263 : i32 to vector<16xi32>
      %add3A_366 = arith.addi %add3A_365, %rem3A_72 : vector<16xi32>
      %scatter3A_367 = arith.constant 128 : i32
      %scatter3A_368 = arith.constant 0 : i32
      %scatter3A_369 = tpu.memref_slice %arg19[%scatter3A_367, %scatter3A_368] : memref<192x128xf32, #tpu.memory_space<vmem>> -> memref<64x128xf32, #tpu.memory_space<vmem>>
      tpu.vector_store_idx %scatter3A_369[%add3A_366, %add3A_261], %gather3A_298 : memref<64x128xf32, #tpu.memory_space<vmem>>[vector<16xi32>, vector<16xi32>], vector<16xf32>,
      %add3A_370 = vector.broadcast %mul3A_263 : i32 to vector<16xi32>
      %add3A_371 = arith.addi %add3A_370, %rem3A_78 : vector<16xi32>
      %scatter3A_372 = arith.constant 128 : i32
      %scatter3A_373 = arith.constant 0 : i32
      %scatter3A_374 = tpu.memref_slice %arg19[%scatter3A_372, %scatter3A_373] : memref<192x128xf32, #tpu.memory_space<vmem>> -> memref<64x128xf32, #tpu.memory_space<vmem>>
      tpu.vector_store_idx %scatter3A_374[%add3A_371, %add3A_261], %gather3A_301 : memref<64x128xf32, #tpu.memory_space<vmem>>[vector<16xi32>, vector<16xi32>], vector<16xf32>,
      %add3A_375 = vector.broadcast %mul3A_263 : i32 to vector<16xi32>
      %add3A_376 = arith.addi %add3A_375, %rem3A_84 : vector<16xi32>
      %scatter3A_377 = arith.constant 128 : i32
      %scatter3A_378 = arith.constant 0 : i32
      %scatter3A_379 = tpu.memref_slice %arg19[%scatter3A_377, %scatter3A_378] : memref<192x128xf32, #tpu.memory_space<vmem>> -> memref<64x128xf32, #tpu.memory_space<vmem>>
      tpu.vector_store_idx %scatter3A_379[%add3A_376, %add3A_261], %gather3A_304 : memref<64x128xf32, #tpu.memory_space<vmem>>[vector<16xi32>, vector<16xi32>], vector<16xf32>,
      %add3A_380 = vector.broadcast %mul3A_263 : i32 to vector<16xi32>
      %add3A_381 = arith.addi %add3A_380, %rem3A_90 : vector<16xi32>
      %scatter3A_382 = arith.constant 128 : i32
      %scatter3A_383 = arith.constant 0 : i32
      %scatter3A_384 = tpu.memref_slice %arg19[%scatter3A_382, %scatter3A_383] : memref<192x128xf32, #tpu.memory_space<vmem>> -> memref<64x128xf32, #tpu.memory_space<vmem>>
      tpu.vector_store_idx %scatter3A_384[%add3A_381, %add3A_261], %gather3A_307 : memref<64x128xf32, #tpu.memory_space<vmem>>[vector<16xi32>, vector<16xi32>], vector<16xf32>,
      %add3A_385 = vector.broadcast %mul3A_263 : i32 to vector<16xi32>
      %add3A_386 = arith.addi %add3A_385, %rem3A_96 : vector<16xi32>
      %scatter3A_387 = arith.constant 128 : i32
      %scatter3A_388 = arith.constant 0 : i32
      %scatter3A_389 = tpu.memref_slice %arg19[%scatter3A_387, %scatter3A_388] : memref<192x128xf32, #tpu.memory_space<vmem>> -> memref<64x128xf32, #tpu.memory_space<vmem>>
      tpu.vector_store_idx %scatter3A_389[%add3A_386, %add3A_261], %gather3A_310 : memref<64x128xf32, #tpu.memory_space<vmem>>[vector<16xi32>, vector<16xi32>], vector<16xf32>,
    }
    %scan3A_142 = arith.constant 32 : i32
    %add3A_143 = arith.constant 0 : i32
    %add3A_144 = arith.addi %mul3A_2, %add3A_143 : i32
    "tpu.region"() ({
      %run_scoped3A = tpu.sem_alloc : memref<!tpu.dma_semaphore, #tpu.memory_space<semaphore_mem>>
      %dma_start3A_254 = arith.constant 0 : i32
      %dma_start3A_255 = tpu.memref_slice %arg6[%dma_start3A_254, %add3A_144] : memref<192x16384xf32, #tpu.memory_space<hbm>> -> memref<192x128xf32, #tpu.memory_space<hbm>>
      %dma_start3A_256 = arith.constant 0 : i32
      %dma_start3A_257 = tpu.memref_slice %arg6[%dma_start3A_256, %add3A_144] : memref<192x16384xf32, #tpu.memory_space<hbm>> -> memref<192x128xf32, #tpu.memory_space<hbm>>
      tpu.enqueue_dma source(%arg19 : memref<192x128xf32, #tpu.memory_space<vmem>>) target(%dma_start3A_257 : memref<192x128xf32, #tpu.memory_space<hbm>>) target_semaphore(%run_scoped3A : memref<!tpu.dma_semaphore, #tpu.memory_space<semaphore_mem>>)
      %dma_wait3A_258 = arith.constant 0 : i32
      %dma_wait3A_259 = tpu.memref_slice %arg6[%dma_wait3A_258, %add3A_144] : memref<192x16384xf32, #tpu.memory_space<hbm>> -> memref<192x128xf32, #tpu.memory_space<hbm>>
      %dma_wait3A_260 = arith.constant 0 : i32
      %dma_wait3A_261 = tpu.memref_slice %arg6[%dma_wait3A_260, %add3A_144] : memref<192x16384xf32, #tpu.memory_space<hbm>> -> memref<192x128xf32, #tpu.memory_space<hbm>>
      tpu.wait_dma2 semaphore(%run_scoped3A : memref<!tpu.dma_semaphore, #tpu.memory_space<semaphore_mem>>) src(%arg19 : memref<192x128xf32, #tpu.memory_space<vmem>>) dst(%dma_wait3A_261 : memref<192x128xf32, #tpu.memory_space<hbm>>)
      tpu.yield
    }) : () -> ()
    %add3A_145 = arith.constant 256 : i32
    %add3A_146 = arith.addi %mul3A_2, %add3A_145 : i32
    "tpu.region"() ({
      %run_scoped3A = tpu.sem_alloc : memref<!tpu.dma_semaphore, #tpu.memory_space<semaphore_mem>>
      %dma_start3A_254 = tpu.memref_slice %arg2[%add3A_146] : memref<16384xi32, #tpu.memory_space<hbm>> -> memref<128xi32, #tpu.memory_space<hbm>>
      %dma_start3A_255 = tpu.memref_slice %arg2[%add3A_146] : memref<16384xi32, #tpu.memory_space<hbm>> -> memref<128xi32, #tpu.memory_space<hbm>>
      tpu.enqueue_dma source(%dma_start3A_255 : memref<128xi32, #tpu.memory_space<hbm>>) target(%arg7 : memref<128xi32, #tpu.memory_space<vmem>>) target_semaphore(%run_scoped3A : memref<!tpu.dma_semaphore, #tpu.memory_space<semaphore_mem>>)
      %dma_wait3A_256 = tpu.memref_slice %arg2[%add3A_146] : memref<16384xi32, #tpu.memory_space<hbm>> -> memref<128xi32, #tpu.memory_space<hbm>>
      %dma_wait3A_257 = tpu.memref_slice %arg2[%add3A_146] : memref<16384xi32, #tpu.memory_space<hbm>> -> memref<128xi32, #tpu.memory_space<hbm>>
      tpu.wait_dma2 semaphore(%run_scoped3A : memref<!tpu.dma_semaphore, #tpu.memory_space<semaphore_mem>>) src(%dma_wait3A_257 : memref<128xi32, #tpu.memory_space<hbm>>) dst(%arg7 : memref<128xi32, #tpu.memory_space<vmem>>)
      tpu.yield
    }) : () -> ()
    "tpu.region"() ({
      %run_scoped3A = tpu.sem_alloc : memref<!tpu.dma_semaphore, #tpu.memory_space<semaphore_mem>>
      %dma_start3A_254 = tpu.memref_slice %arg3[%add3A_146] : memref<16384xi32, #tpu.memory_space<hbm>> -> memref<128xi32, #tpu.memory_space<hbm>>
      %dma_start3A_255 = tpu.memref_slice %arg3[%add3A_146] : memref<16384xi32, #tpu.memory_space<hbm>> -> memref<128xi32, #tpu.memory_space<hbm>>
      tpu.enqueue_dma source(%dma_start3A_255 : memref<128xi32, #tpu.memory_space<hbm>>) target(%arg8 : memref<128xi32, #tpu.memory_space<vmem>>) target_semaphore(%run_scoped3A : memref<!tpu.dma_semaphore, #tpu.memory_space<semaphore_mem>>)
      %dma_wait3A_256 = tpu.memref_slice %arg3[%add3A_146] : memref<16384xi32, #tpu.memory_space<hbm>> -> memref<128xi32, #tpu.memory_space<hbm>>
      %dma_wait3A_257 = tpu.memref_slice %arg3[%add3A_146] : memref<16384xi32, #tpu.memory_space<hbm>> -> memref<128xi32, #tpu.memory_space<hbm>>
      tpu.wait_dma2 semaphore(%run_scoped3A : memref<!tpu.dma_semaphore, #tpu.memory_space<semaphore_mem>>) src(%dma_wait3A_257 : memref<128xi32, #tpu.memory_space<hbm>>) dst(%arg8 : memref<128xi32, #tpu.memory_space<vmem>>)
      tpu.yield
    }) : () -> ()
    "tpu.region"() ({
      %run_scoped3A = tpu.sem_alloc : memref<!tpu.dma_semaphore, #tpu.memory_space<semaphore_mem>>
      %dma_start3A_254 = tpu.memref_slice %arg4[%add3A_146] : memref<16384xi32, #tpu.memory_space<hbm>> -> memref<128xi32, #tpu.memory_space<hbm>>
      %dma_start3A_255 = tpu.memref_slice %arg4[%add3A_146] : memref<16384xi32, #tpu.memory_space<hbm>> -> memref<128xi32, #tpu.memory_space<hbm>>
      tpu.enqueue_dma source(%dma_start3A_255 : memref<128xi32, #tpu.memory_space<hbm>>) target(%arg9 : memref<128xi32, #tpu.memory_space<vmem>>) target_semaphore(%run_scoped3A : memref<!tpu.dma_semaphore, #tpu.memory_space<semaphore_mem>>)
      %dma_wait3A_256 = tpu.memref_slice %arg4[%add3A_146] : memref<16384xi32, #tpu.memory_space<hbm>> -> memref<128xi32, #tpu.memory_space<hbm>>
      %dma_wait3A_257 = tpu.memref_slice %arg4[%add3A_146] : memref<16384xi32, #tpu.memory_space<hbm>> -> memref<128xi32, #tpu.memory_space<hbm>>
      tpu.wait_dma2 semaphore(%run_scoped3A : memref<!tpu.dma_semaphore, #tpu.memory_space<semaphore_mem>>) src(%dma_wait3A_257 : memref<128xi32, #tpu.memory_space<hbm>>) dst(%arg9 : memref<128xi32, #tpu.memory_space<vmem>>)
      tpu.yield
    }) : () -> ()
    %dma_start3A_147 = arith.constant 0 : i32
    %dma_start3A_148 = arith.constant 0 : i32
    %dma_start3A_149 = tpu.memref_slice %arg5[%dma_start3A_147, %dma_start3A_148] : memref<3000x128xf32, #tpu.memory_space<hbm>> -> memref<3000x128xf32, #tpu.memory_space<hbm>>
    tpu.enqueue_indirect_dma source(%dma_start3A_149 : memref<3000x128xf32, #tpu.memory_space<hbm>>) target(%arg13 : memref<128x128xf32, #tpu.memory_space<vmem>>) offsets(%arg7 : memref<128xi32, #tpu.memory_space<vmem>>) semaphore(%arg20 : memref<!tpu.dma_semaphore, #tpu.memory_space<semaphore_mem>>)
    %dma_start3A_150 = arith.constant 0 : i32
    %dma_start3A_151 = arith.constant 0 : i32
    %dma_start3A_152 = tpu.memref_slice %arg5[%dma_start3A_150, %dma_start3A_151] : memref<3000x128xf32, #tpu.memory_space<hbm>> -> memref<3000x128xf32, #tpu.memory_space<hbm>>
    tpu.enqueue_indirect_dma source(%dma_start3A_152 : memref<3000x128xf32, #tpu.memory_space<hbm>>) target(%arg14 : memref<128x128xf32, #tpu.memory_space<vmem>>) offsets(%arg8 : memref<128xi32, #tpu.memory_space<vmem>>) semaphore(%arg20 : memref<!tpu.dma_semaphore, #tpu.memory_space<semaphore_mem>>)
    %dma_start3A_153 = arith.constant 0 : i32
    %dma_start3A_154 = arith.constant 0 : i32
    %dma_start3A_155 = tpu.memref_slice %arg5[%dma_start3A_153, %dma_start3A_154] : memref<3000x128xf32, #tpu.memory_space<hbm>> -> memref<3000x128xf32, #tpu.memory_space<hbm>>
    tpu.enqueue_indirect_dma source(%dma_start3A_155 : memref<3000x128xf32, #tpu.memory_space<hbm>>) target(%arg15 : memref<128x128xf32, #tpu.memory_space<vmem>>) offsets(%arg9 : memref<128xi32, #tpu.memory_space<vmem>>) semaphore(%arg20 : memref<!tpu.dma_semaphore, #tpu.memory_space<semaphore_mem>>)
    %dma_wait3A_156 = arith.constant 0 : i32
    %dma_wait3A_157 = arith.constant 0 : i32
    %dma_wait3A_158 = tpu.memref_slice %arg5[%dma_wait3A_156, %dma_wait3A_157] : memref<3000x128xf32, #tpu.memory_space<hbm>> -> memref<3000x128xf32, #tpu.memory_space<hbm>>
    tpu.wait_indirect_dma semaphore(%arg21 : memref<!tpu.dma_semaphore, #tpu.memory_space<semaphore_mem>>) src(%dma_wait3A_158 : memref<3000x128xf32, #tpu.memory_space<hbm>>) dst(%arg16 : memref<128x128xf32, #tpu.memory_space<vmem>>)
    %dma_wait3A_159 = arith.constant 0 : i32
    %dma_wait3A_160 = arith.constant 0 : i32
    %dma_wait3A_161 = tpu.memref_slice %arg5[%dma_wait3A_159, %dma_wait3A_160] : memref<3000x128xf32, #tpu.memory_space<hbm>> -> memref<3000x128xf32, #tpu.memory_space<hbm>>
    tpu.wait_indirect_dma semaphore(%arg21 : memref<!tpu.dma_semaphore, #tpu.memory_space<semaphore_mem>>) src(%dma_wait3A_161 : memref<3000x128xf32, #tpu.memory_space<hbm>>) dst(%arg17 : memref<128x128xf32, #tpu.memory_space<vmem>>)
    %dma_wait3A_162 = arith.constant 0 : i32
    %dma_wait3A_163 = arith.constant 0 : i32
    %dma_wait3A_164 = tpu.memref_slice %arg5[%dma_wait3A_162, %dma_wait3A_163] : memref<3000x128xf32, #tpu.memory_space<hbm>> -> memref<3000x128xf32, #tpu.memory_space<hbm>>
    tpu.wait_indirect_dma semaphore(%arg21 : memref<!tpu.dma_semaphore, #tpu.memory_space<semaphore_mem>>) src(%dma_wait3A_164 : memref<3000x128xf32, #tpu.memory_space<hbm>>) dst(%arg18 : memref<128x128xf32, #tpu.memory_space<vmem>>)
    %scan3A_165 = arith.constant 0 : i32
    %scan3A_166 = arith.constant 0 : i32
    %scan3A_167 = arith.constant 32 : i32
    %scan3A_168 = arith.addi %scan3A_166, %scan3A_167 : i32
    %scan3A_169 = arith.constant 1 : i32
    scf.for %scan3A_254 = %scan3A_166 to %scan3A_168 step %scan3A_169  : i32 {
      %div3A = arith.constant 4 : i32
      %div3A_255 = arith.divsi %scan3A_254, %div3A : i32
      %rem3A_256 = arith.constant 4 : i32
      %rem3A_257 = arith.remsi %scan3A_254, %rem3A_256 : i32
      %mul3A_258 = arith.constant 16 : i32
      %mul3A_259 = arith.muli %div3A_255, %mul3A_258 : i32
      %add3A_260 = vector.broadcast %mul3A_259 : i32 to vector<16xi32>
      %add3A_261 = arith.addi %add3A_260, %iota3A : vector<16xi32>
      %mul3A_262 = arith.constant 16 : i32
      %mul3A_263 = arith.muli %rem3A_257, %mul3A_262 : i32
      %add3A_264 = vector.broadcast %mul3A_263 : i32 to vector<16xi32>
      %add3A_265 = arith.addi %add3A_264, %rem3A : vector<16xi32>
      %gather3A = tpu.vector_load_idx %arg16[%add3A_261, %add3A_265] : memref<128x128xf32, #tpu.memory_space<vmem>>[vector<16xi32>, vector<16xi32>], vector<16xf32>,
      %add3A_266 = vector.broadcast %mul3A_263 : i32 to vector<16xi32>
      %add3A_267 = arith.addi %add3A_266, %rem3A_12 : vector<16xi32>
      %gather3A_268 = tpu.vector_load_idx %arg16[%add3A_261, %add3A_267] : memref<128x128xf32, #tpu.memory_space<vmem>>[vector<16xi32>, vector<16xi32>], vector<16xf32>,
      %add3A_269 = vector.broadcast %mul3A_263 : i32 to vector<16xi32>
      %add3A_270 = arith.addi %add3A_269, %rem3A_18 : vector<16xi32>
      %gather3A_271 = tpu.vector_load_idx %arg16[%add3A_261, %add3A_270] : memref<128x128xf32, #tpu.memory_space<vmem>>[vector<16xi32>, vector<16xi32>], vector<16xf32>,
      %add3A_272 = vector.broadcast %mul3A_263 : i32 to vector<16xi32>
      %add3A_273 = arith.addi %add3A_272, %rem3A_24 : vector<16xi32>
      %gather3A_274 = tpu.vector_load_idx %arg16[%add3A_261, %add3A_273] : memref<128x128xf32, #tpu.memory_space<vmem>>[vector<16xi32>, vector<16xi32>], vector<16xf32>,
      %add3A_275 = vector.broadcast %mul3A_263 : i32 to vector<16xi32>
      %add3A_276 = arith.addi %add3A_275, %rem3A_30 : vector<16xi32>
      %gather3A_277 = tpu.vector_load_idx %arg16[%add3A_261, %add3A_276] : memref<128x128xf32, #tpu.memory_space<vmem>>[vector<16xi32>, vector<16xi32>], vector<16xf32>,
      %add3A_278 = vector.broadcast %mul3A_263 : i32 to vector<16xi32>
      %add3A_279 = arith.addi %add3A_278, %rem3A_36 : vector<16xi32>
      %gather3A_280 = tpu.vector_load_idx %arg16[%add3A_261, %add3A_279] : memref<128x128xf32, #tpu.memory_space<vmem>>[vector<16xi32>, vector<16xi32>], vector<16xf32>,
      %add3A_281 = vector.broadcast %mul3A_263 : i32 to vector<16xi32>
      %add3A_282 = arith.addi %add3A_281, %rem3A_42 : vector<16xi32>
      %gather3A_283 = tpu.vector_load_idx %arg16[%add3A_261, %add3A_282] : memref<128x128xf32, #tpu.memory_space<vmem>>[vector<16xi32>, vector<16xi32>], vector<16xf32>,
      %add3A_284 = vector.broadcast %mul3A_263 : i32 to vector<16xi32>
      %add3A_285 = arith.addi %add3A_284, %rem3A_48 : vector<16xi32>
      %gather3A_286 = tpu.vector_load_idx %arg16[%add3A_261, %add3A_285] : memref<128x128xf32, #tpu.memory_space<vmem>>[vector<16xi32>, vector<16xi32>], vector<16xf32>,
      %add3A_287 = vector.broadcast %mul3A_263 : i32 to vector<16xi32>
      %add3A_288 = arith.addi %add3A_287, %rem3A_54 : vector<16xi32>
      %gather3A_289 = tpu.vector_load_idx %arg16[%add3A_261, %add3A_288] : memref<128x128xf32, #tpu.memory_space<vmem>>[vector<16xi32>, vector<16xi32>], vector<16xf32>,
      %add3A_290 = vector.broadcast %mul3A_263 : i32 to vector<16xi32>
      %add3A_291 = arith.addi %add3A_290, %rem3A_60 : vector<16xi32>
      %gather3A_292 = tpu.vector_load_idx %arg16[%add3A_261, %add3A_291] : memref<128x128xf32, #tpu.memory_space<vmem>>[vector<16xi32>, vector<16xi32>], vector<16xf32>,
      %add3A_293 = vector.broadcast %mul3A_263 : i32 to vector<16xi32>
      %add3A_294 = arith.addi %add3A_293, %rem3A_66 : vector<16xi32>
      %gather3A_295 = tpu.vector_load_idx %arg16[%add3A_261, %add3A_294] : memref<128x128xf32, #tpu.memory_space<vmem>>[vector<16xi32>, vector<16xi32>], vector<16xf32>,
      %add3A_296 = vector.broadcast %mul3A_263 : i32 to vector<16xi32>
      %add3A_297 = arith.addi %add3A_296, %rem3A_72 : vector<16xi32>
      %gather3A_298 = tpu.vector_load_idx %arg16[%add3A_261, %add3A_297] : memref<128x128xf32, #tpu.memory_space<vmem>>[vector<16xi32>, vector<16xi32>], vector<16xf32>,
      %add3A_299 = vector.broadcast %mul3A_263 : i32 to vector<16xi32>
      %add3A_300 = arith.addi %add3A_299, %rem3A_78 : vector<16xi32>
      %gather3A_301 = tpu.vector_load_idx %arg16[%add3A_261, %add3A_300] : memref<128x128xf32, #tpu.memory_space<vmem>>[vector<16xi32>, vector<16xi32>], vector<16xf32>,
      %add3A_302 = vector.broadcast %mul3A_263 : i32 to vector<16xi32>
      %add3A_303 = arith.addi %add3A_302, %rem3A_84 : vector<16xi32>
      %gather3A_304 = tpu.vector_load_idx %arg16[%add3A_261, %add3A_303] : memref<128x128xf32, #tpu.memory_space<vmem>>[vector<16xi32>, vector<16xi32>], vector<16xf32>,
      %add3A_305 = vector.broadcast %mul3A_263 : i32 to vector<16xi32>
      %add3A_306 = arith.addi %add3A_305, %rem3A_90 : vector<16xi32>
      %gather3A_307 = tpu.vector_load_idx %arg16[%add3A_261, %add3A_306] : memref<128x128xf32, #tpu.memory_space<vmem>>[vector<16xi32>, vector<16xi32>], vector<16xf32>,
      %add3A_308 = vector.broadcast %mul3A_263 : i32 to vector<16xi32>
      %add3A_309 = arith.addi %add3A_308, %rem3A_96 : vector<16xi32>
      %gather3A_310 = tpu.vector_load_idx %arg16[%add3A_261, %add3A_309] : memref<128x128xf32, #tpu.memory_space<vmem>>[vector<16xi32>, vector<16xi32>], vector<16xf32>,
      %add3A_311 = vector.broadcast %mul3A_263 : i32 to vector<16xi32>
      %add3A_312 = arith.addi %add3A_311, %rem3A : vector<16xi32>
      %scatter3A = arith.constant 0 : i32
      %scatter3A_313 = arith.constant 0 : i32
      %scatter3A_314 = tpu.memref_slice %arg19[%scatter3A, %scatter3A_313] : memref<192x128xf32, #tpu.memory_space<vmem>> -> memref<64x128xf32, #tpu.memory_space<vmem>>
      tpu.vector_store_idx %scatter3A_314[%add3A_312, %add3A_261], %gather3A : memref<64x128xf32, #tpu.memory_space<vmem>>[vector<16xi32>, vector<16xi32>], vector<16xf32>,
      %add3A_315 = vector.broadcast %mul3A_263 : i32 to vector<16xi32>
      %add3A_316 = arith.addi %add3A_315, %rem3A_12 : vector<16xi32>
      %scatter3A_317 = arith.constant 0 : i32
      %scatter3A_318 = arith.constant 0 : i32
      %scatter3A_319 = tpu.memref_slice %arg19[%scatter3A_317, %scatter3A_318] : memref<192x128xf32, #tpu.memory_space<vmem>> -> memref<64x128xf32, #tpu.memory_space<vmem>>
      tpu.vector_store_idx %scatter3A_319[%add3A_316, %add3A_261], %gather3A_268 : memref<64x128xf32, #tpu.memory_space<vmem>>[vector<16xi32>, vector<16xi32>], vector<16xf32>,
      %add3A_320 = vector.broadcast %mul3A_263 : i32 to vector<16xi32>
      %add3A_321 = arith.addi %add3A_320, %rem3A_18 : vector<16xi32>
      %scatter3A_322 = arith.constant 0 : i32
      %scatter3A_323 = arith.constant 0 : i32
      %scatter3A_324 = tpu.memref_slice %arg19[%scatter3A_322, %scatter3A_323] : memref<192x128xf32, #tpu.memory_space<vmem>> -> memref<64x128xf32, #tpu.memory_space<vmem>>
      tpu.vector_store_idx %scatter3A_324[%add3A_321, %add3A_261], %gather3A_271 : memref<64x128xf32, #tpu.memory_space<vmem>>[vector<16xi32>, vector<16xi32>], vector<16xf32>,
      %add3A_325 = vector.broadcast %mul3A_263 : i32 to vector<16xi32>
      %add3A_326 = arith.addi %add3A_325, %rem3A_24 : vector<16xi32>
      %scatter3A_327 = arith.constant 0 : i32
      %scatter3A_328 = arith.constant 0 : i32
      %scatter3A_329 = tpu.memref_slice %arg19[%scatter3A_327, %scatter3A_328] : memref<192x128xf32, #tpu.memory_space<vmem>> -> memref<64x128xf32, #tpu.memory_space<vmem>>
      tpu.vector_store_idx %scatter3A_329[%add3A_326, %add3A_261], %gather3A_274 : memref<64x128xf32, #tpu.memory_space<vmem>>[vector<16xi32>, vector<16xi32>], vector<16xf32>,
      %add3A_330 = vector.broadcast %mul3A_263 : i32 to vector<16xi32>
      %add3A_331 = arith.addi %add3A_330, %rem3A_30 : vector<16xi32>
      %scatter3A_332 = arith.constant 0 : i32
      %scatter3A_333 = arith.constant 0 : i32
      %scatter3A_334 = tpu.memref_slice %arg19[%scatter3A_332, %scatter3A_333] : memref<192x128xf32, #tpu.memory_space<vmem>> -> memref<64x128xf32, #tpu.memory_space<vmem>>
      tpu.vector_store_idx %scatter3A_334[%add3A_331, %add3A_261], %gather3A_277 : memref<64x128xf32, #tpu.memory_space<vmem>>[vector<16xi32>, vector<16xi32>], vector<16xf32>,
      %add3A_335 = vector.broadcast %mul3A_263 : i32 to vector<16xi32>
      %add3A_336 = arith.addi %add3A_335, %rem3A_36 : vector<16xi32>
      %scatter3A_337 = arith.constant 0 : i32
      %scatter3A_338 = arith.constant 0 : i32
      %scatter3A_339 = tpu.memref_slice %arg19[%scatter3A_337, %scatter3A_338] : memref<192x128xf32, #tpu.memory_space<vmem>> -> memref<64x128xf32, #tpu.memory_space<vmem>>
      tpu.vector_store_idx %scatter3A_339[%add3A_336, %add3A_261], %gather3A_280 : memref<64x128xf32, #tpu.memory_space<vmem>>[vector<16xi32>, vector<16xi32>], vector<16xf32>,
      %add3A_340 = vector.broadcast %mul3A_263 : i32 to vector<16xi32>
      %add3A_341 = arith.addi %add3A_340, %rem3A_42 : vector<16xi32>
      %scatter3A_342 = arith.constant 0 : i32
      %scatter3A_343 = arith.constant 0 : i32
      %scatter3A_344 = tpu.memref_slice %arg19[%scatter3A_342, %scatter3A_343] : memref<192x128xf32, #tpu.memory_space<vmem>> -> memref<64x128xf32, #tpu.memory_space<vmem>>
      tpu.vector_store_idx %scatter3A_344[%add3A_341, %add3A_261], %gather3A_283 : memref<64x128xf32, #tpu.memory_space<vmem>>[vector<16xi32>, vector<16xi32>], vector<16xf32>,
      %add3A_345 = vector.broadcast %mul3A_263 : i32 to vector<16xi32>
      %add3A_346 = arith.addi %add3A_345, %rem3A_48 : vector<16xi32>
      %scatter3A_347 = arith.constant 0 : i32
      %scatter3A_348 = arith.constant 0 : i32
      %scatter3A_349 = tpu.memref_slice %arg19[%scatter3A_347, %scatter3A_348] : memref<192x128xf32, #tpu.memory_space<vmem>> -> memref<64x128xf32, #tpu.memory_space<vmem>>
      tpu.vector_store_idx %scatter3A_349[%add3A_346, %add3A_261], %gather3A_286 : memref<64x128xf32, #tpu.memory_space<vmem>>[vector<16xi32>, vector<16xi32>], vector<16xf32>,
      %add3A_350 = vector.broadcast %mul3A_263 : i32 to vector<16xi32>
      %add3A_351 = arith.addi %add3A_350, %rem3A_54 : vector<16xi32>
      %scatter3A_352 = arith.constant 0 : i32
      %scatter3A_353 = arith.constant 0 : i32
      %scatter3A_354 = tpu.memref_slice %arg19[%scatter3A_352, %scatter3A_353] : memref<192x128xf32, #tpu.memory_space<vmem>> -> memref<64x128xf32, #tpu.memory_space<vmem>>
      tpu.vector_store_idx %scatter3A_354[%add3A_351, %add3A_261], %gather3A_289 : memref<64x128xf32, #tpu.memory_space<vmem>>[vector<16xi32>, vector<16xi32>], vector<16xf32>,
      %add3A_355 = vector.broadcast %mul3A_263 : i32 to vector<16xi32>
      %add3A_356 = arith.addi %add3A_355, %rem3A_60 : vector<16xi32>
      %scatter3A_357 = arith.constant 0 : i32
      %scatter3A_358 = arith.constant 0 : i32
      %scatter3A_359 = tpu.memref_slice %arg19[%scatter3A_357, %scatter3A_358] : memref<192x128xf32, #tpu.memory_space<vmem>> -> memref<64x128xf32, #tpu.memory_space<vmem>>
      tpu.vector_store_idx %scatter3A_359[%add3A_356, %add3A_261], %gather3A_292 : memref<64x128xf32, #tpu.memory_space<vmem>>[vector<16xi32>, vector<16xi32>], vector<16xf32>,
      %add3A_360 = vector.broadcast %mul3A_263 : i32 to vector<16xi32>
      %add3A_361 = arith.addi %add3A_360, %rem3A_66 : vector<16xi32>
      %scatter3A_362 = arith.constant 0 : i32
      %scatter3A_363 = arith.constant 0 : i32
      %scatter3A_364 = tpu.memref_slice %arg19[%scatter3A_362, %scatter3A_363] : memref<192x128xf32, #tpu.memory_space<vmem>> -> memref<64x128xf32, #tpu.memory_space<vmem>>
      tpu.vector_store_idx %scatter3A_364[%add3A_361, %add3A_261], %gather3A_295 : memref<64x128xf32, #tpu.memory_space<vmem>>[vector<16xi32>, vector<16xi32>], vector<16xf32>,
      %add3A_365 = vector.broadcast %mul3A_263 : i32 to vector<16xi32>
      %add3A_366 = arith.addi %add3A_365, %rem3A_72 : vector<16xi32>
      %scatter3A_367 = arith.constant 0 : i32
      %scatter3A_368 = arith.constant 0 : i32
      %scatter3A_369 = tpu.memref_slice %arg19[%scatter3A_367, %scatter3A_368] : memref<192x128xf32, #tpu.memory_space<vmem>> -> memref<64x128xf32, #tpu.memory_space<vmem>>
      tpu.vector_store_idx %scatter3A_369[%add3A_366, %add3A_261], %gather3A_298 : memref<64x128xf32, #tpu.memory_space<vmem>>[vector<16xi32>, vector<16xi32>], vector<16xf32>,
      %add3A_370 = vector.broadcast %mul3A_263 : i32 to vector<16xi32>
      %add3A_371 = arith.addi %add3A_370, %rem3A_78 : vector<16xi32>
      %scatter3A_372 = arith.constant 0 : i32
      %scatter3A_373 = arith.constant 0 : i32
      %scatter3A_374 = tpu.memref_slice %arg19[%scatter3A_372, %scatter3A_373] : memref<192x128xf32, #tpu.memory_space<vmem>> -> memref<64x128xf32, #tpu.memory_space<vmem>>
      tpu.vector_store_idx %scatter3A_374[%add3A_371, %add3A_261], %gather3A_301 : memref<64x128xf32, #tpu.memory_space<vmem>>[vector<16xi32>, vector<16xi32>], vector<16xf32>,
      %add3A_375 = vector.broadcast %mul3A_263 : i32 to vector<16xi32>
      %add3A_376 = arith.addi %add3A_375, %rem3A_84 : vector<16xi32>
      %scatter3A_377 = arith.constant 0 : i32
      %scatter3A_378 = arith.constant 0 : i32
      %scatter3A_379 = tpu.memref_slice %arg19[%scatter3A_377, %scatter3A_378] : memref<192x128xf32, #tpu.memory_space<vmem>> -> memref<64x128xf32, #tpu.memory_space<vmem>>
      tpu.vector_store_idx %scatter3A_379[%add3A_376, %add3A_261], %gather3A_304 : memref<64x128xf32, #tpu.memory_space<vmem>>[vector<16xi32>, vector<16xi32>], vector<16xf32>,
      %add3A_380 = vector.broadcast %mul3A_263 : i32 to vector<16xi32>
      %add3A_381 = arith.addi %add3A_380, %rem3A_90 : vector<16xi32>
      %scatter3A_382 = arith.constant 0 : i32
      %scatter3A_383 = arith.constant 0 : i32
      %scatter3A_384 = tpu.memref_slice %arg19[%scatter3A_382, %scatter3A_383] : memref<192x128xf32, #tpu.memory_space<vmem>> -> memref<64x128xf32, #tpu.memory_space<vmem>>
      tpu.vector_store_idx %scatter3A_384[%add3A_381, %add3A_261], %gather3A_307 : memref<64x128xf32, #tpu.memory_space<vmem>>[vector<16xi32>, vector<16xi32>], vector<16xf32>,
      %add3A_385 = vector.broadcast %mul3A_263 : i32 to vector<16xi32>
      %add3A_386 = arith.addi %add3A_385, %rem3A_96 : vector<16xi32>
      %scatter3A_387 = arith.constant 0 : i32
      %scatter3A_388 = arith.constant 0 : i32
      %scatter3A_389 = tpu.memref_slice %arg19[%scatter3A_387, %scatter3A_388] : memref<192x128xf32, #tpu.memory_space<vmem>> -> memref<64x128xf32, #tpu.memory_space<vmem>>
      tpu.vector_store_idx %scatter3A_389[%add3A_386, %add3A_261], %gather3A_310 : memref<64x128xf32, #tpu.memory_space<vmem>>[vector<16xi32>, vector<16xi32>], vector<16xf32>,
    }
    %scan3A_170 = arith.constant 32 : i32
    %scan3A_171 = arith.constant 0 : i32
    %scan3A_172 = arith.constant 0 : i32
    %scan3A_173 = arith.constant 32 : i32
    %scan3A_174 = arith.addi %scan3A_172, %scan3A_173 : i32
    %scan3A_175 = arith.constant 1 : i32
    scf.for %scan3A_254 = %scan3A_172 to %scan3A_174 step %scan3A_175  : i32 {
      %div3A = arith.constant 4 : i32
      %div3A_255 = arith.divsi %scan3A_254, %div3A : i32
      %rem3A_256 = arith.constant 4 : i32
      %rem3A_257 = arith.remsi %scan3A_254, %rem3A_256 : i32
      %mul3A_258 = arith.constant 16 : i32
      %mul3A_259 = arith.muli %div3A_255, %mul3A_258 : i32
      %add3A_260 = vector.broadcast %mul3A_259 : i32 to vector<16xi32>
      %add3A_261 = arith.addi %add3A_260, %iota3A : vector<16xi32>
      %mul3A_262 = arith.constant 16 : i32
      %mul3A_263 = arith.muli %rem3A_257, %mul3A_262 : i32
      %add3A_264 = vector.broadcast %mul3A_263 : i32 to vector<16xi32>
      %add3A_265 = arith.addi %add3A_264, %rem3A : vector<16xi32>
      %gather3A = tpu.vector_load_idx %arg17[%add3A_261, %add3A_265] : memref<128x128xf32, #tpu.memory_space<vmem>>[vector<16xi32>, vector<16xi32>], vector<16xf32>,
      %add3A_266 = vector.broadcast %mul3A_263 : i32 to vector<16xi32>
      %add3A_267 = arith.addi %add3A_266, %rem3A_12 : vector<16xi32>
      %gather3A_268 = tpu.vector_load_idx %arg17[%add3A_261, %add3A_267] : memref<128x128xf32, #tpu.memory_space<vmem>>[vector<16xi32>, vector<16xi32>], vector<16xf32>,
      %add3A_269 = vector.broadcast %mul3A_263 : i32 to vector<16xi32>
      %add3A_270 = arith.addi %add3A_269, %rem3A_18 : vector<16xi32>
      %gather3A_271 = tpu.vector_load_idx %arg17[%add3A_261, %add3A_270] : memref<128x128xf32, #tpu.memory_space<vmem>>[vector<16xi32>, vector<16xi32>], vector<16xf32>,
      %add3A_272 = vector.broadcast %mul3A_263 : i32 to vector<16xi32>
      %add3A_273 = arith.addi %add3A_272, %rem3A_24 : vector<16xi32>
      %gather3A_274 = tpu.vector_load_idx %arg17[%add3A_261, %add3A_273] : memref<128x128xf32, #tpu.memory_space<vmem>>[vector<16xi32>, vector<16xi32>], vector<16xf32>,
      %add3A_275 = vector.broadcast %mul3A_263 : i32 to vector<16xi32>
      %add3A_276 = arith.addi %add3A_275, %rem3A_30 : vector<16xi32>
      %gather3A_277 = tpu.vector_load_idx %arg17[%add3A_261, %add3A_276] : memref<128x128xf32, #tpu.memory_space<vmem>>[vector<16xi32>, vector<16xi32>], vector<16xf32>,
      %add3A_278 = vector.broadcast %mul3A_263 : i32 to vector<16xi32>
      %add3A_279 = arith.addi %add3A_278, %rem3A_36 : vector<16xi32>
      %gather3A_280 = tpu.vector_load_idx %arg17[%add3A_261, %add3A_279] : memref<128x128xf32, #tpu.memory_space<vmem>>[vector<16xi32>, vector<16xi32>], vector<16xf32>,
      %add3A_281 = vector.broadcast %mul3A_263 : i32 to vector<16xi32>
      %add3A_282 = arith.addi %add3A_281, %rem3A_42 : vector<16xi32>
      %gather3A_283 = tpu.vector_load_idx %arg17[%add3A_261, %add3A_282] : memref<128x128xf32, #tpu.memory_space<vmem>>[vector<16xi32>, vector<16xi32>], vector<16xf32>,
      %add3A_284 = vector.broadcast %mul3A_263 : i32 to vector<16xi32>
      %add3A_285 = arith.addi %add3A_284, %rem3A_48 : vector<16xi32>
      %gather3A_286 = tpu.vector_load_idx %arg17[%add3A_261, %add3A_285] : memref<128x128xf32, #tpu.memory_space<vmem>>[vector<16xi32>, vector<16xi32>], vector<16xf32>,
      %add3A_287 = vector.broadcast %mul3A_263 : i32 to vector<16xi32>
      %add3A_288 = arith.addi %add3A_287, %rem3A_54 : vector<16xi32>
      %gather3A_289 = tpu.vector_load_idx %arg17[%add3A_261, %add3A_288] : memref<128x128xf32, #tpu.memory_space<vmem>>[vector<16xi32>, vector<16xi32>], vector<16xf32>,
      %add3A_290 = vector.broadcast %mul3A_263 : i32 to vector<16xi32>
      %add3A_291 = arith.addi %add3A_290, %rem3A_60 : vector<16xi32>
      %gather3A_292 = tpu.vector_load_idx %arg17[%add3A_261, %add3A_291] : memref<128x128xf32, #tpu.memory_space<vmem>>[vector<16xi32>, vector<16xi32>], vector<16xf32>,
      %add3A_293 = vector.broadcast %mul3A_263 : i32 to vector<16xi32>
      %add3A_294 = arith.addi %add3A_293, %rem3A_66 : vector<16xi32>
      %gather3A_295 = tpu.vector_load_idx %arg17[%add3A_261, %add3A_294] : memref<128x128xf32, #tpu.memory_space<vmem>>[vector<16xi32>, vector<16xi32>], vector<16xf32>,
      %add3A_296 = vector.broadcast %mul3A_263 : i32 to vector<16xi32>
      %add3A_297 = arith.addi %add3A_296, %rem3A_72 : vector<16xi32>
      %gather3A_298 = tpu.vector_load_idx %arg17[%add3A_261, %add3A_297] : memref<128x128xf32, #tpu.memory_space<vmem>>[vector<16xi32>, vector<16xi32>], vector<16xf32>,
      %add3A_299 = vector.broadcast %mul3A_263 : i32 to vector<16xi32>
      %add3A_300 = arith.addi %add3A_299, %rem3A_78 : vector<16xi32>
      %gather3A_301 = tpu.vector_load_idx %arg17[%add3A_261, %add3A_300] : memref<128x128xf32, #tpu.memory_space<vmem>>[vector<16xi32>, vector<16xi32>], vector<16xf32>,
      %add3A_302 = vector.broadcast %mul3A_263 : i32 to vector<16xi32>
      %add3A_303 = arith.addi %add3A_302, %rem3A_84 : vector<16xi32>
      %gather3A_304 = tpu.vector_load_idx %arg17[%add3A_261, %add3A_303] : memref<128x128xf32, #tpu.memory_space<vmem>>[vector<16xi32>, vector<16xi32>], vector<16xf32>,
      %add3A_305 = vector.broadcast %mul3A_263 : i32 to vector<16xi32>
      %add3A_306 = arith.addi %add3A_305, %rem3A_90 : vector<16xi32>
      %gather3A_307 = tpu.vector_load_idx %arg17[%add3A_261, %add3A_306] : memref<128x128xf32, #tpu.memory_space<vmem>>[vector<16xi32>, vector<16xi32>], vector<16xf32>,
      %add3A_308 = vector.broadcast %mul3A_263 : i32 to vector<16xi32>
      %add3A_309 = arith.addi %add3A_308, %rem3A_96 : vector<16xi32>
      %gather3A_310 = tpu.vector_load_idx %arg17[%add3A_261, %add3A_309] : memref<128x128xf32, #tpu.memory_space<vmem>>[vector<16xi32>, vector<16xi32>], vector<16xf32>,
      %add3A_311 = vector.broadcast %mul3A_263 : i32 to vector<16xi32>
      %add3A_312 = arith.addi %add3A_311, %rem3A : vector<16xi32>
      %scatter3A = arith.constant 64 : i32
      %scatter3A_313 = arith.constant 0 : i32
      %scatter3A_314 = tpu.memref_slice %arg19[%scatter3A, %scatter3A_313] : memref<192x128xf32, #tpu.memory_space<vmem>> -> memref<64x128xf32, #tpu.memory_space<vmem>>
      tpu.vector_store_idx %scatter3A_314[%add3A_312, %add3A_261], %gather3A : memref<64x128xf32, #tpu.memory_space<vmem>>[vector<16xi32>, vector<16xi32>], vector<16xf32>,
      %add3A_315 = vector.broadcast %mul3A_263 : i32 to vector<16xi32>
      %add3A_316 = arith.addi %add3A_315, %rem3A_12 : vector<16xi32>
      %scatter3A_317 = arith.constant 64 : i32
      %scatter3A_318 = arith.constant 0 : i32
      %scatter3A_319 = tpu.memref_slice %arg19[%scatter3A_317, %scatter3A_318] : memref<192x128xf32, #tpu.memory_space<vmem>> -> memref<64x128xf32, #tpu.memory_space<vmem>>
      tpu.vector_store_idx %scatter3A_319[%add3A_316, %add3A_261], %gather3A_268 : memref<64x128xf32, #tpu.memory_space<vmem>>[vector<16xi32>, vector<16xi32>], vector<16xf32>,
      %add3A_320 = vector.broadcast %mul3A_263 : i32 to vector<16xi32>
      %add3A_321 = arith.addi %add3A_320, %rem3A_18 : vector<16xi32>
      %scatter3A_322 = arith.constant 64 : i32
      %scatter3A_323 = arith.constant 0 : i32
      %scatter3A_324 = tpu.memref_slice %arg19[%scatter3A_322, %scatter3A_323] : memref<192x128xf32, #tpu.memory_space<vmem>> -> memref<64x128xf32, #tpu.memory_space<vmem>>
      tpu.vector_store_idx %scatter3A_324[%add3A_321, %add3A_261], %gather3A_271 : memref<64x128xf32, #tpu.memory_space<vmem>>[vector<16xi32>, vector<16xi32>], vector<16xf32>,
      %add3A_325 = vector.broadcast %mul3A_263 : i32 to vector<16xi32>
      %add3A_326 = arith.addi %add3A_325, %rem3A_24 : vector<16xi32>
      %scatter3A_327 = arith.constant 64 : i32
      %scatter3A_328 = arith.constant 0 : i32
      %scatter3A_329 = tpu.memref_slice %arg19[%scatter3A_327, %scatter3A_328] : memref<192x128xf32, #tpu.memory_space<vmem>> -> memref<64x128xf32, #tpu.memory_space<vmem>>
      tpu.vector_store_idx %scatter3A_329[%add3A_326, %add3A_261], %gather3A_274 : memref<64x128xf32, #tpu.memory_space<vmem>>[vector<16xi32>, vector<16xi32>], vector<16xf32>,
      %add3A_330 = vector.broadcast %mul3A_263 : i32 to vector<16xi32>
      %add3A_331 = arith.addi %add3A_330, %rem3A_30 : vector<16xi32>
      %scatter3A_332 = arith.constant 64 : i32
      %scatter3A_333 = arith.constant 0 : i32
      %scatter3A_334 = tpu.memref_slice %arg19[%scatter3A_332, %scatter3A_333] : memref<192x128xf32, #tpu.memory_space<vmem>> -> memref<64x128xf32, #tpu.memory_space<vmem>>
      tpu.vector_store_idx %scatter3A_334[%add3A_331, %add3A_261], %gather3A_277 : memref<64x128xf32, #tpu.memory_space<vmem>>[vector<16xi32>, vector<16xi32>], vector<16xf32>,
      %add3A_335 = vector.broadcast %mul3A_263 : i32 to vector<16xi32>
      %add3A_336 = arith.addi %add3A_335, %rem3A_36 : vector<16xi32>
      %scatter3A_337 = arith.constant 64 : i32
      %scatter3A_338 = arith.constant 0 : i32
      %scatter3A_339 = tpu.memref_slice %arg19[%scatter3A_337, %scatter3A_338] : memref<192x128xf32, #tpu.memory_space<vmem>> -> memref<64x128xf32, #tpu.memory_space<vmem>>
      tpu.vector_store_idx %scatter3A_339[%add3A_336, %add3A_261], %gather3A_280 : memref<64x128xf32, #tpu.memory_space<vmem>>[vector<16xi32>, vector<16xi32>], vector<16xf32>,
      %add3A_340 = vector.broadcast %mul3A_263 : i32 to vector<16xi32>
      %add3A_341 = arith.addi %add3A_340, %rem3A_42 : vector<16xi32>
      %scatter3A_342 = arith.constant 64 : i32
      %scatter3A_343 = arith.constant 0 : i32
      %scatter3A_344 = tpu.memref_slice %arg19[%scatter3A_342, %scatter3A_343] : memref<192x128xf32, #tpu.memory_space<vmem>> -> memref<64x128xf32, #tpu.memory_space<vmem>>
      tpu.vector_store_idx %scatter3A_344[%add3A_341, %add3A_261], %gather3A_283 : memref<64x128xf32, #tpu.memory_space<vmem>>[vector<16xi32>, vector<16xi32>], vector<16xf32>,
      %add3A_345 = vector.broadcast %mul3A_263 : i32 to vector<16xi32>
      %add3A_346 = arith.addi %add3A_345, %rem3A_48 : vector<16xi32>
      %scatter3A_347 = arith.constant 64 : i32
      %scatter3A_348 = arith.constant 0 : i32
      %scatter3A_349 = tpu.memref_slice %arg19[%scatter3A_347, %scatter3A_348] : memref<192x128xf32, #tpu.memory_space<vmem>> -> memref<64x128xf32, #tpu.memory_space<vmem>>
      tpu.vector_store_idx %scatter3A_349[%add3A_346, %add3A_261], %gather3A_286 : memref<64x128xf32, #tpu.memory_space<vmem>>[vector<16xi32>, vector<16xi32>], vector<16xf32>,
      %add3A_350 = vector.broadcast %mul3A_263 : i32 to vector<16xi32>
      %add3A_351 = arith.addi %add3A_350, %rem3A_54 : vector<16xi32>
      %scatter3A_352 = arith.constant 64 : i32
      %scatter3A_353 = arith.constant 0 : i32
      %scatter3A_354 = tpu.memref_slice %arg19[%scatter3A_352, %scatter3A_353] : memref<192x128xf32, #tpu.memory_space<vmem>> -> memref<64x128xf32, #tpu.memory_space<vmem>>
      tpu.vector_store_idx %scatter3A_354[%add3A_351, %add3A_261], %gather3A_289 : memref<64x128xf32, #tpu.memory_space<vmem>>[vector<16xi32>, vector<16xi32>], vector<16xf32>,
      %add3A_355 = vector.broadcast %mul3A_263 : i32 to vector<16xi32>
      %add3A_356 = arith.addi %add3A_355, %rem3A_60 : vector<16xi32>
      %scatter3A_357 = arith.constant 64 : i32
      %scatter3A_358 = arith.constant 0 : i32
      %scatter3A_359 = tpu.memref_slice %arg19[%scatter3A_357, %scatter3A_358] : memref<192x128xf32, #tpu.memory_space<vmem>> -> memref<64x128xf32, #tpu.memory_space<vmem>>
      tpu.vector_store_idx %scatter3A_359[%add3A_356, %add3A_261], %gather3A_292 : memref<64x128xf32, #tpu.memory_space<vmem>>[vector<16xi32>, vector<16xi32>], vector<16xf32>,
      %add3A_360 = vector.broadcast %mul3A_263 : i32 to vector<16xi32>
      %add3A_361 = arith.addi %add3A_360, %rem3A_66 : vector<16xi32>
      %scatter3A_362 = arith.constant 64 : i32
      %scatter3A_363 = arith.constant 0 : i32
      %scatter3A_364 = tpu.memref_slice %arg19[%scatter3A_362, %scatter3A_363] : memref<192x128xf32, #tpu.memory_space<vmem>> -> memref<64x128xf32, #tpu.memory_space<vmem>>
      tpu.vector_store_idx %scatter3A_364[%add3A_361, %add3A_261], %gather3A_295 : memref<64x128xf32, #tpu.memory_space<vmem>>[vector<16xi32>, vector<16xi32>], vector<16xf32>,
      %add3A_365 = vector.broadcast %mul3A_263 : i32 to vector<16xi32>
      %add3A_366 = arith.addi %add3A_365, %rem3A_72 : vector<16xi32>
      %scatter3A_367 = arith.constant 64 : i32
      %scatter3A_368 = arith.constant 0 : i32
      %scatter3A_369 = tpu.memref_slice %arg19[%scatter3A_367, %scatter3A_368] : memref<192x128xf32, #tpu.memory_space<vmem>> -> memref<64x128xf32, #tpu.memory_space<vmem>>
      tpu.vector_store_idx %scatter3A_369[%add3A_366, %add3A_261], %gather3A_298 : memref<64x128xf32, #tpu.memory_space<vmem>>[vector<16xi32>, vector<16xi32>], vector<16xf32>,
      %add3A_370 = vector.broadcast %mul3A_263 : i32 to vector<16xi32>
      %add3A_371 = arith.addi %add3A_370, %rem3A_78 : vector<16xi32>
      %scatter3A_372 = arith.constant 64 : i32
      %scatter3A_373 = arith.constant 0 : i32
      %scatter3A_374 = tpu.memref_slice %arg19[%scatter3A_372, %scatter3A_373] : memref<192x128xf32, #tpu.memory_space<vmem>> -> memref<64x128xf32, #tpu.memory_space<vmem>>
      tpu.vector_store_idx %scatter3A_374[%add3A_371, %add3A_261], %gather3A_301 : memref<64x128xf32, #tpu.memory_space<vmem>>[vector<16xi32>, vector<16xi32>], vector<16xf32>,
      %add3A_375 = vector.broadcast %mul3A_263 : i32 to vector<16xi32>
      %add3A_376 = arith.addi %add3A_375, %rem3A_84 : vector<16xi32>
      %scatter3A_377 = arith.constant 64 : i32
      %scatter3A_378 = arith.constant 0 : i32
      %scatter3A_379 = tpu.memref_slice %arg19[%scatter3A_377, %scatter3A_378] : memref<192x128xf32, #tpu.memory_space<vmem>> -> memref<64x128xf32, #tpu.memory_space<vmem>>
      tpu.vector_store_idx %scatter3A_379[%add3A_376, %add3A_261], %gather3A_304 : memref<64x128xf32, #tpu.memory_space<vmem>>[vector<16xi32>, vector<16xi32>], vector<16xf32>,
      %add3A_380 = vector.broadcast %mul3A_263 : i32 to vector<16xi32>
      %add3A_381 = arith.addi %add3A_380, %rem3A_90 : vector<16xi32>
      %scatter3A_382 = arith.constant 64 : i32
      %scatter3A_383 = arith.constant 0 : i32
      %scatter3A_384 = tpu.memref_slice %arg19[%scatter3A_382, %scatter3A_383] : memref<192x128xf32, #tpu.memory_space<vmem>> -> memref<64x128xf32, #tpu.memory_space<vmem>>
      tpu.vector_store_idx %scatter3A_384[%add3A_381, %add3A_261], %gather3A_307 : memref<64x128xf32, #tpu.memory_space<vmem>>[vector<16xi32>, vector<16xi32>], vector<16xf32>,
      %add3A_385 = vector.broadcast %mul3A_263 : i32 to vector<16xi32>
      %add3A_386 = arith.addi %add3A_385, %rem3A_96 : vector<16xi32>
      %scatter3A_387 = arith.constant 64 : i32
      %scatter3A_388 = arith.constant 0 : i32
      %scatter3A_389 = tpu.memref_slice %arg19[%scatter3A_387, %scatter3A_388] : memref<192x128xf32, #tpu.memory_space<vmem>> -> memref<64x128xf32, #tpu.memory_space<vmem>>
      tpu.vector_store_idx %scatter3A_389[%add3A_386, %add3A_261], %gather3A_310 : memref<64x128xf32, #tpu.memory_space<vmem>>[vector<16xi32>, vector<16xi32>], vector<16xf32>,
    }
    %scan3A_176 = arith.constant 32 : i32
    %scan3A_177 = arith.constant 0 : i32
    %scan3A_178 = arith.constant 0 : i32
    %scan3A_179 = arith.constant 32 : i32
    %scan3A_180 = arith.addi %scan3A_178, %scan3A_179 : i32
    %scan3A_181 = arith.constant 1 : i32
    scf.for %scan3A_254 = %scan3A_178 to %scan3A_180 step %scan3A_181  : i32 {
      %div3A = arith.constant 4 : i32
      %div3A_255 = arith.divsi %scan3A_254, %div3A : i32
      %rem3A_256 = arith.constant 4 : i32
      %rem3A_257 = arith.remsi %scan3A_254, %rem3A_256 : i32
      %mul3A_258 = arith.constant 16 : i32
      %mul3A_259 = arith.muli %div3A_255, %mul3A_258 : i32
      %add3A_260 = vector.broadcast %mul3A_259 : i32 to vector<16xi32>
      %add3A_261 = arith.addi %add3A_260, %iota3A : vector<16xi32>
      %mul3A_262 = arith.constant 16 : i32
      %mul3A_263 = arith.muli %rem3A_257, %mul3A_262 : i32
      %add3A_264 = vector.broadcast %mul3A_263 : i32 to vector<16xi32>
      %add3A_265 = arith.addi %add3A_264, %rem3A : vector<16xi32>
      %gather3A = tpu.vector_load_idx %arg18[%add3A_261, %add3A_265] : memref<128x128xf32, #tpu.memory_space<vmem>>[vector<16xi32>, vector<16xi32>], vector<16xf32>,
      %add3A_266 = vector.broadcast %mul3A_263 : i32 to vector<16xi32>
      %add3A_267 = arith.addi %add3A_266, %rem3A_12 : vector<16xi32>
      %gather3A_268 = tpu.vector_load_idx %arg18[%add3A_261, %add3A_267] : memref<128x128xf32, #tpu.memory_space<vmem>>[vector<16xi32>, vector<16xi32>], vector<16xf32>,
      %add3A_269 = vector.broadcast %mul3A_263 : i32 to vector<16xi32>
      %add3A_270 = arith.addi %add3A_269, %rem3A_18 : vector<16xi32>
      %gather3A_271 = tpu.vector_load_idx %arg18[%add3A_261, %add3A_270] : memref<128x128xf32, #tpu.memory_space<vmem>>[vector<16xi32>, vector<16xi32>], vector<16xf32>,
      %add3A_272 = vector.broadcast %mul3A_263 : i32 to vector<16xi32>
      %add3A_273 = arith.addi %add3A_272, %rem3A_24 : vector<16xi32>
      %gather3A_274 = tpu.vector_load_idx %arg18[%add3A_261, %add3A_273] : memref<128x128xf32, #tpu.memory_space<vmem>>[vector<16xi32>, vector<16xi32>], vector<16xf32>,
      %add3A_275 = vector.broadcast %mul3A_263 : i32 to vector<16xi32>
      %add3A_276 = arith.addi %add3A_275, %rem3A_30 : vector<16xi32>
      %gather3A_277 = tpu.vector_load_idx %arg18[%add3A_261, %add3A_276] : memref<128x128xf32, #tpu.memory_space<vmem>>[vector<16xi32>, vector<16xi32>], vector<16xf32>,
      %add3A_278 = vector.broadcast %mul3A_263 : i32 to vector<16xi32>
      %add3A_279 = arith.addi %add3A_278, %rem3A_36 : vector<16xi32>
      %gather3A_280 = tpu.vector_load_idx %arg18[%add3A_261, %add3A_279] : memref<128x128xf32, #tpu.memory_space<vmem>>[vector<16xi32>, vector<16xi32>], vector<16xf32>,
      %add3A_281 = vector.broadcast %mul3A_263 : i32 to vector<16xi32>
      %add3A_282 = arith.addi %add3A_281, %rem3A_42 : vector<16xi32>
      %gather3A_283 = tpu.vector_load_idx %arg18[%add3A_261, %add3A_282] : memref<128x128xf32, #tpu.memory_space<vmem>>[vector<16xi32>, vector<16xi32>], vector<16xf32>,
      %add3A_284 = vector.broadcast %mul3A_263 : i32 to vector<16xi32>
      %add3A_285 = arith.addi %add3A_284, %rem3A_48 : vector<16xi32>
      %gather3A_286 = tpu.vector_load_idx %arg18[%add3A_261, %add3A_285] : memref<128x128xf32, #tpu.memory_space<vmem>>[vector<16xi32>, vector<16xi32>], vector<16xf32>,
      %add3A_287 = vector.broadcast %mul3A_263 : i32 to vector<16xi32>
      %add3A_288 = arith.addi %add3A_287, %rem3A_54 : vector<16xi32>
      %gather3A_289 = tpu.vector_load_idx %arg18[%add3A_261, %add3A_288] : memref<128x128xf32, #tpu.memory_space<vmem>>[vector<16xi32>, vector<16xi32>], vector<16xf32>,
      %add3A_290 = vector.broadcast %mul3A_263 : i32 to vector<16xi32>
      %add3A_291 = arith.addi %add3A_290, %rem3A_60 : vector<16xi32>
      %gather3A_292 = tpu.vector_load_idx %arg18[%add3A_261, %add3A_291] : memref<128x128xf32, #tpu.memory_space<vmem>>[vector<16xi32>, vector<16xi32>], vector<16xf32>,
      %add3A_293 = vector.broadcast %mul3A_263 : i32 to vector<16xi32>
      %add3A_294 = arith.addi %add3A_293, %rem3A_66 : vector<16xi32>
      %gather3A_295 = tpu.vector_load_idx %arg18[%add3A_261, %add3A_294] : memref<128x128xf32, #tpu.memory_space<vmem>>[vector<16xi32>, vector<16xi32>], vector<16xf32>,
      %add3A_296 = vector.broadcast %mul3A_263 : i32 to vector<16xi32>
      %add3A_297 = arith.addi %add3A_296, %rem3A_72 : vector<16xi32>
      %gather3A_298 = tpu.vector_load_idx %arg18[%add3A_261, %add3A_297] : memref<128x128xf32, #tpu.memory_space<vmem>>[vector<16xi32>, vector<16xi32>], vector<16xf32>,
      %add3A_299 = vector.broadcast %mul3A_263 : i32 to vector<16xi32>
      %add3A_300 = arith.addi %add3A_299, %rem3A_78 : vector<16xi32>
      %gather3A_301 = tpu.vector_load_idx %arg18[%add3A_261, %add3A_300] : memref<128x128xf32, #tpu.memory_space<vmem>>[vector<16xi32>, vector<16xi32>], vector<16xf32>,
      %add3A_302 = vector.broadcast %mul3A_263 : i32 to vector<16xi32>
      %add3A_303 = arith.addi %add3A_302, %rem3A_84 : vector<16xi32>
      %gather3A_304 = tpu.vector_load_idx %arg18[%add3A_261, %add3A_303] : memref<128x128xf32, #tpu.memory_space<vmem>>[vector<16xi32>, vector<16xi32>], vector<16xf32>,
      %add3A_305 = vector.broadcast %mul3A_263 : i32 to vector<16xi32>
      %add3A_306 = arith.addi %add3A_305, %rem3A_90 : vector<16xi32>
      %gather3A_307 = tpu.vector_load_idx %arg18[%add3A_261, %add3A_306] : memref<128x128xf32, #tpu.memory_space<vmem>>[vector<16xi32>, vector<16xi32>], vector<16xf32>,
      %add3A_308 = vector.broadcast %mul3A_263 : i32 to vector<16xi32>
      %add3A_309 = arith.addi %add3A_308, %rem3A_96 : vector<16xi32>
      %gather3A_310 = tpu.vector_load_idx %arg18[%add3A_261, %add3A_309] : memref<128x128xf32, #tpu.memory_space<vmem>>[vector<16xi32>, vector<16xi32>], vector<16xf32>,
      %add3A_311 = vector.broadcast %mul3A_263 : i32 to vector<16xi32>
      %add3A_312 = arith.addi %add3A_311, %rem3A : vector<16xi32>
      %scatter3A = arith.constant 128 : i32
      %scatter3A_313 = arith.constant 0 : i32
      %scatter3A_314 = tpu.memref_slice %arg19[%scatter3A, %scatter3A_313] : memref<192x128xf32, #tpu.memory_space<vmem>> -> memref<64x128xf32, #tpu.memory_space<vmem>>
      tpu.vector_store_idx %scatter3A_314[%add3A_312, %add3A_261], %gather3A : memref<64x128xf32, #tpu.memory_space<vmem>>[vector<16xi32>, vector<16xi32>], vector<16xf32>,
      %add3A_315 = vector.broadcast %mul3A_263 : i32 to vector<16xi32>
      %add3A_316 = arith.addi %add3A_315, %rem3A_12 : vector<16xi32>
      %scatter3A_317 = arith.constant 128 : i32
      %scatter3A_318 = arith.constant 0 : i32
      %scatter3A_319 = tpu.memref_slice %arg19[%scatter3A_317, %scatter3A_318] : memref<192x128xf32, #tpu.memory_space<vmem>> -> memref<64x128xf32, #tpu.memory_space<vmem>>
      tpu.vector_store_idx %scatter3A_319[%add3A_316, %add3A_261], %gather3A_268 : memref<64x128xf32, #tpu.memory_space<vmem>>[vector<16xi32>, vector<16xi32>], vector<16xf32>,
      %add3A_320 = vector.broadcast %mul3A_263 : i32 to vector<16xi32>
      %add3A_321 = arith.addi %add3A_320, %rem3A_18 : vector<16xi32>
      %scatter3A_322 = arith.constant 128 : i32
      %scatter3A_323 = arith.constant 0 : i32
      %scatter3A_324 = tpu.memref_slice %arg19[%scatter3A_322, %scatter3A_323] : memref<192x128xf32, #tpu.memory_space<vmem>> -> memref<64x128xf32, #tpu.memory_space<vmem>>
      tpu.vector_store_idx %scatter3A_324[%add3A_321, %add3A_261], %gather3A_271 : memref<64x128xf32, #tpu.memory_space<vmem>>[vector<16xi32>, vector<16xi32>], vector<16xf32>,
      %add3A_325 = vector.broadcast %mul3A_263 : i32 to vector<16xi32>
      %add3A_326 = arith.addi %add3A_325, %rem3A_24 : vector<16xi32>
      %scatter3A_327 = arith.constant 128 : i32
      %scatter3A_328 = arith.constant 0 : i32
      %scatter3A_329 = tpu.memref_slice %arg19[%scatter3A_327, %scatter3A_328] : memref<192x128xf32, #tpu.memory_space<vmem>> -> memref<64x128xf32, #tpu.memory_space<vmem>>
      tpu.vector_store_idx %scatter3A_329[%add3A_326, %add3A_261], %gather3A_274 : memref<64x128xf32, #tpu.memory_space<vmem>>[vector<16xi32>, vector<16xi32>], vector<16xf32>,
      %add3A_330 = vector.broadcast %mul3A_263 : i32 to vector<16xi32>
      %add3A_331 = arith.addi %add3A_330, %rem3A_30 : vector<16xi32>
      %scatter3A_332 = arith.constant 128 : i32
      %scatter3A_333 = arith.constant 0 : i32
      %scatter3A_334 = tpu.memref_slice %arg19[%scatter3A_332, %scatter3A_333] : memref<192x128xf32, #tpu.memory_space<vmem>> -> memref<64x128xf32, #tpu.memory_space<vmem>>
      tpu.vector_store_idx %scatter3A_334[%add3A_331, %add3A_261], %gather3A_277 : memref<64x128xf32, #tpu.memory_space<vmem>>[vector<16xi32>, vector<16xi32>], vector<16xf32>,
      %add3A_335 = vector.broadcast %mul3A_263 : i32 to vector<16xi32>
      %add3A_336 = arith.addi %add3A_335, %rem3A_36 : vector<16xi32>
      %scatter3A_337 = arith.constant 128 : i32
      %scatter3A_338 = arith.constant 0 : i32
      %scatter3A_339 = tpu.memref_slice %arg19[%scatter3A_337, %scatter3A_338] : memref<192x128xf32, #tpu.memory_space<vmem>> -> memref<64x128xf32, #tpu.memory_space<vmem>>
      tpu.vector_store_idx %scatter3A_339[%add3A_336, %add3A_261], %gather3A_280 : memref<64x128xf32, #tpu.memory_space<vmem>>[vector<16xi32>, vector<16xi32>], vector<16xf32>,
      %add3A_340 = vector.broadcast %mul3A_263 : i32 to vector<16xi32>
      %add3A_341 = arith.addi %add3A_340, %rem3A_42 : vector<16xi32>
      %scatter3A_342 = arith.constant 128 : i32
      %scatter3A_343 = arith.constant 0 : i32
      %scatter3A_344 = tpu.memref_slice %arg19[%scatter3A_342, %scatter3A_343] : memref<192x128xf32, #tpu.memory_space<vmem>> -> memref<64x128xf32, #tpu.memory_space<vmem>>
      tpu.vector_store_idx %scatter3A_344[%add3A_341, %add3A_261], %gather3A_283 : memref<64x128xf32, #tpu.memory_space<vmem>>[vector<16xi32>, vector<16xi32>], vector<16xf32>,
      %add3A_345 = vector.broadcast %mul3A_263 : i32 to vector<16xi32>
      %add3A_346 = arith.addi %add3A_345, %rem3A_48 : vector<16xi32>
      %scatter3A_347 = arith.constant 128 : i32
      %scatter3A_348 = arith.constant 0 : i32
      %scatter3A_349 = tpu.memref_slice %arg19[%scatter3A_347, %scatter3A_348] : memref<192x128xf32, #tpu.memory_space<vmem>> -> memref<64x128xf32, #tpu.memory_space<vmem>>
      tpu.vector_store_idx %scatter3A_349[%add3A_346, %add3A_261], %gather3A_286 : memref<64x128xf32, #tpu.memory_space<vmem>>[vector<16xi32>, vector<16xi32>], vector<16xf32>,
      %add3A_350 = vector.broadcast %mul3A_263 : i32 to vector<16xi32>
      %add3A_351 = arith.addi %add3A_350, %rem3A_54 : vector<16xi32>
      %scatter3A_352 = arith.constant 128 : i32
      %scatter3A_353 = arith.constant 0 : i32
      %scatter3A_354 = tpu.memref_slice %arg19[%scatter3A_352, %scatter3A_353] : memref<192x128xf32, #tpu.memory_space<vmem>> -> memref<64x128xf32, #tpu.memory_space<vmem>>
      tpu.vector_store_idx %scatter3A_354[%add3A_351, %add3A_261], %gather3A_289 : memref<64x128xf32, #tpu.memory_space<vmem>>[vector<16xi32>, vector<16xi32>], vector<16xf32>,
      %add3A_355 = vector.broadcast %mul3A_263 : i32 to vector<16xi32>
      %add3A_356 = arith.addi %add3A_355, %rem3A_60 : vector<16xi32>
      %scatter3A_357 = arith.constant 128 : i32
      %scatter3A_358 = arith.constant 0 : i32
      %scatter3A_359 = tpu.memref_slice %arg19[%scatter3A_357, %scatter3A_358] : memref<192x128xf32, #tpu.memory_space<vmem>> -> memref<64x128xf32, #tpu.memory_space<vmem>>
      tpu.vector_store_idx %scatter3A_359[%add3A_356, %add3A_261], %gather3A_292 : memref<64x128xf32, #tpu.memory_space<vmem>>[vector<16xi32>, vector<16xi32>], vector<16xf32>,
      %add3A_360 = vector.broadcast %mul3A_263 : i32 to vector<16xi32>
      %add3A_361 = arith.addi %add3A_360, %rem3A_66 : vector<16xi32>
      %scatter3A_362 = arith.constant 128 : i32
      %scatter3A_363 = arith.constant 0 : i32
      %scatter3A_364 = tpu.memref_slice %arg19[%scatter3A_362, %scatter3A_363] : memref<192x128xf32, #tpu.memory_space<vmem>> -> memref<64x128xf32, #tpu.memory_space<vmem>>
      tpu.vector_store_idx %scatter3A_364[%add3A_361, %add3A_261], %gather3A_295 : memref<64x128xf32, #tpu.memory_space<vmem>>[vector<16xi32>, vector<16xi32>], vector<16xf32>,
      %add3A_365 = vector.broadcast %mul3A_263 : i32 to vector<16xi32>
      %add3A_366 = arith.addi %add3A_365, %rem3A_72 : vector<16xi32>
      %scatter3A_367 = arith.constant 128 : i32
      %scatter3A_368 = arith.constant 0 : i32
      %scatter3A_369 = tpu.memref_slice %arg19[%scatter3A_367, %scatter3A_368] : memref<192x128xf32, #tpu.memory_space<vmem>> -> memref<64x128xf32, #tpu.memory_space<vmem>>
      tpu.vector_store_idx %scatter3A_369[%add3A_366, %add3A_261], %gather3A_298 : memref<64x128xf32, #tpu.memory_space<vmem>>[vector<16xi32>, vector<16xi32>], vector<16xf32>,
      %add3A_370 = vector.broadcast %mul3A_263 : i32 to vector<16xi32>
      %add3A_371 = arith.addi %add3A_370, %rem3A_78 : vector<16xi32>
      %scatter3A_372 = arith.constant 128 : i32
      %scatter3A_373 = arith.constant 0 : i32
      %scatter3A_374 = tpu.memref_slice %arg19[%scatter3A_372, %scatter3A_373] : memref<192x128xf32, #tpu.memory_space<vmem>> -> memref<64x128xf32, #tpu.memory_space<vmem>>
      tpu.vector_store_idx %scatter3A_374[%add3A_371, %add3A_261], %gather3A_301 : memref<64x128xf32, #tpu.memory_space<vmem>>[vector<16xi32>, vector<16xi32>], vector<16xf32>,
      %add3A_375 = vector.broadcast %mul3A_263 : i32 to vector<16xi32>
      %add3A_376 = arith.addi %add3A_375, %rem3A_84 : vector<16xi32>
      %scatter3A_377 = arith.constant 128 : i32
      %scatter3A_378 = arith.constant 0 : i32
      %scatter3A_379 = tpu.memref_slice %arg19[%scatter3A_377, %scatter3A_378] : memref<192x128xf32, #tpu.memory_space<vmem>> -> memref<64x128xf32, #tpu.memory_space<vmem>>
      tpu.vector_store_idx %scatter3A_379[%add3A_376, %add3A_261], %gather3A_304 : memref<64x128xf32, #tpu.memory_space<vmem>>[vector<16xi32>, vector<16xi32>], vector<16xf32>,
      %add3A_380 = vector.broadcast %mul3A_263 : i32 to vector<16xi32>
      %add3A_381 = arith.addi %add3A_380, %rem3A_90 : vector<16xi32>
      %scatter3A_382 = arith.constant 128 : i32
      %scatter3A_383 = arith.constant 0 : i32
      %scatter3A_384 = tpu.memref_slice %arg19[%scatter3A_382, %scatter3A_383] : memref<192x128xf32, #tpu.memory_space<vmem>> -> memref<64x128xf32, #tpu.memory_space<vmem>>
      tpu.vector_store_idx %scatter3A_384[%add3A_381, %add3A_261], %gather3A_307 : memref<64x128xf32, #tpu.memory_space<vmem>>[vector<16xi32>, vector<16xi32>], vector<16xf32>,
      %add3A_385 = vector.broadcast %mul3A_263 : i32 to vector<16xi32>
      %add3A_386 = arith.addi %add3A_385, %rem3A_96 : vector<16xi32>
      %scatter3A_387 = arith.constant 128 : i32
      %scatter3A_388 = arith.constant 0 : i32
      %scatter3A_389 = tpu.memref_slice %arg19[%scatter3A_387, %scatter3A_388] : memref<192x128xf32, #tpu.memory_space<vmem>> -> memref<64x128xf32, #tpu.memory_space<vmem>>
      tpu.vector_store_idx %scatter3A_389[%add3A_386, %add3A_261], %gather3A_310 : memref<64x128xf32, #tpu.memory_space<vmem>>[vector<16xi32>, vector<16xi32>], vector<16xf32>,
    }
    %scan3A_182 = arith.constant 32 : i32
    %add3A_183 = arith.constant 128 : i32
    %add3A_184 = arith.addi %mul3A_2, %add3A_183 : i32
    "tpu.region"() ({
      %run_scoped3A = tpu.sem_alloc : memref<!tpu.dma_semaphore, #tpu.memory_space<semaphore_mem>>
      %dma_start3A_254 = arith.constant 0 : i32
      %dma_start3A_255 = tpu.memref_slice %arg6[%dma_start3A_254, %add3A_184] : memref<192x16384xf32, #tpu.memory_space<hbm>> -> memref<192x128xf32, #tpu.memory_space<hbm>>
      %dma_start3A_256 = arith.constant 0 : i32
      %dma_start3A_257 = tpu.memref_slice %arg6[%dma_start3A_256, %add3A_184] : memref<192x16384xf32, #tpu.memory_space<hbm>> -> memref<192x128xf32, #tpu.memory_space<hbm>>
      tpu.enqueue_dma source(%arg19 : memref<192x128xf32, #tpu.memory_space<vmem>>) target(%dma_start3A_257 : memref<192x128xf32, #tpu.memory_space<hbm>>) target_semaphore(%run_scoped3A : memref<!tpu.dma_semaphore, #tpu.memory_space<semaphore_mem>>)
      %dma_wait3A_258 = arith.constant 0 : i32
      %dma_wait3A_259 = tpu.memref_slice %arg6[%dma_wait3A_258, %add3A_184] : memref<192x16384xf32, #tpu.memory_space<hbm>> -> memref<192x128xf32, #tpu.memory_space<hbm>>
      %dma_wait3A_260 = arith.constant 0 : i32
      %dma_wait3A_261 = tpu.memref_slice %arg6[%dma_wait3A_260, %add3A_184] : memref<192x16384xf32, #tpu.memory_space<hbm>> -> memref<192x128xf32, #tpu.memory_space<hbm>>
      tpu.wait_dma2 semaphore(%run_scoped3A : memref<!tpu.dma_semaphore, #tpu.memory_space<semaphore_mem>>) src(%arg19 : memref<192x128xf32, #tpu.memory_space<vmem>>) dst(%dma_wait3A_261 : memref<192x128xf32, #tpu.memory_space<hbm>>)
      tpu.yield
    }) : () -> ()
    %add3A_185 = arith.constant 384 : i32
    %add3A_186 = arith.addi %mul3A_2, %add3A_185 : i32
    "tpu.region"() ({
      %run_scoped3A = tpu.sem_alloc : memref<!tpu.dma_semaphore, #tpu.memory_space<semaphore_mem>>
      %dma_start3A_254 = tpu.memref_slice %arg2[%add3A_186] : memref<16384xi32, #tpu.memory_space<hbm>> -> memref<128xi32, #tpu.memory_space<hbm>>
      %dma_start3A_255 = tpu.memref_slice %arg2[%add3A_186] : memref<16384xi32, #tpu.memory_space<hbm>> -> memref<128xi32, #tpu.memory_space<hbm>>
      tpu.enqueue_dma source(%dma_start3A_255 : memref<128xi32, #tpu.memory_space<hbm>>) target(%arg10 : memref<128xi32, #tpu.memory_space<vmem>>) target_semaphore(%run_scoped3A : memref<!tpu.dma_semaphore, #tpu.memory_space<semaphore_mem>>)
      %dma_wait3A_256 = tpu.memref_slice %arg2[%add3A_186] : memref<16384xi32, #tpu.memory_space<hbm>> -> memref<128xi32, #tpu.memory_space<hbm>>
      %dma_wait3A_257 = tpu.memref_slice %arg2[%add3A_186] : memref<16384xi32, #tpu.memory_space<hbm>> -> memref<128xi32, #tpu.memory_space<hbm>>
      tpu.wait_dma2 semaphore(%run_scoped3A : memref<!tpu.dma_semaphore, #tpu.memory_space<semaphore_mem>>) src(%dma_wait3A_257 : memref<128xi32, #tpu.memory_space<hbm>>) dst(%arg10 : memref<128xi32, #tpu.memory_space<vmem>>)
      tpu.yield
    }) : () -> ()
    "tpu.region"() ({
      %run_scoped3A = tpu.sem_alloc : memref<!tpu.dma_semaphore, #tpu.memory_space<semaphore_mem>>
      %dma_start3A_254 = tpu.memref_slice %arg3[%add3A_186] : memref<16384xi32, #tpu.memory_space<hbm>> -> memref<128xi32, #tpu.memory_space<hbm>>
      %dma_start3A_255 = tpu.memref_slice %arg3[%add3A_186] : memref<16384xi32, #tpu.memory_space<hbm>> -> memref<128xi32, #tpu.memory_space<hbm>>
      tpu.enqueue_dma source(%dma_start3A_255 : memref<128xi32, #tpu.memory_space<hbm>>) target(%arg11 : memref<128xi32, #tpu.memory_space<vmem>>) target_semaphore(%run_scoped3A : memref<!tpu.dma_semaphore, #tpu.memory_space<semaphore_mem>>)
      %dma_wait3A_256 = tpu.memref_slice %arg3[%add3A_186] : memref<16384xi32, #tpu.memory_space<hbm>> -> memref<128xi32, #tpu.memory_space<hbm>>
      %dma_wait3A_257 = tpu.memref_slice %arg3[%add3A_186] : memref<16384xi32, #tpu.memory_space<hbm>> -> memref<128xi32, #tpu.memory_space<hbm>>
      tpu.wait_dma2 semaphore(%run_scoped3A : memref<!tpu.dma_semaphore, #tpu.memory_space<semaphore_mem>>) src(%dma_wait3A_257 : memref<128xi32, #tpu.memory_space<hbm>>) dst(%arg11 : memref<128xi32, #tpu.memory_space<vmem>>)
      tpu.yield
    }) : () -> ()
    "tpu.region"() ({
      %run_scoped3A = tpu.sem_alloc : memref<!tpu.dma_semaphore, #tpu.memory_space<semaphore_mem>>
      %dma_start3A_254 = tpu.memref_slice %arg4[%add3A_186] : memref<16384xi32, #tpu.memory_space<hbm>> -> memref<128xi32, #tpu.memory_space<hbm>>
      %dma_start3A_255 = tpu.memref_slice %arg4[%add3A_186] : memref<16384xi32, #tpu.memory_space<hbm>> -> memref<128xi32, #tpu.memory_space<hbm>>
      tpu.enqueue_dma source(%dma_start3A_255 : memref<128xi32, #tpu.memory_space<hbm>>) target(%arg12 : memref<128xi32, #tpu.memory_space<vmem>>) target_semaphore(%run_scoped3A : memref<!tpu.dma_semaphore, #tpu.memory_space<semaphore_mem>>)
      %dma_wait3A_256 = tpu.memref_slice %arg4[%add3A_186] : memref<16384xi32, #tpu.memory_space<hbm>> -> memref<128xi32, #tpu.memory_space<hbm>>
      %dma_wait3A_257 = tpu.memref_slice %arg4[%add3A_186] : memref<16384xi32, #tpu.memory_space<hbm>> -> memref<128xi32, #tpu.memory_space<hbm>>
      tpu.wait_dma2 semaphore(%run_scoped3A : memref<!tpu.dma_semaphore, #tpu.memory_space<semaphore_mem>>) src(%dma_wait3A_257 : memref<128xi32, #tpu.memory_space<hbm>>) dst(%arg12 : memref<128xi32, #tpu.memory_space<vmem>>)
      tpu.yield
    }) : () -> ()
    %dma_start3A_187 = arith.constant 0 : i32
    %dma_start3A_188 = arith.constant 0 : i32
    %dma_start3A_189 = tpu.memref_slice %arg5[%dma_start3A_187, %dma_start3A_188] : memref<3000x128xf32, #tpu.memory_space<hbm>> -> memref<3000x128xf32, #tpu.memory_space<hbm>>
    tpu.enqueue_indirect_dma source(%dma_start3A_189 : memref<3000x128xf32, #tpu.memory_space<hbm>>) target(%arg16 : memref<128x128xf32, #tpu.memory_space<vmem>>) offsets(%arg10 : memref<128xi32, #tpu.memory_space<vmem>>) semaphore(%arg21 : memref<!tpu.dma_semaphore, #tpu.memory_space<semaphore_mem>>)
    %dma_start3A_190 = arith.constant 0 : i32
    %dma_start3A_191 = arith.constant 0 : i32
    %dma_start3A_192 = tpu.memref_slice %arg5[%dma_start3A_190, %dma_start3A_191] : memref<3000x128xf32, #tpu.memory_space<hbm>> -> memref<3000x128xf32, #tpu.memory_space<hbm>>
    tpu.enqueue_indirect_dma source(%dma_start3A_192 : memref<3000x128xf32, #tpu.memory_space<hbm>>) target(%arg17 : memref<128x128xf32, #tpu.memory_space<vmem>>) offsets(%arg11 : memref<128xi32, #tpu.memory_space<vmem>>) semaphore(%arg21 : memref<!tpu.dma_semaphore, #tpu.memory_space<semaphore_mem>>)
    %dma_start3A_193 = arith.constant 0 : i32
    %dma_start3A_194 = arith.constant 0 : i32
    %dma_start3A_195 = tpu.memref_slice %arg5[%dma_start3A_193, %dma_start3A_194] : memref<3000x128xf32, #tpu.memory_space<hbm>> -> memref<3000x128xf32, #tpu.memory_space<hbm>>
    tpu.enqueue_indirect_dma source(%dma_start3A_195 : memref<3000x128xf32, #tpu.memory_space<hbm>>) target(%arg18 : memref<128x128xf32, #tpu.memory_space<vmem>>) offsets(%arg12 : memref<128xi32, #tpu.memory_space<vmem>>) semaphore(%arg21 : memref<!tpu.dma_semaphore, #tpu.memory_space<semaphore_mem>>)
    %dma_wait3A_196 = arith.constant 0 : i32
    %dma_wait3A_197 = arith.constant 0 : i32
    %dma_wait3A_198 = tpu.memref_slice %arg5[%dma_wait3A_196, %dma_wait3A_197] : memref<3000x128xf32, #tpu.memory_space<hbm>> -> memref<3000x128xf32, #tpu.memory_space<hbm>>
    tpu.wait_indirect_dma semaphore(%arg20 : memref<!tpu.dma_semaphore, #tpu.memory_space<semaphore_mem>>) src(%dma_wait3A_198 : memref<3000x128xf32, #tpu.memory_space<hbm>>) dst(%arg13 : memref<128x128xf32, #tpu.memory_space<vmem>>)
    %dma_wait3A_199 = arith.constant 0 : i32
    %dma_wait3A_200 = arith.constant 0 : i32
    %dma_wait3A_201 = tpu.memref_slice %arg5[%dma_wait3A_199, %dma_wait3A_200] : memref<3000x128xf32, #tpu.memory_space<hbm>> -> memref<3000x128xf32, #tpu.memory_space<hbm>>
    tpu.wait_indirect_dma semaphore(%arg20 : memref<!tpu.dma_semaphore, #tpu.memory_space<semaphore_mem>>) src(%dma_wait3A_201 : memref<3000x128xf32, #tpu.memory_space<hbm>>) dst(%arg14 : memref<128x128xf32, #tpu.memory_space<vmem>>)
    %dma_wait3A_202 = arith.constant 0 : i32
    %dma_wait3A_203 = arith.constant 0 : i32
    %dma_wait3A_204 = tpu.memref_slice %arg5[%dma_wait3A_202, %dma_wait3A_203] : memref<3000x128xf32, #tpu.memory_space<hbm>> -> memref<3000x128xf32, #tpu.memory_space<hbm>>
    tpu.wait_indirect_dma semaphore(%arg20 : memref<!tpu.dma_semaphore, #tpu.memory_space<semaphore_mem>>) src(%dma_wait3A_204 : memref<3000x128xf32, #tpu.memory_space<hbm>>) dst(%arg15 : memref<128x128xf32, #tpu.memory_space<vmem>>)
    %scan3A_205 = arith.constant 0 : i32
    %scan3A_206 = arith.constant 0 : i32
    %scan3A_207 = arith.constant 32 : i32
    %scan3A_208 = arith.addi %scan3A_206, %scan3A_207 : i32
    %scan3A_209 = arith.constant 1 : i32
    scf.for %scan3A_254 = %scan3A_206 to %scan3A_208 step %scan3A_209  : i32 {
      %div3A = arith.constant 4 : i32
      %div3A_255 = arith.divsi %scan3A_254, %div3A : i32
      %rem3A_256 = arith.constant 4 : i32
      %rem3A_257 = arith.remsi %scan3A_254, %rem3A_256 : i32
      %mul3A_258 = arith.constant 16 : i32
      %mul3A_259 = arith.muli %div3A_255, %mul3A_258 : i32
      %add3A_260 = vector.broadcast %mul3A_259 : i32 to vector<16xi32>
      %add3A_261 = arith.addi %add3A_260, %iota3A : vector<16xi32>
      %mul3A_262 = arith.constant 16 : i32
      %mul3A_263 = arith.muli %rem3A_257, %mul3A_262 : i32
      %add3A_264 = vector.broadcast %mul3A_263 : i32 to vector<16xi32>
      %add3A_265 = arith.addi %add3A_264, %rem3A : vector<16xi32>
      %gather3A = tpu.vector_load_idx %arg13[%add3A_261, %add3A_265] : memref<128x128xf32, #tpu.memory_space<vmem>>[vector<16xi32>, vector<16xi32>], vector<16xf32>,
      %add3A_266 = vector.broadcast %mul3A_263 : i32 to vector<16xi32>
      %add3A_267 = arith.addi %add3A_266, %rem3A_12 : vector<16xi32>
      %gather3A_268 = tpu.vector_load_idx %arg13[%add3A_261, %add3A_267] : memref<128x128xf32, #tpu.memory_space<vmem>>[vector<16xi32>, vector<16xi32>], vector<16xf32>,
      %add3A_269 = vector.broadcast %mul3A_263 : i32 to vector<16xi32>
      %add3A_270 = arith.addi %add3A_269, %rem3A_18 : vector<16xi32>
      %gather3A_271 = tpu.vector_load_idx %arg13[%add3A_261, %add3A_270] : memref<128x128xf32, #tpu.memory_space<vmem>>[vector<16xi32>, vector<16xi32>], vector<16xf32>,
      %add3A_272 = vector.broadcast %mul3A_263 : i32 to vector<16xi32>
      %add3A_273 = arith.addi %add3A_272, %rem3A_24 : vector<16xi32>
      %gather3A_274 = tpu.vector_load_idx %arg13[%add3A_261, %add3A_273] : memref<128x128xf32, #tpu.memory_space<vmem>>[vector<16xi32>, vector<16xi32>], vector<16xf32>,
      %add3A_275 = vector.broadcast %mul3A_263 : i32 to vector<16xi32>
      %add3A_276 = arith.addi %add3A_275, %rem3A_30 : vector<16xi32>
      %gather3A_277 = tpu.vector_load_idx %arg13[%add3A_261, %add3A_276] : memref<128x128xf32, #tpu.memory_space<vmem>>[vector<16xi32>, vector<16xi32>], vector<16xf32>,
      %add3A_278 = vector.broadcast %mul3A_263 : i32 to vector<16xi32>
      %add3A_279 = arith.addi %add3A_278, %rem3A_36 : vector<16xi32>
      %gather3A_280 = tpu.vector_load_idx %arg13[%add3A_261, %add3A_279] : memref<128x128xf32, #tpu.memory_space<vmem>>[vector<16xi32>, vector<16xi32>], vector<16xf32>,
      %add3A_281 = vector.broadcast %mul3A_263 : i32 to vector<16xi32>
      %add3A_282 = arith.addi %add3A_281, %rem3A_42 : vector<16xi32>
      %gather3A_283 = tpu.vector_load_idx %arg13[%add3A_261, %add3A_282] : memref<128x128xf32, #tpu.memory_space<vmem>>[vector<16xi32>, vector<16xi32>], vector<16xf32>,
      %add3A_284 = vector.broadcast %mul3A_263 : i32 to vector<16xi32>
      %add3A_285 = arith.addi %add3A_284, %rem3A_48 : vector<16xi32>
      %gather3A_286 = tpu.vector_load_idx %arg13[%add3A_261, %add3A_285] : memref<128x128xf32, #tpu.memory_space<vmem>>[vector<16xi32>, vector<16xi32>], vector<16xf32>,
      %add3A_287 = vector.broadcast %mul3A_263 : i32 to vector<16xi32>
      %add3A_288 = arith.addi %add3A_287, %rem3A_54 : vector<16xi32>
      %gather3A_289 = tpu.vector_load_idx %arg13[%add3A_261, %add3A_288] : memref<128x128xf32, #tpu.memory_space<vmem>>[vector<16xi32>, vector<16xi32>], vector<16xf32>,
      %add3A_290 = vector.broadcast %mul3A_263 : i32 to vector<16xi32>
      %add3A_291 = arith.addi %add3A_290, %rem3A_60 : vector<16xi32>
      %gather3A_292 = tpu.vector_load_idx %arg13[%add3A_261, %add3A_291] : memref<128x128xf32, #tpu.memory_space<vmem>>[vector<16xi32>, vector<16xi32>], vector<16xf32>,
      %add3A_293 = vector.broadcast %mul3A_263 : i32 to vector<16xi32>
      %add3A_294 = arith.addi %add3A_293, %rem3A_66 : vector<16xi32>
      %gather3A_295 = tpu.vector_load_idx %arg13[%add3A_261, %add3A_294] : memref<128x128xf32, #tpu.memory_space<vmem>>[vector<16xi32>, vector<16xi32>], vector<16xf32>,
      %add3A_296 = vector.broadcast %mul3A_263 : i32 to vector<16xi32>
      %add3A_297 = arith.addi %add3A_296, %rem3A_72 : vector<16xi32>
      %gather3A_298 = tpu.vector_load_idx %arg13[%add3A_261, %add3A_297] : memref<128x128xf32, #tpu.memory_space<vmem>>[vector<16xi32>, vector<16xi32>], vector<16xf32>,
      %add3A_299 = vector.broadcast %mul3A_263 : i32 to vector<16xi32>
      %add3A_300 = arith.addi %add3A_299, %rem3A_78 : vector<16xi32>
      %gather3A_301 = tpu.vector_load_idx %arg13[%add3A_261, %add3A_300] : memref<128x128xf32, #tpu.memory_space<vmem>>[vector<16xi32>, vector<16xi32>], vector<16xf32>,
      %add3A_302 = vector.broadcast %mul3A_263 : i32 to vector<16xi32>
      %add3A_303 = arith.addi %add3A_302, %rem3A_84 : vector<16xi32>
      %gather3A_304 = tpu.vector_load_idx %arg13[%add3A_261, %add3A_303] : memref<128x128xf32, #tpu.memory_space<vmem>>[vector<16xi32>, vector<16xi32>], vector<16xf32>,
      %add3A_305 = vector.broadcast %mul3A_263 : i32 to vector<16xi32>
      %add3A_306 = arith.addi %add3A_305, %rem3A_90 : vector<16xi32>
      %gather3A_307 = tpu.vector_load_idx %arg13[%add3A_261, %add3A_306] : memref<128x128xf32, #tpu.memory_space<vmem>>[vector<16xi32>, vector<16xi32>], vector<16xf32>,
      %add3A_308 = vector.broadcast %mul3A_263 : i32 to vector<16xi32>
      %add3A_309 = arith.addi %add3A_308, %rem3A_96 : vector<16xi32>
      %gather3A_310 = tpu.vector_load_idx %arg13[%add3A_261, %add3A_309] : memref<128x128xf32, #tpu.memory_space<vmem>>[vector<16xi32>, vector<16xi32>], vector<16xf32>,
      %add3A_311 = vector.broadcast %mul3A_263 : i32 to vector<16xi32>
      %add3A_312 = arith.addi %add3A_311, %rem3A : vector<16xi32>
      %scatter3A = arith.constant 0 : i32
      %scatter3A_313 = arith.constant 0 : i32
      %scatter3A_314 = tpu.memref_slice %arg19[%scatter3A, %scatter3A_313] : memref<192x128xf32, #tpu.memory_space<vmem>> -> memref<64x128xf32, #tpu.memory_space<vmem>>
      tpu.vector_store_idx %scatter3A_314[%add3A_312, %add3A_261], %gather3A : memref<64x128xf32, #tpu.memory_space<vmem>>[vector<16xi32>, vector<16xi32>], vector<16xf32>,
      %add3A_315 = vector.broadcast %mul3A_263 : i32 to vector<16xi32>
      %add3A_316 = arith.addi %add3A_315, %rem3A_12 : vector<16xi32>
      %scatter3A_317 = arith.constant 0 : i32
      %scatter3A_318 = arith.constant 0 : i32
      %scatter3A_319 = tpu.memref_slice %arg19[%scatter3A_317, %scatter3A_318] : memref<192x128xf32, #tpu.memory_space<vmem>> -> memref<64x128xf32, #tpu.memory_space<vmem>>
      tpu.vector_store_idx %scatter3A_319[%add3A_316, %add3A_261], %gather3A_268 : memref<64x128xf32, #tpu.memory_space<vmem>>[vector<16xi32>, vector<16xi32>], vector<16xf32>,
      %add3A_320 = vector.broadcast %mul3A_263 : i32 to vector<16xi32>
      %add3A_321 = arith.addi %add3A_320, %rem3A_18 : vector<16xi32>
      %scatter3A_322 = arith.constant 0 : i32
      %scatter3A_323 = arith.constant 0 : i32
      %scatter3A_324 = tpu.memref_slice %arg19[%scatter3A_322, %scatter3A_323] : memref<192x128xf32, #tpu.memory_space<vmem>> -> memref<64x128xf32, #tpu.memory_space<vmem>>
      tpu.vector_store_idx %scatter3A_324[%add3A_321, %add3A_261], %gather3A_271 : memref<64x128xf32, #tpu.memory_space<vmem>>[vector<16xi32>, vector<16xi32>], vector<16xf32>,
      %add3A_325 = vector.broadcast %mul3A_263 : i32 to vector<16xi32>
      %add3A_326 = arith.addi %add3A_325, %rem3A_24 : vector<16xi32>
      %scatter3A_327 = arith.constant 0 : i32
      %scatter3A_328 = arith.constant 0 : i32
      %scatter3A_329 = tpu.memref_slice %arg19[%scatter3A_327, %scatter3A_328] : memref<192x128xf32, #tpu.memory_space<vmem>> -> memref<64x128xf32, #tpu.memory_space<vmem>>
      tpu.vector_store_idx %scatter3A_329[%add3A_326, %add3A_261], %gather3A_274 : memref<64x128xf32, #tpu.memory_space<vmem>>[vector<16xi32>, vector<16xi32>], vector<16xf32>,
      %add3A_330 = vector.broadcast %mul3A_263 : i32 to vector<16xi32>
      %add3A_331 = arith.addi %add3A_330, %rem3A_30 : vector<16xi32>
      %scatter3A_332 = arith.constant 0 : i32
      %scatter3A_333 = arith.constant 0 : i32
      %scatter3A_334 = tpu.memref_slice %arg19[%scatter3A_332, %scatter3A_333] : memref<192x128xf32, #tpu.memory_space<vmem>> -> memref<64x128xf32, #tpu.memory_space<vmem>>
      tpu.vector_store_idx %scatter3A_334[%add3A_331, %add3A_261], %gather3A_277 : memref<64x128xf32, #tpu.memory_space<vmem>>[vector<16xi32>, vector<16xi32>], vector<16xf32>,
      %add3A_335 = vector.broadcast %mul3A_263 : i32 to vector<16xi32>
      %add3A_336 = arith.addi %add3A_335, %rem3A_36 : vector<16xi32>
      %scatter3A_337 = arith.constant 0 : i32
      %scatter3A_338 = arith.constant 0 : i32
      %scatter3A_339 = tpu.memref_slice %arg19[%scatter3A_337, %scatter3A_338] : memref<192x128xf32, #tpu.memory_space<vmem>> -> memref<64x128xf32, #tpu.memory_space<vmem>>
      tpu.vector_store_idx %scatter3A_339[%add3A_336, %add3A_261], %gather3A_280 : memref<64x128xf32, #tpu.memory_space<vmem>>[vector<16xi32>, vector<16xi32>], vector<16xf32>,
      %add3A_340 = vector.broadcast %mul3A_263 : i32 to vector<16xi32>
      %add3A_341 = arith.addi %add3A_340, %rem3A_42 : vector<16xi32>
      %scatter3A_342 = arith.constant 0 : i32
      %scatter3A_343 = arith.constant 0 : i32
      %scatter3A_344 = tpu.memref_slice %arg19[%scatter3A_342, %scatter3A_343] : memref<192x128xf32, #tpu.memory_space<vmem>> -> memref<64x128xf32, #tpu.memory_space<vmem>>
      tpu.vector_store_idx %scatter3A_344[%add3A_341, %add3A_261], %gather3A_283 : memref<64x128xf32, #tpu.memory_space<vmem>>[vector<16xi32>, vector<16xi32>], vector<16xf32>,
      %add3A_345 = vector.broadcast %mul3A_263 : i32 to vector<16xi32>
      %add3A_346 = arith.addi %add3A_345, %rem3A_48 : vector<16xi32>
      %scatter3A_347 = arith.constant 0 : i32
      %scatter3A_348 = arith.constant 0 : i32
      %scatter3A_349 = tpu.memref_slice %arg19[%scatter3A_347, %scatter3A_348] : memref<192x128xf32, #tpu.memory_space<vmem>> -> memref<64x128xf32, #tpu.memory_space<vmem>>
      tpu.vector_store_idx %scatter3A_349[%add3A_346, %add3A_261], %gather3A_286 : memref<64x128xf32, #tpu.memory_space<vmem>>[vector<16xi32>, vector<16xi32>], vector<16xf32>,
      %add3A_350 = vector.broadcast %mul3A_263 : i32 to vector<16xi32>
      %add3A_351 = arith.addi %add3A_350, %rem3A_54 : vector<16xi32>
      %scatter3A_352 = arith.constant 0 : i32
      %scatter3A_353 = arith.constant 0 : i32
      %scatter3A_354 = tpu.memref_slice %arg19[%scatter3A_352, %scatter3A_353] : memref<192x128xf32, #tpu.memory_space<vmem>> -> memref<64x128xf32, #tpu.memory_space<vmem>>
      tpu.vector_store_idx %scatter3A_354[%add3A_351, %add3A_261], %gather3A_289 : memref<64x128xf32, #tpu.memory_space<vmem>>[vector<16xi32>, vector<16xi32>], vector<16xf32>,
      %add3A_355 = vector.broadcast %mul3A_263 : i32 to vector<16xi32>
      %add3A_356 = arith.addi %add3A_355, %rem3A_60 : vector<16xi32>
      %scatter3A_357 = arith.constant 0 : i32
      %scatter3A_358 = arith.constant 0 : i32
      %scatter3A_359 = tpu.memref_slice %arg19[%scatter3A_357, %scatter3A_358] : memref<192x128xf32, #tpu.memory_space<vmem>> -> memref<64x128xf32, #tpu.memory_space<vmem>>
      tpu.vector_store_idx %scatter3A_359[%add3A_356, %add3A_261], %gather3A_292 : memref<64x128xf32, #tpu.memory_space<vmem>>[vector<16xi32>, vector<16xi32>], vector<16xf32>,
      %add3A_360 = vector.broadcast %mul3A_263 : i32 to vector<16xi32>
      %add3A_361 = arith.addi %add3A_360, %rem3A_66 : vector<16xi32>
      %scatter3A_362 = arith.constant 0 : i32
      %scatter3A_363 = arith.constant 0 : i32
      %scatter3A_364 = tpu.memref_slice %arg19[%scatter3A_362, %scatter3A_363] : memref<192x128xf32, #tpu.memory_space<vmem>> -> memref<64x128xf32, #tpu.memory_space<vmem>>
      tpu.vector_store_idx %scatter3A_364[%add3A_361, %add3A_261], %gather3A_295 : memref<64x128xf32, #tpu.memory_space<vmem>>[vector<16xi32>, vector<16xi32>], vector<16xf32>,
      %add3A_365 = vector.broadcast %mul3A_263 : i32 to vector<16xi32>
      %add3A_366 = arith.addi %add3A_365, %rem3A_72 : vector<16xi32>
      %scatter3A_367 = arith.constant 0 : i32
      %scatter3A_368 = arith.constant 0 : i32
      %scatter3A_369 = tpu.memref_slice %arg19[%scatter3A_367, %scatter3A_368] : memref<192x128xf32, #tpu.memory_space<vmem>> -> memref<64x128xf32, #tpu.memory_space<vmem>>
      tpu.vector_store_idx %scatter3A_369[%add3A_366, %add3A_261], %gather3A_298 : memref<64x128xf32, #tpu.memory_space<vmem>>[vector<16xi32>, vector<16xi32>], vector<16xf32>,
      %add3A_370 = vector.broadcast %mul3A_263 : i32 to vector<16xi32>
      %add3A_371 = arith.addi %add3A_370, %rem3A_78 : vector<16xi32>
      %scatter3A_372 = arith.constant 0 : i32
      %scatter3A_373 = arith.constant 0 : i32
      %scatter3A_374 = tpu.memref_slice %arg19[%scatter3A_372, %scatter3A_373] : memref<192x128xf32, #tpu.memory_space<vmem>> -> memref<64x128xf32, #tpu.memory_space<vmem>>
      tpu.vector_store_idx %scatter3A_374[%add3A_371, %add3A_261], %gather3A_301 : memref<64x128xf32, #tpu.memory_space<vmem>>[vector<16xi32>, vector<16xi32>], vector<16xf32>,
      %add3A_375 = vector.broadcast %mul3A_263 : i32 to vector<16xi32>
      %add3A_376 = arith.addi %add3A_375, %rem3A_84 : vector<16xi32>
      %scatter3A_377 = arith.constant 0 : i32
      %scatter3A_378 = arith.constant 0 : i32
      %scatter3A_379 = tpu.memref_slice %arg19[%scatter3A_377, %scatter3A_378] : memref<192x128xf32, #tpu.memory_space<vmem>> -> memref<64x128xf32, #tpu.memory_space<vmem>>
      tpu.vector_store_idx %scatter3A_379[%add3A_376, %add3A_261], %gather3A_304 : memref<64x128xf32, #tpu.memory_space<vmem>>[vector<16xi32>, vector<16xi32>], vector<16xf32>,
      %add3A_380 = vector.broadcast %mul3A_263 : i32 to vector<16xi32>
      %add3A_381 = arith.addi %add3A_380, %rem3A_90 : vector<16xi32>
      %scatter3A_382 = arith.constant 0 : i32
      %scatter3A_383 = arith.constant 0 : i32
      %scatter3A_384 = tpu.memref_slice %arg19[%scatter3A_382, %scatter3A_383] : memref<192x128xf32, #tpu.memory_space<vmem>> -> memref<64x128xf32, #tpu.memory_space<vmem>>
      tpu.vector_store_idx %scatter3A_384[%add3A_381, %add3A_261], %gather3A_307 : memref<64x128xf32, #tpu.memory_space<vmem>>[vector<16xi32>, vector<16xi32>], vector<16xf32>,
      %add3A_385 = vector.broadcast %mul3A_263 : i32 to vector<16xi32>
      %add3A_386 = arith.addi %add3A_385, %rem3A_96 : vector<16xi32>
      %scatter3A_387 = arith.constant 0 : i32
      %scatter3A_388 = arith.constant 0 : i32
      %scatter3A_389 = tpu.memref_slice %arg19[%scatter3A_387, %scatter3A_388] : memref<192x128xf32, #tpu.memory_space<vmem>> -> memref<64x128xf32, #tpu.memory_space<vmem>>
      tpu.vector_store_idx %scatter3A_389[%add3A_386, %add3A_261], %gather3A_310 : memref<64x128xf32, #tpu.memory_space<vmem>>[vector<16xi32>, vector<16xi32>], vector<16xf32>,
    }
    %scan3A_210 = arith.constant 32 : i32
    %scan3A_211 = arith.constant 0 : i32
    %scan3A_212 = arith.constant 0 : i32
    %scan3A_213 = arith.constant 32 : i32
    %scan3A_214 = arith.addi %scan3A_212, %scan3A_213 : i32
    %scan3A_215 = arith.constant 1 : i32
    scf.for %scan3A_254 = %scan3A_212 to %scan3A_214 step %scan3A_215  : i32 {
      %div3A = arith.constant 4 : i32
      %div3A_255 = arith.divsi %scan3A_254, %div3A : i32
      %rem3A_256 = arith.constant 4 : i32
      %rem3A_257 = arith.remsi %scan3A_254, %rem3A_256 : i32
      %mul3A_258 = arith.constant 16 : i32
      %mul3A_259 = arith.muli %div3A_255, %mul3A_258 : i32
      %add3A_260 = vector.broadcast %mul3A_259 : i32 to vector<16xi32>
      %add3A_261 = arith.addi %add3A_260, %iota3A : vector<16xi32>
      %mul3A_262 = arith.constant 16 : i32
      %mul3A_263 = arith.muli %rem3A_257, %mul3A_262 : i32
      %add3A_264 = vector.broadcast %mul3A_263 : i32 to vector<16xi32>
      %add3A_265 = arith.addi %add3A_264, %rem3A : vector<16xi32>
      %gather3A = tpu.vector_load_idx %arg14[%add3A_261, %add3A_265] : memref<128x128xf32, #tpu.memory_space<vmem>>[vector<16xi32>, vector<16xi32>], vector<16xf32>,
      %add3A_266 = vector.broadcast %mul3A_263 : i32 to vector<16xi32>
      %add3A_267 = arith.addi %add3A_266, %rem3A_12 : vector<16xi32>
      %gather3A_268 = tpu.vector_load_idx %arg14[%add3A_261, %add3A_267] : memref<128x128xf32, #tpu.memory_space<vmem>>[vector<16xi32>, vector<16xi32>], vector<16xf32>,
      %add3A_269 = vector.broadcast %mul3A_263 : i32 to vector<16xi32>
      %add3A_270 = arith.addi %add3A_269, %rem3A_18 : vector<16xi32>
      %gather3A_271 = tpu.vector_load_idx %arg14[%add3A_261, %add3A_270] : memref<128x128xf32, #tpu.memory_space<vmem>>[vector<16xi32>, vector<16xi32>], vector<16xf32>,
      %add3A_272 = vector.broadcast %mul3A_263 : i32 to vector<16xi32>
      %add3A_273 = arith.addi %add3A_272, %rem3A_24 : vector<16xi32>
      %gather3A_274 = tpu.vector_load_idx %arg14[%add3A_261, %add3A_273] : memref<128x128xf32, #tpu.memory_space<vmem>>[vector<16xi32>, vector<16xi32>], vector<16xf32>,
      %add3A_275 = vector.broadcast %mul3A_263 : i32 to vector<16xi32>
      %add3A_276 = arith.addi %add3A_275, %rem3A_30 : vector<16xi32>
      %gather3A_277 = tpu.vector_load_idx %arg14[%add3A_261, %add3A_276] : memref<128x128xf32, #tpu.memory_space<vmem>>[vector<16xi32>, vector<16xi32>], vector<16xf32>,
      %add3A_278 = vector.broadcast %mul3A_263 : i32 to vector<16xi32>
      %add3A_279 = arith.addi %add3A_278, %rem3A_36 : vector<16xi32>
      %gather3A_280 = tpu.vector_load_idx %arg14[%add3A_261, %add3A_279] : memref<128x128xf32, #tpu.memory_space<vmem>>[vector<16xi32>, vector<16xi32>], vector<16xf32>,
      %add3A_281 = vector.broadcast %mul3A_263 : i32 to vector<16xi32>
      %add3A_282 = arith.addi %add3A_281, %rem3A_42 : vector<16xi32>
      %gather3A_283 = tpu.vector_load_idx %arg14[%add3A_261, %add3A_282] : memref<128x128xf32, #tpu.memory_space<vmem>>[vector<16xi32>, vector<16xi32>], vector<16xf32>,
      %add3A_284 = vector.broadcast %mul3A_263 : i32 to vector<16xi32>
      %add3A_285 = arith.addi %add3A_284, %rem3A_48 : vector<16xi32>
      %gather3A_286 = tpu.vector_load_idx %arg14[%add3A_261, %add3A_285] : memref<128x128xf32, #tpu.memory_space<vmem>>[vector<16xi32>, vector<16xi32>], vector<16xf32>,
      %add3A_287 = vector.broadcast %mul3A_263 : i32 to vector<16xi32>
      %add3A_288 = arith.addi %add3A_287, %rem3A_54 : vector<16xi32>
      %gather3A_289 = tpu.vector_load_idx %arg14[%add3A_261, %add3A_288] : memref<128x128xf32, #tpu.memory_space<vmem>>[vector<16xi32>, vector<16xi32>], vector<16xf32>,
      %add3A_290 = vector.broadcast %mul3A_263 : i32 to vector<16xi32>
      %add3A_291 = arith.addi %add3A_290, %rem3A_60 : vector<16xi32>
      %gather3A_292 = tpu.vector_load_idx %arg14[%add3A_261, %add3A_291] : memref<128x128xf32, #tpu.memory_space<vmem>>[vector<16xi32>, vector<16xi32>], vector<16xf32>,
      %add3A_293 = vector.broadcast %mul3A_263 : i32 to vector<16xi32>
      %add3A_294 = arith.addi %add3A_293, %rem3A_66 : vector<16xi32>
      %gather3A_295 = tpu.vector_load_idx %arg14[%add3A_261, %add3A_294] : memref<128x128xf32, #tpu.memory_space<vmem>>[vector<16xi32>, vector<16xi32>], vector<16xf32>,
      %add3A_296 = vector.broadcast %mul3A_263 : i32 to vector<16xi32>
      %add3A_297 = arith.addi %add3A_296, %rem3A_72 : vector<16xi32>
      %gather3A_298 = tpu.vector_load_idx %arg14[%add3A_261, %add3A_297] : memref<128x128xf32, #tpu.memory_space<vmem>>[vector<16xi32>, vector<16xi32>], vector<16xf32>,
      %add3A_299 = vector.broadcast %mul3A_263 : i32 to vector<16xi32>
      %add3A_300 = arith.addi %add3A_299, %rem3A_78 : vector<16xi32>
      %gather3A_301 = tpu.vector_load_idx %arg14[%add3A_261, %add3A_300] : memref<128x128xf32, #tpu.memory_space<vmem>>[vector<16xi32>, vector<16xi32>], vector<16xf32>,
      %add3A_302 = vector.broadcast %mul3A_263 : i32 to vector<16xi32>
      %add3A_303 = arith.addi %add3A_302, %rem3A_84 : vector<16xi32>
      %gather3A_304 = tpu.vector_load_idx %arg14[%add3A_261, %add3A_303] : memref<128x128xf32, #tpu.memory_space<vmem>>[vector<16xi32>, vector<16xi32>], vector<16xf32>,
      %add3A_305 = vector.broadcast %mul3A_263 : i32 to vector<16xi32>
      %add3A_306 = arith.addi %add3A_305, %rem3A_90 : vector<16xi32>
      %gather3A_307 = tpu.vector_load_idx %arg14[%add3A_261, %add3A_306] : memref<128x128xf32, #tpu.memory_space<vmem>>[vector<16xi32>, vector<16xi32>], vector<16xf32>,
      %add3A_308 = vector.broadcast %mul3A_263 : i32 to vector<16xi32>
      %add3A_309 = arith.addi %add3A_308, %rem3A_96 : vector<16xi32>
      %gather3A_310 = tpu.vector_load_idx %arg14[%add3A_261, %add3A_309] : memref<128x128xf32, #tpu.memory_space<vmem>>[vector<16xi32>, vector<16xi32>], vector<16xf32>,
      %add3A_311 = vector.broadcast %mul3A_263 : i32 to vector<16xi32>
      %add3A_312 = arith.addi %add3A_311, %rem3A : vector<16xi32>
      %scatter3A = arith.constant 64 : i32
      %scatter3A_313 = arith.constant 0 : i32
      %scatter3A_314 = tpu.memref_slice %arg19[%scatter3A, %scatter3A_313] : memref<192x128xf32, #tpu.memory_space<vmem>> -> memref<64x128xf32, #tpu.memory_space<vmem>>
      tpu.vector_store_idx %scatter3A_314[%add3A_312, %add3A_261], %gather3A : memref<64x128xf32, #tpu.memory_space<vmem>>[vector<16xi32>, vector<16xi32>], vector<16xf32>,
      %add3A_315 = vector.broadcast %mul3A_263 : i32 to vector<16xi32>
      %add3A_316 = arith.addi %add3A_315, %rem3A_12 : vector<16xi32>
      %scatter3A_317 = arith.constant 64 : i32
      %scatter3A_318 = arith.constant 0 : i32
      %scatter3A_319 = tpu.memref_slice %arg19[%scatter3A_317, %scatter3A_318] : memref<192x128xf32, #tpu.memory_space<vmem>> -> memref<64x128xf32, #tpu.memory_space<vmem>>
      tpu.vector_store_idx %scatter3A_319[%add3A_316, %add3A_261], %gather3A_268 : memref<64x128xf32, #tpu.memory_space<vmem>>[vector<16xi32>, vector<16xi32>], vector<16xf32>,
      %add3A_320 = vector.broadcast %mul3A_263 : i32 to vector<16xi32>
      %add3A_321 = arith.addi %add3A_320, %rem3A_18 : vector<16xi32>
      %scatter3A_322 = arith.constant 64 : i32
      %scatter3A_323 = arith.constant 0 : i32
      %scatter3A_324 = tpu.memref_slice %arg19[%scatter3A_322, %scatter3A_323] : memref<192x128xf32, #tpu.memory_space<vmem>> -> memref<64x128xf32, #tpu.memory_space<vmem>>
      tpu.vector_store_idx %scatter3A_324[%add3A_321, %add3A_261], %gather3A_271 : memref<64x128xf32, #tpu.memory_space<vmem>>[vector<16xi32>, vector<16xi32>], vector<16xf32>,
      %add3A_325 = vector.broadcast %mul3A_263 : i32 to vector<16xi32>
      %add3A_326 = arith.addi %add3A_325, %rem3A_24 : vector<16xi32>
      %scatter3A_327 = arith.constant 64 : i32
      %scatter3A_328 = arith.constant 0 : i32
      %scatter3A_329 = tpu.memref_slice %arg19[%scatter3A_327, %scatter3A_328] : memref<192x128xf32, #tpu.memory_space<vmem>> -> memref<64x128xf32, #tpu.memory_space<vmem>>
      tpu.vector_store_idx %scatter3A_329[%add3A_326, %add3A_261], %gather3A_274 : memref<64x128xf32, #tpu.memory_space<vmem>>[vector<16xi32>, vector<16xi32>], vector<16xf32>,
      %add3A_330 = vector.broadcast %mul3A_263 : i32 to vector<16xi32>
      %add3A_331 = arith.addi %add3A_330, %rem3A_30 : vector<16xi32>
      %scatter3A_332 = arith.constant 64 : i32
      %scatter3A_333 = arith.constant 0 : i32
      %scatter3A_334 = tpu.memref_slice %arg19[%scatter3A_332, %scatter3A_333] : memref<192x128xf32, #tpu.memory_space<vmem>> -> memref<64x128xf32, #tpu.memory_space<vmem>>
      tpu.vector_store_idx %scatter3A_334[%add3A_331, %add3A_261], %gather3A_277 : memref<64x128xf32, #tpu.memory_space<vmem>>[vector<16xi32>, vector<16xi32>], vector<16xf32>,
      %add3A_335 = vector.broadcast %mul3A_263 : i32 to vector<16xi32>
      %add3A_336 = arith.addi %add3A_335, %rem3A_36 : vector<16xi32>
      %scatter3A_337 = arith.constant 64 : i32
      %scatter3A_338 = arith.constant 0 : i32
      %scatter3A_339 = tpu.memref_slice %arg19[%scatter3A_337, %scatter3A_338] : memref<192x128xf32, #tpu.memory_space<vmem>> -> memref<64x128xf32, #tpu.memory_space<vmem>>
      tpu.vector_store_idx %scatter3A_339[%add3A_336, %add3A_261], %gather3A_280 : memref<64x128xf32, #tpu.memory_space<vmem>>[vector<16xi32>, vector<16xi32>], vector<16xf32>,
      %add3A_340 = vector.broadcast %mul3A_263 : i32 to vector<16xi32>
      %add3A_341 = arith.addi %add3A_340, %rem3A_42 : vector<16xi32>
      %scatter3A_342 = arith.constant 64 : i32
      %scatter3A_343 = arith.constant 0 : i32
      %scatter3A_344 = tpu.memref_slice %arg19[%scatter3A_342, %scatter3A_343] : memref<192x128xf32, #tpu.memory_space<vmem>> -> memref<64x128xf32, #tpu.memory_space<vmem>>
      tpu.vector_store_idx %scatter3A_344[%add3A_341, %add3A_261], %gather3A_283 : memref<64x128xf32, #tpu.memory_space<vmem>>[vector<16xi32>, vector<16xi32>], vector<16xf32>,
      %add3A_345 = vector.broadcast %mul3A_263 : i32 to vector<16xi32>
      %add3A_346 = arith.addi %add3A_345, %rem3A_48 : vector<16xi32>
      %scatter3A_347 = arith.constant 64 : i32
      %scatter3A_348 = arith.constant 0 : i32
      %scatter3A_349 = tpu.memref_slice %arg19[%scatter3A_347, %scatter3A_348] : memref<192x128xf32, #tpu.memory_space<vmem>> -> memref<64x128xf32, #tpu.memory_space<vmem>>
      tpu.vector_store_idx %scatter3A_349[%add3A_346, %add3A_261], %gather3A_286 : memref<64x128xf32, #tpu.memory_space<vmem>>[vector<16xi32>, vector<16xi32>], vector<16xf32>,
      %add3A_350 = vector.broadcast %mul3A_263 : i32 to vector<16xi32>
      %add3A_351 = arith.addi %add3A_350, %rem3A_54 : vector<16xi32>
      %scatter3A_352 = arith.constant 64 : i32
      %scatter3A_353 = arith.constant 0 : i32
      %scatter3A_354 = tpu.memref_slice %arg19[%scatter3A_352, %scatter3A_353] : memref<192x128xf32, #tpu.memory_space<vmem>> -> memref<64x128xf32, #tpu.memory_space<vmem>>
      tpu.vector_store_idx %scatter3A_354[%add3A_351, %add3A_261], %gather3A_289 : memref<64x128xf32, #tpu.memory_space<vmem>>[vector<16xi32>, vector<16xi32>], vector<16xf32>,
      %add3A_355 = vector.broadcast %mul3A_263 : i32 to vector<16xi32>
      %add3A_356 = arith.addi %add3A_355, %rem3A_60 : vector<16xi32>
      %scatter3A_357 = arith.constant 64 : i32
      %scatter3A_358 = arith.constant 0 : i32
      %scatter3A_359 = tpu.memref_slice %arg19[%scatter3A_357, %scatter3A_358] : memref<192x128xf32, #tpu.memory_space<vmem>> -> memref<64x128xf32, #tpu.memory_space<vmem>>
      tpu.vector_store_idx %scatter3A_359[%add3A_356, %add3A_261], %gather3A_292 : memref<64x128xf32, #tpu.memory_space<vmem>>[vector<16xi32>, vector<16xi32>], vector<16xf32>,
      %add3A_360 = vector.broadcast %mul3A_263 : i32 to vector<16xi32>
      %add3A_361 = arith.addi %add3A_360, %rem3A_66 : vector<16xi32>
      %scatter3A_362 = arith.constant 64 : i32
      %scatter3A_363 = arith.constant 0 : i32
      %scatter3A_364 = tpu.memref_slice %arg19[%scatter3A_362, %scatter3A_363] : memref<192x128xf32, #tpu.memory_space<vmem>> -> memref<64x128xf32, #tpu.memory_space<vmem>>
      tpu.vector_store_idx %scatter3A_364[%add3A_361, %add3A_261], %gather3A_295 : memref<64x128xf32, #tpu.memory_space<vmem>>[vector<16xi32>, vector<16xi32>], vector<16xf32>,
      %add3A_365 = vector.broadcast %mul3A_263 : i32 to vector<16xi32>
      %add3A_366 = arith.addi %add3A_365, %rem3A_72 : vector<16xi32>
      %scatter3A_367 = arith.constant 64 : i32
      %scatter3A_368 = arith.constant 0 : i32
      %scatter3A_369 = tpu.memref_slice %arg19[%scatter3A_367, %scatter3A_368] : memref<192x128xf32, #tpu.memory_space<vmem>> -> memref<64x128xf32, #tpu.memory_space<vmem>>
      tpu.vector_store_idx %scatter3A_369[%add3A_366, %add3A_261], %gather3A_298 : memref<64x128xf32, #tpu.memory_space<vmem>>[vector<16xi32>, vector<16xi32>], vector<16xf32>,
      %add3A_370 = vector.broadcast %mul3A_263 : i32 to vector<16xi32>
      %add3A_371 = arith.addi %add3A_370, %rem3A_78 : vector<16xi32>
      %scatter3A_372 = arith.constant 64 : i32
      %scatter3A_373 = arith.constant 0 : i32
      %scatter3A_374 = tpu.memref_slice %arg19[%scatter3A_372, %scatter3A_373] : memref<192x128xf32, #tpu.memory_space<vmem>> -> memref<64x128xf32, #tpu.memory_space<vmem>>
      tpu.vector_store_idx %scatter3A_374[%add3A_371, %add3A_261], %gather3A_301 : memref<64x128xf32, #tpu.memory_space<vmem>>[vector<16xi32>, vector<16xi32>], vector<16xf32>,
      %add3A_375 = vector.broadcast %mul3A_263 : i32 to vector<16xi32>
      %add3A_376 = arith.addi %add3A_375, %rem3A_84 : vector<16xi32>
      %scatter3A_377 = arith.constant 64 : i32
      %scatter3A_378 = arith.constant 0 : i32
      %scatter3A_379 = tpu.memref_slice %arg19[%scatter3A_377, %scatter3A_378] : memref<192x128xf32, #tpu.memory_space<vmem>> -> memref<64x128xf32, #tpu.memory_space<vmem>>
      tpu.vector_store_idx %scatter3A_379[%add3A_376, %add3A_261], %gather3A_304 : memref<64x128xf32, #tpu.memory_space<vmem>>[vector<16xi32>, vector<16xi32>], vector<16xf32>,
      %add3A_380 = vector.broadcast %mul3A_263 : i32 to vector<16xi32>
      %add3A_381 = arith.addi %add3A_380, %rem3A_90 : vector<16xi32>
      %scatter3A_382 = arith.constant 64 : i32
      %scatter3A_383 = arith.constant 0 : i32
      %scatter3A_384 = tpu.memref_slice %arg19[%scatter3A_382, %scatter3A_383] : memref<192x128xf32, #tpu.memory_space<vmem>> -> memref<64x128xf32, #tpu.memory_space<vmem>>
      tpu.vector_store_idx %scatter3A_384[%add3A_381, %add3A_261], %gather3A_307 : memref<64x128xf32, #tpu.memory_space<vmem>>[vector<16xi32>, vector<16xi32>], vector<16xf32>,
      %add3A_385 = vector.broadcast %mul3A_263 : i32 to vector<16xi32>
      %add3A_386 = arith.addi %add3A_385, %rem3A_96 : vector<16xi32>
      %scatter3A_387 = arith.constant 64 : i32
      %scatter3A_388 = arith.constant 0 : i32
      %scatter3A_389 = tpu.memref_slice %arg19[%scatter3A_387, %scatter3A_388] : memref<192x128xf32, #tpu.memory_space<vmem>> -> memref<64x128xf32, #tpu.memory_space<vmem>>
      tpu.vector_store_idx %scatter3A_389[%add3A_386, %add3A_261], %gather3A_310 : memref<64x128xf32, #tpu.memory_space<vmem>>[vector<16xi32>, vector<16xi32>], vector<16xf32>,
    }
    %scan3A_216 = arith.constant 32 : i32
    %scan3A_217 = arith.constant 0 : i32
    %scan3A_218 = arith.constant 0 : i32
    %scan3A_219 = arith.constant 32 : i32
    %scan3A_220 = arith.addi %scan3A_218, %scan3A_219 : i32
    %scan3A_221 = arith.constant 1 : i32
    scf.for %scan3A_254 = %scan3A_218 to %scan3A_220 step %scan3A_221  : i32 {
      %div3A = arith.constant 4 : i32
      %div3A_255 = arith.divsi %scan3A_254, %div3A : i32
      %rem3A_256 = arith.constant 4 : i32
      %rem3A_257 = arith.remsi %scan3A_254, %rem3A_256 : i32
      %mul3A_258 = arith.constant 16 : i32
      %mul3A_259 = arith.muli %div3A_255, %mul3A_258 : i32
      %add3A_260 = vector.broadcast %mul3A_259 : i32 to vector<16xi32>
      %add3A_261 = arith.addi %add3A_260, %iota3A : vector<16xi32>
      %mul3A_262 = arith.constant 16 : i32
      %mul3A_263 = arith.muli %rem3A_257, %mul3A_262 : i32
      %add3A_264 = vector.broadcast %mul3A_263 : i32 to vector<16xi32>
      %add3A_265 = arith.addi %add3A_264, %rem3A : vector<16xi32>
      %gather3A = tpu.vector_load_idx %arg15[%add3A_261, %add3A_265] : memref<128x128xf32, #tpu.memory_space<vmem>>[vector<16xi32>, vector<16xi32>], vector<16xf32>,
      %add3A_266 = vector.broadcast %mul3A_263 : i32 to vector<16xi32>
      %add3A_267 = arith.addi %add3A_266, %rem3A_12 : vector<16xi32>
      %gather3A_268 = tpu.vector_load_idx %arg15[%add3A_261, %add3A_267] : memref<128x128xf32, #tpu.memory_space<vmem>>[vector<16xi32>, vector<16xi32>], vector<16xf32>,
      %add3A_269 = vector.broadcast %mul3A_263 : i32 to vector<16xi32>
      %add3A_270 = arith.addi %add3A_269, %rem3A_18 : vector<16xi32>
      %gather3A_271 = tpu.vector_load_idx %arg15[%add3A_261, %add3A_270] : memref<128x128xf32, #tpu.memory_space<vmem>>[vector<16xi32>, vector<16xi32>], vector<16xf32>,
      %add3A_272 = vector.broadcast %mul3A_263 : i32 to vector<16xi32>
      %add3A_273 = arith.addi %add3A_272, %rem3A_24 : vector<16xi32>
      %gather3A_274 = tpu.vector_load_idx %arg15[%add3A_261, %add3A_273] : memref<128x128xf32, #tpu.memory_space<vmem>>[vector<16xi32>, vector<16xi32>], vector<16xf32>,
      %add3A_275 = vector.broadcast %mul3A_263 : i32 to vector<16xi32>
      %add3A_276 = arith.addi %add3A_275, %rem3A_30 : vector<16xi32>
      %gather3A_277 = tpu.vector_load_idx %arg15[%add3A_261, %add3A_276] : memref<128x128xf32, #tpu.memory_space<vmem>>[vector<16xi32>, vector<16xi32>], vector<16xf32>,
      %add3A_278 = vector.broadcast %mul3A_263 : i32 to vector<16xi32>
      %add3A_279 = arith.addi %add3A_278, %rem3A_36 : vector<16xi32>
      %gather3A_280 = tpu.vector_load_idx %arg15[%add3A_261, %add3A_279] : memref<128x128xf32, #tpu.memory_space<vmem>>[vector<16xi32>, vector<16xi32>], vector<16xf32>,
      %add3A_281 = vector.broadcast %mul3A_263 : i32 to vector<16xi32>
      %add3A_282 = arith.addi %add3A_281, %rem3A_42 : vector<16xi32>
      %gather3A_283 = tpu.vector_load_idx %arg15[%add3A_261, %add3A_282] : memref<128x128xf32, #tpu.memory_space<vmem>>[vector<16xi32>, vector<16xi32>], vector<16xf32>,
      %add3A_284 = vector.broadcast %mul3A_263 : i32 to vector<16xi32>
      %add3A_285 = arith.addi %add3A_284, %rem3A_48 : vector<16xi32>
      %gather3A_286 = tpu.vector_load_idx %arg15[%add3A_261, %add3A_285] : memref<128x128xf32, #tpu.memory_space<vmem>>[vector<16xi32>, vector<16xi32>], vector<16xf32>,
      %add3A_287 = vector.broadcast %mul3A_263 : i32 to vector<16xi32>
      %add3A_288 = arith.addi %add3A_287, %rem3A_54 : vector<16xi32>
      %gather3A_289 = tpu.vector_load_idx %arg15[%add3A_261, %add3A_288] : memref<128x128xf32, #tpu.memory_space<vmem>>[vector<16xi32>, vector<16xi32>], vector<16xf32>,
      %add3A_290 = vector.broadcast %mul3A_263 : i32 to vector<16xi32>
      %add3A_291 = arith.addi %add3A_290, %rem3A_60 : vector<16xi32>
      %gather3A_292 = tpu.vector_load_idx %arg15[%add3A_261, %add3A_291] : memref<128x128xf32, #tpu.memory_space<vmem>>[vector<16xi32>, vector<16xi32>], vector<16xf32>,
      %add3A_293 = vector.broadcast %mul3A_263 : i32 to vector<16xi32>
      %add3A_294 = arith.addi %add3A_293, %rem3A_66 : vector<16xi32>
      %gather3A_295 = tpu.vector_load_idx %arg15[%add3A_261, %add3A_294] : memref<128x128xf32, #tpu.memory_space<vmem>>[vector<16xi32>, vector<16xi32>], vector<16xf32>,
      %add3A_296 = vector.broadcast %mul3A_263 : i32 to vector<16xi32>
      %add3A_297 = arith.addi %add3A_296, %rem3A_72 : vector<16xi32>
      %gather3A_298 = tpu.vector_load_idx %arg15[%add3A_261, %add3A_297] : memref<128x128xf32, #tpu.memory_space<vmem>>[vector<16xi32>, vector<16xi32>], vector<16xf32>,
      %add3A_299 = vector.broadcast %mul3A_263 : i32 to vector<16xi32>
      %add3A_300 = arith.addi %add3A_299, %rem3A_78 : vector<16xi32>
      %gather3A_301 = tpu.vector_load_idx %arg15[%add3A_261, %add3A_300] : memref<128x128xf32, #tpu.memory_space<vmem>>[vector<16xi32>, vector<16xi32>], vector<16xf32>,
      %add3A_302 = vector.broadcast %mul3A_263 : i32 to vector<16xi32>
      %add3A_303 = arith.addi %add3A_302, %rem3A_84 : vector<16xi32>
      %gather3A_304 = tpu.vector_load_idx %arg15[%add3A_261, %add3A_303] : memref<128x128xf32, #tpu.memory_space<vmem>>[vector<16xi32>, vector<16xi32>], vector<16xf32>,
      %add3A_305 = vector.broadcast %mul3A_263 : i32 to vector<16xi32>
      %add3A_306 = arith.addi %add3A_305, %rem3A_90 : vector<16xi32>
      %gather3A_307 = tpu.vector_load_idx %arg15[%add3A_261, %add3A_306] : memref<128x128xf32, #tpu.memory_space<vmem>>[vector<16xi32>, vector<16xi32>], vector<16xf32>,
      %add3A_308 = vector.broadcast %mul3A_263 : i32 to vector<16xi32>
      %add3A_309 = arith.addi %add3A_308, %rem3A_96 : vector<16xi32>
      %gather3A_310 = tpu.vector_load_idx %arg15[%add3A_261, %add3A_309] : memref<128x128xf32, #tpu.memory_space<vmem>>[vector<16xi32>, vector<16xi32>], vector<16xf32>,
      %add3A_311 = vector.broadcast %mul3A_263 : i32 to vector<16xi32>
      %add3A_312 = arith.addi %add3A_311, %rem3A : vector<16xi32>
      %scatter3A = arith.constant 128 : i32
      %scatter3A_313 = arith.constant 0 : i32
      %scatter3A_314 = tpu.memref_slice %arg19[%scatter3A, %scatter3A_313] : memref<192x128xf32, #tpu.memory_space<vmem>> -> memref<64x128xf32, #tpu.memory_space<vmem>>
      tpu.vector_store_idx %scatter3A_314[%add3A_312, %add3A_261], %gather3A : memref<64x128xf32, #tpu.memory_space<vmem>>[vector<16xi32>, vector<16xi32>], vector<16xf32>,
      %add3A_315 = vector.broadcast %mul3A_263 : i32 to vector<16xi32>
      %add3A_316 = arith.addi %add3A_315, %rem3A_12 : vector<16xi32>
      %scatter3A_317 = arith.constant 128 : i32
      %scatter3A_318 = arith.constant 0 : i32
      %scatter3A_319 = tpu.memref_slice %arg19[%scatter3A_317, %scatter3A_318] : memref<192x128xf32, #tpu.memory_space<vmem>> -> memref<64x128xf32, #tpu.memory_space<vmem>>
      tpu.vector_store_idx %scatter3A_319[%add3A_316, %add3A_261], %gather3A_268 : memref<64x128xf32, #tpu.memory_space<vmem>>[vector<16xi32>, vector<16xi32>], vector<16xf32>,
      %add3A_320 = vector.broadcast %mul3A_263 : i32 to vector<16xi32>
      %add3A_321 = arith.addi %add3A_320, %rem3A_18 : vector<16xi32>
      %scatter3A_322 = arith.constant 128 : i32
      %scatter3A_323 = arith.constant 0 : i32
      %scatter3A_324 = tpu.memref_slice %arg19[%scatter3A_322, %scatter3A_323] : memref<192x128xf32, #tpu.memory_space<vmem>> -> memref<64x128xf32, #tpu.memory_space<vmem>>
      tpu.vector_store_idx %scatter3A_324[%add3A_321, %add3A_261], %gather3A_271 : memref<64x128xf32, #tpu.memory_space<vmem>>[vector<16xi32>, vector<16xi32>], vector<16xf32>,
      %add3A_325 = vector.broadcast %mul3A_263 : i32 to vector<16xi32>
      %add3A_326 = arith.addi %add3A_325, %rem3A_24 : vector<16xi32>
      %scatter3A_327 = arith.constant 128 : i32
      %scatter3A_328 = arith.constant 0 : i32
      %scatter3A_329 = tpu.memref_slice %arg19[%scatter3A_327, %scatter3A_328] : memref<192x128xf32, #tpu.memory_space<vmem>> -> memref<64x128xf32, #tpu.memory_space<vmem>>
      tpu.vector_store_idx %scatter3A_329[%add3A_326, %add3A_261], %gather3A_274 : memref<64x128xf32, #tpu.memory_space<vmem>>[vector<16xi32>, vector<16xi32>], vector<16xf32>,
      %add3A_330 = vector.broadcast %mul3A_263 : i32 to vector<16xi32>
      %add3A_331 = arith.addi %add3A_330, %rem3A_30 : vector<16xi32>
      %scatter3A_332 = arith.constant 128 : i32
      %scatter3A_333 = arith.constant 0 : i32
      %scatter3A_334 = tpu.memref_slice %arg19[%scatter3A_332, %scatter3A_333] : memref<192x128xf32, #tpu.memory_space<vmem>> -> memref<64x128xf32, #tpu.memory_space<vmem>>
      tpu.vector_store_idx %scatter3A_334[%add3A_331, %add3A_261], %gather3A_277 : memref<64x128xf32, #tpu.memory_space<vmem>>[vector<16xi32>, vector<16xi32>], vector<16xf32>,
      %add3A_335 = vector.broadcast %mul3A_263 : i32 to vector<16xi32>
      %add3A_336 = arith.addi %add3A_335, %rem3A_36 : vector<16xi32>
      %scatter3A_337 = arith.constant 128 : i32
      %scatter3A_338 = arith.constant 0 : i32
      %scatter3A_339 = tpu.memref_slice %arg19[%scatter3A_337, %scatter3A_338] : memref<192x128xf32, #tpu.memory_space<vmem>> -> memref<64x128xf32, #tpu.memory_space<vmem>>
      tpu.vector_store_idx %scatter3A_339[%add3A_336, %add3A_261], %gather3A_280 : memref<64x128xf32, #tpu.memory_space<vmem>>[vector<16xi32>, vector<16xi32>], vector<16xf32>,
      %add3A_340 = vector.broadcast %mul3A_263 : i32 to vector<16xi32>
      %add3A_341 = arith.addi %add3A_340, %rem3A_42 : vector<16xi32>
      %scatter3A_342 = arith.constant 128 : i32
      %scatter3A_343 = arith.constant 0 : i32
      %scatter3A_344 = tpu.memref_slice %arg19[%scatter3A_342, %scatter3A_343] : memref<192x128xf32, #tpu.memory_space<vmem>> -> memref<64x128xf32, #tpu.memory_space<vmem>>
      tpu.vector_store_idx %scatter3A_344[%add3A_341, %add3A_261], %gather3A_283 : memref<64x128xf32, #tpu.memory_space<vmem>>[vector<16xi32>, vector<16xi32>], vector<16xf32>,
      %add3A_345 = vector.broadcast %mul3A_263 : i32 to vector<16xi32>
      %add3A_346 = arith.addi %add3A_345, %rem3A_48 : vector<16xi32>
      %scatter3A_347 = arith.constant 128 : i32
      %scatter3A_348 = arith.constant 0 : i32
      %scatter3A_349 = tpu.memref_slice %arg19[%scatter3A_347, %scatter3A_348] : memref<192x128xf32, #tpu.memory_space<vmem>> -> memref<64x128xf32, #tpu.memory_space<vmem>>
      tpu.vector_store_idx %scatter3A_349[%add3A_346, %add3A_261], %gather3A_286 : memref<64x128xf32, #tpu.memory_space<vmem>>[vector<16xi32>, vector<16xi32>], vector<16xf32>,
      %add3A_350 = vector.broadcast %mul3A_263 : i32 to vector<16xi32>
      %add3A_351 = arith.addi %add3A_350, %rem3A_54 : vector<16xi32>
      %scatter3A_352 = arith.constant 128 : i32
      %scatter3A_353 = arith.constant 0 : i32
      %scatter3A_354 = tpu.memref_slice %arg19[%scatter3A_352, %scatter3A_353] : memref<192x128xf32, #tpu.memory_space<vmem>> -> memref<64x128xf32, #tpu.memory_space<vmem>>
      tpu.vector_store_idx %scatter3A_354[%add3A_351, %add3A_261], %gather3A_289 : memref<64x128xf32, #tpu.memory_space<vmem>>[vector<16xi32>, vector<16xi32>], vector<16xf32>,
      %add3A_355 = vector.broadcast %mul3A_263 : i32 to vector<16xi32>
      %add3A_356 = arith.addi %add3A_355, %rem3A_60 : vector<16xi32>
      %scatter3A_357 = arith.constant 128 : i32
      %scatter3A_358 = arith.constant 0 : i32
      %scatter3A_359 = tpu.memref_slice %arg19[%scatter3A_357, %scatter3A_358] : memref<192x128xf32, #tpu.memory_space<vmem>> -> memref<64x128xf32, #tpu.memory_space<vmem>>
      tpu.vector_store_idx %scatter3A_359[%add3A_356, %add3A_261], %gather3A_292 : memref<64x128xf32, #tpu.memory_space<vmem>>[vector<16xi32>, vector<16xi32>], vector<16xf32>,
      %add3A_360 = vector.broadcast %mul3A_263 : i32 to vector<16xi32>
      %add3A_361 = arith.addi %add3A_360, %rem3A_66 : vector<16xi32>
      %scatter3A_362 = arith.constant 128 : i32
      %scatter3A_363 = arith.constant 0 : i32
      %scatter3A_364 = tpu.memref_slice %arg19[%scatter3A_362, %scatter3A_363] : memref<192x128xf32, #tpu.memory_space<vmem>> -> memref<64x128xf32, #tpu.memory_space<vmem>>
      tpu.vector_store_idx %scatter3A_364[%add3A_361, %add3A_261], %gather3A_295 : memref<64x128xf32, #tpu.memory_space<vmem>>[vector<16xi32>, vector<16xi32>], vector<16xf32>,
      %add3A_365 = vector.broadcast %mul3A_263 : i32 to vector<16xi32>
      %add3A_366 = arith.addi %add3A_365, %rem3A_72 : vector<16xi32>
      %scatter3A_367 = arith.constant 128 : i32
      %scatter3A_368 = arith.constant 0 : i32
      %scatter3A_369 = tpu.memref_slice %arg19[%scatter3A_367, %scatter3A_368] : memref<192x128xf32, #tpu.memory_space<vmem>> -> memref<64x128xf32, #tpu.memory_space<vmem>>
      tpu.vector_store_idx %scatter3A_369[%add3A_366, %add3A_261], %gather3A_298 : memref<64x128xf32, #tpu.memory_space<vmem>>[vector<16xi32>, vector<16xi32>], vector<16xf32>,
      %add3A_370 = vector.broadcast %mul3A_263 : i32 to vector<16xi32>
      %add3A_371 = arith.addi %add3A_370, %rem3A_78 : vector<16xi32>
      %scatter3A_372 = arith.constant 128 : i32
      %scatter3A_373 = arith.constant 0 : i32
      %scatter3A_374 = tpu.memref_slice %arg19[%scatter3A_372, %scatter3A_373] : memref<192x128xf32, #tpu.memory_space<vmem>> -> memref<64x128xf32, #tpu.memory_space<vmem>>
      tpu.vector_store_idx %scatter3A_374[%add3A_371, %add3A_261], %gather3A_301 : memref<64x128xf32, #tpu.memory_space<vmem>>[vector<16xi32>, vector<16xi32>], vector<16xf32>,
      %add3A_375 = vector.broadcast %mul3A_263 : i32 to vector<16xi32>
      %add3A_376 = arith.addi %add3A_375, %rem3A_84 : vector<16xi32>
      %scatter3A_377 = arith.constant 128 : i32
      %scatter3A_378 = arith.constant 0 : i32
      %scatter3A_379 = tpu.memref_slice %arg19[%scatter3A_377, %scatter3A_378] : memref<192x128xf32, #tpu.memory_space<vmem>> -> memref<64x128xf32, #tpu.memory_space<vmem>>
      tpu.vector_store_idx %scatter3A_379[%add3A_376, %add3A_261], %gather3A_304 : memref<64x128xf32, #tpu.memory_space<vmem>>[vector<16xi32>, vector<16xi32>], vector<16xf32>,
      %add3A_380 = vector.broadcast %mul3A_263 : i32 to vector<16xi32>
      %add3A_381 = arith.addi %add3A_380, %rem3A_90 : vector<16xi32>
      %scatter3A_382 = arith.constant 128 : i32
      %scatter3A_383 = arith.constant 0 : i32
      %scatter3A_384 = tpu.memref_slice %arg19[%scatter3A_382, %scatter3A_383] : memref<192x128xf32, #tpu.memory_space<vmem>> -> memref<64x128xf32, #tpu.memory_space<vmem>>
      tpu.vector_store_idx %scatter3A_384[%add3A_381, %add3A_261], %gather3A_307 : memref<64x128xf32, #tpu.memory_space<vmem>>[vector<16xi32>, vector<16xi32>], vector<16xf32>,
      %add3A_385 = vector.broadcast %mul3A_263 : i32 to vector<16xi32>
      %add3A_386 = arith.addi %add3A_385, %rem3A_96 : vector<16xi32>
      %scatter3A_387 = arith.constant 128 : i32
      %scatter3A_388 = arith.constant 0 : i32
      %scatter3A_389 = tpu.memref_slice %arg19[%scatter3A_387, %scatter3A_388] : memref<192x128xf32, #tpu.memory_space<vmem>> -> memref<64x128xf32, #tpu.memory_space<vmem>>
      tpu.vector_store_idx %scatter3A_389[%add3A_386, %add3A_261], %gather3A_310 : memref<64x128xf32, #tpu.memory_space<vmem>>[vector<16xi32>, vector<16xi32>], vector<16xf32>,
    }
    %scan3A_222 = arith.constant 32 : i32
    %add3A_223 = arith.constant 256 : i32
    %add3A_224 = arith.addi %mul3A_2, %add3A_223 : i32
    "tpu.region"() ({
      %run_scoped3A = tpu.sem_alloc : memref<!tpu.dma_semaphore, #tpu.memory_space<semaphore_mem>>
      %dma_start3A_254 = arith.constant 0 : i32
      %dma_start3A_255 = tpu.memref_slice %arg6[%dma_start3A_254, %add3A_224] : memref<192x16384xf32, #tpu.memory_space<hbm>> -> memref<192x128xf32, #tpu.memory_space<hbm>>
      %dma_start3A_256 = arith.constant 0 : i32
      %dma_start3A_257 = tpu.memref_slice %arg6[%dma_start3A_256, %add3A_224] : memref<192x16384xf32, #tpu.memory_space<hbm>> -> memref<192x128xf32, #tpu.memory_space<hbm>>
      tpu.enqueue_dma source(%arg19 : memref<192x128xf32, #tpu.memory_space<vmem>>) target(%dma_start3A_257 : memref<192x128xf32, #tpu.memory_space<hbm>>) target_semaphore(%run_scoped3A : memref<!tpu.dma_semaphore, #tpu.memory_space<semaphore_mem>>)
      %dma_wait3A_258 = arith.constant 0 : i32
      %dma_wait3A_259 = tpu.memref_slice %arg6[%dma_wait3A_258, %add3A_224] : memref<192x16384xf32, #tpu.memory_space<hbm>> -> memref<192x128xf32, #tpu.memory_space<hbm>>
      %dma_wait3A_260 = arith.constant 0 : i32
      %dma_wait3A_261 = tpu.memref_slice %arg6[%dma_wait3A_260, %add3A_224] : memref<192x16384xf32, #tpu.memory_space<hbm>> -> memref<192x128xf32, #tpu.memory_space<hbm>>
      tpu.wait_dma2 semaphore(%run_scoped3A : memref<!tpu.dma_semaphore, #tpu.memory_space<semaphore_mem>>) src(%arg19 : memref<192x128xf32, #tpu.memory_space<vmem>>) dst(%dma_wait3A_261 : memref<192x128xf32, #tpu.memory_space<hbm>>)
      tpu.yield
    }) : () -> ()
    %dma_wait3A_225 = arith.constant 0 : i32
    %dma_wait3A_226 = arith.constant 0 : i32
    %dma_wait3A_227 = tpu.memref_slice %arg5[%dma_wait3A_225, %dma_wait3A_226] : memref<3000x128xf32, #tpu.memory_space<hbm>> -> memref<3000x128xf32, #tpu.memory_space<hbm>>
    tpu.wait_indirect_dma semaphore(%arg21 : memref<!tpu.dma_semaphore, #tpu.memory_space<semaphore_mem>>) src(%dma_wait3A_227 : memref<3000x128xf32, #tpu.memory_space<hbm>>) dst(%arg16 : memref<128x128xf32, #tpu.memory_space<vmem>>)
    %dma_wait3A_228 = arith.constant 0 : i32
    %dma_wait3A_229 = arith.constant 0 : i32
    %dma_wait3A_230 = tpu.memref_slice %arg5[%dma_wait3A_228, %dma_wait3A_229] : memref<3000x128xf32, #tpu.memory_space<hbm>> -> memref<3000x128xf32, #tpu.memory_space<hbm>>
    tpu.wait_indirect_dma semaphore(%arg21 : memref<!tpu.dma_semaphore, #tpu.memory_space<semaphore_mem>>) src(%dma_wait3A_230 : memref<3000x128xf32, #tpu.memory_space<hbm>>) dst(%arg17 : memref<128x128xf32, #tpu.memory_space<vmem>>)
    %dma_wait3A_231 = arith.constant 0 : i32
    %dma_wait3A_232 = arith.constant 0 : i32
    %dma_wait3A_233 = tpu.memref_slice %arg5[%dma_wait3A_231, %dma_wait3A_232] : memref<3000x128xf32, #tpu.memory_space<hbm>> -> memref<3000x128xf32, #tpu.memory_space<hbm>>
    tpu.wait_indirect_dma semaphore(%arg21 : memref<!tpu.dma_semaphore, #tpu.memory_space<semaphore_mem>>) src(%dma_wait3A_233 : memref<3000x128xf32, #tpu.memory_space<hbm>>) dst(%arg18 : memref<128x128xf32, #tpu.memory_space<vmem>>)
    %scan3A_234 = arith.constant 0 : i32
    %scan3A_235 = arith.constant 0 : i32
    %scan3A_236 = arith.constant 32 : i32
    %scan3A_237 = arith.addi %scan3A_235, %scan3A_236 : i32
    %scan3A_238 = arith.constant 1 : i32
    scf.for %scan3A_254 = %scan3A_235 to %scan3A_237 step %scan3A_238  : i32 {
      %div3A = arith.constant 4 : i32
      %div3A_255 = arith.divsi %scan3A_254, %div3A : i32
      %rem3A_256 = arith.constant 4 : i32
      %rem3A_257 = arith.remsi %scan3A_254, %rem3A_256 : i32
      %mul3A_258 = arith.constant 16 : i32
      %mul3A_259 = arith.muli %div3A_255, %mul3A_258 : i32
      %add3A_260 = vector.broadcast %mul3A_259 : i32 to vector<16xi32>
      %add3A_261 = arith.addi %add3A_260, %iota3A : vector<16xi32>
      %mul3A_262 = arith.constant 16 : i32
      %mul3A_263 = arith.muli %rem3A_257, %mul3A_262 : i32
      %add3A_264 = vector.broadcast %mul3A_263 : i32 to vector<16xi32>
      %add3A_265 = arith.addi %add3A_264, %rem3A : vector<16xi32>
      %gather3A = tpu.vector_load_idx %arg16[%add3A_261, %add3A_265] : memref<128x128xf32, #tpu.memory_space<vmem>>[vector<16xi32>, vector<16xi32>], vector<16xf32>,
      %add3A_266 = vector.broadcast %mul3A_263 : i32 to vector<16xi32>
      %add3A_267 = arith.addi %add3A_266, %rem3A_12 : vector<16xi32>
      %gather3A_268 = tpu.vector_load_idx %arg16[%add3A_261, %add3A_267] : memref<128x128xf32, #tpu.memory_space<vmem>>[vector<16xi32>, vector<16xi32>], vector<16xf32>,
      %add3A_269 = vector.broadcast %mul3A_263 : i32 to vector<16xi32>
      %add3A_270 = arith.addi %add3A_269, %rem3A_18 : vector<16xi32>
      %gather3A_271 = tpu.vector_load_idx %arg16[%add3A_261, %add3A_270] : memref<128x128xf32, #tpu.memory_space<vmem>>[vector<16xi32>, vector<16xi32>], vector<16xf32>,
      %add3A_272 = vector.broadcast %mul3A_263 : i32 to vector<16xi32>
      %add3A_273 = arith.addi %add3A_272, %rem3A_24 : vector<16xi32>
      %gather3A_274 = tpu.vector_load_idx %arg16[%add3A_261, %add3A_273] : memref<128x128xf32, #tpu.memory_space<vmem>>[vector<16xi32>, vector<16xi32>], vector<16xf32>,
      %add3A_275 = vector.broadcast %mul3A_263 : i32 to vector<16xi32>
      %add3A_276 = arith.addi %add3A_275, %rem3A_30 : vector<16xi32>
      %gather3A_277 = tpu.vector_load_idx %arg16[%add3A_261, %add3A_276] : memref<128x128xf32, #tpu.memory_space<vmem>>[vector<16xi32>, vector<16xi32>], vector<16xf32>,
      %add3A_278 = vector.broadcast %mul3A_263 : i32 to vector<16xi32>
      %add3A_279 = arith.addi %add3A_278, %rem3A_36 : vector<16xi32>
      %gather3A_280 = tpu.vector_load_idx %arg16[%add3A_261, %add3A_279] : memref<128x128xf32, #tpu.memory_space<vmem>>[vector<16xi32>, vector<16xi32>], vector<16xf32>,
      %add3A_281 = vector.broadcast %mul3A_263 : i32 to vector<16xi32>
      %add3A_282 = arith.addi %add3A_281, %rem3A_42 : vector<16xi32>
      %gather3A_283 = tpu.vector_load_idx %arg16[%add3A_261, %add3A_282] : memref<128x128xf32, #tpu.memory_space<vmem>>[vector<16xi32>, vector<16xi32>], vector<16xf32>,
      %add3A_284 = vector.broadcast %mul3A_263 : i32 to vector<16xi32>
      %add3A_285 = arith.addi %add3A_284, %rem3A_48 : vector<16xi32>
      %gather3A_286 = tpu.vector_load_idx %arg16[%add3A_261, %add3A_285] : memref<128x128xf32, #tpu.memory_space<vmem>>[vector<16xi32>, vector<16xi32>], vector<16xf32>,
      %add3A_287 = vector.broadcast %mul3A_263 : i32 to vector<16xi32>
      %add3A_288 = arith.addi %add3A_287, %rem3A_54 : vector<16xi32>
      %gather3A_289 = tpu.vector_load_idx %arg16[%add3A_261, %add3A_288] : memref<128x128xf32, #tpu.memory_space<vmem>>[vector<16xi32>, vector<16xi32>], vector<16xf32>,
      %add3A_290 = vector.broadcast %mul3A_263 : i32 to vector<16xi32>
      %add3A_291 = arith.addi %add3A_290, %rem3A_60 : vector<16xi32>
      %gather3A_292 = tpu.vector_load_idx %arg16[%add3A_261, %add3A_291] : memref<128x128xf32, #tpu.memory_space<vmem>>[vector<16xi32>, vector<16xi32>], vector<16xf32>,
      %add3A_293 = vector.broadcast %mul3A_263 : i32 to vector<16xi32>
      %add3A_294 = arith.addi %add3A_293, %rem3A_66 : vector<16xi32>
      %gather3A_295 = tpu.vector_load_idx %arg16[%add3A_261, %add3A_294] : memref<128x128xf32, #tpu.memory_space<vmem>>[vector<16xi32>, vector<16xi32>], vector<16xf32>,
      %add3A_296 = vector.broadcast %mul3A_263 : i32 to vector<16xi32>
      %add3A_297 = arith.addi %add3A_296, %rem3A_72 : vector<16xi32>
      %gather3A_298 = tpu.vector_load_idx %arg16[%add3A_261, %add3A_297] : memref<128x128xf32, #tpu.memory_space<vmem>>[vector<16xi32>, vector<16xi32>], vector<16xf32>,
      %add3A_299 = vector.broadcast %mul3A_263 : i32 to vector<16xi32>
      %add3A_300 = arith.addi %add3A_299, %rem3A_78 : vector<16xi32>
      %gather3A_301 = tpu.vector_load_idx %arg16[%add3A_261, %add3A_300] : memref<128x128xf32, #tpu.memory_space<vmem>>[vector<16xi32>, vector<16xi32>], vector<16xf32>,
      %add3A_302 = vector.broadcast %mul3A_263 : i32 to vector<16xi32>
      %add3A_303 = arith.addi %add3A_302, %rem3A_84 : vector<16xi32>
      %gather3A_304 = tpu.vector_load_idx %arg16[%add3A_261, %add3A_303] : memref<128x128xf32, #tpu.memory_space<vmem>>[vector<16xi32>, vector<16xi32>], vector<16xf32>,
      %add3A_305 = vector.broadcast %mul3A_263 : i32 to vector<16xi32>
      %add3A_306 = arith.addi %add3A_305, %rem3A_90 : vector<16xi32>
      %gather3A_307 = tpu.vector_load_idx %arg16[%add3A_261, %add3A_306] : memref<128x128xf32, #tpu.memory_space<vmem>>[vector<16xi32>, vector<16xi32>], vector<16xf32>,
      %add3A_308 = vector.broadcast %mul3A_263 : i32 to vector<16xi32>
      %add3A_309 = arith.addi %add3A_308, %rem3A_96 : vector<16xi32>
      %gather3A_310 = tpu.vector_load_idx %arg16[%add3A_261, %add3A_309] : memref<128x128xf32, #tpu.memory_space<vmem>>[vector<16xi32>, vector<16xi32>], vector<16xf32>,
      %add3A_311 = vector.broadcast %mul3A_263 : i32 to vector<16xi32>
      %add3A_312 = arith.addi %add3A_311, %rem3A : vector<16xi32>
      %scatter3A = arith.constant 0 : i32
      %scatter3A_313 = arith.constant 0 : i32
      %scatter3A_314 = tpu.memref_slice %arg19[%scatter3A, %scatter3A_313] : memref<192x128xf32, #tpu.memory_space<vmem>> -> memref<64x128xf32, #tpu.memory_space<vmem>>
      tpu.vector_store_idx %scatter3A_314[%add3A_312, %add3A_261], %gather3A : memref<64x128xf32, #tpu.memory_space<vmem>>[vector<16xi32>, vector<16xi32>], vector<16xf32>,
      %add3A_315 = vector.broadcast %mul3A_263 : i32 to vector<16xi32>
      %add3A_316 = arith.addi %add3A_315, %rem3A_12 : vector<16xi32>
      %scatter3A_317 = arith.constant 0 : i32
      %scatter3A_318 = arith.constant 0 : i32
      %scatter3A_319 = tpu.memref_slice %arg19[%scatter3A_317, %scatter3A_318] : memref<192x128xf32, #tpu.memory_space<vmem>> -> memref<64x128xf32, #tpu.memory_space<vmem>>
      tpu.vector_store_idx %scatter3A_319[%add3A_316, %add3A_261], %gather3A_268 : memref<64x128xf32, #tpu.memory_space<vmem>>[vector<16xi32>, vector<16xi32>], vector<16xf32>,
      %add3A_320 = vector.broadcast %mul3A_263 : i32 to vector<16xi32>
      %add3A_321 = arith.addi %add3A_320, %rem3A_18 : vector<16xi32>
      %scatter3A_322 = arith.constant 0 : i32
      %scatter3A_323 = arith.constant 0 : i32
      %scatter3A_324 = tpu.memref_slice %arg19[%scatter3A_322, %scatter3A_323] : memref<192x128xf32, #tpu.memory_space<vmem>> -> memref<64x128xf32, #tpu.memory_space<vmem>>
      tpu.vector_store_idx %scatter3A_324[%add3A_321, %add3A_261], %gather3A_271 : memref<64x128xf32, #tpu.memory_space<vmem>>[vector<16xi32>, vector<16xi32>], vector<16xf32>,
      %add3A_325 = vector.broadcast %mul3A_263 : i32 to vector<16xi32>
      %add3A_326 = arith.addi %add3A_325, %rem3A_24 : vector<16xi32>
      %scatter3A_327 = arith.constant 0 : i32
      %scatter3A_328 = arith.constant 0 : i32
      %scatter3A_329 = tpu.memref_slice %arg19[%scatter3A_327, %scatter3A_328] : memref<192x128xf32, #tpu.memory_space<vmem>> -> memref<64x128xf32, #tpu.memory_space<vmem>>
      tpu.vector_store_idx %scatter3A_329[%add3A_326, %add3A_261], %gather3A_274 : memref<64x128xf32, #tpu.memory_space<vmem>>[vector<16xi32>, vector<16xi32>], vector<16xf32>,
      %add3A_330 = vector.broadcast %mul3A_263 : i32 to vector<16xi32>
      %add3A_331 = arith.addi %add3A_330, %rem3A_30 : vector<16xi32>
      %scatter3A_332 = arith.constant 0 : i32
      %scatter3A_333 = arith.constant 0 : i32
      %scatter3A_334 = tpu.memref_slice %arg19[%scatter3A_332, %scatter3A_333] : memref<192x128xf32, #tpu.memory_space<vmem>> -> memref<64x128xf32, #tpu.memory_space<vmem>>
      tpu.vector_store_idx %scatter3A_334[%add3A_331, %add3A_261], %gather3A_277 : memref<64x128xf32, #tpu.memory_space<vmem>>[vector<16xi32>, vector<16xi32>], vector<16xf32>,
      %add3A_335 = vector.broadcast %mul3A_263 : i32 to vector<16xi32>
      %add3A_336 = arith.addi %add3A_335, %rem3A_36 : vector<16xi32>
      %scatter3A_337 = arith.constant 0 : i32
      %scatter3A_338 = arith.constant 0 : i32
      %scatter3A_339 = tpu.memref_slice %arg19[%scatter3A_337, %scatter3A_338] : memref<192x128xf32, #tpu.memory_space<vmem>> -> memref<64x128xf32, #tpu.memory_space<vmem>>
      tpu.vector_store_idx %scatter3A_339[%add3A_336, %add3A_261], %gather3A_280 : memref<64x128xf32, #tpu.memory_space<vmem>>[vector<16xi32>, vector<16xi32>], vector<16xf32>,
      %add3A_340 = vector.broadcast %mul3A_263 : i32 to vector<16xi32>
      %add3A_341 = arith.addi %add3A_340, %rem3A_42 : vector<16xi32>
      %scatter3A_342 = arith.constant 0 : i32
      %scatter3A_343 = arith.constant 0 : i32
      %scatter3A_344 = tpu.memref_slice %arg19[%scatter3A_342, %scatter3A_343] : memref<192x128xf32, #tpu.memory_space<vmem>> -> memref<64x128xf32, #tpu.memory_space<vmem>>
      tpu.vector_store_idx %scatter3A_344[%add3A_341, %add3A_261], %gather3A_283 : memref<64x128xf32, #tpu.memory_space<vmem>>[vector<16xi32>, vector<16xi32>], vector<16xf32>,
      %add3A_345 = vector.broadcast %mul3A_263 : i32 to vector<16xi32>
      %add3A_346 = arith.addi %add3A_345, %rem3A_48 : vector<16xi32>
      %scatter3A_347 = arith.constant 0 : i32
      %scatter3A_348 = arith.constant 0 : i32
      %scatter3A_349 = tpu.memref_slice %arg19[%scatter3A_347, %scatter3A_348] : memref<192x128xf32, #tpu.memory_space<vmem>> -> memref<64x128xf32, #tpu.memory_space<vmem>>
      tpu.vector_store_idx %scatter3A_349[%add3A_346, %add3A_261], %gather3A_286 : memref<64x128xf32, #tpu.memory_space<vmem>>[vector<16xi32>, vector<16xi32>], vector<16xf32>,
      %add3A_350 = vector.broadcast %mul3A_263 : i32 to vector<16xi32>
      %add3A_351 = arith.addi %add3A_350, %rem3A_54 : vector<16xi32>
      %scatter3A_352 = arith.constant 0 : i32
      %scatter3A_353 = arith.constant 0 : i32
      %scatter3A_354 = tpu.memref_slice %arg19[%scatter3A_352, %scatter3A_353] : memref<192x128xf32, #tpu.memory_space<vmem>> -> memref<64x128xf32, #tpu.memory_space<vmem>>
      tpu.vector_store_idx %scatter3A_354[%add3A_351, %add3A_261], %gather3A_289 : memref<64x128xf32, #tpu.memory_space<vmem>>[vector<16xi32>, vector<16xi32>], vector<16xf32>,
      %add3A_355 = vector.broadcast %mul3A_263 : i32 to vector<16xi32>
      %add3A_356 = arith.addi %add3A_355, %rem3A_60 : vector<16xi32>
      %scatter3A_357 = arith.constant 0 : i32
      %scatter3A_358 = arith.constant 0 : i32
      %scatter3A_359 = tpu.memref_slice %arg19[%scatter3A_357, %scatter3A_358] : memref<192x128xf32, #tpu.memory_space<vmem>> -> memref<64x128xf32, #tpu.memory_space<vmem>>
      tpu.vector_store_idx %scatter3A_359[%add3A_356, %add3A_261], %gather3A_292 : memref<64x128xf32, #tpu.memory_space<vmem>>[vector<16xi32>, vector<16xi32>], vector<16xf32>,
      %add3A_360 = vector.broadcast %mul3A_263 : i32 to vector<16xi32>
      %add3A_361 = arith.addi %add3A_360, %rem3A_66 : vector<16xi32>
      %scatter3A_362 = arith.constant 0 : i32
      %scatter3A_363 = arith.constant 0 : i32
      %scatter3A_364 = tpu.memref_slice %arg19[%scatter3A_362, %scatter3A_363] : memref<192x128xf32, #tpu.memory_space<vmem>> -> memref<64x128xf32, #tpu.memory_space<vmem>>
      tpu.vector_store_idx %scatter3A_364[%add3A_361, %add3A_261], %gather3A_295 : memref<64x128xf32, #tpu.memory_space<vmem>>[vector<16xi32>, vector<16xi32>], vector<16xf32>,
      %add3A_365 = vector.broadcast %mul3A_263 : i32 to vector<16xi32>
      %add3A_366 = arith.addi %add3A_365, %rem3A_72 : vector<16xi32>
      %scatter3A_367 = arith.constant 0 : i32
      %scatter3A_368 = arith.constant 0 : i32
      %scatter3A_369 = tpu.memref_slice %arg19[%scatter3A_367, %scatter3A_368] : memref<192x128xf32, #tpu.memory_space<vmem>> -> memref<64x128xf32, #tpu.memory_space<vmem>>
      tpu.vector_store_idx %scatter3A_369[%add3A_366, %add3A_261], %gather3A_298 : memref<64x128xf32, #tpu.memory_space<vmem>>[vector<16xi32>, vector<16xi32>], vector<16xf32>,
      %add3A_370 = vector.broadcast %mul3A_263 : i32 to vector<16xi32>
      %add3A_371 = arith.addi %add3A_370, %rem3A_78 : vector<16xi32>
      %scatter3A_372 = arith.constant 0 : i32
      %scatter3A_373 = arith.constant 0 : i32
      %scatter3A_374 = tpu.memref_slice %arg19[%scatter3A_372, %scatter3A_373] : memref<192x128xf32, #tpu.memory_space<vmem>> -> memref<64x128xf32, #tpu.memory_space<vmem>>
      tpu.vector_store_idx %scatter3A_374[%add3A_371, %add3A_261], %gather3A_301 : memref<64x128xf32, #tpu.memory_space<vmem>>[vector<16xi32>, vector<16xi32>], vector<16xf32>,
      %add3A_375 = vector.broadcast %mul3A_263 : i32 to vector<16xi32>
      %add3A_376 = arith.addi %add3A_375, %rem3A_84 : vector<16xi32>
      %scatter3A_377 = arith.constant 0 : i32
      %scatter3A_378 = arith.constant 0 : i32
      %scatter3A_379 = tpu.memref_slice %arg19[%scatter3A_377, %scatter3A_378] : memref<192x128xf32, #tpu.memory_space<vmem>> -> memref<64x128xf32, #tpu.memory_space<vmem>>
      tpu.vector_store_idx %scatter3A_379[%add3A_376, %add3A_261], %gather3A_304 : memref<64x128xf32, #tpu.memory_space<vmem>>[vector<16xi32>, vector<16xi32>], vector<16xf32>,
      %add3A_380 = vector.broadcast %mul3A_263 : i32 to vector<16xi32>
      %add3A_381 = arith.addi %add3A_380, %rem3A_90 : vector<16xi32>
      %scatter3A_382 = arith.constant 0 : i32
      %scatter3A_383 = arith.constant 0 : i32
      %scatter3A_384 = tpu.memref_slice %arg19[%scatter3A_382, %scatter3A_383] : memref<192x128xf32, #tpu.memory_space<vmem>> -> memref<64x128xf32, #tpu.memory_space<vmem>>
      tpu.vector_store_idx %scatter3A_384[%add3A_381, %add3A_261], %gather3A_307 : memref<64x128xf32, #tpu.memory_space<vmem>>[vector<16xi32>, vector<16xi32>], vector<16xf32>,
      %add3A_385 = vector.broadcast %mul3A_263 : i32 to vector<16xi32>
      %add3A_386 = arith.addi %add3A_385, %rem3A_96 : vector<16xi32>
      %scatter3A_387 = arith.constant 0 : i32
      %scatter3A_388 = arith.constant 0 : i32
      %scatter3A_389 = tpu.memref_slice %arg19[%scatter3A_387, %scatter3A_388] : memref<192x128xf32, #tpu.memory_space<vmem>> -> memref<64x128xf32, #tpu.memory_space<vmem>>
      tpu.vector_store_idx %scatter3A_389[%add3A_386, %add3A_261], %gather3A_310 : memref<64x128xf32, #tpu.memory_space<vmem>>[vector<16xi32>, vector<16xi32>], vector<16xf32>,
    }
    %scan3A_239 = arith.constant 32 : i32
    %scan3A_240 = arith.constant 0 : i32
    %scan3A_241 = arith.constant 0 : i32
    %scan3A_242 = arith.constant 32 : i32
    %scan3A_243 = arith.addi %scan3A_241, %scan3A_242 : i32
    %scan3A_244 = arith.constant 1 : i32
    scf.for %scan3A_254 = %scan3A_241 to %scan3A_243 step %scan3A_244  : i32 {
      %div3A = arith.constant 4 : i32
      %div3A_255 = arith.divsi %scan3A_254, %div3A : i32
      %rem3A_256 = arith.constant 4 : i32
      %rem3A_257 = arith.remsi %scan3A_254, %rem3A_256 : i32
      %mul3A_258 = arith.constant 16 : i32
      %mul3A_259 = arith.muli %div3A_255, %mul3A_258 : i32
      %add3A_260 = vector.broadcast %mul3A_259 : i32 to vector<16xi32>
      %add3A_261 = arith.addi %add3A_260, %iota3A : vector<16xi32>
      %mul3A_262 = arith.constant 16 : i32
      %mul3A_263 = arith.muli %rem3A_257, %mul3A_262 : i32
      %add3A_264 = vector.broadcast %mul3A_263 : i32 to vector<16xi32>
      %add3A_265 = arith.addi %add3A_264, %rem3A : vector<16xi32>
      %gather3A = tpu.vector_load_idx %arg17[%add3A_261, %add3A_265] : memref<128x128xf32, #tpu.memory_space<vmem>>[vector<16xi32>, vector<16xi32>], vector<16xf32>,
      %add3A_266 = vector.broadcast %mul3A_263 : i32 to vector<16xi32>
      %add3A_267 = arith.addi %add3A_266, %rem3A_12 : vector<16xi32>
      %gather3A_268 = tpu.vector_load_idx %arg17[%add3A_261, %add3A_267] : memref<128x128xf32, #tpu.memory_space<vmem>>[vector<16xi32>, vector<16xi32>], vector<16xf32>,
      %add3A_269 = vector.broadcast %mul3A_263 : i32 to vector<16xi32>
      %add3A_270 = arith.addi %add3A_269, %rem3A_18 : vector<16xi32>
      %gather3A_271 = tpu.vector_load_idx %arg17[%add3A_261, %add3A_270] : memref<128x128xf32, #tpu.memory_space<vmem>>[vector<16xi32>, vector<16xi32>], vector<16xf32>,
      %add3A_272 = vector.broadcast %mul3A_263 : i32 to vector<16xi32>
      %add3A_273 = arith.addi %add3A_272, %rem3A_24 : vector<16xi32>
      %gather3A_274 = tpu.vector_load_idx %arg17[%add3A_261, %add3A_273] : memref<128x128xf32, #tpu.memory_space<vmem>>[vector<16xi32>, vector<16xi32>], vector<16xf32>,
      %add3A_275 = vector.broadcast %mul3A_263 : i32 to vector<16xi32>
      %add3A_276 = arith.addi %add3A_275, %rem3A_30 : vector<16xi32>
      %gather3A_277 = tpu.vector_load_idx %arg17[%add3A_261, %add3A_276] : memref<128x128xf32, #tpu.memory_space<vmem>>[vector<16xi32>, vector<16xi32>], vector<16xf32>,
      %add3A_278 = vector.broadcast %mul3A_263 : i32 to vector<16xi32>
      %add3A_279 = arith.addi %add3A_278, %rem3A_36 : vector<16xi32>
      %gather3A_280 = tpu.vector_load_idx %arg17[%add3A_261, %add3A_279] : memref<128x128xf32, #tpu.memory_space<vmem>>[vector<16xi32>, vector<16xi32>], vector<16xf32>,
      %add3A_281 = vector.broadcast %mul3A_263 : i32 to vector<16xi32>
      %add3A_282 = arith.addi %add3A_281, %rem3A_42 : vector<16xi32>
      %gather3A_283 = tpu.vector_load_idx %arg17[%add3A_261, %add3A_282] : memref<128x128xf32, #tpu.memory_space<vmem>>[vector<16xi32>, vector<16xi32>], vector<16xf32>,
      %add3A_284 = vector.broadcast %mul3A_263 : i32 to vector<16xi32>
      %add3A_285 = arith.addi %add3A_284, %rem3A_48 : vector<16xi32>
      %gather3A_286 = tpu.vector_load_idx %arg17[%add3A_261, %add3A_285] : memref<128x128xf32, #tpu.memory_space<vmem>>[vector<16xi32>, vector<16xi32>], vector<16xf32>,
      %add3A_287 = vector.broadcast %mul3A_263 : i32 to vector<16xi32>
      %add3A_288 = arith.addi %add3A_287, %rem3A_54 : vector<16xi32>
      %gather3A_289 = tpu.vector_load_idx %arg17[%add3A_261, %add3A_288] : memref<128x128xf32, #tpu.memory_space<vmem>>[vector<16xi32>, vector<16xi32>], vector<16xf32>,
      %add3A_290 = vector.broadcast %mul3A_263 : i32 to vector<16xi32>
      %add3A_291 = arith.addi %add3A_290, %rem3A_60 : vector<16xi32>
      %gather3A_292 = tpu.vector_load_idx %arg17[%add3A_261, %add3A_291] : memref<128x128xf32, #tpu.memory_space<vmem>>[vector<16xi32>, vector<16xi32>], vector<16xf32>,
      %add3A_293 = vector.broadcast %mul3A_263 : i32 to vector<16xi32>
      %add3A_294 = arith.addi %add3A_293, %rem3A_66 : vector<16xi32>
      %gather3A_295 = tpu.vector_load_idx %arg17[%add3A_261, %add3A_294] : memref<128x128xf32, #tpu.memory_space<vmem>>[vector<16xi32>, vector<16xi32>], vector<16xf32>,
      %add3A_296 = vector.broadcast %mul3A_263 : i32 to vector<16xi32>
      %add3A_297 = arith.addi %add3A_296, %rem3A_72 : vector<16xi32>
      %gather3A_298 = tpu.vector_load_idx %arg17[%add3A_261, %add3A_297] : memref<128x128xf32, #tpu.memory_space<vmem>>[vector<16xi32>, vector<16xi32>], vector<16xf32>,
      %add3A_299 = vector.broadcast %mul3A_263 : i32 to vector<16xi32>
      %add3A_300 = arith.addi %add3A_299, %rem3A_78 : vector<16xi32>
      %gather3A_301 = tpu.vector_load_idx %arg17[%add3A_261, %add3A_300] : memref<128x128xf32, #tpu.memory_space<vmem>>[vector<16xi32>, vector<16xi32>], vector<16xf32>,
      %add3A_302 = vector.broadcast %mul3A_263 : i32 to vector<16xi32>
      %add3A_303 = arith.addi %add3A_302, %rem3A_84 : vector<16xi32>
      %gather3A_304 = tpu.vector_load_idx %arg17[%add3A_261, %add3A_303] : memref<128x128xf32, #tpu.memory_space<vmem>>[vector<16xi32>, vector<16xi32>], vector<16xf32>,
      %add3A_305 = vector.broadcast %mul3A_263 : i32 to vector<16xi32>
      %add3A_306 = arith.addi %add3A_305, %rem3A_90 : vector<16xi32>
      %gather3A_307 = tpu.vector_load_idx %arg17[%add3A_261, %add3A_306] : memref<128x128xf32, #tpu.memory_space<vmem>>[vector<16xi32>, vector<16xi32>], vector<16xf32>,
      %add3A_308 = vector.broadcast %mul3A_263 : i32 to vector<16xi32>
      %add3A_309 = arith.addi %add3A_308, %rem3A_96 : vector<16xi32>
      %gather3A_310 = tpu.vector_load_idx %arg17[%add3A_261, %add3A_309] : memref<128x128xf32, #tpu.memory_space<vmem>>[vector<16xi32>, vector<16xi32>], vector<16xf32>,
      %add3A_311 = vector.broadcast %mul3A_263 : i32 to vector<16xi32>
      %add3A_312 = arith.addi %add3A_311, %rem3A : vector<16xi32>
      %scatter3A = arith.constant 64 : i32
      %scatter3A_313 = arith.constant 0 : i32
      %scatter3A_314 = tpu.memref_slice %arg19[%scatter3A, %scatter3A_313] : memref<192x128xf32, #tpu.memory_space<vmem>> -> memref<64x128xf32, #tpu.memory_space<vmem>>
      tpu.vector_store_idx %scatter3A_314[%add3A_312, %add3A_261], %gather3A : memref<64x128xf32, #tpu.memory_space<vmem>>[vector<16xi32>, vector<16xi32>], vector<16xf32>,
      %add3A_315 = vector.broadcast %mul3A_263 : i32 to vector<16xi32>
      %add3A_316 = arith.addi %add3A_315, %rem3A_12 : vector<16xi32>
      %scatter3A_317 = arith.constant 64 : i32
      %scatter3A_318 = arith.constant 0 : i32
      %scatter3A_319 = tpu.memref_slice %arg19[%scatter3A_317, %scatter3A_318] : memref<192x128xf32, #tpu.memory_space<vmem>> -> memref<64x128xf32, #tpu.memory_space<vmem>>
      tpu.vector_store_idx %scatter3A_319[%add3A_316, %add3A_261], %gather3A_268 : memref<64x128xf32, #tpu.memory_space<vmem>>[vector<16xi32>, vector<16xi32>], vector<16xf32>,
      %add3A_320 = vector.broadcast %mul3A_263 : i32 to vector<16xi32>
      %add3A_321 = arith.addi %add3A_320, %rem3A_18 : vector<16xi32>
      %scatter3A_322 = arith.constant 64 : i32
      %scatter3A_323 = arith.constant 0 : i32
      %scatter3A_324 = tpu.memref_slice %arg19[%scatter3A_322, %scatter3A_323] : memref<192x128xf32, #tpu.memory_space<vmem>> -> memref<64x128xf32, #tpu.memory_space<vmem>>
      tpu.vector_store_idx %scatter3A_324[%add3A_321, %add3A_261], %gather3A_271 : memref<64x128xf32, #tpu.memory_space<vmem>>[vector<16xi32>, vector<16xi32>], vector<16xf32>,
      %add3A_325 = vector.broadcast %mul3A_263 : i32 to vector<16xi32>
      %add3A_326 = arith.addi %add3A_325, %rem3A_24 : vector<16xi32>
      %scatter3A_327 = arith.constant 64 : i32
      %scatter3A_328 = arith.constant 0 : i32
      %scatter3A_329 = tpu.memref_slice %arg19[%scatter3A_327, %scatter3A_328] : memref<192x128xf32, #tpu.memory_space<vmem>> -> memref<64x128xf32, #tpu.memory_space<vmem>>
      tpu.vector_store_idx %scatter3A_329[%add3A_326, %add3A_261], %gather3A_274 : memref<64x128xf32, #tpu.memory_space<vmem>>[vector<16xi32>, vector<16xi32>], vector<16xf32>,
      %add3A_330 = vector.broadcast %mul3A_263 : i32 to vector<16xi32>
      %add3A_331 = arith.addi %add3A_330, %rem3A_30 : vector<16xi32>
      %scatter3A_332 = arith.constant 64 : i32
      %scatter3A_333 = arith.constant 0 : i32
      %scatter3A_334 = tpu.memref_slice %arg19[%scatter3A_332, %scatter3A_333] : memref<192x128xf32, #tpu.memory_space<vmem>> -> memref<64x128xf32, #tpu.memory_space<vmem>>
      tpu.vector_store_idx %scatter3A_334[%add3A_331, %add3A_261], %gather3A_277 : memref<64x128xf32, #tpu.memory_space<vmem>>[vector<16xi32>, vector<16xi32>], vector<16xf32>,
      %add3A_335 = vector.broadcast %mul3A_263 : i32 to vector<16xi32>
      %add3A_336 = arith.addi %add3A_335, %rem3A_36 : vector<16xi32>
      %scatter3A_337 = arith.constant 64 : i32
      %scatter3A_338 = arith.constant 0 : i32
      %scatter3A_339 = tpu.memref_slice %arg19[%scatter3A_337, %scatter3A_338] : memref<192x128xf32, #tpu.memory_space<vmem>> -> memref<64x128xf32, #tpu.memory_space<vmem>>
      tpu.vector_store_idx %scatter3A_339[%add3A_336, %add3A_261], %gather3A_280 : memref<64x128xf32, #tpu.memory_space<vmem>>[vector<16xi32>, vector<16xi32>], vector<16xf32>,
      %add3A_340 = vector.broadcast %mul3A_263 : i32 to vector<16xi32>
      %add3A_341 = arith.addi %add3A_340, %rem3A_42 : vector<16xi32>
      %scatter3A_342 = arith.constant 64 : i32
      %scatter3A_343 = arith.constant 0 : i32
      %scatter3A_344 = tpu.memref_slice %arg19[%scatter3A_342, %scatter3A_343] : memref<192x128xf32, #tpu.memory_space<vmem>> -> memref<64x128xf32, #tpu.memory_space<vmem>>
      tpu.vector_store_idx %scatter3A_344[%add3A_341, %add3A_261], %gather3A_283 : memref<64x128xf32, #tpu.memory_space<vmem>>[vector<16xi32>, vector<16xi32>], vector<16xf32>,
      %add3A_345 = vector.broadcast %mul3A_263 : i32 to vector<16xi32>
      %add3A_346 = arith.addi %add3A_345, %rem3A_48 : vector<16xi32>
      %scatter3A_347 = arith.constant 64 : i32
      %scatter3A_348 = arith.constant 0 : i32
      %scatter3A_349 = tpu.memref_slice %arg19[%scatter3A_347, %scatter3A_348] : memref<192x128xf32, #tpu.memory_space<vmem>> -> memref<64x128xf32, #tpu.memory_space<vmem>>
      tpu.vector_store_idx %scatter3A_349[%add3A_346, %add3A_261], %gather3A_286 : memref<64x128xf32, #tpu.memory_space<vmem>>[vector<16xi32>, vector<16xi32>], vector<16xf32>,
      %add3A_350 = vector.broadcast %mul3A_263 : i32 to vector<16xi32>
      %add3A_351 = arith.addi %add3A_350, %rem3A_54 : vector<16xi32>
      %scatter3A_352 = arith.constant 64 : i32
      %scatter3A_353 = arith.constant 0 : i32
      %scatter3A_354 = tpu.memref_slice %arg19[%scatter3A_352, %scatter3A_353] : memref<192x128xf32, #tpu.memory_space<vmem>> -> memref<64x128xf32, #tpu.memory_space<vmem>>
      tpu.vector_store_idx %scatter3A_354[%add3A_351, %add3A_261], %gather3A_289 : memref<64x128xf32, #tpu.memory_space<vmem>>[vector<16xi32>, vector<16xi32>], vector<16xf32>,
      %add3A_355 = vector.broadcast %mul3A_263 : i32 to vector<16xi32>
      %add3A_356 = arith.addi %add3A_355, %rem3A_60 : vector<16xi32>
      %scatter3A_357 = arith.constant 64 : i32
      %scatter3A_358 = arith.constant 0 : i32
      %scatter3A_359 = tpu.memref_slice %arg19[%scatter3A_357, %scatter3A_358] : memref<192x128xf32, #tpu.memory_space<vmem>> -> memref<64x128xf32, #tpu.memory_space<vmem>>
      tpu.vector_store_idx %scatter3A_359[%add3A_356, %add3A_261], %gather3A_292 : memref<64x128xf32, #tpu.memory_space<vmem>>[vector<16xi32>, vector<16xi32>], vector<16xf32>,
      %add3A_360 = vector.broadcast %mul3A_263 : i32 to vector<16xi32>
      %add3A_361 = arith.addi %add3A_360, %rem3A_66 : vector<16xi32>
      %scatter3A_362 = arith.constant 64 : i32
      %scatter3A_363 = arith.constant 0 : i32
      %scatter3A_364 = tpu.memref_slice %arg19[%scatter3A_362, %scatter3A_363] : memref<192x128xf32, #tpu.memory_space<vmem>> -> memref<64x128xf32, #tpu.memory_space<vmem>>
      tpu.vector_store_idx %scatter3A_364[%add3A_361, %add3A_261], %gather3A_295 : memref<64x128xf32, #tpu.memory_space<vmem>>[vector<16xi32>, vector<16xi32>], vector<16xf32>,
      %add3A_365 = vector.broadcast %mul3A_263 : i32 to vector<16xi32>
      %add3A_366 = arith.addi %add3A_365, %rem3A_72 : vector<16xi32>
      %scatter3A_367 = arith.constant 64 : i32
      %scatter3A_368 = arith.constant 0 : i32
      %scatter3A_369 = tpu.memref_slice %arg19[%scatter3A_367, %scatter3A_368] : memref<192x128xf32, #tpu.memory_space<vmem>> -> memref<64x128xf32, #tpu.memory_space<vmem>>
      tpu.vector_store_idx %scatter3A_369[%add3A_366, %add3A_261], %gather3A_298 : memref<64x128xf32, #tpu.memory_space<vmem>>[vector<16xi32>, vector<16xi32>], vector<16xf32>,
      %add3A_370 = vector.broadcast %mul3A_263 : i32 to vector<16xi32>
      %add3A_371 = arith.addi %add3A_370, %rem3A_78 : vector<16xi32>
      %scatter3A_372 = arith.constant 64 : i32
      %scatter3A_373 = arith.constant 0 : i32
      %scatter3A_374 = tpu.memref_slice %arg19[%scatter3A_372, %scatter3A_373] : memref<192x128xf32, #tpu.memory_space<vmem>> -> memref<64x128xf32, #tpu.memory_space<vmem>>
      tpu.vector_store_idx %scatter3A_374[%add3A_371, %add3A_261], %gather3A_301 : memref<64x128xf32, #tpu.memory_space<vmem>>[vector<16xi32>, vector<16xi32>], vector<16xf32>,
      %add3A_375 = vector.broadcast %mul3A_263 : i32 to vector<16xi32>
      %add3A_376 = arith.addi %add3A_375, %rem3A_84 : vector<16xi32>
      %scatter3A_377 = arith.constant 64 : i32
      %scatter3A_378 = arith.constant 0 : i32
      %scatter3A_379 = tpu.memref_slice %arg19[%scatter3A_377, %scatter3A_378] : memref<192x128xf32, #tpu.memory_space<vmem>> -> memref<64x128xf32, #tpu.memory_space<vmem>>
      tpu.vector_store_idx %scatter3A_379[%add3A_376, %add3A_261], %gather3A_304 : memref<64x128xf32, #tpu.memory_space<vmem>>[vector<16xi32>, vector<16xi32>], vector<16xf32>,
      %add3A_380 = vector.broadcast %mul3A_263 : i32 to vector<16xi32>
      %add3A_381 = arith.addi %add3A_380, %rem3A_90 : vector<16xi32>
      %scatter3A_382 = arith.constant 64 : i32
      %scatter3A_383 = arith.constant 0 : i32
      %scatter3A_384 = tpu.memref_slice %arg19[%scatter3A_382, %scatter3A_383] : memref<192x128xf32, #tpu.memory_space<vmem>> -> memref<64x128xf32, #tpu.memory_space<vmem>>
      tpu.vector_store_idx %scatter3A_384[%add3A_381, %add3A_261], %gather3A_307 : memref<64x128xf32, #tpu.memory_space<vmem>>[vector<16xi32>, vector<16xi32>], vector<16xf32>,
      %add3A_385 = vector.broadcast %mul3A_263 : i32 to vector<16xi32>
      %add3A_386 = arith.addi %add3A_385, %rem3A_96 : vector<16xi32>
      %scatter3A_387 = arith.constant 64 : i32
      %scatter3A_388 = arith.constant 0 : i32
      %scatter3A_389 = tpu.memref_slice %arg19[%scatter3A_387, %scatter3A_388] : memref<192x128xf32, #tpu.memory_space<vmem>> -> memref<64x128xf32, #tpu.memory_space<vmem>>
      tpu.vector_store_idx %scatter3A_389[%add3A_386, %add3A_261], %gather3A_310 : memref<64x128xf32, #tpu.memory_space<vmem>>[vector<16xi32>, vector<16xi32>], vector<16xf32>,
    }
    %scan3A_245 = arith.constant 32 : i32
    %scan3A_246 = arith.constant 0 : i32
    %scan3A_247 = arith.constant 0 : i32
    %scan3A_248 = arith.constant 32 : i32
    %scan3A_249 = arith.addi %scan3A_247, %scan3A_248 : i32
    %scan3A_250 = arith.constant 1 : i32
    scf.for %scan3A_254 = %scan3A_247 to %scan3A_249 step %scan3A_250  : i32 {
      %div3A = arith.constant 4 : i32
      %div3A_255 = arith.divsi %scan3A_254, %div3A : i32
      %rem3A_256 = arith.constant 4 : i32
      %rem3A_257 = arith.remsi %scan3A_254, %rem3A_256 : i32
      %mul3A_258 = arith.constant 16 : i32
      %mul3A_259 = arith.muli %div3A_255, %mul3A_258 : i32
      %add3A_260 = vector.broadcast %mul3A_259 : i32 to vector<16xi32>
      %add3A_261 = arith.addi %add3A_260, %iota3A : vector<16xi32>
      %mul3A_262 = arith.constant 16 : i32
      %mul3A_263 = arith.muli %rem3A_257, %mul3A_262 : i32
      %add3A_264 = vector.broadcast %mul3A_263 : i32 to vector<16xi32>
      %add3A_265 = arith.addi %add3A_264, %rem3A : vector<16xi32>
      %gather3A = tpu.vector_load_idx %arg18[%add3A_261, %add3A_265] : memref<128x128xf32, #tpu.memory_space<vmem>>[vector<16xi32>, vector<16xi32>], vector<16xf32>,
      %add3A_266 = vector.broadcast %mul3A_263 : i32 to vector<16xi32>
      %add3A_267 = arith.addi %add3A_266, %rem3A_12 : vector<16xi32>
      %gather3A_268 = tpu.vector_load_idx %arg18[%add3A_261, %add3A_267] : memref<128x128xf32, #tpu.memory_space<vmem>>[vector<16xi32>, vector<16xi32>], vector<16xf32>,
      %add3A_269 = vector.broadcast %mul3A_263 : i32 to vector<16xi32>
      %add3A_270 = arith.addi %add3A_269, %rem3A_18 : vector<16xi32>
      %gather3A_271 = tpu.vector_load_idx %arg18[%add3A_261, %add3A_270] : memref<128x128xf32, #tpu.memory_space<vmem>>[vector<16xi32>, vector<16xi32>], vector<16xf32>,
      %add3A_272 = vector.broadcast %mul3A_263 : i32 to vector<16xi32>
      %add3A_273 = arith.addi %add3A_272, %rem3A_24 : vector<16xi32>
      %gather3A_274 = tpu.vector_load_idx %arg18[%add3A_261, %add3A_273] : memref<128x128xf32, #tpu.memory_space<vmem>>[vector<16xi32>, vector<16xi32>], vector<16xf32>,
      %add3A_275 = vector.broadcast %mul3A_263 : i32 to vector<16xi32>
      %add3A_276 = arith.addi %add3A_275, %rem3A_30 : vector<16xi32>
      %gather3A_277 = tpu.vector_load_idx %arg18[%add3A_261, %add3A_276] : memref<128x128xf32, #tpu.memory_space<vmem>>[vector<16xi32>, vector<16xi32>], vector<16xf32>,
      %add3A_278 = vector.broadcast %mul3A_263 : i32 to vector<16xi32>
      %add3A_279 = arith.addi %add3A_278, %rem3A_36 : vector<16xi32>
      %gather3A_280 = tpu.vector_load_idx %arg18[%add3A_261, %add3A_279] : memref<128x128xf32, #tpu.memory_space<vmem>>[vector<16xi32>, vector<16xi32>], vector<16xf32>,
      %add3A_281 = vector.broadcast %mul3A_263 : i32 to vector<16xi32>
      %add3A_282 = arith.addi %add3A_281, %rem3A_42 : vector<16xi32>
      %gather3A_283 = tpu.vector_load_idx %arg18[%add3A_261, %add3A_282] : memref<128x128xf32, #tpu.memory_space<vmem>>[vector<16xi32>, vector<16xi32>], vector<16xf32>,
      %add3A_284 = vector.broadcast %mul3A_263 : i32 to vector<16xi32>
      %add3A_285 = arith.addi %add3A_284, %rem3A_48 : vector<16xi32>
      %gather3A_286 = tpu.vector_load_idx %arg18[%add3A_261, %add3A_285] : memref<128x128xf32, #tpu.memory_space<vmem>>[vector<16xi32>, vector<16xi32>], vector<16xf32>,
      %add3A_287 = vector.broadcast %mul3A_263 : i32 to vector<16xi32>
      %add3A_288 = arith.addi %add3A_287, %rem3A_54 : vector<16xi32>
      %gather3A_289 = tpu.vector_load_idx %arg18[%add3A_261, %add3A_288] : memref<128x128xf32, #tpu.memory_space<vmem>>[vector<16xi32>, vector<16xi32>], vector<16xf32>,
      %add3A_290 = vector.broadcast %mul3A_263 : i32 to vector<16xi32>
      %add3A_291 = arith.addi %add3A_290, %rem3A_60 : vector<16xi32>
      %gather3A_292 = tpu.vector_load_idx %arg18[%add3A_261, %add3A_291] : memref<128x128xf32, #tpu.memory_space<vmem>>[vector<16xi32>, vector<16xi32>], vector<16xf32>,
      %add3A_293 = vector.broadcast %mul3A_263 : i32 to vector<16xi32>
      %add3A_294 = arith.addi %add3A_293, %rem3A_66 : vector<16xi32>
      %gather3A_295 = tpu.vector_load_idx %arg18[%add3A_261, %add3A_294] : memref<128x128xf32, #tpu.memory_space<vmem>>[vector<16xi32>, vector<16xi32>], vector<16xf32>,
      %add3A_296 = vector.broadcast %mul3A_263 : i32 to vector<16xi32>
      %add3A_297 = arith.addi %add3A_296, %rem3A_72 : vector<16xi32>
      %gather3A_298 = tpu.vector_load_idx %arg18[%add3A_261, %add3A_297] : memref<128x128xf32, #tpu.memory_space<vmem>>[vector<16xi32>, vector<16xi32>], vector<16xf32>,
      %add3A_299 = vector.broadcast %mul3A_263 : i32 to vector<16xi32>
      %add3A_300 = arith.addi %add3A_299, %rem3A_78 : vector<16xi32>
      %gather3A_301 = tpu.vector_load_idx %arg18[%add3A_261, %add3A_300] : memref<128x128xf32, #tpu.memory_space<vmem>>[vector<16xi32>, vector<16xi32>], vector<16xf32>,
      %add3A_302 = vector.broadcast %mul3A_263 : i32 to vector<16xi32>
      %add3A_303 = arith.addi %add3A_302, %rem3A_84 : vector<16xi32>
      %gather3A_304 = tpu.vector_load_idx %arg18[%add3A_261, %add3A_303] : memref<128x128xf32, #tpu.memory_space<vmem>>[vector<16xi32>, vector<16xi32>], vector<16xf32>,
      %add3A_305 = vector.broadcast %mul3A_263 : i32 to vector<16xi32>
      %add3A_306 = arith.addi %add3A_305, %rem3A_90 : vector<16xi32>
      %gather3A_307 = tpu.vector_load_idx %arg18[%add3A_261, %add3A_306] : memref<128x128xf32, #tpu.memory_space<vmem>>[vector<16xi32>, vector<16xi32>], vector<16xf32>,
      %add3A_308 = vector.broadcast %mul3A_263 : i32 to vector<16xi32>
      %add3A_309 = arith.addi %add3A_308, %rem3A_96 : vector<16xi32>
      %gather3A_310 = tpu.vector_load_idx %arg18[%add3A_261, %add3A_309] : memref<128x128xf32, #tpu.memory_space<vmem>>[vector<16xi32>, vector<16xi32>], vector<16xf32>,
      %add3A_311 = vector.broadcast %mul3A_263 : i32 to vector<16xi32>
      %add3A_312 = arith.addi %add3A_311, %rem3A : vector<16xi32>
      %scatter3A = arith.constant 128 : i32
      %scatter3A_313 = arith.constant 0 : i32
      %scatter3A_314 = tpu.memref_slice %arg19[%scatter3A, %scatter3A_313] : memref<192x128xf32, #tpu.memory_space<vmem>> -> memref<64x128xf32, #tpu.memory_space<vmem>>
      tpu.vector_store_idx %scatter3A_314[%add3A_312, %add3A_261], %gather3A : memref<64x128xf32, #tpu.memory_space<vmem>>[vector<16xi32>, vector<16xi32>], vector<16xf32>,
      %add3A_315 = vector.broadcast %mul3A_263 : i32 to vector<16xi32>
      %add3A_316 = arith.addi %add3A_315, %rem3A_12 : vector<16xi32>
      %scatter3A_317 = arith.constant 128 : i32
      %scatter3A_318 = arith.constant 0 : i32
      %scatter3A_319 = tpu.memref_slice %arg19[%scatter3A_317, %scatter3A_318] : memref<192x128xf32, #tpu.memory_space<vmem>> -> memref<64x128xf32, #tpu.memory_space<vmem>>
      tpu.vector_store_idx %scatter3A_319[%add3A_316, %add3A_261], %gather3A_268 : memref<64x128xf32, #tpu.memory_space<vmem>>[vector<16xi32>, vector<16xi32>], vector<16xf32>,
      %add3A_320 = vector.broadcast %mul3A_263 : i32 to vector<16xi32>
      %add3A_321 = arith.addi %add3A_320, %rem3A_18 : vector<16xi32>
      %scatter3A_322 = arith.constant 128 : i32
      %scatter3A_323 = arith.constant 0 : i32
      %scatter3A_324 = tpu.memref_slice %arg19[%scatter3A_322, %scatter3A_323] : memref<192x128xf32, #tpu.memory_space<vmem>> -> memref<64x128xf32, #tpu.memory_space<vmem>>
      tpu.vector_store_idx %scatter3A_324[%add3A_321, %add3A_261], %gather3A_271 : memref<64x128xf32, #tpu.memory_space<vmem>>[vector<16xi32>, vector<16xi32>], vector<16xf32>,
      %add3A_325 = vector.broadcast %mul3A_263 : i32 to vector<16xi32>
      %add3A_326 = arith.addi %add3A_325, %rem3A_24 : vector<16xi32>
      %scatter3A_327 = arith.constant 128 : i32
      %scatter3A_328 = arith.constant 0 : i32
      %scatter3A_329 = tpu.memref_slice %arg19[%scatter3A_327, %scatter3A_328] : memref<192x128xf32, #tpu.memory_space<vmem>> -> memref<64x128xf32, #tpu.memory_space<vmem>>
      tpu.vector_store_idx %scatter3A_329[%add3A_326, %add3A_261], %gather3A_274 : memref<64x128xf32, #tpu.memory_space<vmem>>[vector<16xi32>, vector<16xi32>], vector<16xf32>,
      %add3A_330 = vector.broadcast %mul3A_263 : i32 to vector<16xi32>
      %add3A_331 = arith.addi %add3A_330, %rem3A_30 : vector<16xi32>
      %scatter3A_332 = arith.constant 128 : i32
      %scatter3A_333 = arith.constant 0 : i32
      %scatter3A_334 = tpu.memref_slice %arg19[%scatter3A_332, %scatter3A_333] : memref<192x128xf32, #tpu.memory_space<vmem>> -> memref<64x128xf32, #tpu.memory_space<vmem>>
      tpu.vector_store_idx %scatter3A_334[%add3A_331, %add3A_261], %gather3A_277 : memref<64x128xf32, #tpu.memory_space<vmem>>[vector<16xi32>, vector<16xi32>], vector<16xf32>,
      %add3A_335 = vector.broadcast %mul3A_263 : i32 to vector<16xi32>
      %add3A_336 = arith.addi %add3A_335, %rem3A_36 : vector<16xi32>
      %scatter3A_337 = arith.constant 128 : i32
      %scatter3A_338 = arith.constant 0 : i32
      %scatter3A_339 = tpu.memref_slice %arg19[%scatter3A_337, %scatter3A_338] : memref<192x128xf32, #tpu.memory_space<vmem>> -> memref<64x128xf32, #tpu.memory_space<vmem>>
      tpu.vector_store_idx %scatter3A_339[%add3A_336, %add3A_261], %gather3A_280 : memref<64x128xf32, #tpu.memory_space<vmem>>[vector<16xi32>, vector<16xi32>], vector<16xf32>,
      %add3A_340 = vector.broadcast %mul3A_263 : i32 to vector<16xi32>
      %add3A_341 = arith.addi %add3A_340, %rem3A_42 : vector<16xi32>
      %scatter3A_342 = arith.constant 128 : i32
      %scatter3A_343 = arith.constant 0 : i32
      %scatter3A_344 = tpu.memref_slice %arg19[%scatter3A_342, %scatter3A_343] : memref<192x128xf32, #tpu.memory_space<vmem>> -> memref<64x128xf32, #tpu.memory_space<vmem>>
      tpu.vector_store_idx %scatter3A_344[%add3A_341, %add3A_261], %gather3A_283 : memref<64x128xf32, #tpu.memory_space<vmem>>[vector<16xi32>, vector<16xi32>], vector<16xf32>,
      %add3A_345 = vector.broadcast %mul3A_263 : i32 to vector<16xi32>
      %add3A_346 = arith.addi %add3A_345, %rem3A_48 : vector<16xi32>
      %scatter3A_347 = arith.constant 128 : i32
      %scatter3A_348 = arith.constant 0 : i32
      %scatter3A_349 = tpu.memref_slice %arg19[%scatter3A_347, %scatter3A_348] : memref<192x128xf32, #tpu.memory_space<vmem>> -> memref<64x128xf32, #tpu.memory_space<vmem>>
      tpu.vector_store_idx %scatter3A_349[%add3A_346, %add3A_261], %gather3A_286 : memref<64x128xf32, #tpu.memory_space<vmem>>[vector<16xi32>, vector<16xi32>], vector<16xf32>,
      %add3A_350 = vector.broadcast %mul3A_263 : i32 to vector<16xi32>
      %add3A_351 = arith.addi %add3A_350, %rem3A_54 : vector<16xi32>
      %scatter3A_352 = arith.constant 128 : i32
      %scatter3A_353 = arith.constant 0 : i32
      %scatter3A_354 = tpu.memref_slice %arg19[%scatter3A_352, %scatter3A_353] : memref<192x128xf32, #tpu.memory_space<vmem>> -> memref<64x128xf32, #tpu.memory_space<vmem>>
      tpu.vector_store_idx %scatter3A_354[%add3A_351, %add3A_261], %gather3A_289 : memref<64x128xf32, #tpu.memory_space<vmem>>[vector<16xi32>, vector<16xi32>], vector<16xf32>,
      %add3A_355 = vector.broadcast %mul3A_263 : i32 to vector<16xi32>
      %add3A_356 = arith.addi %add3A_355, %rem3A_60 : vector<16xi32>
      %scatter3A_357 = arith.constant 128 : i32
      %scatter3A_358 = arith.constant 0 : i32
      %scatter3A_359 = tpu.memref_slice %arg19[%scatter3A_357, %scatter3A_358] : memref<192x128xf32, #tpu.memory_space<vmem>> -> memref<64x128xf32, #tpu.memory_space<vmem>>
      tpu.vector_store_idx %scatter3A_359[%add3A_356, %add3A_261], %gather3A_292 : memref<64x128xf32, #tpu.memory_space<vmem>>[vector<16xi32>, vector<16xi32>], vector<16xf32>,
      %add3A_360 = vector.broadcast %mul3A_263 : i32 to vector<16xi32>
      %add3A_361 = arith.addi %add3A_360, %rem3A_66 : vector<16xi32>
      %scatter3A_362 = arith.constant 128 : i32
      %scatter3A_363 = arith.constant 0 : i32
      %scatter3A_364 = tpu.memref_slice %arg19[%scatter3A_362, %scatter3A_363] : memref<192x128xf32, #tpu.memory_space<vmem>> -> memref<64x128xf32, #tpu.memory_space<vmem>>
      tpu.vector_store_idx %scatter3A_364[%add3A_361, %add3A_261], %gather3A_295 : memref<64x128xf32, #tpu.memory_space<vmem>>[vector<16xi32>, vector<16xi32>], vector<16xf32>,
      %add3A_365 = vector.broadcast %mul3A_263 : i32 to vector<16xi32>
      %add3A_366 = arith.addi %add3A_365, %rem3A_72 : vector<16xi32>
      %scatter3A_367 = arith.constant 128 : i32
      %scatter3A_368 = arith.constant 0 : i32
      %scatter3A_369 = tpu.memref_slice %arg19[%scatter3A_367, %scatter3A_368] : memref<192x128xf32, #tpu.memory_space<vmem>> -> memref<64x128xf32, #tpu.memory_space<vmem>>
      tpu.vector_store_idx %scatter3A_369[%add3A_366, %add3A_261], %gather3A_298 : memref<64x128xf32, #tpu.memory_space<vmem>>[vector<16xi32>, vector<16xi32>], vector<16xf32>,
      %add3A_370 = vector.broadcast %mul3A_263 : i32 to vector<16xi32>
      %add3A_371 = arith.addi %add3A_370, %rem3A_78 : vector<16xi32>
      %scatter3A_372 = arith.constant 128 : i32
      %scatter3A_373 = arith.constant 0 : i32
      %scatter3A_374 = tpu.memref_slice %arg19[%scatter3A_372, %scatter3A_373] : memref<192x128xf32, #tpu.memory_space<vmem>> -> memref<64x128xf32, #tpu.memory_space<vmem>>
      tpu.vector_store_idx %scatter3A_374[%add3A_371, %add3A_261], %gather3A_301 : memref<64x128xf32, #tpu.memory_space<vmem>>[vector<16xi32>, vector<16xi32>], vector<16xf32>,
      %add3A_375 = vector.broadcast %mul3A_263 : i32 to vector<16xi32>
      %add3A_376 = arith.addi %add3A_375, %rem3A_84 : vector<16xi32>
      %scatter3A_377 = arith.constant 128 : i32
      %scatter3A_378 = arith.constant 0 : i32
      %scatter3A_379 = tpu.memref_slice %arg19[%scatter3A_377, %scatter3A_378] : memref<192x128xf32, #tpu.memory_space<vmem>> -> memref<64x128xf32, #tpu.memory_space<vmem>>
      tpu.vector_store_idx %scatter3A_379[%add3A_376, %add3A_261], %gather3A_304 : memref<64x128xf32, #tpu.memory_space<vmem>>[vector<16xi32>, vector<16xi32>], vector<16xf32>,
      %add3A_380 = vector.broadcast %mul3A_263 : i32 to vector<16xi32>
      %add3A_381 = arith.addi %add3A_380, %rem3A_90 : vector<16xi32>
      %scatter3A_382 = arith.constant 128 : i32
      %scatter3A_383 = arith.constant 0 : i32
      %scatter3A_384 = tpu.memref_slice %arg19[%scatter3A_382, %scatter3A_383] : memref<192x128xf32, #tpu.memory_space<vmem>> -> memref<64x128xf32, #tpu.memory_space<vmem>>
      tpu.vector_store_idx %scatter3A_384[%add3A_381, %add3A_261], %gather3A_307 : memref<64x128xf32, #tpu.memory_space<vmem>>[vector<16xi32>, vector<16xi32>], vector<16xf32>,
      %add3A_385 = vector.broadcast %mul3A_263 : i32 to vector<16xi32>
      %add3A_386 = arith.addi %add3A_385, %rem3A_96 : vector<16xi32>
      %scatter3A_387 = arith.constant 128 : i32
      %scatter3A_388 = arith.constant 0 : i32
      %scatter3A_389 = tpu.memref_slice %arg19[%scatter3A_387, %scatter3A_388] : memref<192x128xf32, #tpu.memory_space<vmem>> -> memref<64x128xf32, #tpu.memory_space<vmem>>
      tpu.vector_store_idx %scatter3A_389[%add3A_386, %add3A_261], %gather3A_310 : memref<64x128xf32, #tpu.memory_space<vmem>>[vector<16xi32>, vector<16xi32>], vector<16xf32>,
    }
    %scan3A_251 = arith.constant 32 : i32
    %add3A_252 = arith.constant 384 : i32
    %add3A_253 = arith.addi %mul3A_2, %add3A_252 : i32
    "tpu.region"() ({
      %run_scoped3A = tpu.sem_alloc : memref<!tpu.dma_semaphore, #tpu.memory_space<semaphore_mem>>
      %dma_start3A_254 = arith.constant 0 : i32
      %dma_start3A_255 = tpu.memref_slice %arg6[%dma_start3A_254, %add3A_253] : memref<192x16384xf32, #tpu.memory_space<hbm>> -> memref<192x128xf32, #tpu.memory_space<hbm>>
      %dma_start3A_256 = arith.constant 0 : i32
      %dma_start3A_257 = tpu.memref_slice %arg6[%dma_start3A_256, %add3A_253] : memref<192x16384xf32, #tpu.memory_space<hbm>> -> memref<192x128xf32, #tpu.memory_space<hbm>>
      tpu.enqueue_dma source(%arg19 : memref<192x128xf32, #tpu.memory_space<vmem>>) target(%dma_start3A_257 : memref<192x128xf32, #tpu.memory_space<hbm>>) target_semaphore(%run_scoped3A : memref<!tpu.dma_semaphore, #tpu.memory_space<semaphore_mem>>)
      %dma_wait3A_258 = arith.constant 0 : i32
      %dma_wait3A_259 = tpu.memref_slice %arg6[%dma_wait3A_258, %add3A_253] : memref<192x16384xf32, #tpu.memory_space<hbm>> -> memref<192x128xf32, #tpu.memory_space<hbm>>
      %dma_wait3A_260 = arith.constant 0 : i32
      %dma_wait3A_261 = tpu.memref_slice %arg6[%dma_wait3A_260, %add3A_253] : memref<192x16384xf32, #tpu.memory_space<hbm>> -> memref<192x128xf32, #tpu.memory_space<hbm>>
      tpu.wait_dma2 semaphore(%run_scoped3A : memref<!tpu.dma_semaphore, #tpu.memory_space<semaphore_mem>>) src(%arg19 : memref<192x128xf32, #tpu.memory_space<vmem>>) dst(%dma_wait3A_261 : memref<192x128xf32, #tpu.memory_space<hbm>>)
      tpu.yield
    }) : () -> ()
    return
  }
}

</mosaic_0001>

<sc_bundles>
// kernel: _lookup_concat.3.cloned.1.call-start
scs
__scs_entry_jumppad:
0x0: {  	(pc) =	sbr.rel $0x88, $3  }
0x1: {  	(tag) =	ssettag $0x0;
	lr =	simm.s32 $0x1  }
0x2: {  	[smem:$0x3F9B] =	sst lr;
	_ =	strace $0xD0000000  }
0x3: {  	_ = 	snop  }
0x4: {  	_ = 	snop  }
0x5: {  	_ = 	snop  }
0x6: {  	_ = 	snop  }
0x7: {  	_ = 	snop  }
__scs_overlays_trampoline_lowered:
0x8: {  	[smem:$0x3FAA] =	sst s0  }
0x9: {  	[smem:$0x3FAB] =	sst s1  }
0xa: {  	[smem:$0x3FAC] =	sst s2  }
0xb: {  	[smem:$0x3FAD] =	sst s3  }
0xc: {  	[smem:$0x3FAE] =	sst s4  }
0xd: {  	[smem:$0x3FAF] =	sst s5  }
0xe: {  	[smem:$0x3FB0] =	sst s6  }
0xf: {  	[smem:$0x3FB1] =	sst s7  }
0x10: {  	[smem:$0x3FB2] =	sst s8  }
0x11: {  	[smem:$0x3FB3] =	sst s9;
	s0 =	simm.s32 @!p0 $0x0  }
0x12: {  	s1 =	sld [smem:$0x3F99];
	s0 =	simm.s32 @p0 $0x1  }
0x13: {  	[smem:$0x3FB4] =	sst s0;
	s0 =	simm.s32 @!p1 $0x0  }
0x14: {  	s2 =	sld [smem:$0x3F98];
	s0 =	simm.s32 @p1 $0x1  }
0x15: {  	[smem:$0x3FB5] =	sst s0;
	s0 =	simm.s32 @!p2 $0x0  }
0x16: {  	s3 =	sld [smem:$0x3FDB];
	s0 =	simm.s32 @p2 $0x1  }
0x17: {  	s4 =	simm.s32 $0x1BF5;
	[smem:$0x3FB7] =	sst s0  }
0x18: {  	s0 =	sld [smem:$0x3F9A];
	_ =	swait.ge [sflag:s4], $0x0  }
0x19: {  	s7 =	sld [smem:$0x3F9B]  }
0x1a: {  	s8 =	sadd.s32 $0xFFFFE003, lr  }
0x1b: {  	s9 =	sadd.s32 $0xFFFFFEF7, lr;
	s5 =	simm.s32 $0xFFFFFFFF;
	p2 =	slt.u32 s8, $0xFFFFF086  }
0x1c: {  	p1 =	slt.u32 s9, $0xF7A;
	s5 =	simm.s32 @!p2 $0x0  }
0x1d: {  	s5 =	simm.s32 @p1 $0x1;
	p0 =	seq.s32 s7, s2  }
0x1e: {  	s7 =	smul.u32 @!p0 $0xF7A, s2;
	p2 =	seq.s32 @!p0 s5, $0x0  }
0x1f: {  	s9 =	smul.u32 $0xF7A, s1;
	s8 =	simm.s32 @!p0 $0x1BF5;
	p2 =	por !p2, p0  }
0x20: {  	[sflag:s8] =	ssyncset.s32 @!p0 $0xFFFFF086;
	s6 =	sadd.s32 @!p0 s3, s7;
	s7 =	simm.s32 @!p0 $0x108  }
0x21: {  	s3 =	sadd.s32 s3, s9;
	s6 =	sadd.s32 @!p0 $0x88, s6;
	s7 =	simm.s32 @p2 $0x1082  }
0x22: {  	[simem:s7], [sflag:s8] =	dma.local @!p0 [hbm:s6], $0xF7A  }
0x23: {  	s9 =	sor.u32 $0xD0000000, s2;
	s6 =	simm.s32 $0x108;
	_ =	swait.ge @!p0 [sflag:s8], $0x0  }
0x24: {  	s3 =	sadd.s32 $0x88, s3;
	s6 =	simm.s32 @!p1 $0x1082;
	[sflag:s4] =	ssyncset.s32 $0xFFFFF086  }
0x25: {  	[simem:s6], [sflag:s4] =	dma.local [hbm:s3], $0xF7A  }
0x26: {  	[smem:$0x3F9B] =	sst s1;
	(tag) =	ssettag s2;
	_ =	strace s9  }
0x27: {  	s1 =	sld [smem:$0x3FAB]  }
0x28: {  	s2 =	sld [smem:$0x3FAC]  }
0x29: {  	s4 =	sld [smem:$0x3FAE]  }
0x2a: {  	p0 =	seq.s32 s5, $0x0;
	s5 =	sld [smem:$0x3FAF]  }
0x2b: {  	s6 =	sld [smem:$0x3FB0]  }
0x2c: {  	s7 =	sld [smem:$0x3FB1]  }
0x2d: {  	s3 =	simm.s32 $0x108;
	s8 =	sld [smem:$0x3FB2]  }
0x2e: {  	s3 =	simm.s32 @!p0 $0x1082;
	s9 =	sld [smem:$0x3FB3]  }
0x2f: {  	lr =	sadd.s32 s0, s3;
	s0 =	sld [smem:$0x3FAA]  }
0x30: {  	s3 =	sld [smem:$0x3FAD]  }
0x31: {  	[smem:$0x3FB6] =	sst s10  }
0x32: {  	s10 =	sld [smem:$0x3FB4];
	_ =	sdelay $0x3  }
0x33: {  	p0 =	seq.s32 s10, $0x1;
	s10 =	sld [smem:$0x3FB6];
	_ =	sdelay $0x3  }
0x34: {  	[smem:$0x3FB6] =	sst s10  }
0x35: {  	s10 =	sld [smem:$0x3FB5];
	_ =	sdelay $0x3  }
0x36: {  	p1 =	seq.s32 s10, $0x1;
	s10 =	sld [smem:$0x3FB6];
	_ =	sdelay $0x3  }
0x37: {  	[smem:$0x3FB6] =	sst s10  }
0x38: {  	s10 =	sld [smem:$0x3FB7]  }
0x39: {  	_ = 	snop;
	(pc) =	sbr.ind lr, $3  }
0x3a: {  	_ = 	snop  }
0x3b: {  	_ = 	snop  }
0x3c: {  	p2 =	seq.s32 s10, $0x1;
	s10 =	sld [smem:$0x3FB6]  }
0x3d: {  	_ =	shalt  }
0x3e: {  	_ =	shalt  }
0x3f: {  	_ =	shalt  }
0x40: {  	_ =	shalt  }
0x41: {  	_ =	shalt  }
0x42: {  	_ =	shalt  }
0x43: {  	_ =	shalt  }
0x44: {  	_ =	shalt  }
0x45: {  	_ =	shalt  }
0x46: {  	_ =	shalt  }
0x47: {  	_ =	shalt  }
0x48: {  	_ =	shalt  }
0x49: {  	_ =	shalt  }
0x4a: {  	_ =	shalt  }
0x4b: {  	_ =	shalt  }
0x4c: {  	_ =	shalt  }
0x4d: {  	_ =	shalt  }
0x4e: {  	_ =	shalt  }
0x4f: {  	_ =	shalt  }
0x50: {  	_ =	shalt  }
0x51: {  	_ =	shalt  }
0x52: {  	_ =	shalt  }
0x53: {  	_ =	shalt  }
0x54: {  	_ =	shalt  }
0x55: {  	_ =	shalt  }
0x56: {  	_ =	shalt  }
0x57: {  	_ =	shalt  }
0x58: {  	_ =	shalt  }
0x59: {  	_ =	shalt  }
0x5a: {  	_ =	shalt  }
0x5b: {  	_ =	shalt  }
0x5c: {  	_ =	shalt  }
0x5d: {  	_ =	shalt  }
0x5e: {  	_ =	shalt  }
0x5f: {  	_ =	shalt  }
0x60: {  	_ =	shalt  }
0x61: {  	_ =	shalt  }
0x62: {  	_ =	shalt  }
0x63: {  	_ =	shalt  }
0x64: {  	_ =	shalt  }
0x65: {  	_ =	shalt  }
0x66: {  	_ =	shalt  }
0x67: {  	_ =	shalt  }
0x68: {  	_ =	shalt  }
0x69: {  	_ =	shalt  }
0x6a: {  	_ =	shalt  }
0x6b: {  	_ =	shalt  }
0x6c: {  	_ =	shalt  }
0x6d: {  	_ =	shalt  }
0x6e: {  	_ =	shalt  }
0x6f: {  	_ =	shalt  }
0x70: {  	_ =	shalt  }
0x71: {  	_ =	shalt  }
0x72: {  	_ =	shalt  }
0x73: {  	_ =	shalt  }
0x74: {  	_ =	shalt  }
0x75: {  	_ =	shalt  }
0x76: {  	_ =	shalt  }
0x77: {  	_ =	shalt  }
0x78: {  	_ =	shalt  }
0x79: {  	_ =	shalt  }
0x7a: {  	_ =	shalt  }
0x7b: {  	_ =	shalt  }
0x7c: {  	_ =	shalt  }
0x7d: {  	_ =	shalt  }
0x7e: {  	_ =	shalt  }
0x7f: {  	_ =	shalt  }
0x80: {  	_ =	shalt  }
0x81: {  	_ =	shalt  }
0x82: {  	_ =	shalt  }
0x83: {  	_ =	shalt  }
0x84: {  	_ =	shalt  }
0x85: {  	_ =	shalt  }
0x86: {  	_ =	shalt  }
0x87: {  	_ =	shalt  }
.Lfunc_end0:
.L_simem_size_0:
called_computation_lowered:
.L_overlay_start_0:
0x88: {  	s2 =	sld [smem:$0x3FD9]  }
0x89: {  	s3 =	sld [smem:$0x3FFE];
	_ =	sdelay $0x1  }
0x8a: {  	s1 =	srdreg.scid  }
0x8b: {  	s0 =	sand.u32 $0x1, s1  }
0x8c: {  	s17 =	sshll.u32 s0, $0xA;
	s2 =	sadd.s32 s3, s2  }
0x8d: {  	s2 =	sadd.s32 s2, s17  }
0x8e: {  	[smem:$0x3FC2] =	sst s2  }
0x8f: {  	_ = 	snop  }
0x90: {  	s2 =	sld [smem:$0x3FC9]  }
0x91: {  	s18 =	sld [smem:$0x3FD0];
	(tm) =	ssettm $0x1  }
0x92: {  	s4 =	sld [smem:$0x3FFB];
	_ =	sdelay $0x3  }
0x93: {  	_ =	strace s4  }
0x94: {  	s4 =	sld [smem:$0x3FFC];
	_ =	sdelay $0x3  }
0x95: {  	_ =	strace s4  }
0x96: {  	s4 =	sld [smem:$0x3FFD];
	_ =	sdelay $0x3  }
0x97: {  	_ =	strace s4  }
0x98: {  	_ =	strace $0x8FFFFFFF  }
0x99: {  	s19 =	sld [smem:$0x3FDB];
	_ =	sdelay $0x1  }
0x9a: {  	s5 =	simm.s32 $_scs_section_size  }
0x9b: {  	s6 =	simm.s32 $_size__tile_overlayer_lowered;
	s7 =	simm.s32 $_tile_overlayer_lowered  }
0x9c: {  	s22 =	simm.s32 $0x1BFF;
	s21 =	sshll.u32 s7, $0x1;
	s4 =	sadd.s32 s5, s19  }
0x9d: {  	s8 =	simm.s32 $0x0;
	s20 =	sshll.u32 s6, $0x1;
	s6 =	sadd.s32 s21, s4  }
0x9e: {  	[timem:s8], [sflag:s22] =	dma.local [hbm:s6], s20  }
0x9f: {  	_ =	swait.ge [sflag:s22], s20  }
0xa0: {  	s5 =	ssub.s32 $0x0, s20;
	[sflag:s22] =	ssyncset.done $0x0  }
0xa1: {  	[sflag:s22] =	ssyncadd.s32 s5;
	_ =	sdelay $0x1  }
0xa2: {  	s23 =	simm.s32 $0x1B8B  }
0xa3: {  	_ =	swait.ge [sflag:s23], $0x1  }
0xa4: {  	[sflag:s23] =	ssyncset.done $0x0  }
0xa5: {  	s25 =	simm.s32 $0x1B8E;
	s24 =	sld [smem:$0x3FFE];
	[sflag:s23] =	ssyncadd.s32 $0xFFFFFFFF  }
0xa6: {  	s26 =	simm.s32 $execute0_lowered;
	[smem:$0x3FD2] =	sst s25  }
0xa7: {  	s6 =	sshll.u32 s26, $0x1;
	_ =	strace $0x80000046;
	[dreg:$0x1] =	wrdreg $0xFFFFFFFF  }
0xa8: {  	s28 =	simm.s32 $_size_execute0_lowered;
	s4 =	sadd.s32 s4, s6;
	[dreg:$0x0] =	wrdreg $0x0  }
0xa9: {  	s6 =	sshll.u32 s28, $0x1;
	[dreg:$0x2] =	wrdreg s4  }
0xaa: {  	[dreg:$0x3] =	wrdreg s6  }
0xab: {  	[dreg:$0x4] =	wrdreg $0xC0  }
0xac: {  	_ =	task [dreg:s8], $0x5FFFF  }
0xad: {  	[dreg:$0x1] =	wrdreg $0xFFFFFFFF  }
0xae: {  	[dreg:$0x0] =	wrdreg $0x60  }
0xaf: {  	[dreg:$0x2] =	wrdreg s2  }
0xb0: {  	[dreg:$0x3] =	wrdreg s24  }
0xb1: {  	[dreg:$0x4] =	wrdreg s18  }
0xb2: {  	[dreg:$0x5] =	wrdreg $0x9  }
0xb3: {  	_ =	task.clear_ibuf [dreg:s8], $0x6FFFF;
	_ =	strace $0x90000046  }
0xb4: {  	s29 =	simm.s32 $0x9;
	_ =	strace $0x80000048  }
0xb5: {  	_ =	swait.ge [sflag:s29], $0x1  }
0xb6: {  	[sflag:s29] =	ssyncadd.s32 $0xFFFFFFFF  }
0xb7: {  	_ =	strace $0x90000048  }
0xb8: {  	_ =	sfence  }
0xb9: {  	s30 =	sld [smem:$0x0];
	_ =	sdelay $0x2  }
0xba: {  	s31 =	sshll.u32 s1, $0xD;
	s1 =	sshrl.u32 s1, $0x2  }
0xbb: {  	s3 =	sand.u32 $0x4000, s31;
	s1 =	sadd.s32 s1, s30  }
0xbc: {  	s0 =	sor.u32 s3, s0;
	s1 =	sshll.u32 s1, $0x11  }
0xbd: {  	s0 =	sor.u32 s1, s0  }
0xbe: {  	s0 =	sadd.s32 $0x8F2B, s0  }
0xbf: {  	[sflag:s0] =	ssyncadd.remote.s32 $0x1  }
0xc0: {  	_ =	sfence.sel $0xFFFF  }
0xc1: {  	[dreg:$0x0] =	wrdreg $0xFFFFFFFF;
	(pc) =	sbr.abs _section_cstart, $3  }
0xc2: {  	[dreg:$0x1] =	wrdreg $0xFFFFFFFF  }
0xc3: {  	_ =	task.clear_ibuf [dreg:s8], $0x2FFFF;
	_ =	strace $0x9FFFFFFF  }
0xc4: {  	(tm) =	ssettm $0x7FFFFFFF  }
0xc5: {  	_ =	shalt  }
tec
execute0_lowered:
.L_overlay_start_1:
0x0: {  	(tag) =	ssettag $0x1  }
0x1: {  	v0 =	vimm.s32 $0xFEDCBA9;
	s2 =	rddreg [dreg:$0x0]  }
0x2: {  	v2 =	vimm.s32 $0x87654321;
	s3 =	rddreg [dreg:$0x1];
	v3 =	vimm.s32 $0x98765432;
	v4 =	vimm.s32 $0x210FEDCB  }
0x3: {  	s0 =	rddreg [dreg:$0x2];
	v5 =	vimm.s32 $0xA9876543;
	s1 =	simm.s32 $0x0;
	v15 =	vimm.s32 $0xCBA98765;
	v17 =	vimm.s32 $0x6543210F  }
0x4: {  	s4 =	srdreg.scid;
	s6 =	stileid.u32;
	v18 =	vimm.s32 $0xEDCBA987;
	v19 =	vimm.s32 $0xFEDCBA98;
	s28 =	simm.s32 $0x180  }
0x5: {  	v20 =	vimm.s32 $0x76543210;
	s29 =	simm.s32 $0x200;
	s30 =	simm.s32 $0x280;
	s31 =	simm.s32 $0xC300  }
0x6: {  	v1 =	vunpack.c.l.s4.s8 v0;
	v0 =	vlaneseq.u32;
	v3 =	vunpack.c.l.s4.s8 v3;
	[smem:$0x7FF] =	sst s1;
	s4 =	sand.u32 $0x1, s4;
	s5 =	sadd.s32 $0xC00, s3  }
0x7: {  	v4 =	vunpack.c.l.s4.s8 v4;
	s6 =	sshll.u32 s6, $0xA;
	s8 =	sadd.s32 $0x1400, s3;
	v17 =	vunpack.c.l.s4.s8 v17;
	v18 =	vunpack.c.l.s4.s8 v18;
	s7 =	sshll.u32 s4, $0x9  }
0x8: {  	s3 =	sadd.s32 $0x1C00, s3;
	v19 =	vunpack.c.l.s4.s8 v19;
	s4 =	ssub.s32 $0x2, s4;
	v7 =	vunpack.c.0.s8.s32 v1;
	v1 =	vunpack.c.l.s4.s8 v2;
	s6 =	sor.u32 s7, s6  }
0x9: {  	_ =	strace $0x80000047;
	v2 =	vimm.s32 $0x10FEDCBA;
	v10 =	vunpack.c.0.s8.s32 v3;
	v11 =	vunpack.c.0.s8.s32 v4;
	s12 =	sshrl.u32 s4, $0x1;
	s9 =	sshrl.u32 s6, $0x7  }
0xa: {  	v17 =	vunpack.c.0.s8.s32 v17;
	v18 =	vunpack.c.0.s8.s32 v18;
	v2 =	vunpack.c.l.s4.s8 v2;
	s4 =	ssub.s32 s4, s12;
	s13 =	sshrl.u32 s6, $0x3;
	s6 =	sadd.s32 s0, s6  }
0xb: {  	v19 =	vunpack.c.0.s8.s32 v19;
	v8 =	vunpack.c.0.s8.s32 v1;
	v1 =	vunpack.c.l.s4.s8 v5;
	s10 =	sor.u32 $0x1, s9;
	s11 =	sadd.s32 s2, s13;
	[dreg:$0xa] =	wrdreg s6  }
0xc: {  	s14 =	sadd.s32 s5, s13;
	s7 =	sadd.s32 s8, s13;
	v23 =	vcombine.low v18, v17;
	v9 =	vunpack.c.0.s8.s32 v2;
	v2 =	vimm.s32 $0x3210FEDC;
	[dreg:$0x4] =	wrdreg s11  }
0xd: {  	s17 =	sor.u32 $0x2, s9;
	s20 =	sor.u32 $0x3, s9;
	v19 =	vand.u32 $0xF, v19;
	[dreg:$0x5] =	wrdreg s14;
	v12 =	vunpack.c.0.s8.s32 v1;
	v1 =	vunpack.c.l.s4.s8 v2  }
0xe: {  	s6 =	simm.s32 $0x1A300;
	s15 =	sshll.u32 s10, $0x4;
	[dreg:$0x6] =	wrdreg s7;
	v2 =	vimm.s32 $0xBA987654;
	v3 =	vcombine.low v8, v7;
	v63 =	vcombine.low v7, v8  }
0xf: {  	s18 =	sshll.u32 s17, $0x4;
	s22 =	sshll.u32 s10, $0x7;
	s23 =	sshll.u32 s20, $0x4;
	v8 =	vand.u32 $0xF, v23;
	v4 =	vcombine.low v10, v9;
	v2 =	vunpack.c.l.s4.s8 v2  }
0x10: {  	s25 =	sshll.u32 s17, $0x7;
	s26 =	sshll.u32 s20, $0x7;
	s16 =	sadd.s32 s2, s15;
	v10 =	vcombine.low v9, v10;
	v5 =	vcombine.low v12, v11;
	v13 =	vunpack.c.0.s8.s32 v1  }
0x11: {  	s20 =	smax.u32 s4, $0x1;
	s12 =	sadd.s32 s5, s15;
	[dreg:$0x7] =	wrdreg s16;
	v1 =	vimm.s32 $0x43210FED;
	v11 =	vcombine.low v11, v12;
	v14 =	vunpack.c.0.s8.s32 v2  }
0x12: {  	s4 =	simm.s32 $0x1;
	s11 =	sadd.s32 s8, s15;
	[dreg:$0x8] =	wrdreg s12;
	v6 =	vunpack.c.l.s4.s8 v1;
	v2 =	vand.u32 $0xF, v4;
	v4 =	vunpack.c.l.s4.s8 v15  }
0x13: {  	s7 =	simm.s32 $0x1C300;
	s19 =	sadd.s32 s2, s18;
	[dreg:$0x9] =	wrdreg s11;
	v9 =	vand.u32 $0xF, v63;
	v1 =	vand.u32 $0xF, v3;
	v10 =	vand.u32 $0xF, v10  }
0x14: {  	s10 =	simm.s32 $0x2;
	s21 =	sadd.s32 s5, s18;
	[dreg:$0xb] =	wrdreg s19;
	v3 =	vand.u32 $0xF, v5;
	v15 =	vunpack.c.0.s8.s32 v6;
	v16 =	vunpack.c.0.s8.s32 v4  }
0x15: {  	s9 =	sadd.s32 s0, s22;
	s2 =	sadd.s32 s2, s23;
	[dreg:$0xc] =	wrdreg s21;
	v4 =	vimm.s32 $0x543210FE;
	v6 =	vimm.s32 $0xDCBA9876;
	v12 =	vcombine.low v13, v14  }
0x16: {  	s24 =	sadd.s32 s5, s23;
	s17 =	sadd.s32 s8, s23;
	[dreg:$0xe] =	wrdreg s9;
	v11 =	vand.u32 $0xF, v11;
	v4 =	vunpack.c.l.s4.s8 v4;
	v6 =	vunpack.c.l.s4.s8 v6  }
0x17: {  	s22 =	simm.s32 $0x80;
	s23 =	simm.s32 $0x100;
	[dreg:$0xf] =	wrdreg s2;
	v5 =	vcombine.low v14, v13;
	v13 =	vcombine.low v15, v16;
	v12 =	vand.u32 $0xF, v12  }
0x18: {  	s5 =	simm.s32 $0x18300;
	s11 =	sadd.s32 s8, s18;
	[dreg:$0x10] =	wrdreg s24;
	v21 =	vunpack.c.0.s8.s32 v4;
	v22 =	vunpack.c.0.s8.s32 v6;
	v6 =	vunpack.c.l.s4.s8 v20  }
0x19: {  	s18 =	sadd.s32 s0, s25;
	s19 =	sadd.s32 s0, s26;
	s21 =	simm.s32 $0x3;
	v4 =	vand.u32 $0xF, v5;
	v5 =	vcombine.low v16, v15;
	v15 =	vcombine.low v17, v18  }
0x1a: {  	s24 =	simm.s32 $0x300;
	s25 =	simm.s32 $0x4300;
	s26 =	simm.s32 $0x8300;
	v6 =	vunpack.c.0.s8.s32 v6;
	v62 =	vcombine.low v22, v21;
	v14 =	vcombine.low v21, v22  }
0x1b: {  	s0 =	simm.s32 $0x10300;
	s2 =	simm.s32 $0x14300;
	s8 =	simm.s32 $0x400;
	v13 =	vand.u32 $0xF, v13;
	v5 =	vand.u32 $0xF, v5;
	v15 =	vand.u32 $0xF, v15  }
0x1c: {  	s9 =	simm.s32 $0x20000;
	[dreg:$0xd] =	wrdreg s11;
	s11 =	simm.s32 $0x0;
	v6 =	vcombine.low v19, v6;
	v7 =	vand.u32 $0xF, v62;
	v14 =	vand.u32 $0xF, v14  }
.LBB2_1:
0x1d: {  	s12 =	rddreg [dreg:$0x4]  }
0x1e: {  	[tilespmem:s1], [sflag:$0x3] =	stream.linear.gather [hbm4b:s12+s1], $0x80, $0x38;
	[tilespmem:$0x1E300] =	vst v63  }
0x1f: {  	_ =	swait.ge [sflag:s21], $0x80  }
0x20: {  	[sflag:s21] =	ssyncset.done $0x0  }
0x21: {  	s14 =	rddreg [dreg:$0x5];
	[sflag:s21] =	ssyncadd.s32 $0xFFFFFF80  }
0x22: {  	[tilespmem:s22], [sflag:$0x3] =	stream.linear.gather [hbm4b:s14+s1], $0x80, $0x38;
	[tilespmem:$0x1E300] =	vst v63  }
0x23: {  	_ =	swait.ge [sflag:s21], $0x80  }
0x24: {  	[sflag:s21] =	ssyncset.done $0x0  }
0x25: {  	s15 =	rddreg [dreg:$0x6];
	[sflag:s21] =	ssyncadd.s32 $0xFFFFFF80  }
0x26: {  	[tilespmem:s23], [sflag:$0x3] =	stream.linear.gather [hbm4b:s15+s1], $0x80, $0x38;
	[tilespmem:$0x1E300] =	vst v63  }
0x27: {  	_ =	swait.ge [sflag:s21], $0x80  }
0x28: {  	[sflag:s21] =	ssyncset.done $0x0  }
0x29: {  	[sflag:s21] =	ssyncadd.s32 $0xFFFFFF80  }
0x2a: {  	[tilespmem:s24], [sflag:$0x1] =	stream.indirect.gather [hbm4b:s3+s22], $0x80, s1, s22, $0xb8;
	[tilespmem:$0x1E300] =	vst v63  }
0x2b: {  	_ = 	snop  }
0x2c: {  	[tilespmem:s25], [sflag:$0x1] =	stream.indirect.gather [hbm4b:s3+s22], $0x80, s22, s22, $0xb8;
	[tilespmem:$0x1E300] =	vst v63  }
0x2d: {  	_ = 	snop  }
0x2e: {  	[tilespmem:s26], [sflag:$0x1] =	stream.indirect.gather [hbm4b:s3+s22], $0x80, s23, s22, $0xb8;
	[tilespmem:$0x1E300] =	vst v63  }
0x2f: {  	s16 =	rddreg [dreg:$0x7]  }
0x30: {  	[tilespmem:s28], [sflag:$0x3] =	stream.linear.gather [hbm4b:s16+s1], $0x80, $0x38;
	[tilespmem:$0x1E300] =	vst v63  }
0x31: {  	_ =	swait.ge [sflag:s21], $0x80  }
0x32: {  	[sflag:s21] =	ssyncset.done $0x0  }
0x33: {  	s13 =	rddreg [dreg:$0x8];
	[sflag:s21] =	ssyncadd.s32 $0xFFFFFF80  }
0x34: {  	[tilespmem:s29], [sflag:$0x3] =	stream.linear.gather [hbm4b:s13+s1], $0x80, $0x38;
	[tilespmem:$0x1E300] =	vst v63  }
0x35: {  	_ =	swait.ge [sflag:s21], $0x80  }
0x36: {  	[sflag:s21] =	ssyncset.done $0x0  }
0x37: {  	s14 =	rddreg [dreg:$0x9];
	[sflag:s21] =	ssyncadd.s32 $0xFFFFFF80  }
0x38: {  	[tilespmem:s30], [sflag:$0x3] =	stream.linear.gather [hbm4b:s14+s1], $0x80, $0x38;
	[tilespmem:$0x1E300] =	vst v63  }
0x39: {  	_ =	swait.ge [sflag:s21], $0x80  }
0x3a: {  	[sflag:s21] =	ssyncset.done $0x0  }
0x3b: {  	[sflag:s21] =	ssyncadd.s32 $0xFFFFFF80  }
0x3c: {  	[tilespmem:s31], [sflag:$0x2] =	stream.indirect.gather [hbm4b:s3+s22], $0x80, s28, s22, $0xb8;
	[tilespmem:$0x1E300] =	vst v63  }
0x3d: {  	_ = 	snop  }
0x3e: {  	[tilespmem:s0], [sflag:$0x2] =	stream.indirect.gather [hbm4b:s3+s22], $0x80, s29, s22, $0xb8;
	[tilespmem:$0x1E300] =	vst v63  }
0x3f: {  	_ = 	snop  }
0x40: {  	[tilespmem:s2], [sflag:$0x2] =	stream.indirect.gather [hbm4b:s3+s22], $0x80, s30, s22, $0xb8;
	[tilespmem:$0x1E300] =	vst v63  }
0x41: {  	_ =	swait.ge [sflag:s4], $0x4000  }
0x42: {  	s15 =	sand.u32 $0x70, s1;
	[sflag:s4] =	ssyncset.done $0x0  }
0x43: {  	v34 =	vor.u32 s15, v0;
	s16 =	sand.u32 $0x30, s1;
	[sflag:s4] =	ssyncadd.s32 $0xFFFFC000  }
0x44: {  	v21 =	vshll.u32 v34, $0x7;
	v20 =	vor.u32 s16, v0;
	_ =	swait.ge [sflag:s4], $0x4000  }
0x45: {  	v24 =	vor.u32 s16, v7;
	v16 =	vor.u32 v20, v21;
	[sflag:s4] =	ssyncset.done $0x0  }
0x46: {  	v25 =	vor.u32 s16, v6;
	v17 =	vor.u32 v24, v21;
	[sflag:s4] =	ssyncadd.s32 $0xFFFFC000  }
0x47: {  	v22 =	vor.u32 s16, v4;
	v18 =	vor.u32 v25, v21;
	_ =	swait.ge [sflag:s4], $0x4000  }
0x48: {  	v19 =	vor.u32 s16, v2;
	v23 =	vor.u32 v22, v21;
	[sflag:s4] =	ssyncset.done $0x0  }
0x49: {  	v26 =	vor.u32 s16, v1;
	v27 =	vor.u32 v19, v21;
	[sflag:s4] =	ssyncadd.s32 $0xFFFFC000  }
0x4a: {  	v28 =	vor.u32 s16, v3;
	v29 =	vor.u32 v26, v21;
	v30 =	vld.idx.msk [tilespmem:v16+s24+$0x0], $0xffff  }
0x4b: {  	v31 =	vor.u32 s16, v5;
	v32 =	vor.u32 v28, v21;
	v16 =	vld.idx.msk [tilespmem:v17+s24+$0x0], $0xffff  }
0x4c: {  	v39 =	vor.u32 s16, v13;
	v33 =	vor.u32 v31, v21;
	v17 =	vld.idx.msk [tilespmem:v18+s24+$0x0], $0xffff  }
0x4d: {  	v40 =	vor.u32 s16, v12;
	v41 =	vor.u32 s16, v14;
	v35 =	vor.u32 v39, v21;
	v18 =	vld.idx.msk [tilespmem:v23+s24+$0x0], $0xffff  }
0x4e: {  	v37 =	vor.u32 s16, v9;
	v47 =	vor.u32 s16, v10;
	v36 =	vor.u32 v40, v21;
	v42 =	vld.idx.msk [tilespmem:v27+s24+$0x0], $0xffff  }
0x4f: {  	v44 =	vor.u32 s16, v15;
	v48 =	vor.u32 s16, v11;
	v59 =	vor.u32 v47, v21;
	v43 =	vld.idx.msk [tilespmem:v29+s24+$0x0], $0xffff  }
0x50: {  	v58 =	vor.u32 s16, v8;
	v19 =	vshll.u32 v19, $0x7;
	v50 =	vor.u32 v48, v21;
	v45 =	vld.idx.msk [tilespmem:v32+s24+$0x0], $0xffff  }
0x51: {  	v38 =	vor.u32 v44, v21;
	v49 =	vor.u32 v58, v21;
	v27 =	vor.u32 v41, v21;
	v23 =	vld.idx.msk [tilespmem:v33+s24+$0x0], $0xffff  }
0x52: {  	v20 =	vshll.u32 v20, $0x7;
	v46 =	vor.u32 v34, v19;
	v29 =	vor.u32 v37, v21;
	v19 =	vld.idx.msk [tilespmem:v35+s24+$0x0], $0xffff  }
0x53: {  	v26 =	vshll.u32 v26, $0x7;
	v28 =	vshll.u32 v28, $0x7;
	v31 =	vshll.u32 v31, $0x7;
	v21 =	vld.idx.msk [tilespmem:v36+s24+$0x0], $0xffff  }
0x54: {  	v24 =	vshll.u32 v24, $0x7;
	v61 =	vshll.u32 v44, $0x7;
	v51 =	vor.u32 v34, v20;
	v35 =	vld.idx.msk [tilespmem:v59+s24+$0x0], $0xffff  }
0x55: {  	v62 =	vshll.u32 v25, $0x7;
	v63 =	vshll.u32 v39, $0x7;
	v52 =	vor.u32 v34, v26;
	v36 =	vld.idx.msk [tilespmem:v50+s24+$0x0], $0xffff  }
0x56: {  	v53 =	vor.u32 v34, v28;
	v26 =	vshll.u32 v58, $0x7;
	v25 =	vor.u32 v34, v61;
	v20 =	vld.idx.msk [tilespmem:v27+s24+$0x0], $0xffff  }
0x57: {  	v39 =	vor.u32 v34, v62;
	v32 =	vor.u32 v34, v31;
	v28 =	vld.idx.msk [tilespmem:v29+s24+$0x0], $0xffff;
	v29 =	vshll.u32 v22, $0x7  }
0x58: {  	v27 =	vor.u32 v34, v26;
	v22 =	vld.idx.msk [tilespmem:v38+s24+$0x0], $0xffff;
	v26 =	vshll.u32 v47, $0x7;
	v33 =	vor.u32 v34, v29  }
0x59: {  	v38 =	vld.idx.msk [tilespmem:v49+s24+$0x0], $0xffff;
	[tilespmem:v51+s5+$0x0] =	vst.idx.msk $0xffff, v30;
	v29 =	vshll.u32 v37, $0x7;
	v37 =	vor.u32 v34, v24;
	v24 =	vshll.u32 v48, $0x7  }
0x5a: {  	[tilespmem:v52+s5+$0x0] =	vst.idx.msk $0xffff, v43;
	v31 =	vor.u32 v34, v29;
	v29 =	vor.u32 v34, v24;
	v24 =	vshll.u32 v40, $0x7  }
0x5b: {  	v60 =	vshll.u32 v41, $0x7;
	v26 =	vor.u32 v34, v26;
	[tilespmem:v46+s5+$0x0] =	vst.idx.msk $0xffff, v42;
	v30 =	vor.u32 v34, v24  }
0x5c: {  	s13 =	simm.s32 $0x10;
	s14 =	simm.s32 $0x0;
	v24 =	vor.u32 v34, v60;
	v34 =	vor.u32 v34, v63;
	[tilespmem:v53+s5+$0x0] =	vst.idx.msk $0xffff, v45  }
.LBB2_2:
0x5d: {  	p0 =	sne.s32 s13, $0x1F0  }
0x5e: {  	[tilespmem:v33+s5+$0x0] =	vst.idx.msk $0xffff, v18;
	s14 =	sadd.s32 $0x4, s14;
	s12 =	smov.u32 s13;
	s13 =	sadd.s32 $0x10, s13  }
0x5f: {  	[tilespmem:v32+s5+$0x0] =	vst.idx.msk $0xffff, v23  }
0x60: {  	[tilespmem:v37+s5+$0x0] =	vst.idx.msk $0xffff, v16  }
0x61: {  	s15 =	sand.u32 $0x70, s14;
	[tilespmem:v27+s5+$0x0] =	vst.idx.msk $0xffff, v38  }
0x62: {  	s12 =	sand.u32 $0x30, s12;
	v40 =	vor.u32 s15, v0;
	[tilespmem:v39+s5+$0x0] =	vst.idx.msk $0xffff, v17  }
0x63: {  	v23 =	vor.u32 s12, v0;
	v27 =	vshll.u32 v40, $0x7;
	v39 =	vor.u32 s12, v13;
	[tilespmem:v31+s5+$0x0] =	vst.idx.msk $0xffff, v28  }
0x64: {  	v41 =	vor.u32 s12, v6;
	v16 =	vor.u32 v23, v27;
	v28 =	vor.u32 s12, v1;
	[tilespmem:v26+s5+$0x0] =	vst.idx.msk $0xffff, v35  }
0x65: {  	v31 =	vor.u32 s12, v4;
	v26 =	vor.u32 s12, v3;
	v35 =	vor.u32 s12, v7;
	[tilespmem:v29+s5+$0x0] =	vst.idx.msk $0xffff, v36  }
0x66: {  	v17 =	vor.u32 s12, v2;
	v29 =	vor.u32 s12, v5;
	v18 =	vor.u32 v35, v27;
	[tilespmem:v30+s5+$0x0] =	vst.idx.msk $0xffff, v21  }
0x67: {  	v32 =	vshll.u32 v17, $0x7;
	v21 =	vor.u32 v28, v27;
	v30 =	vor.u32 v41, v27;
	[tilespmem:v34+s5+$0x0] =	vst.idx.msk $0xffff, v19  }
0x68: {  	v33 =	vor.u32 v31, v27;
	v19 =	vor.u32 v26, v27;
	v34 =	vor.u32 s12, v9;
	[tilespmem:v24+s5+$0x0] =	vst.idx.msk $0xffff, v20  }
0x69: {  	v42 =	vor.u32 v40, v32;
	v20 =	vor.u32 v17, v27;
	v24 =	vor.u32 s12, v8;
	[tilespmem:v25+s5+$0x0] =	vst.idx.msk $0xffff, v22  }
0x6a: {  	v36 =	vor.u32 s12, v12;
	v22 =	vor.u32 s12, v10;
	v25 =	vor.u32 s12, v11;
	v43 =	vld.idx.msk [tilespmem:v16+s24+$0x0], $0xffff  }
0x6b: {  	v37 =	vor.u32 v36, v27;
	v44 =	vor.u32 v34, v27;
	v38 =	vor.u32 v24, v27;
	v16 =	vld.idx.msk [tilespmem:v18+s24+$0x0], $0xffff  }
0x6c: {  	v32 =	vor.u32 v29, v27;
	v45 =	vor.u32 v22, v27;
	v46 =	vor.u32 v25, v27;
	v17 =	vld.idx.msk [tilespmem:v30+s24+$0x0], $0xffff  }
0x6d: {  	v47 =	vor.u32 s12, v14;
	v48 =	vor.u32 s12, v15;
	v30 =	vor.u32 v39, v27;
	v18 =	vld.idx.msk [tilespmem:v33+s24+$0x0], $0xffff  }
0x6e: {  	v50 =	vor.u32 v48, v27;
	v23 =	vshll.u32 v23, $0x7;
	v49 =	vld.idx.msk [tilespmem:v20+s24+$0x0], $0xffff;
	v20 =	vor.u32 v47, v27  }
0x6f: {  	v52 =	vor.u32 v40, v23;
	v23 =	vshll.u32 v26, $0x7;
	v51 =	vld.idx.msk [tilespmem:v21+s24+$0x0], $0xffff;
	v21 =	vshll.u32 v28, $0x7  }
0x70: {  	v55 =	vor.u32 v40, v23;
	v53 =	vld.idx.msk [tilespmem:v19+s24+$0x0], $0xffff;
	v54 =	vor.u32 v40, v21;
	v19 =	vshll.u32 v24, $0x7  }
0x71: {  	v21 =	vshll.u32 v31, $0x7;
	v24 =	vshll.u32 v29, $0x7;
	v23 =	vld.idx.msk [tilespmem:v32+s24+$0x0], $0xffff;
	v27 =	vor.u32 v40, v19  }
0x72: {  	v22 =	vshll.u32 v22, $0x7;
	v33 =	vor.u32 v40, v21;
	v32 =	vor.u32 v40, v24;
	v19 =	vld.idx.msk [tilespmem:v30+s24+$0x0], $0xffff  }
0x73: {  	v26 =	vor.u32 v40, v22;
	v28 =	vshll.u32 v34, $0x7;
	v24 =	vshll.u32 v35, $0x7;
	v21 =	vld.idx.msk [tilespmem:v37+s24+$0x0], $0xffff  }
0x74: {  	v22 =	vshll.u32 v25, $0x7;
	v31 =	vor.u32 v40, v28;
	v37 =	vor.u32 v40, v24;
	v20 =	vld.idx.msk [tilespmem:v20+s24+$0x0], $0xffff  }
0x75: {  	v25 =	vshll.u32 v47, $0x7;
	v29 =	vor.u32 v40, v22;
	v24 =	vshll.u32 v36, $0x7;
	v28 =	vld.idx.msk [tilespmem:v44+s24+$0x0], $0xffff  }
0x76: {  	v30 =	vor.u32 v40, v24;
	v24 =	vor.u32 v40, v25;
	v25 =	vshll.u32 v48, $0x7;
	v22 =	vld.idx.msk [tilespmem:v50+s24+$0x0], $0xffff  }
0x77: {  	v34 =	vshll.u32 v41, $0x7;
	v36 =	vshll.u32 v39, $0x7;
	v25 =	vor.u32 v40, v25;
	v38 =	vld.idx.msk [tilespmem:v38+s24+$0x0], $0xffff  }
0x78: {  	v39 =	vor.u32 v40, v34;
	v34 =	vor.u32 v40, v36;
	v35 =	vld.idx.msk [tilespmem:v45+s24+$0x0], $0xffff  }
.Ltmp0:
0x79: {  	v36 =	vld.idx.msk [tilespmem:v46+s24+$0x0], $0xffff;
	(pc) =	sbr.rel @p0 .LBB2_2-.Ltmp0, $4  }
0x7a: {  	[tilespmem:v52+s5+$0x0] =	vst.idx.msk $0xffff, v43  }
0x7b: {  	[tilespmem:v54+s5+$0x0] =	vst.idx.msk $0xffff, v51  }
0x7c: {  	[tilespmem:v42+s5+$0x0] =	vst.idx.msk $0xffff, v49  }
0x7d: {  	s12 =	simm.s32 $0x0;
	[tilespmem:v55+s5+$0x0] =	vst.idx.msk $0xffff, v53  }
0x7e: {  	_ =	sdelay $0x3  }
0x7f: {  	[tilespmem:v33+s5+$0x0] =	vst.idx.msk $0xffff, v18  }
0x80: {  	[tilespmem:v32+s5+$0x0] =	vst.idx.msk $0xffff, v23  }
0x81: {  	s13 =	sand.u32 $0x70, s12;
	[tilespmem:v37+s5+$0x0] =	vst.idx.msk $0xffff, v16  }
0x82: {  	s16 =	sand.u32 $0x30, s12;
	v16 =	vor.u32 s13, v0;
	[tilespmem:v27+s5+$0x0] =	vst.idx.msk $0xffff, v38  }
0x83: {  	v23 =	vor.u32 s16, v4;
	v18 =	vshll.u32 v16, $0x7;
	[tilespmem:v39+s5+$0x0] =	vst.idx.msk $0xffff, v17  }
0x84: {  	v47 =	vor.u32 s16, v14;
	v50 =	vor.u32 v23, v18;
	[tilespmem:v31+s5+$0x0] =	vst.idx.msk $0xffff, v28  }
0x85: {  	v46 =	vor.u32 s16, v8;
	v52 =	vor.u32 v47, v18;
	[tilespmem:$0x1FE80] =	vst v50  }
0x86: {  	v45 =	vor.u32 s16, v11;
	v53 =	vor.u32 v46, v18;
	[tilespmem:$0x1FEA0] =	vst v52  }
0x87: {  	v43 =	vor.u32 s16, v12;
	v57 =	vor.u32 v45, v18;
	[tilespmem:$0x1FEB0] =	vst v53  }
0x88: {  	v48 =	vor.u32 s16, v13;
	v58 =	vor.u32 v43, v18;
	[tilespmem:$0x1FEF0] =	vst v57  }
0x89: {  	v41 =	vor.u32 s16, v6;
	v60 =	vor.u32 v48, v18;
	[tilespmem:$0x1FF00] =	vst v58  }
0x8a: {  	v63 =	vor.u32 s16, v7;
	v62 =	vor.u32 v41, v18;
	[tilespmem:$0x1FF20] =	vst v60  }
0x8b: {  	v40 =	vor.u32 v63, v18;
	[tilespmem:$0x1FF40] =	vst v62  }
0x8c: {  	v17 =	vor.u32 s16, v0;
	[tilespmem:$0x1FF70] =	vst v40  }
0x8d: {  	v49 =	vor.u32 v17, v18;
	[tilespmem:v26+s5+$0x0] =	vst.idx.msk $0xffff, v35  }
0x8e: {  	v42 =	vor.u32 s16, v10;
	[tilespmem:$0x1FE70] =	vst v49  }
0x8f: {  	v35 =	vor.u32 v42, v18;
	[tilespmem:v29+s5+$0x0] =	vst.idx.msk $0xffff, v36  }
0x90: {  	[tilespmem:$0x1FF50] =	vst v35  }
0x91: {  	[tilespmem:v30+s5+$0x0] =	vst.idx.msk $0xffff, v21  }
0x92: {  	[tilespmem:v34+s5+$0x0] =	vst.idx.msk $0xffff, v19  }
0x93: {  	v17 =	vshll.u32 v17, $0x7;
	[tilespmem:v24+s5+$0x0] =	vst.idx.msk $0xffff, v20  }
0x94: {  	v37 =	vor.u32 v16, v17;
	v21 =	vor.u32 s16, v5;
	[tilespmem:v25+s5+$0x0] =	vst.idx.msk $0xffff, v22  }
0x95: {  	[tilespmem:$0x1FFB0] =	vst v37;
	v51 =	vor.u32 v21, v18;
	v19 =	vor.u32 s16, v1;
	v44 =	vld.idx.msk [tilespmem:v49+s25+$0x0], $0xffff  }
0x96: {  	v34 =	vor.u32 s16, v9;
	v54 =	vor.u32 v19, v18;
	[tilespmem:$0x1FE90] =	vst v51;
	v24 =	vld.idx.msk [tilespmem:v50+s25+$0x0], $0xffff  }
0x97: {  	v20 =	vor.u32 s16, v3;
	v59 =	vor.u32 v34, v18;
	[tilespmem:$0x1FEC0] =	vst v54;
	v49 =	vld.idx.msk [tilespmem:v52+s25+$0x0], $0xffff  }
0x98: {  	v17 =	vshll.u32 v19, $0x7;
	v55 =	vor.u32 v20, v18;
	[tilespmem:$0x1FF10] =	vst v59;
	v52 =	vld.idx.msk [tilespmem:v57+s25+$0x0], $0xffff  }
0x99: {  	v19 =	vor.u32 v16, v17;
	v17 =	vshll.u32 v20, $0x7;
	v20 =	vshll.u32 v34, $0x7;
	[tilespmem:$0x1FED0] =	vst v55;
	v62 =	vld.idx.msk [tilespmem:v62+s25+$0x0], $0xffff  }
0x9a: {  	v22 =	vor.u32 s16, v2;
	[tilespmem:$0x1FF60] =	vst v20;
	v50 =	vld.idx.msk [tilespmem:v51+s25+$0x0], $0xffff  }
0x9b: {  	v27 =	vor.u32 s16, v15;
	v56 =	vor.u32 v22, v18;
	[tilespmem:$0x1FFC0] =	vst v19;
	v51 =	vld.idx.msk [tilespmem:v53+s25+$0x0], $0xffff  }
0x9c: {  	v18 =	vor.u32 v27, v18;
	[tilespmem:$0x1FEE0] =	vst v56;
	v53 =	vld.idx.msk [tilespmem:v58+s25+$0x0], $0xffff  }
0x9d: {  	v22 =	vshll.u32 v22, $0x7;
	v38 =	vor.u32 v16, v17;
	[tilespmem:$0x1FF90] =	vst v18;
	v61 =	vld.idx.msk [tilespmem:v54+s25+$0x0], $0xffff  }
0x9e: {  	v17 =	vshll.u32 v23, $0x7;
	v28 =	vor.u32 v16, v22;
	v22 =	vshll.u32 v63, $0x7;
	[tilespmem:$0x1FFE0] =	vst v38;
	v54 =	vld.idx.msk [tilespmem:v60+s25+$0x0], $0xffff  }
0x9f: {  	v39 =	vor.u32 v16, v17;
	v17 =	vshll.u32 v21, $0x7;
	[tilespmem:$0x1FF30] =	vst v22;
	v60 =	vld.idx.msk [tilespmem:v35+s25+$0x0], $0xffff  }
0xa0: {  	[tilespmem:$0x1FF80] =	vst v17;
	v25 =	vld.idx.msk [tilespmem:v55+s25+$0x0], $0xffff  }
0xa1: {  	[tilespmem:$0x1FFD0] =	vst v28;
	v26 =	vld.idx.msk [tilespmem:v56+s25+$0x0], $0xffff  }
0xa2: {  	v58 =	vor.u32 v16, v20;
	v20 =	vor.u32 v16, v17;
	v17 =	vshll.u32 v41, $0x7;
	[tilespmem:$0x1FFF0] =	vst v39;
	v55 =	vld.idx.msk [tilespmem:v59+s25+$0x0], $0xffff  }
0xa3: {  	v46 =	vshll.u32 v46, $0x7;
	[tilespmem:$0x1FFA0] =	vst v17;
	v56 =	vor.u32 v16, v22;
	v22 =	vld.idx.msk [tilespmem:v40+s25+$0x0], $0xffff  }
0xa4: {  	v47 =	vshll.u32 v47, $0x7;
	v42 =	vshll.u32 v42, $0x7;
	v23 =	vor.u32 v16, v46;
	v57 =	vld.idx.msk [tilespmem:v18+s25+$0x0], $0xffff;
	[tilespmem:v37+s6+$0x0] =	vst.idx.msk $0xffff, v44  }
0xa5: {  	v43 =	vshll.u32 v43, $0x7;
	v63 =	vor.u32 v16, v42;
	v21 =	vor.u32 v16, v47;
	[tilespmem:v19+s6+$0x0] =	vst.idx.msk $0xffff, v61  }
0xa6: {  	v59 =	vor.u32 v16, v43;
	v44 =	vshll.u32 v45, $0x7;
	v45 =	vshll.u32 v48, $0x7;
	[tilespmem:v28+s6+$0x0] =	vst.idx.msk $0xffff, v26  }
0xa7: {  	v18 =	vor.u32 v16, v17;
	v48 =	vshll.u32 v27, $0x7;
	v17 =	vor.u32 v16, v45;
	[tilespmem:v38+s6+$0x0] =	vst.idx.msk $0xffff, v25  }
0xa8: {  	s14 =	simm.s32 $0x0;
	s13 =	simm.s32 $0x10;
	v19 =	vor.u32 v16, v44;
	v61 =	vor.u32 v16, v48;
	[tilespmem:v39+s6+$0x0] =	vst.idx.msk $0xffff, v24  }
.LBB2_4:
0xa9: {  	p0 =	sne.s32 s13, $0x1F0  }
0xaa: {  	[tilespmem:v20+s6+$0x0] =	vst.idx.msk $0xffff, v50;
	s14 =	sadd.s32 $0x4, s14;
	s15 =	smov.u32 s13;
	s13 =	sadd.s32 $0x10, s13  }
0xab: {  	[tilespmem:v56+s6+$0x0] =	vst.idx.msk $0xffff, v22  }
0xac: {  	[tilespmem:v23+s6+$0x0] =	vst.idx.msk $0xffff, v51  }
0xad: {  	s16 =	sand.u32 $0x70, s14;
	[tilespmem:v18+s6+$0x0] =	vst.idx.msk $0xffff, v62  }
0xae: {  	s15 =	sand.u32 $0x30, s15;
	v24 =	vor.u32 s16, v0;
	[tilespmem:v58+s6+$0x0] =	vst.idx.msk $0xffff, v55  }
0xaf: {  	v23 =	vor.u32 s15, v8;
	v18 =	vor.u32 s15, v0;
	v20 =	vshll.u32 v24, $0x7;
	[tilespmem:v63+s6+$0x0] =	vst.idx.msk $0xffff, v60  }
0xb0: {  	v25 =	vor.u32 s15, v1;
	v26 =	vor.u32 s15, v4;
	v22 =	vor.u32 v18, v20;
	[tilespmem:v19+s6+$0x0] =	vst.idx.msk $0xffff, v52  }
0xb1: {  	v27 =	vor.u32 v26, v20;
	v55 =	vor.u32 s15, v5;
	v19 =	vor.u32 s15, v3;
	[tilespmem:v59+s6+$0x0] =	vst.idx.msk $0xffff, v53  }
0xb2: {  	v50 =	vor.u32 s15, v2;
	v28 =	vor.u32 s15, v14;
	v51 =	vor.u32 v55, v20;
	[tilespmem:v17+s6+$0x0] =	vst.idx.msk $0xffff, v54  }
0xb3: {  	v52 =	vor.u32 v28, v20;
	v53 =	vshll.u32 v50, $0x7;
	v17 =	vor.u32 v23, v20;
	[tilespmem:v21+s6+$0x0] =	vst.idx.msk $0xffff, v49  }
0xb4: {  	v59 =	vor.u32 s15, v6;
	v54 =	vor.u32 v19, v20;
	v21 =	vor.u32 v50, v20;
	[tilespmem:v61+s6+$0x0] =	vst.idx.msk $0xffff, v57  }
0xb5: {  	v56 =	vor.u32 s15, v7;
	v30 =	vor.u32 v24, v53;
	v29 =	vld.idx.msk [tilespmem:v22+s25+$0x0], $0xffff;
	v22 =	vor.u32 v25, v20  }
0xb6: {  	v60 =	vor.u32 s15, v11;
	v53 =	vor.u32 s15, v9;
	v57 =	vor.u32 s15, v10;
	v27 =	vld.idx.msk [tilespmem:v27+s25+$0x0], $0xffff  }
0xb7: {  	v58 =	vor.u32 v60, v20;
	v62 =	vor.u32 v53, v20;
	v61 =	vor.u32 v56, v20;
	v50 =	vld.idx.msk [tilespmem:v51+s25+$0x0], $0xffff  }
0xb8: {  	v33 =	vor.u32 s15, v12;
	v31 =	vor.u32 v59, v20;
	v32 =	vor.u32 v57, v20;
	v49 =	vld.idx.msk [tilespmem:v52+s25+$0x0], $0xffff  }
0xb9: {  	v34 =	vor.u32 s15, v13;
	v35 =	vor.u32 s15, v15;
	v51 =	vld.idx.msk [tilespmem:v17+s25+$0x0], $0xffff;
	v17 =	vor.u32 v33, v20  }
0xba: {  	v37 =	vor.u32 v35, v20;
	v18 =	vshll.u32 v18, $0x7;
	v36 =	vld.idx.msk [tilespmem:v22+s25+$0x0], $0xffff;
	v22 =	vor.u32 v34, v20  }
0xbb: {  	v39 =	vor.u32 v24, v18;
	v18 =	vshll.u32 v25, $0x7;
	v20 =	vshll.u32 v56, $0x7;
	v38 =	vld.idx.msk [tilespmem:v54+s25+$0x0], $0xffff  }
0xbc: {  	v40 =	vor.u32 v24, v18;
	v18 =	vshll.u32 v19, $0x7;
	v56 =	vor.u32 v24, v20;
	v25 =	vld.idx.msk [tilespmem:v21+s25+$0x0], $0xffff  }
0xbd: {  	v41 =	vor.u32 v24, v18;
	v18 =	vshll.u32 v26, $0x7;
	v19 =	vshll.u32 v53, $0x7;
	v52 =	vld.idx.msk [tilespmem:v58+s25+$0x0], $0xffff  }
0xbe: {  	v26 =	vor.u32 v24, v18;
	v58 =	vor.u32 v24, v19;
	v53 =	vld.idx.msk [tilespmem:v17+s25+$0x0], $0xffff;
	v17 =	vshll.u32 v55, $0x7  }
0xbf: {  	v19 =	vshll.u32 v57, $0x7;
	v55 =	vld.idx.msk [tilespmem:v62+s25+$0x0], $0xffff;
	v20 =	vor.u32 v24, v17;
	v17 =	vshll.u32 v59, $0x7  }
0xc0: {  	v63 =	vor.u32 v24, v19;
	v54 =	vld.idx.msk [tilespmem:v22+s25+$0x0], $0xffff;
	v18 =	vor.u32 v24, v17;
	v17 =	vshll.u32 v33, $0x7  }
0xc1: {  	v19 =	vshll.u32 v60, $0x7;
	v62 =	vld.idx.msk [tilespmem:v31+s25+$0x0], $0xffff;
	v59 =	vor.u32 v24, v17;
	v17 =	vshll.u32 v34, $0x7  }
0xc2: {  	v21 =	vshll.u32 v35, $0x7;
	v19 =	vor.u32 v24, v19;
	v60 =	vld.idx.msk [tilespmem:v32+s25+$0x0], $0xffff;
	v17 =	vor.u32 v24, v17  }
0xc3: {  	v28 =	vshll.u32 v28, $0x7;
	v23 =	vshll.u32 v23, $0x7;
	v22 =	vld.idx.msk [tilespmem:v61+s25+$0x0], $0xffff;
	v61 =	vor.u32 v24, v21  }
0xc4: {  	v23 =	vor.u32 v24, v23;
	v21 =	vor.u32 v24, v28;
	v57 =	vld.idx.msk [tilespmem:v37+s25+$0x0], $0xffff  }
.Ltmp1:
0xc5: {  	[tilespmem:v39+s6+$0x0] =	vst.idx.msk $0xffff, v29;
	(pc) =	sbr.rel @p0 .LBB2_4-.Ltmp1, $4  }
0xc6: {  	[tilespmem:v40+s6+$0x0] =	vst.idx.msk $0xffff, v36  }
0xc7: {  	[tilespmem:v30+s6+$0x0] =	vst.idx.msk $0xffff, v25  }
0xc8: {  	[tilespmem:v41+s6+$0x0] =	vst.idx.msk $0xffff, v38  }
0xc9: {  	[tilespmem:v26+s6+$0x0] =	vst.idx.msk $0xffff, v27  }
0xca: {  	_ =	sdelay $0x3  }
0xcb: {  	[tilespmem:v20+s6+$0x0] =	vst.idx.msk $0xffff, v50  }
0xcc: {  	[tilespmem:v56+s6+$0x0] =	vst.idx.msk $0xffff, v22  }
0xcd: {  	[tilespmem:v23+s6+$0x0] =	vst.idx.msk $0xffff, v51  }
0xce: {  	[tilespmem:v18+s6+$0x0] =	vst.idx.msk $0xffff, v62  }
0xcf: {  	v23 =	vld [tilespmem:$0x1FF40];
	[tilespmem:v58+s6+$0x0] =	vst.idx.msk $0xffff, v55  }
0xd0: {  	[tilespmem:v63+s6+$0x0] =	vst.idx.msk $0xffff, v60  }
0xd1: {  	v20 =	vld [tilespmem:$0x1FEC0];
	[tilespmem:v19+s6+$0x0] =	vst.idx.msk $0xffff, v52  }
0xd2: {  	[tilespmem:v59+s6+$0x0] =	vst.idx.msk $0xffff, v53  }
0xd3: {  	[tilespmem:v17+s6+$0x0] =	vst.idx.msk $0xffff, v54;
	v17 =	vld [tilespmem:$0x1FE70];
	_ =	sdelay $0x1  }
0xd4: {  	[tilespmem:v21+s6+$0x0] =	vst.idx.msk $0xffff, v49  }
0xd5: {  	[tilespmem:v61+s6+$0x0] =	vst.idx.msk $0xffff, v57  }
0xd6: {  	v49 =	vld.idx.msk [tilespmem:v23+s26+$0x0], $0xffff  }
0xd7: {  	v23 =	vld [tilespmem:$0x1FF50]  }
0xd8: {  	v28 =	vld.idx.msk [tilespmem:v20+s26+$0x0], $0xffff  }
0xd9: {  	v20 =	vld [tilespmem:$0x1FED0]  }
0xda: {  	v25 =	vld.idx.msk [tilespmem:v17+s26+$0x0], $0xffff  }
0xdb: {  	v17 =	vld [tilespmem:$0x1FE80]  }
0xdc: {  	v29 =	vld [tilespmem:$0x1FF80]  }
0xdd: {  	v22 =	vld [tilespmem:$0x1FF10]  }
0xde: {  	v19 =	vld [tilespmem:$0x1FEB0]  }
0xdf: {  	v30 =	vld.idx.msk [tilespmem:v23+s26+$0x0], $0xffff  }
0xe0: {  	v23 =	vld [tilespmem:$0x1FF70]  }
0xe1: {  	v33 =	vld.idx.msk [tilespmem:v20+s26+$0x0], $0xffff  }
0xe2: {  	v20 =	vld [tilespmem:$0x1FEE0]  }
0xe3: {  	v34 =	vld.idx.msk [tilespmem:v17+s26+$0x0], $0xffff  }
0xe4: {  	v17 =	vld [tilespmem:$0x1FE90]  }
0xe5: {  	v21 =	vld [tilespmem:$0x1FF00]  }
0xe6: {  	v24 =	vld.idx.msk [tilespmem:v22+s26+$0x0], $0xffff  }
0xe7: {  	v22 =	vld [tilespmem:$0x1FF20]  }
0xe8: {  	v50 =	vld.idx.msk [tilespmem:v23+s26+$0x0], $0xffff  }
0xe9: {  	v23 =	vld [tilespmem:$0x1FF30]  }
0xea: {  	v36 =	vld.idx.msk [tilespmem:v20+s26+$0x0], $0xffff  }
0xeb: {  	v20 =	vld [tilespmem:$0x1FEF0]  }
0xec: {  	v18 =	vld.idx.msk [tilespmem:v17+s26+$0x0], $0xffff  }
0xed: {  	v17 =	vld [tilespmem:$0x1FEA0]  }
0xee: {  	v26 =	vor.u32 v16, v23;
	v23 =	vld [tilespmem:$0x1FF90]  }
0xef: {  	v38 =	vor.u32 v16, v29;
	v29 =	vld [tilespmem:$0x1FFB0];
	_ =	sdelay $0x1  }
0xf0: {  	v19 =	vld.idx.msk [tilespmem:v19+s26+$0x0], $0xffff  }
0xf1: {  	v21 =	vld.idx.msk [tilespmem:v21+s26+$0x0], $0xffff  }
0xf2: {  	v22 =	vld.idx.msk [tilespmem:v22+s26+$0x0], $0xffff  }
0xf3: {  	v20 =	vld.idx.msk [tilespmem:v20+s26+$0x0], $0xffff  }
0xf4: {  	v17 =	vld.idx.msk [tilespmem:v17+s26+$0x0], $0xffff  }
0xf5: {  	v23 =	vld.idx.msk [tilespmem:v23+s26+$0x0], $0xffff  }
0xf6: {  	[tilespmem:v29+s7+$0x0] =	vst.idx.msk $0xffff, v25;
	v25 =	vld [tilespmem:$0x1FFA0];
	_ =	sdelay $0x4  }
0xf7: {  	v35 =	vor.u32 v16, v25;
	v25 =	vld [tilespmem:$0x1FFC0];
	_ =	sdelay $0x7  }
0xf8: {  	[tilespmem:v25+s7+$0x0] =	vst.idx.msk $0xffff, v28;
	v25 =	vld [tilespmem:$0x1FFD0]  }
0xf9: {  	v62 =	vld [tilespmem:$0x1FFE0]  }
0xfa: {  	v63 =	vld [tilespmem:$0x1FFF0]  }
0xfb: {  	v27 =	vld [tilespmem:$0x1FF60];
	_ =	sdelay $0x3  }
0xfc: {  	v31 =	vor.u32 v16, v42;
	v32 =	vor.u32 v16, v44  }
0xfd: {  	v27 =	vor.u32 v16, v27;
	v29 =	vor.u32 v16, v43;
	[tilespmem:v25+s7+$0x0] =	vst.idx.msk $0xffff, v36  }
0xfe: {  	v28 =	vor.u32 v16, v45;
	[tilespmem:v62+s7+$0x0] =	vst.idx.msk $0xffff, v33;
	v33 =	vor.u32 v16, v46  }
0xff: {  	s13 =	simm.s32 $0x10;
	v25 =	vor.u32 v16, v48;
	v16 =	vor.u32 v16, v47;
	[tilespmem:v63+s7+$0x0] =	vst.idx.msk $0xffff, v34  }
.LBB2_6:
0x100: {  	p0 =	sne.s32 s13, $0x1F0  }
0x101: {  	[tilespmem:v38+s7+$0x0] =	vst.idx.msk $0xffff, v18;
	s12 =	sadd.s32 $0x4, s12;
	s14 =	smov.u32 s13;
	s13 =	sadd.s32 $0x10, s13  }
0x102: {  	[tilespmem:v26+s7+$0x0] =	vst.idx.msk $0xffff, v50  }
0x103: {  	[tilespmem:v33+s7+$0x0] =	vst.idx.msk $0xffff, v19  }
0x104: {  	s15 =	sand.u32 $0x70, s12;
	[tilespmem:v35+s7+$0x0] =	vst.idx.msk $0xffff, v49  }
0x105: {  	s14 =	sand.u32 $0x30, s14;
	v34 =	vor.u32 s15, v0;
	[tilespmem:v27+s7+$0x0] =	vst.idx.msk $0xffff, v24  }
0x106: {  	v33 =	vor.u32 s14, v8;
	v26 =	vshll.u32 v34, $0x7;
	v24 =	vor.u32 s14, v0;
	[tilespmem:v31+s7+$0x0] =	vst.idx.msk $0xffff, v30  }
0x107: {  	v27 =	vor.u32 s14, v1;
	v18 =	vor.u32 v24, v26;
	v30 =	vor.u32 s14, v4;
	[tilespmem:v32+s7+$0x0] =	vst.idx.msk $0xffff, v20  }
0x108: {  	v31 =	vor.u32 s14, v5;
	v20 =	vor.u32 s14, v3;
	v19 =	vor.u32 v30, v26;
	[tilespmem:v29+s7+$0x0] =	vst.idx.msk $0xffff, v21  }
0x109: {  	v36 =	vor.u32 s14, v14;
	v21 =	vor.u32 s14, v2;
	v29 =	vor.u32 v31, v26;
	[tilespmem:v28+s7+$0x0] =	vst.idx.msk $0xffff, v22  }
0x10a: {  	v22 =	vor.u32 v33, v26;
	v28 =	vor.u32 v36, v26;
	v32 =	vshll.u32 v21, $0x7;
	[tilespmem:v16+s7+$0x0] =	vst.idx.msk $0xffff, v17  }
0x10b: {  	v35 =	vor.u32 s14, v6;
	v16 =	vor.u32 v21, v26;
	v21 =	vor.u32 v20, v26;
	[tilespmem:v25+s7+$0x0] =	vst.idx.msk $0xffff, v23  }
0x10c: {  	v39 =	vor.u32 v34, v32;
	v23 =	vor.u32 v27, v26;
	v25 =	vor.u32 s14, v7;
	v37 =	vld.idx.msk [tilespmem:v18+s26+$0x0], $0xffff  }
0x10d: {  	v41 =	vor.u32 s14, v10;
	v42 =	vor.u32 s14, v11;
	v32 =	vor.u32 s14, v9;
	v40 =	vld.idx.msk [tilespmem:v19+s26+$0x0], $0xffff  }
0x10e: {  	v38 =	vor.u32 v42, v26;
	v43 =	vor.u32 v25, v26;
	v18 =	vld.idx.msk [tilespmem:v29+s26+$0x0], $0xffff;
	v29 =	vor.u32 v32, v26  }
0x10f: {  	v46 =	vor.u32 s14, v12;
	v44 =	vor.u32 v35, v26;
	v45 =	vor.u32 v41, v26;
	v17 =	vld.idx.msk [tilespmem:v28+s26+$0x0], $0xffff  }
0x110: {  	v47 =	vor.u32 s14, v15;
	v28 =	vor.u32 s14, v13;
	v19 =	vld.idx.msk [tilespmem:v22+s26+$0x0], $0xffff;
	v22 =	vor.u32 v46, v26  }
0x111: {  	v51 =	vor.u32 v47, v26;
	v24 =	vshll.u32 v24, $0x7;
	v48 =	vld.idx.msk [tilespmem:v23+s26+$0x0], $0xffff;
	v23 =	vor.u32 v28, v26  }
0x112: {  	v53 =	vor.u32 v34, v24;
	v24 =	vshll.u32 v25, $0x7;
	v52 =	vld.idx.msk [tilespmem:v21+s26+$0x0], $0xffff;
	v21 =	vshll.u32 v27, $0x7  }
0x113: {  	v26 =	vor.u32 v34, v24;
	v54 =	vld.idx.msk [tilespmem:v16+s26+$0x0], $0xffff;
	v55 =	vor.u32 v34, v21;
	v16 =	vshll.u32 v20, $0x7  }
0x114: {  	v24 =	vshll.u32 v32, $0x7;
	v20 =	vld.idx.msk [tilespmem:v38+s26+$0x0], $0xffff;
	v56 =	vor.u32 v34, v16;
	v16 =	vshll.u32 v30, $0x7  }
0x115: {  	v27 =	vor.u32 v34, v24;
	v21 =	vld.idx.msk [tilespmem:v22+s26+$0x0], $0xffff;
	v57 =	vor.u32 v34, v16;
	v16 =	vshll.u32 v31, $0x7  }
0x116: {  	v25 =	vshll.u32 v41, $0x7;
	v24 =	vld.idx.msk [tilespmem:v29+s26+$0x0], $0xffff;
	v38 =	vor.u32 v34, v16;
	v16 =	vshll.u32 v35, $0x7  }
0x117: {  	v31 =	vor.u32 v34, v25;
	v22 =	vld.idx.msk [tilespmem:v23+s26+$0x0], $0xffff;
	v35 =	vor.u32 v34, v16;
	v16 =	vshll.u32 v46, $0x7  }
0x118: {  	v23 =	vshll.u32 v42, $0x7;
	v49 =	vld.idx.msk [tilespmem:v44+s26+$0x0], $0xffff;
	v29 =	vor.u32 v34, v16;
	v16 =	vshll.u32 v28, $0x7  }
0x119: {  	v32 =	vor.u32 v34, v23;
	v30 =	vld.idx.msk [tilespmem:v45+s26+$0x0], $0xffff;
	v28 =	vor.u32 v34, v16;
	v16 =	vshll.u32 v47, $0x7  }
0x11a: {  	v33 =	vshll.u32 v33, $0x7;
	v36 =	vshll.u32 v36, $0x7;
	v50 =	vld.idx.msk [tilespmem:v43+s26+$0x0], $0xffff;
	v25 =	vor.u32 v34, v16  }
0x11b: {  	v33 =	vor.u32 v34, v33;
	v16 =	vor.u32 v34, v36;
	v23 =	vld.idx.msk [tilespmem:v51+s26+$0x0], $0xffff  }
.Ltmp2:
0x11c: {  	[tilespmem:v53+s7+$0x0] =	vst.idx.msk $0xffff, v37;
	(pc) =	sbr.rel @p0 .LBB2_6-.Ltmp2, $4  }
0x11d: {  	[tilespmem:v55+s7+$0x0] =	vst.idx.msk $0xffff, v48  }
0x11e: {  	[tilespmem:v39+s7+$0x0] =	vst.idx.msk $0xffff, v54  }
0x11f: {  	[tilespmem:v56+s7+$0x0] =	vst.idx.msk $0xffff, v52  }
0x120: {  	[tilespmem:v57+s7+$0x0] =	vst.idx.msk $0xffff, v40  }
0x121: {  	_ =	sdelay $0x3  }
0x122: {  	[tilespmem:v38+s7+$0x0] =	vst.idx.msk $0xffff, v18  }
0x123: {  	[tilespmem:v26+s7+$0x0] =	vst.idx.msk $0xffff, v50  }
0x124: {  	[tilespmem:v33+s7+$0x0] =	vst.idx.msk $0xffff, v19  }
0x125: {  	[tilespmem:v35+s7+$0x0] =	vst.idx.msk $0xffff, v49  }
0x126: {  	[tilespmem:v27+s7+$0x0] =	vst.idx.msk $0xffff, v24  }
0x127: {  	[tilespmem:v31+s7+$0x0] =	vst.idx.msk $0xffff, v30  }
0x128: {  	[tilespmem:v32+s7+$0x0] =	vst.idx.msk $0xffff, v20  }
0x129: {  	[tilespmem:v29+s7+$0x0] =	vst.idx.msk $0xffff, v21  }
0x12a: {  	[tilespmem:v28+s7+$0x0] =	vst.idx.msk $0xffff, v22  }
0x12b: {  	[tilespmem:v16+s7+$0x0] =	vst.idx.msk $0xffff, v17  }
0x12c: {  	s12 =	rddreg [dreg:$0xa];
	[tilespmem:v25+s7+$0x0] =	vst.idx.msk $0xffff, v23  }
0x12d: {  	[hbm4b:s12+s8] =	stream.strided.scatter [tilespmem:s5], [sflag:$0x3], $0x6000, s9, s8, $0x38;
	[tilespmem:$0x1E300] =	vst v63  }
0x12e: {  	_ =	swait.ge [sflag:s21], $0x6000  }
0x12f: {  	[sflag:s21] =	ssyncset.done $0x0  }
0x130: {  	s12 =	simm.s32 $0x0;
	s13 =	rddreg [dreg:$0xb];
	[sflag:s21] =	ssyncadd.s32 $0xFFFFA000  }
0x131: {  	[tilespmem:s12], [sflag:$0x3] =	stream.linear.gather [hbm4b:s13+s12], $0x80, $0x38;
	[tilespmem:$0x1E300] =	vst v63  }
0x132: {  	_ =	swait.ge [sflag:s21], $0x80  }
0x133: {  	[sflag:s21] =	ssyncset.done $0x0  }
0x134: {  	s16 =	rddreg [dreg:$0xc];
	[sflag:s21] =	ssyncadd.s32 $0xFFFFFF80  }
0x135: {  	[tilespmem:s22], [sflag:$0x3] =	stream.linear.gather [hbm4b:s16+s12], $0x80, $0x38;
	[tilespmem:$0x1E300] =	vst v63  }
0x136: {  	_ =	swait.ge [sflag:s21], $0x80  }
0x137: {  	[sflag:s21] =	ssyncset.done $0x0  }
0x138: {  	s14 =	rddreg [dreg:$0xd];
	[sflag:s21] =	ssyncadd.s32 $0xFFFFFF80  }
0x139: {  	[tilespmem:s23], [sflag:$0x3] =	stream.linear.gather [hbm4b:s14+s12], $0x80, $0x38;
	[tilespmem:$0x1E300] =	vst v63  }
0x13a: {  	_ =	swait.ge [sflag:s21], $0x80  }
0x13b: {  	[sflag:s21] =	ssyncset.done $0x0  }
0x13c: {  	[sflag:s21] =	ssyncadd.s32 $0xFFFFFF80  }
0x13d: {  	[tilespmem:s24], [sflag:$0x1] =	stream.indirect.gather [hbm4b:s3+s22], $0x80, s12, s22, $0xb8;
	[tilespmem:$0x1E300] =	vst v63  }
0x13e: {  	_ = 	snop  }
0x13f: {  	[tilespmem:s25], [sflag:$0x1] =	stream.indirect.gather [hbm4b:s3+s22], $0x80, s22, s22, $0xb8;
	[tilespmem:$0x1E300] =	vst v63  }
0x140: {  	_ = 	snop  }
0x141: {  	[tilespmem:s26], [sflag:$0x1] =	stream.indirect.gather [hbm4b:s3+s22], $0x80, s23, s22, $0xb8;
	[tilespmem:$0x1E300] =	vst v63  }
0x142: {  	_ =	swait.ge [sflag:s10], $0x4000  }
0x143: {  	[sflag:s10] =	ssyncset.done $0x0  }
0x144: {  	[sflag:s10] =	ssyncadd.s32 $0xFFFFC000  }
0x145: {  	s15 =	sand.u32 $0x70, s12;
	_ =	swait.ge [sflag:s10], $0x4000  }
0x146: {  	v16 =	vor.u32 s15, v0;
	s16 =	sand.u32 $0x30, s12;
	[sflag:s10] =	ssyncset.done $0x0  }
0x147: {  	v18 =	vshll.u32 v16, $0x7;
	v17 =	vor.u32 s16, v0;
	[sflag:s10] =	ssyncadd.s32 $0xFFFFC000  }
0x148: {  	v19 =	vor.u32 s16, v4;
	v62 =	vor.u32 v17, v18;
	_ =	swait.ge [sflag:s10], $0x4000  }
0x149: {  	v20 =	vor.u32 s16, v5;
	v63 =	vor.u32 v19, v18;
	[tilespmem:$0x1FCD0] =	vst v62  }
0x14a: {  	v21 =	vor.u32 s16, v14;
	v36 =	vor.u32 v20, v18;
	[tilespmem:$0x1FCE0] =	vst v63  }
0x14b: {  	v23 =	vor.u32 s16, v8;
	v37 =	vor.u32 v21, v18;
	[tilespmem:$0x1FCF0] =	vst v36  }
0x14c: {  	v22 =	vor.u32 s16, v1;
	v38 =	vor.u32 v23, v18;
	[tilespmem:$0x1FD00] =	vst v37  }
0x14d: {  	v33 =	vor.u32 s16, v3;
	v39 =	vor.u32 v22, v18;
	[tilespmem:$0x1FD10] =	vst v38  }
0x14e: {  	v28 =	vor.u32 s16, v2;
	v54 =	vor.u32 v33, v18;
	[tilespmem:$0x1FD20] =	vst v39  }
0x14f: {  	v45 =	vor.u32 s16, v11;
	v55 =	vor.u32 v28, v18;
	[tilespmem:$0x1FD30] =	vst v54  }
0x150: {  	v43 =	vor.u32 s16, v12;
	v56 =	vor.u32 v45, v18;
	[sflag:s10] =	ssyncset.done $0x0;
	[tilespmem:$0x1FD40] =	vst v55  }
0x151: {  	v34 =	vor.u32 s16, v9;
	v57 =	vor.u32 v43, v18;
	[tilespmem:$0x1FD50] =	vst v56;
	[sflag:s10] =	ssyncadd.s32 $0xFFFFC000  }
0x152: {  	v46 =	vor.u32 s16, v13;
	v58 =	vor.u32 v34, v18;
	[tilespmem:$0x1FD60] =	vst v57;
	v44 =	vld.idx.msk [tilespmem:v62+s31+$0x0], $0xffff  }
0x153: {  	v41 =	vor.u32 s16, v6;
	v59 =	vor.u32 v46, v18;
	[tilespmem:$0x1FD70] =	vst v58;
	v24 =	vld.idx.msk [tilespmem:v63+s31+$0x0], $0xffff  }
0x154: {  	v31 =	vor.u32 v41, v18;
	v28 =	vshll.u32 v28, $0x7;
	[tilespmem:$0x1FD80] =	vst v59;
	v50 =	vld.idx.msk [tilespmem:v36+s31+$0x0], $0xffff  }
0x155: {  	v42 =	vor.u32 s16, v10;
	v26 =	vor.u32 v16, v28;
	[tilespmem:$0x1FDA0] =	vst v31;
	v49 =	vld.idx.msk [tilespmem:v37+s31+$0x0], $0xffff  }
0x156: {  	v17 =	vshll.u32 v17, $0x7;
	[tilespmem:$0x1FE40] =	vst v26;
	v47 =	vld.idx.msk [tilespmem:v39+s31+$0x0], $0xffff;
	v39 =	vor.u32 v42, v18  }
0x157: {  	v51 =	vld.idx.msk [tilespmem:v38+s31+$0x0], $0xffff;
	v37 =	vor.u32 s16, v7;
	v36 =	vor.u32 v16, v17;
	[tilespmem:$0x1FDB0] =	vst v39  }
0x158: {  	v25 =	vld.idx.msk [tilespmem:v54+s31+$0x0], $0xffff;
	v17 =	vshll.u32 v22, $0x7;
	v22 =	vshll.u32 v37, $0x7;
	[tilespmem:$0x1FE20] =	vst v36  }
0x159: {  	v48 =	vor.u32 s16, v15;
	v61 =	vld.idx.msk [tilespmem:v55+s31+$0x0], $0xffff;
	v40 =	vor.u32 v37, v18;
	[tilespmem:$0x1FD90] =	vst v22  }
0x15a: {  	v52 =	vld.idx.msk [tilespmem:v56+s31+$0x0], $0xffff;
	v18 =	vor.u32 v48, v18;
	[tilespmem:$0x1FDD0] =	vst v40  }
0x15b: {  	v53 =	vld.idx.msk [tilespmem:v57+s31+$0x0], $0xffff;
	v37 =	vor.u32 v16, v17;
	v17 =	vshll.u32 v33, $0x7;
	[tilespmem:$0x1FDF0] =	vst v18  }
0x15c: {  	v55 =	vld.idx.msk [tilespmem:v58+s31+$0x0], $0xffff;
	v38 =	vor.u32 v16, v17;
	v17 =	vshll.u32 v19, $0x7;
	v19 =	vshll.u32 v34, $0x7;
	[tilespmem:$0x1FE30] =	vst v37  }
0x15d: {  	v54 =	vld.idx.msk [tilespmem:v59+s31+$0x0], $0xffff;
	[tilespmem:$0x1FDC0] =	vst v19  }
0x15e: {  	v62 =	vld.idx.msk [tilespmem:v31+s31+$0x0], $0xffff;
	v58 =	vor.u32 v16, v19;
	v19 =	vshll.u32 v42, $0x7;
	[tilespmem:$0x1FE50] =	vst v38  }
0x15f: {  	[tilespmem:$0x1FE10] =	vst v19;
	v60 =	vld.idx.msk [tilespmem:v39+s31+$0x0], $0xffff;
	v39 =	vor.u32 v16, v17;
	v17 =	vshll.u32 v20, $0x7  }
0x160: {  	v56 =	vor.u32 v16, v22;
	v22 =	vld.idx.msk [tilespmem:v40+s31+$0x0], $0xffff;
	[tilespmem:$0x1FDE0] =	vst v17  }
0x161: {  	v57 =	vld.idx.msk [tilespmem:v18+s31+$0x0], $0xffff;
	[tilespmem:v36+s5+$0x0] =	vst.idx.msk $0xffff, v44  }
0x162: {  	v43 =	vshll.u32 v43, $0x7;
	v20 =	vor.u32 v16, v17;
	v17 =	vshll.u32 v41, $0x7;
	[tilespmem:$0x1FE60] =	vst v39  }
0x163: {  	v59 =	vor.u32 v16, v43;
	v48 =	vshll.u32 v48, $0x7;
	[tilespmem:$0x1FE00] =	vst v17  }
0x164: {  	v63 =	vor.u32 v16, v19;
	v44 =	vshll.u32 v45, $0x7;
	v45 =	vshll.u32 v46, $0x7;
	[tilespmem:v37+s5+$0x0] =	vst.idx.msk $0xffff, v47  }
0x165: {  	v46 =	vshll.u32 v23, $0x7;
	v18 =	vor.u32 v16, v17;
	v19 =	vor.u32 v16, v44;
	[tilespmem:v26+s5+$0x0] =	vst.idx.msk $0xffff, v61  }
0x166: {  	v17 =	vor.u32 v16, v45;
	v47 =	vshll.u32 v21, $0x7;
	v23 =	vor.u32 v16, v46;
	[tilespmem:v38+s5+$0x0] =	vst.idx.msk $0xffff, v25  }
0x167: {  	s13 =	simm.s32 $0x10;
	s14 =	simm.s32 $0x0;
	v61 =	vor.u32 v16, v48;
	v21 =	vor.u32 v16, v47;
	[tilespmem:v39+s5+$0x0] =	vst.idx.msk $0xffff, v24  }
.LBB2_8:
0x168: {  	p0 =	sne.s32 s13, $0x1F0  }
0x169: {  	[tilespmem:v20+s5+$0x0] =	vst.idx.msk $0xffff, v50;
	s14 =	sadd.s32 $0x4, s14;
	s15 =	smov.u32 s13;
	s13 =	sadd.s32 $0x10, s13  }
0x16a: {  	[tilespmem:v56+s5+$0x0] =	vst.idx.msk $0xffff, v22  }
0x16b: {  	[tilespmem:v23+s5+$0x0] =	vst.idx.msk $0xffff, v51  }
0x16c: {  	s16 =	sand.u32 $0x70, s14;
	[tilespmem:v18+s5+$0x0] =	vst.idx.msk $0xffff, v62  }
0x16d: {  	s15 =	sand.u32 $0x30, s15;
	v24 =	vor.u32 s16, v0;
	[tilespmem:v58+s5+$0x0] =	vst.idx.msk $0xffff, v55  }
0x16e: {  	v23 =	vor.u32 s15, v8;
	v18 =	vor.u32 s15, v0;
	v20 =	vshll.u32 v24, $0x7;
	[tilespmem:v63+s5+$0x0] =	vst.idx.msk $0xffff, v60  }
0x16f: {  	v25 =	vor.u32 s15, v1;
	v22 =	vor.u32 v18, v20;
	v55 =	vor.u32 s15, v4;
	[tilespmem:v19+s5+$0x0] =	vst.idx.msk $0xffff, v52  }
0x170: {  	v58 =	vor.u32 s15, v5;
	v50 =	vor.u32 v55, v20;
	v19 =	vor.u32 s15, v3;
	[tilespmem:v59+s5+$0x0] =	vst.idx.msk $0xffff, v53  }
0x171: {  	v51 =	vor.u32 s15, v2;
	v26 =	vor.u32 s15, v14;
	v52 =	vor.u32 v58, v20;
	[tilespmem:v17+s5+$0x0] =	vst.idx.msk $0xffff, v54  }
0x172: {  	v53 =	vor.u32 v26, v20;
	v17 =	vor.u32 v23, v20;
	v54 =	vshll.u32 v51, $0x7;
	[tilespmem:v21+s5+$0x0] =	vst.idx.msk $0xffff, v49  }
0x173: {  	v56 =	vor.u32 v19, v20;
	v59 =	vor.u32 s15, v6;
	v21 =	vor.u32 v51, v20;
	[tilespmem:v61+s5+$0x0] =	vst.idx.msk $0xffff, v57  }
0x174: {  	v28 =	vor.u32 v24, v54;
	v57 =	vor.u32 s15, v7;
	v27 =	vld.idx.msk [tilespmem:v22+s31+$0x0], $0xffff;
	v22 =	vor.u32 v25, v20  }
0x175: {  	v60 =	vor.u32 s15, v10;
	v54 =	vor.u32 s15, v9;
	v61 =	vor.u32 s15, v11;
	v29 =	vld.idx.msk [tilespmem:v50+s31+$0x0], $0xffff  }
0x176: {  	v62 =	vor.u32 v54, v20;
	v30 =	vor.u32 v57, v20;
	v50 =	vld.idx.msk [tilespmem:v52+s31+$0x0], $0xffff;
	v52 =	vor.u32 v61, v20  }
0x177: {  	v33 =	vor.u32 s15, v12;
	v32 =	vor.u32 v60, v20;
	v31 =	vor.u32 v59, v20;
	v49 =	vld.idx.msk [tilespmem:v53+s31+$0x0], $0xffff  }
0x178: {  	v34 =	vor.u32 s15, v13;
	v35 =	vor.u32 s15, v15;
	v51 =	vld.idx.msk [tilespmem:v17+s31+$0x0], $0xffff;
	v17 =	vor.u32 v33, v20  }
0x179: {  	v37 =	vor.u32 v35, v20;
	v18 =	vshll.u32 v18, $0x7;
	v36 =	vld.idx.msk [tilespmem:v22+s31+$0x0], $0xffff;
	v22 =	vor.u32 v34, v20  }
0x17a: {  	v39 =	vor.u32 v24, v18;
	v18 =	vshll.u32 v25, $0x7;
	v20 =	vshll.u32 v57, $0x7;
	v38 =	vld.idx.msk [tilespmem:v56+s31+$0x0], $0xffff  }
0x17b: {  	v40 =	vor.u32 v24, v18;
	v18 =	vshll.u32 v19, $0x7;
	v56 =	vor.u32 v24, v20;
	v25 =	vld.idx.msk [tilespmem:v21+s31+$0x0], $0xffff  }
0x17c: {  	v41 =	vor.u32 v24, v18;
	v18 =	vshll.u32 v55, $0x7;
	v19 =	vshll.u32 v54, $0x7;
	v52 =	vld.idx.msk [tilespmem:v52+s31+$0x0], $0xffff  }
0x17d: {  	v42 =	vor.u32 v24, v18;
	v53 =	vld.idx.msk [tilespmem:v17+s31+$0x0], $0xffff;
	v17 =	vshll.u32 v58, $0x7;
	v58 =	vor.u32 v24, v19  }
0x17e: {  	v19 =	vshll.u32 v60, $0x7;
	v55 =	vld.idx.msk [tilespmem:v62+s31+$0x0], $0xffff;
	v20 =	vor.u32 v24, v17;
	v17 =	vshll.u32 v59, $0x7  }
0x17f: {  	v63 =	vor.u32 v24, v19;
	v54 =	vld.idx.msk [tilespmem:v22+s31+$0x0], $0xffff;
	v18 =	vor.u32 v24, v17;
	v17 =	vshll.u32 v33, $0x7  }
0x180: {  	v19 =	vshll.u32 v61, $0x7;
	v62 =	vld.idx.msk [tilespmem:v31+s31+$0x0], $0xffff;
	v59 =	vor.u32 v24, v17;
	v17 =	vshll.u32 v34, $0x7  }
0x181: {  	v21 =	vshll.u32 v35, $0x7;
	v19 =	vor.u32 v24, v19;
	v60 =	vld.idx.msk [tilespmem:v32+s31+$0x0], $0xffff;
	v17 =	vor.u32 v24, v17  }
0x182: {  	v26 =	vshll.u32 v26, $0x7;
	v23 =	vshll.u32 v23, $0x7;
	v61 =	vor.u32 v24, v21;
	v22 =	vld.idx.msk [tilespmem:v30+s31+$0x0], $0xffff  }
0x183: {  	v23 =	vor.u32 v24, v23;
	v21 =	vor.u32 v24, v26;
	v57 =	vld.idx.msk [tilespmem:v37+s31+$0x0], $0xffff  }
.Ltmp3:
0x184: {  	[tilespmem:v39+s5+$0x0] =	vst.idx.msk $0xffff, v27;
	(pc) =	sbr.rel @p0 .LBB2_8-.Ltmp3, $4  }
0x185: {  	[tilespmem:v40+s5+$0x0] =	vst.idx.msk $0xffff, v36  }
0x186: {  	[tilespmem:v28+s5+$0x0] =	vst.idx.msk $0xffff, v25  }
0x187: {  	[tilespmem:v41+s5+$0x0] =	vst.idx.msk $0xffff, v38  }
0x188: {  	[tilespmem:v42+s5+$0x0] =	vst.idx.msk $0xffff, v29  }
0x189: {  	_ =	sdelay $0x3  }
0x18a: {  	[tilespmem:v20+s5+$0x0] =	vst.idx.msk $0xffff, v50  }
0x18b: {  	[tilespmem:v56+s5+$0x0] =	vst.idx.msk $0xffff, v22  }
0x18c: {  	[tilespmem:v23+s5+$0x0] =	vst.idx.msk $0xffff, v51  }
0x18d: {  	[tilespmem:v18+s5+$0x0] =	vst.idx.msk $0xffff, v62;
	v18 =	vld [tilespmem:$0x1FD10]  }
0x18e: {  	[tilespmem:v58+s5+$0x0] =	vst.idx.msk $0xffff, v55  }
0x18f: {  	[tilespmem:v63+s5+$0x0] =	vst.idx.msk $0xffff, v60  }
0x190: {  	[tilespmem:v19+s5+$0x0] =	vst.idx.msk $0xffff, v52  }
0x191: {  	[tilespmem:v59+s5+$0x0] =	vst.idx.msk $0xffff, v53  }
0x192: {  	[tilespmem:v17+s5+$0x0] =	vst.idx.msk $0xffff, v54  }
0x193: {  	[tilespmem:v21+s5+$0x0] =	vst.idx.msk $0xffff, v49  }
0x194: {  	[tilespmem:v61+s5+$0x0] =	vst.idx.msk $0xffff, v57  }
0x195: {  	v49 =	vld.idx.msk [tilespmem:v18+s0+$0x0], $0xffff  }
0x196: {  	v18 =	vld [tilespmem:$0x1FD20];
	_ =	sdelay $0x1  }
0x197: {  	v22 =	vld [tilespmem:$0x1FDA0];
	_ =	sdelay $0x3  }
0x198: {  	v17 =	vld [tilespmem:$0x1FCD0];
	_ =	sdelay $0x1  }
0x199: {  	v25 =	vld.idx.msk [tilespmem:v18+s0+$0x0], $0xffff  }
0x19a: {  	v18 =	vld [tilespmem:$0x1FD30]  }
0x19b: {  	v50 =	vld.idx.msk [tilespmem:v22+s0+$0x0], $0xffff  }
0x19c: {  	v22 =	vld [tilespmem:$0x1FDB0];
	_ =	sdelay $0x2  }
0x19d: {  	v23 =	vld.idx.msk [tilespmem:v17+s0+$0x0], $0xffff  }
0x19e: {  	v17 =	vld [tilespmem:$0x1FCE0];
	_ =	sdelay $0x1  }
0x19f: {  	v28 =	vld.idx.msk [tilespmem:v18+s0+$0x0], $0xffff  }
0x1a0: {  	v18 =	vld [tilespmem:$0x1FD40]  }
0x1a1: {  	v30 =	vld.idx.msk [tilespmem:v22+s0+$0x0], $0xffff  }
0x1a2: {  	v22 =	vld [tilespmem:$0x1FDD0];
	_ =	sdelay $0x1  }
0x1a3: {  	v21 =	vld [tilespmem:$0x1FD70]  }
0x1a4: {  	v33 =	vld.idx.msk [tilespmem:v17+s0+$0x0], $0xffff  }
0x1a5: {  	v17 =	vld [tilespmem:$0x1FCF0]  }
0x1a6: {  	v31 =	vld [tilespmem:$0x1FDE0]  }
0x1a7: {  	v26 =	vld.idx.msk [tilespmem:v18+s0+$0x0], $0xffff  }
0x1a8: {  	v18 =	vld [tilespmem:$0x1FD50]  }
0x1a9: {  	v51 =	vld.idx.msk [tilespmem:v22+s0+$0x0], $0xffff  }
0x1aa: {  	v22 =	vld [tilespmem:$0x1FD90]  }
0x1ab: {  	v24 =	vld.idx.msk [tilespmem:v21+s0+$0x0], $0xffff  }
0x1ac: {  	v21 =	vld [tilespmem:$0x1FD80]  }
0x1ad: {  	v19 =	vld.idx.msk [tilespmem:v17+s0+$0x0], $0xffff  }
0x1ae: {  	v17 =	vld [tilespmem:$0x1FD00]  }
0x1af: {  	v29 =	vor.u32 v16, v22;
	v22 =	vld [tilespmem:$0x1FDF0]  }
0x1b0: {  	v20 =	vld.idx.msk [tilespmem:v18+s0+$0x0], $0xffff  }
0x1b1: {  	v18 =	vld [tilespmem:$0x1FD60]  }
0x1b2: {  	v38 =	vor.u32 v16, v31;
	v31 =	vld [tilespmem:$0x1FE20];
	_ =	sdelay $0x3  }
0x1b3: {  	v21 =	vld.idx.msk [tilespmem:v21+s0+$0x0], $0xffff  }
0x1b4: {  	v17 =	vld.idx.msk [tilespmem:v17+s0+$0x0], $0xffff  }
0x1b5: {  	v22 =	vld.idx.msk [tilespmem:v22+s0+$0x0], $0xffff  }
0x1b6: {  	v18 =	vld.idx.msk [tilespmem:v18+s0+$0x0], $0xffff  }
0x1b7: {  	[tilespmem:v31+s6+$0x0] =	vst.idx.msk $0xffff, v23;
	v23 =	vld [tilespmem:$0x1FE00];
	_ =	sdelay $0x4  }
0x1b8: {  	v35 =	vor.u32 v16, v23;
	v23 =	vld [tilespmem:$0x1FE10];
	_ =	sdelay $0x4  }
0x1b9: {  	v31 =	vor.u32 v16, v23;
	v23 =	vld [tilespmem:$0x1FE30];
	_ =	sdelay $0x7  }
0x1ba: {  	[tilespmem:v23+s6+$0x0] =	vst.idx.msk $0xffff, v25;
	v23 =	vld [tilespmem:$0x1FE40]  }
0x1bb: {  	v34 =	vld [tilespmem:$0x1FE50]  }
0x1bc: {  	v63 =	vld [tilespmem:$0x1FE60]  }
0x1bd: {  	v27 =	vld [tilespmem:$0x1FDC0];
	_ =	sdelay $0x3  }
0x1be: {  	v32 =	vor.u32 v16, v44  }
0x1bf: {  	v27 =	vor.u32 v16, v27;
	v25 =	vor.u32 v16, v43;
	[tilespmem:v23+s6+$0x0] =	vst.idx.msk $0xffff, v26  }
0x1c0: {  	v26 =	vor.u32 v16, v45;
	[tilespmem:v34+s6+$0x0] =	vst.idx.msk $0xffff, v28;
	v28 =	vor.u32 v16, v46  }
0x1c1: {  	s13 =	simm.s32 $0x10;
	v23 =	vor.u32 v16, v48;
	v16 =	vor.u32 v16, v47;
	[tilespmem:v63+s6+$0x0] =	vst.idx.msk $0xffff, v33  }
.LBB2_10:
0x1c2: {  	p0 =	sne.s32 s13, $0x1F0  }
0x1c3: {  	[tilespmem:v38+s6+$0x0] =	vst.idx.msk $0xffff, v19;
	s12 =	sadd.s32 $0x4, s12;
	s14 =	smov.u32 s13;
	s13 =	sadd.s32 $0x10, s13  }
0x1c4: {  	[tilespmem:v29+s6+$0x0] =	vst.idx.msk $0xffff, v51  }
0x1c5: {  	[tilespmem:v28+s6+$0x0] =	vst.idx.msk $0xffff, v49  }
0x1c6: {  	s15 =	sand.u32 $0x70, s12;
	[tilespmem:v35+s6+$0x0] =	vst.idx.msk $0xffff, v50  }
0x1c7: {  	s14 =	sand.u32 $0x30, s14;
	v33 =	vor.u32 s15, v0;
	[tilespmem:v27+s6+$0x0] =	vst.idx.msk $0xffff, v24  }
0x1c8: {  	v28 =	vor.u32 s14, v8;
	v24 =	vor.u32 s14, v0;
	v27 =	vshll.u32 v33, $0x7;
	[tilespmem:v31+s6+$0x0] =	vst.idx.msk $0xffff, v30  }
0x1c9: {  	v29 =	vor.u32 s14, v1;
	v19 =	vor.u32 v24, v27;
	v30 =	vor.u32 s14, v4;
	[tilespmem:v32+s6+$0x0] =	vst.idx.msk $0xffff, v20  }
0x1ca: {  	v20 =	vor.u32 s14, v3;
	v31 =	vor.u32 v30, v27;
	v32 =	vor.u32 s14, v5;
	[tilespmem:v25+s6+$0x0] =	vst.idx.msk $0xffff, v18  }
0x1cb: {  	v34 =	vor.u32 s14, v14;
	v18 =	vor.u32 s14, v2;
	v25 =	vor.u32 v32, v27;
	[tilespmem:v26+s6+$0x0] =	vst.idx.msk $0xffff, v21  }
0x1cc: {  	v21 =	vor.u32 v28, v27;
	v26 =	vor.u32 v34, v27;
	v35 =	vshll.u32 v18, $0x7;
	[tilespmem:v16+s6+$0x0] =	vst.idx.msk $0xffff, v17  }
0x1cd: {  	v36 =	vor.u32 s14, v6;
	v16 =	vor.u32 v18, v27;
	v18 =	vor.u32 v20, v27;
	[tilespmem:v23+s6+$0x0] =	vst.idx.msk $0xffff, v22  }
0x1ce: {  	v39 =	vor.u32 v33, v35;
	v22 =	vor.u32 v29, v27;
	v23 =	vor.u32 s14, v7;
	v37 =	vld.idx.msk [tilespmem:v19+s0+$0x0], $0xffff  }
0x1cf: {  	v41 =	vor.u32 s14, v11;
	v35 =	vor.u32 s14, v10;
	v40 =	vld.idx.msk [tilespmem:v31+s0+$0x0], $0xffff;
	v31 =	vor.u32 s14, v9  }
0x1d0: {  	v38 =	vor.u32 v41, v27;
	v42 =	vor.u32 v23, v27;
	v19 =	vld.idx.msk [tilespmem:v25+s0+$0x0], $0xffff;
	v25 =	vor.u32 v31, v27  }
0x1d1: {  	v45 =	vor.u32 s14, v12;
	v43 =	vor.u32 v36, v27;
	v44 =	vor.u32 v35, v27;
	v17 =	vld.idx.msk [tilespmem:v26+s0+$0x0], $0xffff  }
0x1d2: {  	v46 =	vor.u32 s14, v15;
	v26 =	vor.u32 s14, v13;
	v49 =	vld.idx.msk [tilespmem:v21+s0+$0x0], $0xffff;
	v21 =	vor.u32 v45, v27  }
0x1d3: {  	v48 =	vor.u32 v46, v27;
	v24 =	vshll.u32 v24, $0x7;
	v47 =	vld.idx.msk [tilespmem:v22+s0+$0x0], $0xffff;
	v22 =	vor.u32 v26, v27  }
0x1d4: {  	v53 =	vor.u32 v33, v24;
	v23 =	vshll.u32 v23, $0x7;
	v52 =	vld.idx.msk [tilespmem:v18+s0+$0x0], $0xffff;
	v18 =	vshll.u32 v29, $0x7  }
0x1d5: {  	v29 =	vor.u32 v33, v23;
	v54 =	vld.idx.msk [tilespmem:v16+s0+$0x0], $0xffff;
	v55 =	vor.u32 v33, v18;
	v16 =	vshll.u32 v20, $0x7  }
0x1d6: {  	v23 =	vshll.u32 v31, $0x7;
	v20 =	vld.idx.msk [tilespmem:v38+s0+$0x0], $0xffff;
	v56 =	vor.u32 v33, v16;
	v16 =	vshll.u32 v30, $0x7  }
0x1d7: {  	v27 =	vor.u32 v33, v23;
	v18 =	vld.idx.msk [tilespmem:v21+s0+$0x0], $0xffff;
	v57 =	vor.u32 v33, v16;
	v16 =	vshll.u32 v32, $0x7  }
0x1d8: {  	v23 =	vshll.u32 v35, $0x7;
	v24 =	vld.idx.msk [tilespmem:v25+s0+$0x0], $0xffff;
	v38 =	vor.u32 v33, v16;
	v16 =	vshll.u32 v36, $0x7  }
0x1d9: {  	v31 =	vor.u32 v33, v23;
	v21 =	vld.idx.msk [tilespmem:v22+s0+$0x0], $0xffff;
	v35 =	vor.u32 v33, v16;
	v16 =	vshll.u32 v45, $0x7  }
0x1da: {  	v22 =	vshll.u32 v41, $0x7;
	v50 =	vld.idx.msk [tilespmem:v43+s0+$0x0], $0xffff;
	v25 =	vor.u32 v33, v16;
	v16 =	vshll.u32 v26, $0x7  }
0x1db: {  	v32 =	vor.u32 v33, v22;
	v30 =	vld.idx.msk [tilespmem:v44+s0+$0x0], $0xffff;
	v26 =	vor.u32 v33, v16;
	v16 =	vshll.u32 v46, $0x7  }
0x1dc: {  	v28 =	vshll.u32 v28, $0x7;
	v34 =	vshll.u32 v34, $0x7;
	v51 =	vld.idx.msk [tilespmem:v42+s0+$0x0], $0xffff;
	v23 =	vor.u32 v33, v16  }
0x1dd: {  	v28 =	vor.u32 v33, v28;
	v16 =	vor.u32 v33, v34;
	v22 =	vld.idx.msk [tilespmem:v48+s0+$0x0], $0xffff  }
.Ltmp4:
0x1de: {  	[tilespmem:v53+s6+$0x0] =	vst.idx.msk $0xffff, v37;
	(pc) =	sbr.rel @p0 .LBB2_10-.Ltmp4, $4  }
0x1df: {  	[tilespmem:v55+s6+$0x0] =	vst.idx.msk $0xffff, v47  }
0x1e0: {  	[tilespmem:v39+s6+$0x0] =	vst.idx.msk $0xffff, v54  }
0x1e1: {  	[tilespmem:v56+s6+$0x0] =	vst.idx.msk $0xffff, v52  }
0x1e2: {  	[tilespmem:v57+s6+$0x0] =	vst.idx.msk $0xffff, v40  }
0x1e3: {  	_ =	sdelay $0x3  }
0x1e4: {  	[tilespmem:v38+s6+$0x0] =	vst.idx.msk $0xffff, v19  }
0x1e5: {  	[tilespmem:v29+s6+$0x0] =	vst.idx.msk $0xffff, v51  }
0x1e6: {  	s12 =	simm.s32 $0x0;
	[tilespmem:v28+s6+$0x0] =	vst.idx.msk $0xffff, v49  }
0x1e7: {  	s13 =	sand.u32 $0x70, s12;
	[tilespmem:v35+s6+$0x0] =	vst.idx.msk $0xffff, v50  }
0x1e8: {  	s16 =	sand.u32 $0x30, s12;
	v35 =	vor.u32 s13, v0;
	[tilespmem:v27+s6+$0x0] =	vst.idx.msk $0xffff, v24  }
0x1e9: {  	v24 =	vor.u32 s16, v0;
	v27 =	vshll.u32 v35, $0x7;
	[tilespmem:v31+s6+$0x0] =	vst.idx.msk $0xffff, v30  }
0x1ea: {  	v29 =	vor.u32 s16, v2;
	v19 =	vor.u32 v24, v27;
	[tilespmem:v32+s6+$0x0] =	vst.idx.msk $0xffff, v20  }
0x1eb: {  	v41 =	vor.u32 s16, v13;
	v31 =	vor.u32 v29, v27;
	[tilespmem:v25+s6+$0x0] =	vst.idx.msk $0xffff, v18  }
0x1ec: {  	v43 =	vor.u32 s16, v6;
	v36 =	vor.u32 v41, v27;
	[tilespmem:v26+s6+$0x0] =	vst.idx.msk $0xffff, v21  }
0x1ed: {  	v28 =	vor.u32 s16, v4;
	v37 =	vor.u32 s16, v14;
	v45 =	vor.u32 v43, v27;
	[tilespmem:v16+s6+$0x0] =	vst.idx.msk $0xffff, v17  }
0x1ee: {  	v56 =	vor.u32 s16, v8;
	v18 =	vor.u32 v28, v27;
	v25 =	vor.u32 s16, v5;
	[tilespmem:v23+s6+$0x0] =	vst.idx.msk $0xffff, v22  }
0x1ef: {  	v29 =	vshll.u32 v29, $0x7;
	v24 =	vshll.u32 v24, $0x7;
	v20 =	vor.u32 v25, v27;
	v26 =	vld.idx.msk [tilespmem:v19+s2+$0x0], $0xffff  }
0x1f0: {  	v52 =	vor.u32 v35, v24;
	v21 =	vor.u32 s16, v1;
	v16 =	vor.u32 v37, v27;
	v46 =	vld.idx.msk [tilespmem:v31+s2+$0x0], $0xffff  }
0x1f1: {  	v24 =	vshll.u32 v21, $0x7;
	v22 =	vor.u32 v56, v27;
	v19 =	vor.u32 v21, v27;
	v21 =	vld.idx.msk [tilespmem:v36+s2+$0x0], $0xffff  }
0x1f2: {  	v59 =	vor.u32 v35, v29;
	v23 =	vor.u32 s16, v3;
	v29 =	vld.idx.msk [tilespmem:v45+s2+$0x0], $0xffff  }
0x1f3: {  	v30 =	vor.u32 v23, v27;
	v31 =	vor.u32 s16, v7;
	v39 =	vld.idx.msk [tilespmem:v18+s2+$0x0], $0xffff  }
0x1f4: {  	v33 =	vor.u32 s16, v11;
	v48 =	vor.u32 v31, v27;
	v17 =	vld.idx.msk [tilespmem:v20+s2+$0x0], $0xffff  }
0x1f5: {  	v40 =	vor.u32 s16, v12;
	v20 =	vor.u32 v33, v27;
	v16 =	vld.idx.msk [tilespmem:v16+s2+$0x0], $0xffff  }
0x1f6: {  	v57 =	vor.u32 s16, v9;
	v18 =	vld.idx.msk [tilespmem:v22+s2+$0x0], $0xffff;
	v22 =	vor.u32 v40, v27  }
0x1f7: {  	v58 =	vor.u32 s16, v15;
	v34 =	vor.u32 v57, v27;
	v42 =	vld.idx.msk [tilespmem:v19+s2+$0x0], $0xffff  }
0x1f8: {  	v60 =	vor.u32 v58, v27;
	v44 =	vld.idx.msk [tilespmem:v30+s2+$0x0], $0xffff;
	v30 =	vor.u32 s16, v10  }
0x1f9: {  	v38 =	vshll.u32 v56, $0x7;
	v47 =	vor.u32 v30, v27;
	v36 =	vld.idx.msk [tilespmem:v48+s2+$0x0], $0xffff  }
0x1fa: {  	v27 =	vshll.u32 v31, $0x7;
	v31 =	vor.u32 v35, v24;
	v24 =	vshll.u32 v23, $0x7;
	v19 =	vld.idx.msk [tilespmem:v20+s2+$0x0], $0xffff  }
0x1fb: {  	v63 =	vshll.u32 v37, $0x7;
	v61 =	vor.u32 v35, v24;
	v24 =	vshll.u32 v28, $0x7;
	v20 =	vld.idx.msk [tilespmem:v22+s2+$0x0], $0xffff  }
0x1fc: {  	v37 =	vor.u32 v35, v38;
	v62 =	vor.u32 v35, v24;
	v24 =	vshll.u32 v25, $0x7;
	v22 =	vld.idx.msk [tilespmem:v34+s2+$0x0], $0xffff  }
0x1fd: {  	v23 =	vor.u32 v35, v27;
	v28 =	vshll.u32 v57, $0x7;
	v34 =	vor.u32 v35, v24;
	v24 =	vld.idx.msk [tilespmem:v60+s2+$0x0], $0xffff  }
0x1fe: {  	v33 =	vshll.u32 v33, $0x7;
	v25 =	vor.u32 v35, v28;
	v28 =	vshll.u32 v43, $0x7;
	v27 =	vld.idx.msk [tilespmem:v47+s2+$0x0], $0xffff;
	[tilespmem:v52+s7+$0x0] =	vst.idx.msk $0xffff, v26  }
0x1ff: {  	v33 =	vor.u32 v35, v33;
	v32 =	vor.u32 v35, v28;
	v28 =	vshll.u32 v40, $0x7;
	[tilespmem:v31+s7+$0x0] =	vst.idx.msk $0xffff, v42  }
0x200: {  	v30 =	vshll.u32 v30, $0x7;
	v26 =	vor.u32 v35, v28;
	v28 =	vshll.u32 v41, $0x7;
	[tilespmem:v59+s7+$0x0] =	vst.idx.msk $0xffff, v46  }
0x201: {  	v30 =	vor.u32 v35, v30;
	v31 =	vor.u32 v35, v28;
	v28 =	vshll.u32 v58, $0x7;
	[tilespmem:v61+s7+$0x0] =	vst.idx.msk $0xffff, v44  }
0x202: {  	s13 =	simm.s32 $0x10;
	v28 =	vor.u32 v35, v28;
	v35 =	vor.u32 v35, v63;
	[tilespmem:v62+s7+$0x0] =	vst.idx.msk $0xffff, v39  }
.LBB2_12:
0x203: {  	p0 =	sne.s32 s13, $0x1F0  }
0x204: {  	[tilespmem:v34+s7+$0x0] =	vst.idx.msk $0xffff, v17;
	s12 =	sadd.s32 $0x4, s12;
	s14 =	smov.u32 s13;
	s13 =	sadd.s32 $0x10, s13  }
0x205: {  	[tilespmem:v23+s7+$0x0] =	vst.idx.msk $0xffff, v36  }
0x206: {  	[tilespmem:v37+s7+$0x0] =	vst.idx.msk $0xffff, v18  }
0x207: {  	s15 =	sand.u32 $0x70, s12;
	[tilespmem:v32+s7+$0x0] =	vst.idx.msk $0xffff, v29  }
0x208: {  	s14 =	sand.u32 $0x30, s14;
	v38 =	vor.u32 s15, v0;
	[tilespmem:v25+s7+$0x0] =	vst.idx.msk $0xffff, v22  }
0x209: {  	v37 =	vor.u32 s14, v8;
	v23 =	vshll.u32 v38, $0x7;
	v22 =	vor.u32 s14, v0;
	[tilespmem:v30+s7+$0x0] =	vst.idx.msk $0xffff, v27  }
0x20a: {  	v25 =	vor.u32 s14, v1;
	v17 =	vor.u32 v22, v23;
	v27 =	vor.u32 s14, v4;
	[tilespmem:v33+s7+$0x0] =	vst.idx.msk $0xffff, v19  }
0x20b: {  	v29 =	vor.u32 s14, v5;
	v19 =	vor.u32 s14, v3;
	v18 =	vor.u32 v27, v23;
	[tilespmem:v26+s7+$0x0] =	vst.idx.msk $0xffff, v20  }
0x20c: {  	v39 =	vor.u32 s14, v14;
	v20 =	vor.u32 s14, v2;
	v26 =	vor.u32 v29, v23;
	[tilespmem:v31+s7+$0x0] =	vst.idx.msk $0xffff, v21  }
0x20d: {  	v30 =	vor.u32 v39, v23;
	v21 =	vor.u32 v37, v23;
	v31 =	vshll.u32 v20, $0x7;
	[tilespmem:v35+s7+$0x0] =	vst.idx.msk $0xffff, v16  }
0x20e: {  	v33 =	vor.u32 s14, v6;
	v32 =	vor.u32 v19, v23;
	v20 =	vor.u32 v20, v23;
	[tilespmem:v28+s7+$0x0] =	vst.idx.msk $0xffff, v24  }
0x20f: {  	v41 =	vor.u32 v38, v31;
	v24 =	vor.u32 v25, v23;
	v28 =	vor.u32 s14, v7;
	v40 =	vld.idx.msk [tilespmem:v17+s2+$0x0], $0xffff  }
0x210: {  	v36 =	vor.u32 s14, v11;
	v31 =	vor.u32 s14, v9;
	v35 =	vor.u32 s14, v10;
	v42 =	vld.idx.msk [tilespmem:v18+s2+$0x0], $0xffff  }
0x211: {  	v34 =	vor.u32 v36, v23;
	v43 =	vor.u32 v28, v23;
	v17 =	vld.idx.msk [tilespmem:v26+s2+$0x0], $0xffff;
	v26 =	vor.u32 v31, v23  }
0x212: {  	v46 =	vor.u32 s14, v12;
	v44 =	vor.u32 v33, v23;
	v45 =	vor.u32 v35, v23;
	v16 =	vld.idx.msk [tilespmem:v30+s2+$0x0], $0xffff  }
0x213: {  	v47 =	vor.u32 s14, v13;
	v48 =	vor.u32 s14, v15;
	v18 =	vld.idx.msk [tilespmem:v21+s2+$0x0], $0xffff;
	v21 =	vor.u32 v46, v23  }
0x214: {  	v50 =	vor.u32 v48, v23;
	v22 =	vshll.u32 v22, $0x7;
	v49 =	vld.idx.msk [tilespmem:v24+s2+$0x0], $0xffff;
	v24 =	vor.u32 v47, v23  }
0x215: {  	v52 =	vor.u32 v38, v22;
	v22 =	vshll.u32 v25, $0x7;
	v23 =	vshll.u32 v28, $0x7;
	v51 =	vld.idx.msk [tilespmem:v32+s2+$0x0], $0xffff  }
0x216: {  	v54 =	vor.u32 v38, v22;
	v23 =	vor.u32 v38, v23;
	v53 =	vld.idx.msk [tilespmem:v20+s2+$0x0], $0xffff;
	v20 =	vshll.u32 v19, $0x7  }
0x217: {  	v22 =	vshll.u32 v27, $0x7;
	v25 =	vshll.u32 v31, $0x7;
	v19 =	vld.idx.msk [tilespmem:v34+s2+$0x0], $0xffff;
	v55 =	vor.u32 v38, v20  }
0x218: {  	v56 =	vor.u32 v38, v22;
	v25 =	vor.u32 v38, v25;
	v20 =	vld.idx.msk [tilespmem:v21+s2+$0x0], $0xffff;
	v21 =	vshll.u32 v29, $0x7  }
0x219: {  	v27 =	vshll.u32 v35, $0x7;
	v22 =	vld.idx.msk [tilespmem:v26+s2+$0x0], $0xffff;
	v34 =	vor.u32 v38, v21;
	v26 =	vshll.u32 v33, $0x7  }
0x21a: {  	v30 =	vor.u32 v38, v27;
	v21 =	vld.idx.msk [tilespmem:v24+s2+$0x0], $0xffff;
	v32 =	vor.u32 v38, v26;
	v24 =	vshll.u32 v46, $0x7  }
0x21b: {  	v28 =	vshll.u32 v36, $0x7;
	v29 =	vld.idx.msk [tilespmem:v44+s2+$0x0], $0xffff;
	v26 =	vor.u32 v38, v24;
	v24 =	vshll.u32 v47, $0x7  }
0x21c: {  	v33 =	vor.u32 v38, v28;
	v27 =	vld.idx.msk [tilespmem:v45+s2+$0x0], $0xffff;
	v31 =	vor.u32 v38, v24;
	v24 =	vshll.u32 v48, $0x7  }
0x21d: {  	v39 =	vshll.u32 v39, $0x7;
	v35 =	vshll.u32 v37, $0x7;
	v36 =	vld.idx.msk [tilespmem:v43+s2+$0x0], $0xffff;
	v28 =	vor.u32 v38, v24  }
0x21e: {  	v37 =	vor.u32 v38, v35;
	v35 =	vor.u32 v38, v39;
	v24 =	vld.idx.msk [tilespmem:v50+s2+$0x0], $0xffff  }
.Ltmp5:
0x21f: {  	[tilespmem:v52+s7+$0x0] =	vst.idx.msk $0xffff, v40;
	(pc) =	sbr.rel @p0 .LBB2_12-.Ltmp5, $4  }
0x220: {  	[tilespmem:v54+s7+$0x0] =	vst.idx.msk $0xffff, v49  }
0x221: {  	[tilespmem:v41+s7+$0x0] =	vst.idx.msk $0xffff, v53  }
0x222: {  	[tilespmem:v55+s7+$0x0] =	vst.idx.msk $0xffff, v51  }
0x223: {  	[tilespmem:v56+s7+$0x0] =	vst.idx.msk $0xffff, v42  }
0x224: {  	_ =	sdelay $0x3  }
0x225: {  	[tilespmem:v34+s7+$0x0] =	vst.idx.msk $0xffff, v17  }
0x226: {  	[tilespmem:v23+s7+$0x0] =	vst.idx.msk $0xffff, v36  }
0x227: {  	[tilespmem:v37+s7+$0x0] =	vst.idx.msk $0xffff, v18  }
0x228: {  	[tilespmem:v32+s7+$0x0] =	vst.idx.msk $0xffff, v29  }
0x229: {  	[tilespmem:v25+s7+$0x0] =	vst.idx.msk $0xffff, v22  }
0x22a: {  	[tilespmem:v30+s7+$0x0] =	vst.idx.msk $0xffff, v27  }
0x22b: {  	[tilespmem:v33+s7+$0x0] =	vst.idx.msk $0xffff, v19  }
0x22c: {  	[tilespmem:v26+s7+$0x0] =	vst.idx.msk $0xffff, v20  }
0x22d: {  	[tilespmem:v31+s7+$0x0] =	vst.idx.msk $0xffff, v21  }
0x22e: {  	[tilespmem:v35+s7+$0x0] =	vst.idx.msk $0xffff, v16  }
0x22f: {  	s12 =	rddreg [dreg:$0xe];
	[tilespmem:v28+s7+$0x0] =	vst.idx.msk $0xffff, v24  }
0x230: {  	[hbm4b:s12+s8] =	stream.strided.scatter [tilespmem:s5], [sflag:$0x3], $0x6000, s9, s8, $0x38;
	[tilespmem:$0x1E300] =	vst v63  }
0x231: {  	_ =	swait.ge [sflag:s21], $0x6000  }
0x232: {  	[sflag:s21] =	ssyncset.done $0x0  }
0x233: {  	s12 =	simm.s32 $0x0;
	s13 =	rddreg [dreg:$0xf];
	[sflag:s21] =	ssyncadd.s32 $0xFFFFA000  }
0x234: {  	[tilespmem:s28], [sflag:$0x3] =	stream.linear.gather [hbm4b:s13+s12], $0x80, $0x38;
	[tilespmem:$0x1E300] =	vst v63  }
0x235: {  	_ =	swait.ge [sflag:s21], $0x80  }
0x236: {  	[sflag:s21] =	ssyncset.done $0x0  }
0x237: {  	s14 =	rddreg [dreg:$0x10];
	[sflag:s21] =	ssyncadd.s32 $0xFFFFFF80  }
0x238: {  	[tilespmem:s29], [sflag:$0x3] =	stream.linear.gather [hbm4b:s14+s12], $0x80, $0x38;
	[tilespmem:$0x1E300] =	vst v63  }
0x239: {  	_ =	swait.ge [sflag:s21], $0x80  }
0x23a: {  	[sflag:s21] =	ssyncset.done $0x0  }
0x23b: {  	[sflag:s21] =	ssyncadd.s32 $0xFFFFFF80  }
0x23c: {  	[tilespmem:s30], [sflag:$0x3] =	stream.linear.gather [hbm4b:s17+s12], $0x80, $0x38;
	[tilespmem:$0x1E300] =	vst v63  }
0x23d: {  	_ =	swait.ge [sflag:s21], $0x80  }
0x23e: {  	[sflag:s21] =	ssyncset.done $0x0  }
0x23f: {  	[sflag:s21] =	ssyncadd.s32 $0xFFFFFF80  }
0x240: {  	[tilespmem:s31], [sflag:$0x2] =	stream.indirect.gather [hbm4b:s3+s22], $0x80, s28, s22, $0xb8;
	[tilespmem:$0x1E300] =	vst v63  }
0x241: {  	_ = 	snop  }
0x242: {  	[tilespmem:s0], [sflag:$0x2] =	stream.indirect.gather [hbm4b:s3+s22], $0x80, s29, s22, $0xb8;
	[tilespmem:$0x1E300] =	vst v63  }
0x243: {  	_ = 	snop  }
0x244: {  	[tilespmem:s2], [sflag:$0x2] =	stream.indirect.gather [hbm4b:s3+s22], $0x80, s30, s22, $0xb8;
	[tilespmem:$0x1E300] =	vst v63  }
0x245: {  	_ =	swait.ge [sflag:s4], $0x4000  }
0x246: {  	[sflag:s4] =	ssyncset.done $0x0  }
0x247: {  	[sflag:s4] =	ssyncadd.s32 $0xFFFFC000  }
0x248: {  	s15 =	sand.u32 $0x70, s12;
	_ =	swait.ge [sflag:s4], $0x4000  }
0x249: {  	s16 =	sand.u32 $0x30, s12;
	v16 =	vor.u32 s15, v0;
	[sflag:s4] =	ssyncset.done $0x0  }
0x24a: {  	v17 =	vor.u32 s16, v0;
	v18 =	vshll.u32 v16, $0x7;
	[sflag:s4] =	ssyncadd.s32 $0xFFFFC000  }
0x24b: {  	v19 =	vor.u32 s16, v4;
	v62 =	vor.u32 v17, v18;
	_ =	swait.ge [sflag:s4], $0x4000  }
0x24c: {  	v20 =	vor.u32 s16, v5;
	v63 =	vor.u32 v19, v18;
	[tilespmem:$0x1FB30] =	vst v62  }
0x24d: {  	v21 =	vor.u32 s16, v14;
	v36 =	vor.u32 v20, v18;
	[tilespmem:$0x1FB40] =	vst v63  }
0x24e: {  	v23 =	vor.u32 s16, v8;
	v37 =	vor.u32 v21, v18;
	[tilespmem:$0x1FB50] =	vst v36  }
0x24f: {  	v22 =	vor.u32 s16, v1;
	v38 =	vor.u32 v23, v18;
	[tilespmem:$0x1FB60] =	vst v37  }
0x250: {  	v33 =	vor.u32 s16, v3;
	v39 =	vor.u32 v22, v18;
	[tilespmem:$0x1FB70] =	vst v38  }
0x251: {  	v28 =	vor.u32 s16, v2;
	v54 =	vor.u32 v33, v18;
	[tilespmem:$0x1FB80] =	vst v39  }
0x252: {  	v45 =	vor.u32 s16, v11;
	v55 =	vor.u32 v28, v18;
	[tilespmem:$0x1FB90] =	vst v54  }
0x253: {  	v43 =	vor.u32 s16, v12;
	v56 =	vor.u32 v45, v18;
	[sflag:s4] =	ssyncset.done $0x0;
	[tilespmem:$0x1FBA0] =	vst v55  }
0x254: {  	v34 =	vor.u32 s16, v9;
	v57 =	vor.u32 v43, v18;
	[tilespmem:$0x1FBB0] =	vst v56;
	[sflag:s4] =	ssyncadd.s32 $0xFFFFC000  }
0x255: {  	v46 =	vor.u32 s16, v13;
	v58 =	vor.u32 v34, v18;
	[tilespmem:$0x1FBC0] =	vst v57;
	v44 =	vld.idx.msk [tilespmem:v62+s24+$0x0], $0xffff  }
0x256: {  	v41 =	vor.u32 s16, v6;
	v59 =	vor.u32 v46, v18;
	[tilespmem:$0x1FBD0] =	vst v58;
	v24 =	vld.idx.msk [tilespmem:v63+s24+$0x0], $0xffff  }
0x257: {  	v31 =	vor.u32 v41, v18;
	v28 =	vshll.u32 v28, $0x7;
	[tilespmem:$0x1FBE0] =	vst v59;
	v50 =	vld.idx.msk [tilespmem:v36+s24+$0x0], $0xffff  }
0x258: {  	v42 =	vor.u32 s16, v10;
	v26 =	vor.u32 v16, v28;
	[tilespmem:$0x1FC00] =	vst v31;
	v49 =	vld.idx.msk [tilespmem:v37+s24+$0x0], $0xffff  }
0x259: {  	v17 =	vshll.u32 v17, $0x7;
	[tilespmem:$0x1FCA0] =	vst v26;
	v47 =	vld.idx.msk [tilespmem:v39+s24+$0x0], $0xffff;
	v39 =	vor.u32 v42, v18  }
0x25a: {  	v51 =	vld.idx.msk [tilespmem:v38+s24+$0x0], $0xffff;
	v63 =	vor.u32 s16, v7;
	v36 =	vor.u32 v16, v17;
	[tilespmem:$0x1FC10] =	vst v39  }
0x25b: {  	v25 =	vld.idx.msk [tilespmem:v54+s24+$0x0], $0xffff;
	v17 =	vshll.u32 v22, $0x7;
	v22 =	vshll.u32 v63, $0x7;
	[tilespmem:$0x1FC80] =	vst v36  }
0x25c: {  	v48 =	vor.u32 s16, v15;
	v61 =	vld.idx.msk [tilespmem:v55+s24+$0x0], $0xffff;
	v40 =	vor.u32 v63, v18;
	[tilespmem:$0x1FBF0] =	vst v22  }
0x25d: {  	v52 =	vld.idx.msk [tilespmem:v56+s24+$0x0], $0xffff;
	v18 =	vor.u32 v48, v18;
	[tilespmem:$0x1FC30] =	vst v40  }
0x25e: {  	v53 =	vld.idx.msk [tilespmem:v57+s24+$0x0], $0xffff;
	v37 =	vor.u32 v16, v17;
	v17 =	vshll.u32 v33, $0x7;
	[tilespmem:$0x1FC50] =	vst v18  }
0x25f: {  	v55 =	vld.idx.msk [tilespmem:v58+s24+$0x0], $0xffff;
	v38 =	vor.u32 v16, v17;
	v17 =	vshll.u32 v19, $0x7;
	v19 =	vshll.u32 v34, $0x7;
	[tilespmem:$0x1FC90] =	vst v37  }
0x260: {  	v54 =	vld.idx.msk [tilespmem:v59+s24+$0x0], $0xffff;
	[tilespmem:$0x1FC20] =	vst v19  }
0x261: {  	v62 =	vld.idx.msk [tilespmem:v31+s24+$0x0], $0xffff;
	v58 =	vor.u32 v16, v19;
	v19 =	vshll.u32 v42, $0x7;
	[tilespmem:$0x1FCB0] =	vst v38  }
0x262: {  	[tilespmem:$0x1FC70] =	vst v19;
	v60 =	vld.idx.msk [tilespmem:v39+s24+$0x0], $0xffff;
	v39 =	vor.u32 v16, v17;
	v17 =	vshll.u32 v20, $0x7  }
0x263: {  	v56 =	vor.u32 v16, v22;
	v22 =	vld.idx.msk [tilespmem:v40+s24+$0x0], $0xffff;
	[tilespmem:$0x1FC40] =	vst v17  }
0x264: {  	v57 =	vld.idx.msk [tilespmem:v18+s24+$0x0], $0xffff;
	[tilespmem:v36+s5+$0x0] =	vst.idx.msk $0xffff, v44  }
0x265: {  	v43 =	vshll.u32 v43, $0x7;
	v20 =	vor.u32 v16, v17;
	v17 =	vshll.u32 v41, $0x7;
	[tilespmem:$0x1FCC0] =	vst v39  }
0x266: {  	v59 =	vor.u32 v16, v43;
	v48 =	vshll.u32 v48, $0x7;
	[tilespmem:$0x1FC60] =	vst v17  }
0x267: {  	v63 =	vor.u32 v16, v19;
	v44 =	vshll.u32 v45, $0x7;
	v45 =	vshll.u32 v46, $0x7;
	[tilespmem:v37+s5+$0x0] =	vst.idx.msk $0xffff, v47  }
0x268: {  	v46 =	vshll.u32 v23, $0x7;
	v18 =	vor.u32 v16, v17;
	v19 =	vor.u32 v16, v44;
	[tilespmem:v26+s5+$0x0] =	vst.idx.msk $0xffff, v61  }
0x269: {  	v17 =	vor.u32 v16, v45;
	v47 =	vshll.u32 v21, $0x7;
	v23 =	vor.u32 v16, v46;
	[tilespmem:v38+s5+$0x0] =	vst.idx.msk $0xffff, v25  }
0x26a: {  	s13 =	simm.s32 $0x10;
	s14 =	simm.s32 $0x0;
	v61 =	vor.u32 v16, v48;
	v21 =	vor.u32 v16, v47;
	[tilespmem:v39+s5+$0x0] =	vst.idx.msk $0xffff, v24  }
.LBB2_14:
0x26b: {  	p0 =	sne.s32 s13, $0x1F0  }
0x26c: {  	[tilespmem:v20+s5+$0x0] =	vst.idx.msk $0xffff, v50;
	s14 =	sadd.s32 $0x4, s14;
	s15 =	smov.u32 s13;
	s13 =	sadd.s32 $0x10, s13  }
0x26d: {  	[tilespmem:v56+s5+$0x0] =	vst.idx.msk $0xffff, v22  }
0x26e: {  	[tilespmem:v23+s5+$0x0] =	vst.idx.msk $0xffff, v51  }
0x26f: {  	s16 =	sand.u32 $0x70, s14;
	[tilespmem:v18+s5+$0x0] =	vst.idx.msk $0xffff, v62  }
0x270: {  	s15 =	sand.u32 $0x30, s15;
	v24 =	vor.u32 s16, v0;
	[tilespmem:v58+s5+$0x0] =	vst.idx.msk $0xffff, v55  }
0x271: {  	v23 =	vor.u32 s15, v8;
	v18 =	vor.u32 s15, v0;
	v20 =	vshll.u32 v24, $0x7;
	[tilespmem:v63+s5+$0x0] =	vst.idx.msk $0xffff, v60  }
0x272: {  	v25 =	vor.u32 s15, v1;
	v22 =	vor.u32 v18, v20;
	v55 =	vor.u32 s15, v4;
	[tilespmem:v19+s5+$0x0] =	vst.idx.msk $0xffff, v52  }
0x273: {  	v58 =	vor.u32 s15, v5;
	v50 =	vor.u32 v55, v20;
	v19 =	vor.u32 s15, v3;
	[tilespmem:v59+s5+$0x0] =	vst.idx.msk $0xffff, v53  }
0x274: {  	v51 =	vor.u32 s15, v2;
	v26 =	vor.u32 s15, v14;
	v52 =	vor.u32 v58, v20;
	[tilespmem:v17+s5+$0x0] =	vst.idx.msk $0xffff, v54  }
0x275: {  	v53 =	vor.u32 v26, v20;
	v17 =	vor.u32 v23, v20;
	v54 =	vshll.u32 v51, $0x7;
	[tilespmem:v21+s5+$0x0] =	vst.idx.msk $0xffff, v49  }
0x276: {  	v56 =	vor.u32 v19, v20;
	v59 =	vor.u32 s15, v6;
	v21 =	vor.u32 v51, v20;
	[tilespmem:v61+s5+$0x0] =	vst.idx.msk $0xffff, v57  }
0x277: {  	v28 =	vor.u32 v24, v54;
	v57 =	vor.u32 s15, v7;
	v27 =	vld.idx.msk [tilespmem:v22+s24+$0x0], $0xffff;
	v22 =	vor.u32 v25, v20  }
0x278: {  	v60 =	vor.u32 s15, v10;
	v54 =	vor.u32 s15, v9;
	v61 =	vor.u32 s15, v11;
	v29 =	vld.idx.msk [tilespmem:v50+s24+$0x0], $0xffff  }
0x279: {  	v62 =	vor.u32 v54, v20;
	v30 =	vor.u32 v57, v20;
	v50 =	vld.idx.msk [tilespmem:v52+s24+$0x0], $0xffff;
	v52 =	vor.u32 v61, v20  }
0x27a: {  	v33 =	vor.u32 s15, v12;
	v32 =	vor.u32 v60, v20;
	v31 =	vor.u32 v59, v20;
	v49 =	vld.idx.msk [tilespmem:v53+s24+$0x0], $0xffff  }
0x27b: {  	v34 =	vor.u32 s15, v13;
	v35 =	vor.u32 s15, v15;
	v51 =	vld.idx.msk [tilespmem:v17+s24+$0x0], $0xffff;
	v17 =	vor.u32 v33, v20  }
0x27c: {  	v37 =	vor.u32 v35, v20;
	v18 =	vshll.u32 v18, $0x7;
	v36 =	vld.idx.msk [tilespmem:v22+s24+$0x0], $0xffff;
	v22 =	vor.u32 v34, v20  }
0x27d: {  	v39 =	vor.u32 v24, v18;
	v18 =	vshll.u32 v25, $0x7;
	v20 =	vshll.u32 v57, $0x7;
	v38 =	vld.idx.msk [tilespmem:v56+s24+$0x0], $0xffff  }
0x27e: {  	v40 =	vor.u32 v24, v18;
	v18 =	vshll.u32 v19, $0x7;
	v56 =	vor.u32 v24, v20;
	v25 =	vld.idx.msk [tilespmem:v21+s24+$0x0], $0xffff  }
0x27f: {  	v41 =	vor.u32 v24, v18;
	v18 =	vshll.u32 v55, $0x7;
	v19 =	vshll.u32 v54, $0x7;
	v52 =	vld.idx.msk [tilespmem:v52+s24+$0x0], $0xffff  }
0x280: {  	v42 =	vor.u32 v24, v18;
	v53 =	vld.idx.msk [tilespmem:v17+s24+$0x0], $0xffff;
	v17 =	vshll.u32 v58, $0x7;
	v58 =	vor.u32 v24, v19  }
0x281: {  	v19 =	vshll.u32 v60, $0x7;
	v55 =	vld.idx.msk [tilespmem:v62+s24+$0x0], $0xffff;
	v20 =	vor.u32 v24, v17;
	v17 =	vshll.u32 v59, $0x7  }
0x282: {  	v63 =	vor.u32 v24, v19;
	v54 =	vld.idx.msk [tilespmem:v22+s24+$0x0], $0xffff;
	v18 =	vor.u32 v24, v17;
	v17 =	vshll.u32 v33, $0x7  }
0x283: {  	v19 =	vshll.u32 v61, $0x7;
	v62 =	vld.idx.msk [tilespmem:v31+s24+$0x0], $0xffff;
	v59 =	vor.u32 v24, v17;
	v17 =	vshll.u32 v34, $0x7  }
0x284: {  	v21 =	vshll.u32 v35, $0x7;
	v19 =	vor.u32 v24, v19;
	v60 =	vld.idx.msk [tilespmem:v32+s24+$0x0], $0xffff;
	v17 =	vor.u32 v24, v17  }
0x285: {  	v26 =	vshll.u32 v26, $0x7;
	v23 =	vshll.u32 v23, $0x7;
	v61 =	vor.u32 v24, v21;
	v22 =	vld.idx.msk [tilespmem:v30+s24+$0x0], $0xffff  }
0x286: {  	v23 =	vor.u32 v24, v23;
	v21 =	vor.u32 v24, v26;
	v57 =	vld.idx.msk [tilespmem:v37+s24+$0x0], $0xffff  }
.Ltmp6:
0x287: {  	[tilespmem:v39+s5+$0x0] =	vst.idx.msk $0xffff, v27;
	(pc) =	sbr.rel @p0 .LBB2_14-.Ltmp6, $4  }
0x288: {  	[tilespmem:v40+s5+$0x0] =	vst.idx.msk $0xffff, v36  }
0x289: {  	[tilespmem:v28+s5+$0x0] =	vst.idx.msk $0xffff, v25  }
0x28a: {  	[tilespmem:v41+s5+$0x0] =	vst.idx.msk $0xffff, v38  }
0x28b: {  	[tilespmem:v42+s5+$0x0] =	vst.idx.msk $0xffff, v29  }
0x28c: {  	_ =	sdelay $0x3  }
0x28d: {  	[tilespmem:v20+s5+$0x0] =	vst.idx.msk $0xffff, v50  }
0x28e: {  	[tilespmem:v56+s5+$0x0] =	vst.idx.msk $0xffff, v22  }
0x28f: {  	[tilespmem:v23+s5+$0x0] =	vst.idx.msk $0xffff, v51  }
0x290: {  	[tilespmem:v18+s5+$0x0] =	vst.idx.msk $0xffff, v62;
	v18 =	vld [tilespmem:$0x1FB70]  }
0x291: {  	[tilespmem:v58+s5+$0x0] =	vst.idx.msk $0xffff, v55  }
0x292: {  	[tilespmem:v63+s5+$0x0] =	vst.idx.msk $0xffff, v60  }
0x293: {  	[tilespmem:v19+s5+$0x0] =	vst.idx.msk $0xffff, v52  }
0x294: {  	[tilespmem:v59+s5+$0x0] =	vst.idx.msk $0xffff, v53  }
0x295: {  	[tilespmem:v17+s5+$0x0] =	vst.idx.msk $0xffff, v54  }
0x296: {  	[tilespmem:v21+s5+$0x0] =	vst.idx.msk $0xffff, v49  }
0x297: {  	[tilespmem:v61+s5+$0x0] =	vst.idx.msk $0xffff, v57  }
0x298: {  	v49 =	vld.idx.msk [tilespmem:v18+s25+$0x0], $0xffff  }
0x299: {  	v18 =	vld [tilespmem:$0x1FB80];
	_ =	sdelay $0x1  }
0x29a: {  	v22 =	vld [tilespmem:$0x1FC00];
	_ =	sdelay $0x3  }
0x29b: {  	v17 =	vld [tilespmem:$0x1FB30];
	_ =	sdelay $0x1  }
0x29c: {  	v25 =	vld.idx.msk [tilespmem:v18+s25+$0x0], $0xffff  }
0x29d: {  	v18 =	vld [tilespmem:$0x1FB90]  }
0x29e: {  	v50 =	vld.idx.msk [tilespmem:v22+s25+$0x0], $0xffff  }
0x29f: {  	v22 =	vld [tilespmem:$0x1FC10];
	_ =	sdelay $0x2  }
0x2a0: {  	v23 =	vld.idx.msk [tilespmem:v17+s25+$0x0], $0xffff  }
0x2a1: {  	v17 =	vld [tilespmem:$0x1FB40];
	_ =	sdelay $0x1  }
0x2a2: {  	v28 =	vld.idx.msk [tilespmem:v18+s25+$0x0], $0xffff  }
0x2a3: {  	v18 =	vld [tilespmem:$0x1FBA0]  }
0x2a4: {  	v30 =	vld.idx.msk [tilespmem:v22+s25+$0x0], $0xffff  }
0x2a5: {  	v22 =	vld [tilespmem:$0x1FC30];
	_ =	sdelay $0x1  }
0x2a6: {  	v21 =	vld [tilespmem:$0x1FBD0]  }
0x2a7: {  	v33 =	vld.idx.msk [tilespmem:v17+s25+$0x0], $0xffff  }
0x2a8: {  	v17 =	vld [tilespmem:$0x1FB50]  }
0x2a9: {  	v31 =	vld [tilespmem:$0x1FC40]  }
0x2aa: {  	v26 =	vld.idx.msk [tilespmem:v18+s25+$0x0], $0xffff  }
0x2ab: {  	v18 =	vld [tilespmem:$0x1FBB0]  }
0x2ac: {  	v51 =	vld.idx.msk [tilespmem:v22+s25+$0x0], $0xffff  }
0x2ad: {  	v22 =	vld [tilespmem:$0x1FBF0]  }
0x2ae: {  	v24 =	vld.idx.msk [tilespmem:v21+s25+$0x0], $0xffff  }
0x2af: {  	v21 =	vld [tilespmem:$0x1FBE0]  }
0x2b0: {  	v19 =	vld.idx.msk [tilespmem:v17+s25+$0x0], $0xffff  }
0x2b1: {  	v17 =	vld [tilespmem:$0x1FB60]  }
0x2b2: {  	v29 =	vor.u32 v16, v22;
	v22 =	vld [tilespmem:$0x1FC50]  }
0x2b3: {  	v20 =	vld.idx.msk [tilespmem:v18+s25+$0x0], $0xffff  }
0x2b4: {  	v18 =	vld [tilespmem:$0x1FBC0]  }
0x2b5: {  	v38 =	vor.u32 v16, v31;
	v31 =	vld [tilespmem:$0x1FC80];
	_ =	sdelay $0x3  }
0x2b6: {  	v21 =	vld.idx.msk [tilespmem:v21+s25+$0x0], $0xffff  }
0x2b7: {  	v17 =	vld.idx.msk [tilespmem:v17+s25+$0x0], $0xffff  }
0x2b8: {  	v22 =	vld.idx.msk [tilespmem:v22+s25+$0x0], $0xffff  }
0x2b9: {  	v18 =	vld.idx.msk [tilespmem:v18+s25+$0x0], $0xffff  }
0x2ba: {  	[tilespmem:v31+s6+$0x0] =	vst.idx.msk $0xffff, v23;
	v23 =	vld [tilespmem:$0x1FC60];
	_ =	sdelay $0x4  }
0x2bb: {  	v35 =	vor.u32 v16, v23;
	v23 =	vld [tilespmem:$0x1FC70];
	_ =	sdelay $0x4  }
0x2bc: {  	v31 =	vor.u32 v16, v23;
	v23 =	vld [tilespmem:$0x1FC90];
	_ =	sdelay $0x7  }
0x2bd: {  	[tilespmem:v23+s6+$0x0] =	vst.idx.msk $0xffff, v25;
	v23 =	vld [tilespmem:$0x1FCA0]  }
0x2be: {  	v34 =	vld [tilespmem:$0x1FCB0]  }
0x2bf: {  	v63 =	vld [tilespmem:$0x1FCC0]  }
0x2c0: {  	v27 =	vld [tilespmem:$0x1FC20];
	_ =	sdelay $0x3  }
0x2c1: {  	v32 =	vor.u32 v16, v44  }
0x2c2: {  	v27 =	vor.u32 v16, v27;
	v25 =	vor.u32 v16, v43;
	[tilespmem:v23+s6+$0x0] =	vst.idx.msk $0xffff, v26  }
0x2c3: {  	v26 =	vor.u32 v16, v45;
	[tilespmem:v34+s6+$0x0] =	vst.idx.msk $0xffff, v28;
	v28 =	vor.u32 v16, v46  }
0x2c4: {  	s13 =	simm.s32 $0x10;
	v23 =	vor.u32 v16, v48;
	v16 =	vor.u32 v16, v47;
	[tilespmem:v63+s6+$0x0] =	vst.idx.msk $0xffff, v33  }
.LBB2_16:
0x2c5: {  	p0 =	sne.s32 s13, $0x1F0  }
0x2c6: {  	[tilespmem:v38+s6+$0x0] =	vst.idx.msk $0xffff, v19;
	s12 =	sadd.s32 $0x4, s12;
	s14 =	smov.u32 s13;
	s13 =	sadd.s32 $0x10, s13  }
0x2c7: {  	[tilespmem:v29+s6+$0x0] =	vst.idx.msk $0xffff, v51  }
0x2c8: {  	[tilespmem:v28+s6+$0x0] =	vst.idx.msk $0xffff, v49  }
0x2c9: {  	s15 =	sand.u32 $0x70, s12;
	[tilespmem:v35+s6+$0x0] =	vst.idx.msk $0xffff, v50  }
0x2ca: {  	s14 =	sand.u32 $0x30, s14;
	v33 =	vor.u32 s15, v0;
	[tilespmem:v27+s6+$0x0] =	vst.idx.msk $0xffff, v24  }
0x2cb: {  	v28 =	vor.u32 s14, v8;
	v24 =	vor.u32 s14, v0;
	v27 =	vshll.u32 v33, $0x7;
	[tilespmem:v31+s6+$0x0] =	vst.idx.msk $0xffff, v30  }
0x2cc: {  	v29 =	vor.u32 s14, v1;
	v19 =	vor.u32 v24, v27;
	v30 =	vor.u32 s14, v4;
	[tilespmem:v32+s6+$0x0] =	vst.idx.msk $0xffff, v20  }
0x2cd: {  	v20 =	vor.u32 s14, v3;
	v31 =	vor.u32 v30, v27;
	v32 =	vor.u32 s14, v5;
	[tilespmem:v25+s6+$0x0] =	vst.idx.msk $0xffff, v18  }
0x2ce: {  	v34 =	vor.u32 s14, v14;
	v18 =	vor.u32 s14, v2;
	v25 =	vor.u32 v32, v27;
	[tilespmem:v26+s6+$0x0] =	vst.idx.msk $0xffff, v21  }
0x2cf: {  	v21 =	vor.u32 v28, v27;
	v26 =	vor.u32 v34, v27;
	v35 =	vshll.u32 v18, $0x7;
	[tilespmem:v16+s6+$0x0] =	vst.idx.msk $0xffff, v17  }
0x2d0: {  	v36 =	vor.u32 s14, v6;
	v16 =	vor.u32 v18, v27;
	v18 =	vor.u32 v20, v27;
	[tilespmem:v23+s6+$0x0] =	vst.idx.msk $0xffff, v22  }
0x2d1: {  	v39 =	vor.u32 v33, v35;
	v22 =	vor.u32 v29, v27;
	v23 =	vor.u32 s14, v7;
	v37 =	vld.idx.msk [tilespmem:v19+s25+$0x0], $0xffff  }
0x2d2: {  	v41 =	vor.u32 s14, v11;
	v35 =	vor.u32 s14, v10;
	v40 =	vld.idx.msk [tilespmem:v31+s25+$0x0], $0xffff;
	v31 =	vor.u32 s14, v9  }
0x2d3: {  	v38 =	vor.u32 v41, v27;
	v42 =	vor.u32 v23, v27;
	v19 =	vld.idx.msk [tilespmem:v25+s25+$0x0], $0xffff;
	v25 =	vor.u32 v31, v27  }
0x2d4: {  	v45 =	vor.u32 s14, v12;
	v43 =	vor.u32 v36, v27;
	v44 =	vor.u32 v35, v27;
	v17 =	vld.idx.msk [tilespmem:v26+s25+$0x0], $0xffff  }
0x2d5: {  	v46 =	vor.u32 s14, v15;
	v26 =	vor.u32 s14, v13;
	v49 =	vld.idx.msk [tilespmem:v21+s25+$0x0], $0xffff;
	v21 =	vor.u32 v45, v27  }
0x2d6: {  	v48 =	vor.u32 v46, v27;
	v24 =	vshll.u32 v24, $0x7;
	v47 =	vld.idx.msk [tilespmem:v22+s25+$0x0], $0xffff;
	v22 =	vor.u32 v26, v27  }
0x2d7: {  	v53 =	vor.u32 v33, v24;
	v23 =	vshll.u32 v23, $0x7;
	v52 =	vld.idx.msk [tilespmem:v18+s25+$0x0], $0xffff;
	v18 =	vshll.u32 v29, $0x7  }
0x2d8: {  	v29 =	vor.u32 v33, v23;
	v54 =	vld.idx.msk [tilespmem:v16+s25+$0x0], $0xffff;
	v55 =	vor.u32 v33, v18;
	v16 =	vshll.u32 v20, $0x7  }
0x2d9: {  	v23 =	vshll.u32 v31, $0x7;
	v20 =	vld.idx.msk [tilespmem:v38+s25+$0x0], $0xffff;
	v56 =	vor.u32 v33, v16;
	v16 =	vshll.u32 v30, $0x7  }
0x2da: {  	v27 =	vor.u32 v33, v23;
	v18 =	vld.idx.msk [tilespmem:v21+s25+$0x0], $0xffff;
	v57 =	vor.u32 v33, v16;
	v16 =	vshll.u32 v32, $0x7  }
0x2db: {  	v23 =	vshll.u32 v35, $0x7;
	v24 =	vld.idx.msk [tilespmem:v25+s25+$0x0], $0xffff;
	v38 =	vor.u32 v33, v16;
	v16 =	vshll.u32 v36, $0x7  }
0x2dc: {  	v31 =	vor.u32 v33, v23;
	v21 =	vld.idx.msk [tilespmem:v22+s25+$0x0], $0xffff;
	v35 =	vor.u32 v33, v16;
	v16 =	vshll.u32 v45, $0x7  }
0x2dd: {  	v22 =	vshll.u32 v41, $0x7;
	v50 =	vld.idx.msk [tilespmem:v43+s25+$0x0], $0xffff;
	v25 =	vor.u32 v33, v16;
	v16 =	vshll.u32 v26, $0x7  }
0x2de: {  	v32 =	vor.u32 v33, v22;
	v30 =	vld.idx.msk [tilespmem:v44+s25+$0x0], $0xffff;
	v26 =	vor.u32 v33, v16;
	v16 =	vshll.u32 v46, $0x7  }
0x2df: {  	v28 =	vshll.u32 v28, $0x7;
	v34 =	vshll.u32 v34, $0x7;
	v51 =	vld.idx.msk [tilespmem:v42+s25+$0x0], $0xffff;
	v23 =	vor.u32 v33, v16  }
0x2e0: {  	v28 =	vor.u32 v33, v28;
	v16 =	vor.u32 v33, v34;
	v22 =	vld.idx.msk [tilespmem:v48+s25+$0x0], $0xffff  }
.Ltmp7:
0x2e1: {  	[tilespmem:v53+s6+$0x0] =	vst.idx.msk $0xffff, v37;
	(pc) =	sbr.rel @p0 .LBB2_16-.Ltmp7, $4  }
0x2e2: {  	[tilespmem:v55+s6+$0x0] =	vst.idx.msk $0xffff, v47  }
0x2e3: {  	[tilespmem:v39+s6+$0x0] =	vst.idx.msk $0xffff, v54  }
0x2e4: {  	[tilespmem:v56+s6+$0x0] =	vst.idx.msk $0xffff, v52  }
0x2e5: {  	[tilespmem:v57+s6+$0x0] =	vst.idx.msk $0xffff, v40  }
0x2e6: {  	_ =	sdelay $0x3  }
0x2e7: {  	[tilespmem:v38+s6+$0x0] =	vst.idx.msk $0xffff, v19  }
0x2e8: {  	[tilespmem:v29+s6+$0x0] =	vst.idx.msk $0xffff, v51  }
0x2e9: {  	s12 =	simm.s32 $0x0;
	[tilespmem:v28+s6+$0x0] =	vst.idx.msk $0xffff, v49  }
0x2ea: {  	s13 =	sand.u32 $0x70, s12;
	[tilespmem:v35+s6+$0x0] =	vst.idx.msk $0xffff, v50  }
0x2eb: {  	s16 =	sand.u32 $0x30, s12;
	v35 =	vor.u32 s13, v0;
	[tilespmem:v27+s6+$0x0] =	vst.idx.msk $0xffff, v24  }
0x2ec: {  	v24 =	vor.u32 s16, v0;
	v27 =	vshll.u32 v35, $0x7;
	[tilespmem:v31+s6+$0x0] =	vst.idx.msk $0xffff, v30  }
0x2ed: {  	v29 =	vor.u32 s16, v2;
	v19 =	vor.u32 v24, v27;
	[tilespmem:v32+s6+$0x0] =	vst.idx.msk $0xffff, v20  }
0x2ee: {  	v41 =	vor.u32 s16, v13;
	v31 =	vor.u32 v29, v27;
	[tilespmem:v25+s6+$0x0] =	vst.idx.msk $0xffff, v18  }
0x2ef: {  	v43 =	vor.u32 s16, v6;
	v36 =	vor.u32 v41, v27;
	[tilespmem:v26+s6+$0x0] =	vst.idx.msk $0xffff, v21  }
0x2f0: {  	v28 =	vor.u32 s16, v4;
	v37 =	vor.u32 s16, v14;
	v45 =	vor.u32 v43, v27;
	[tilespmem:v16+s6+$0x0] =	vst.idx.msk $0xffff, v17  }
0x2f1: {  	v56 =	vor.u32 s16, v8;
	v18 =	vor.u32 v28, v27;
	v25 =	vor.u32 s16, v5;
	[tilespmem:v23+s6+$0x0] =	vst.idx.msk $0xffff, v22  }
0x2f2: {  	v29 =	vshll.u32 v29, $0x7;
	v24 =	vshll.u32 v24, $0x7;
	v20 =	vor.u32 v25, v27;
	v26 =	vld.idx.msk [tilespmem:v19+s26+$0x0], $0xffff  }
0x2f3: {  	v52 =	vor.u32 v35, v24;
	v21 =	vor.u32 s16, v1;
	v16 =	vor.u32 v37, v27;
	v46 =	vld.idx.msk [tilespmem:v31+s26+$0x0], $0xffff  }
0x2f4: {  	v24 =	vshll.u32 v21, $0x7;
	v22 =	vor.u32 v56, v27;
	v19 =	vor.u32 v21, v27;
	v21 =	vld.idx.msk [tilespmem:v36+s26+$0x0], $0xffff  }
0x2f5: {  	v59 =	vor.u32 v35, v29;
	v23 =	vor.u32 s16, v3;
	v29 =	vld.idx.msk [tilespmem:v45+s26+$0x0], $0xffff  }
0x2f6: {  	v30 =	vor.u32 v23, v27;
	v31 =	vor.u32 s16, v7;
	v39 =	vld.idx.msk [tilespmem:v18+s26+$0x0], $0xffff  }
0x2f7: {  	v33 =	vor.u32 s16, v11;
	v48 =	vor.u32 v31, v27;
	v17 =	vld.idx.msk [tilespmem:v20+s26+$0x0], $0xffff  }
0x2f8: {  	v40 =	vor.u32 s16, v12;
	v20 =	vor.u32 v33, v27;
	v16 =	vld.idx.msk [tilespmem:v16+s26+$0x0], $0xffff  }
0x2f9: {  	v57 =	vor.u32 s16, v9;
	v18 =	vld.idx.msk [tilespmem:v22+s26+$0x0], $0xffff;
	v22 =	vor.u32 v40, v27  }
0x2fa: {  	v58 =	vor.u32 s16, v15;
	v34 =	vor.u32 v57, v27;
	v42 =	vld.idx.msk [tilespmem:v19+s26+$0x0], $0xffff  }
0x2fb: {  	v60 =	vor.u32 v58, v27;
	v44 =	vld.idx.msk [tilespmem:v30+s26+$0x0], $0xffff;
	v30 =	vor.u32 s16, v10  }
0x2fc: {  	v38 =	vshll.u32 v56, $0x7;
	v47 =	vor.u32 v30, v27;
	v36 =	vld.idx.msk [tilespmem:v48+s26+$0x0], $0xffff  }
0x2fd: {  	v27 =	vshll.u32 v31, $0x7;
	v31 =	vor.u32 v35, v24;
	v24 =	vshll.u32 v23, $0x7;
	v19 =	vld.idx.msk [tilespmem:v20+s26+$0x0], $0xffff  }
0x2fe: {  	v63 =	vshll.u32 v37, $0x7;
	v61 =	vor.u32 v35, v24;
	v24 =	vshll.u32 v28, $0x7;
	v20 =	vld.idx.msk [tilespmem:v22+s26+$0x0], $0xffff  }
0x2ff: {  	v37 =	vor.u32 v35, v38;
	v62 =	vor.u32 v35, v24;
	v24 =	vshll.u32 v25, $0x7;
	v22 =	vld.idx.msk [tilespmem:v34+s26+$0x0], $0xffff  }
0x300: {  	v23 =	vor.u32 v35, v27;
	v28 =	vshll.u32 v57, $0x7;
	v34 =	vor.u32 v35, v24;
	v24 =	vld.idx.msk [tilespmem:v60+s26+$0x0], $0xffff  }
0x301: {  	v33 =	vshll.u32 v33, $0x7;
	v25 =	vor.u32 v35, v28;
	v28 =	vshll.u32 v43, $0x7;
	v27 =	vld.idx.msk [tilespmem:v47+s26+$0x0], $0xffff;
	[tilespmem:v52+s7+$0x0] =	vst.idx.msk $0xffff, v26  }
0x302: {  	v33 =	vor.u32 v35, v33;
	v32 =	vor.u32 v35, v28;
	v28 =	vshll.u32 v40, $0x7;
	[tilespmem:v31+s7+$0x0] =	vst.idx.msk $0xffff, v42  }
0x303: {  	v30 =	vshll.u32 v30, $0x7;
	v26 =	vor.u32 v35, v28;
	v28 =	vshll.u32 v41, $0x7;
	[tilespmem:v59+s7+$0x0] =	vst.idx.msk $0xffff, v46  }
0x304: {  	v30 =	vor.u32 v35, v30;
	v31 =	vor.u32 v35, v28;
	v28 =	vshll.u32 v58, $0x7;
	[tilespmem:v61+s7+$0x0] =	vst.idx.msk $0xffff, v44  }
0x305: {  	s13 =	simm.s32 $0x10;
	v28 =	vor.u32 v35, v28;
	v35 =	vor.u32 v35, v63;
	[tilespmem:v62+s7+$0x0] =	vst.idx.msk $0xffff, v39  }
.LBB2_18:
0x306: {  	p0 =	sne.s32 s13, $0x1F0  }
0x307: {  	[tilespmem:v34+s7+$0x0] =	vst.idx.msk $0xffff, v17;
	s12 =	sadd.s32 $0x4, s12;
	s14 =	smov.u32 s13;
	s13 =	sadd.s32 $0x10, s13  }
0x308: {  	[tilespmem:v23+s7+$0x0] =	vst.idx.msk $0xffff, v36  }
0x309: {  	[tilespmem:v37+s7+$0x0] =	vst.idx.msk $0xffff, v18  }
0x30a: {  	s15 =	sand.u32 $0x70, s12;
	[tilespmem:v32+s7+$0x0] =	vst.idx.msk $0xffff, v29  }
0x30b: {  	s14 =	sand.u32 $0x30, s14;
	v38 =	vor.u32 s15, v0;
	[tilespmem:v25+s7+$0x0] =	vst.idx.msk $0xffff, v22  }
0x30c: {  	v37 =	vor.u32 s14, v8;
	v23 =	vshll.u32 v38, $0x7;
	v22 =	vor.u32 s14, v0;
	[tilespmem:v30+s7+$0x0] =	vst.idx.msk $0xffff, v27  }
0x30d: {  	v25 =	vor.u32 s14, v1;
	v17 =	vor.u32 v22, v23;
	v27 =	vor.u32 s14, v4;
	[tilespmem:v33+s7+$0x0] =	vst.idx.msk $0xffff, v19  }
0x30e: {  	v29 =	vor.u32 s14, v5;
	v19 =	vor.u32 s14, v3;
	v18 =	vor.u32 v27, v23;
	[tilespmem:v26+s7+$0x0] =	vst.idx.msk $0xffff, v20  }
0x30f: {  	v39 =	vor.u32 s14, v14;
	v20 =	vor.u32 s14, v2;
	v26 =	vor.u32 v29, v23;
	[tilespmem:v31+s7+$0x0] =	vst.idx.msk $0xffff, v21  }
0x310: {  	v30 =	vor.u32 v39, v23;
	v21 =	vor.u32 v37, v23;
	v31 =	vshll.u32 v20, $0x7;
	[tilespmem:v35+s7+$0x0] =	vst.idx.msk $0xffff, v16  }
0x311: {  	v33 =	vor.u32 s14, v6;
	v32 =	vor.u32 v19, v23;
	v20 =	vor.u32 v20, v23;
	[tilespmem:v28+s7+$0x0] =	vst.idx.msk $0xffff, v24  }
0x312: {  	v41 =	vor.u32 v38, v31;
	v24 =	vor.u32 v25, v23;
	v28 =	vor.u32 s14, v7;
	v40 =	vld.idx.msk [tilespmem:v17+s26+$0x0], $0xffff  }
0x313: {  	v36 =	vor.u32 s14, v11;
	v31 =	vor.u32 s14, v9;
	v35 =	vor.u32 s14, v10;
	v42 =	vld.idx.msk [tilespmem:v18+s26+$0x0], $0xffff  }
0x314: {  	v34 =	vor.u32 v36, v23;
	v43 =	vor.u32 v28, v23;
	v17 =	vld.idx.msk [tilespmem:v26+s26+$0x0], $0xffff;
	v26 =	vor.u32 v31, v23  }
0x315: {  	v46 =	vor.u32 s14, v12;
	v44 =	vor.u32 v33, v23;
	v45 =	vor.u32 v35, v23;
	v16 =	vld.idx.msk [tilespmem:v30+s26+$0x0], $0xffff  }
0x316: {  	v47 =	vor.u32 s14, v13;
	v48 =	vor.u32 s14, v15;
	v18 =	vld.idx.msk [tilespmem:v21+s26+$0x0], $0xffff;
	v21 =	vor.u32 v46, v23  }
0x317: {  	v50 =	vor.u32 v48, v23;
	v22 =	vshll.u32 v22, $0x7;
	v49 =	vld.idx.msk [tilespmem:v24+s26+$0x0], $0xffff;
	v24 =	vor.u32 v47, v23  }
0x318: {  	v52 =	vor.u32 v38, v22;
	v22 =	vshll.u32 v25, $0x7;
	v23 =	vshll.u32 v28, $0x7;
	v51 =	vld.idx.msk [tilespmem:v32+s26+$0x0], $0xffff  }
0x319: {  	v54 =	vor.u32 v38, v22;
	v23 =	vor.u32 v38, v23;
	v53 =	vld.idx.msk [tilespmem:v20+s26+$0x0], $0xffff;
	v20 =	vshll.u32 v19, $0x7  }
0x31a: {  	v22 =	vshll.u32 v27, $0x7;
	v25 =	vshll.u32 v31, $0x7;
	v19 =	vld.idx.msk [tilespmem:v34+s26+$0x0], $0xffff;
	v55 =	vor.u32 v38, v20  }
0x31b: {  	v56 =	vor.u32 v38, v22;
	v25 =	vor.u32 v38, v25;
	v20 =	vld.idx.msk [tilespmem:v21+s26+$0x0], $0xffff;
	v21 =	vshll.u32 v29, $0x7  }
0x31c: {  	v27 =	vshll.u32 v35, $0x7;
	v22 =	vld.idx.msk [tilespmem:v26+s26+$0x0], $0xffff;
	v34 =	vor.u32 v38, v21;
	v26 =	vshll.u32 v33, $0x7  }
0x31d: {  	v30 =	vor.u32 v38, v27;
	v21 =	vld.idx.msk [tilespmem:v24+s26+$0x0], $0xffff;
	v32 =	vor.u32 v38, v26;
	v24 =	vshll.u32 v46, $0x7  }
0x31e: {  	v28 =	vshll.u32 v36, $0x7;
	v29 =	vld.idx.msk [tilespmem:v44+s26+$0x0], $0xffff;
	v26 =	vor.u32 v38, v24;
	v24 =	vshll.u32 v47, $0x7  }
0x31f: {  	v33 =	vor.u32 v38, v28;
	v27 =	vld.idx.msk [tilespmem:v45+s26+$0x0], $0xffff;
	v31 =	vor.u32 v38, v24;
	v24 =	vshll.u32 v48, $0x7  }
0x320: {  	v39 =	vshll.u32 v39, $0x7;
	v35 =	vshll.u32 v37, $0x7;
	v36 =	vld.idx.msk [tilespmem:v43+s26+$0x0], $0xffff;
	v28 =	vor.u32 v38, v24  }
0x321: {  	v37 =	vor.u32 v38, v35;
	v35 =	vor.u32 v38, v39;
	v24 =	vld.idx.msk [tilespmem:v50+s26+$0x0], $0xffff  }
.Ltmp8:
0x322: {  	[tilespmem:v52+s7+$0x0] =	vst.idx.msk $0xffff, v40;
	(pc) =	sbr.rel @p0 .LBB2_18-.Ltmp8, $4  }
0x323: {  	[tilespmem:v54+s7+$0x0] =	vst.idx.msk $0xffff, v49  }
0x324: {  	[tilespmem:v41+s7+$0x0] =	vst.idx.msk $0xffff, v53  }
0x325: {  	[tilespmem:v55+s7+$0x0] =	vst.idx.msk $0xffff, v51  }
0x326: {  	[tilespmem:v56+s7+$0x0] =	vst.idx.msk $0xffff, v42  }
0x327: {  	_ =	sdelay $0x3  }
0x328: {  	[tilespmem:v34+s7+$0x0] =	vst.idx.msk $0xffff, v17  }
0x329: {  	[tilespmem:v23+s7+$0x0] =	vst.idx.msk $0xffff, v36  }
0x32a: {  	[tilespmem:v37+s7+$0x0] =	vst.idx.msk $0xffff, v18  }
0x32b: {  	[tilespmem:v32+s7+$0x0] =	vst.idx.msk $0xffff, v29  }
0x32c: {  	[tilespmem:v25+s7+$0x0] =	vst.idx.msk $0xffff, v22  }
0x32d: {  	[tilespmem:v30+s7+$0x0] =	vst.idx.msk $0xffff, v27  }
0x32e: {  	[tilespmem:v33+s7+$0x0] =	vst.idx.msk $0xffff, v19  }
0x32f: {  	[tilespmem:v26+s7+$0x0] =	vst.idx.msk $0xffff, v20  }
0x330: {  	[tilespmem:v31+s7+$0x0] =	vst.idx.msk $0xffff, v21  }
0x331: {  	[tilespmem:v35+s7+$0x0] =	vst.idx.msk $0xffff, v16  }
0x332: {  	[tilespmem:v28+s7+$0x0] =	vst.idx.msk $0xffff, v24  }
0x333: {  	[hbm4b:s18+s8] =	stream.strided.scatter [tilespmem:s5], [sflag:$0x3], $0x6000, s9, s8, $0x38;
	[tilespmem:$0x1E300] =	vst v63  }
0x334: {  	_ =	swait.ge [sflag:s21], $0x6000  }
0x335: {  	[sflag:s21] =	ssyncset.done $0x0  }
0x336: {  	[sflag:s21] =	ssyncadd.s32 $0xFFFFA000  }
0x337: {  	_ =	swait.ge [sflag:s10], $0x4000  }
0x338: {  	[sflag:s10] =	ssyncset.done $0x0  }
0x339: {  	s12 =	simm.s32 $0x0;
	[sflag:s10] =	ssyncadd.s32 $0xFFFFC000  }
0x33a: {  	s13 =	sand.u32 $0x70, s12;
	_ =	swait.ge [sflag:s10], $0x4000  }
0x33b: {  	s16 =	sand.u32 $0x30, s12;
	v16 =	vor.u32 s13, v0;
	[sflag:s10] =	ssyncset.done $0x0  }
0x33c: {  	v17 =	vor.u32 s16, v0;
	v18 =	vshll.u32 v16, $0x7;
	[sflag:s10] =	ssyncadd.s32 $0xFFFFC000  }
0x33d: {  	v19 =	vor.u32 s16, v4;
	v62 =	vor.u32 v17, v18;
	_ =	swait.ge [sflag:s10], $0x4000  }
0x33e: {  	v20 =	vor.u32 s16, v5;
	v63 =	vor.u32 v19, v18;
	[tilespmem:$0x1F990] =	vst v62  }
0x33f: {  	v21 =	vor.u32 s16, v14;
	v36 =	vor.u32 v20, v18;
	[tilespmem:$0x1F9A0] =	vst v63  }
0x340: {  	v23 =	vor.u32 s16, v8;
	v37 =	vor.u32 v21, v18;
	[tilespmem:$0x1F9B0] =	vst v36  }
0x341: {  	v22 =	vor.u32 s16, v1;
	v38 =	vor.u32 v23, v18;
	[tilespmem:$0x1F9C0] =	vst v37  }
0x342: {  	v33 =	vor.u32 s16, v3;
	v39 =	vor.u32 v22, v18;
	[tilespmem:$0x1F9D0] =	vst v38  }
0x343: {  	v28 =	vor.u32 s16, v2;
	v54 =	vor.u32 v33, v18;
	[tilespmem:$0x1F9E0] =	vst v39  }
0x344: {  	v45 =	vor.u32 s16, v11;
	v55 =	vor.u32 v28, v18;
	[tilespmem:$0x1F9F0] =	vst v54  }
0x345: {  	v43 =	vor.u32 s16, v12;
	v56 =	vor.u32 v45, v18;
	[sflag:s10] =	ssyncset.done $0x0;
	[tilespmem:$0x1FA00] =	vst v55  }
0x346: {  	v34 =	vor.u32 s16, v9;
	v57 =	vor.u32 v43, v18;
	[tilespmem:$0x1FA10] =	vst v56;
	[sflag:s10] =	ssyncadd.s32 $0xFFFFC000  }
0x347: {  	v46 =	vor.u32 s16, v13;
	v58 =	vor.u32 v34, v18;
	[tilespmem:$0x1FA20] =	vst v57;
	v44 =	vld.idx.msk [tilespmem:v62+s31+$0x0], $0xffff  }
0x348: {  	v41 =	vor.u32 s16, v6;
	v59 =	vor.u32 v46, v18;
	[tilespmem:$0x1FA30] =	vst v58;
	v24 =	vld.idx.msk [tilespmem:v63+s31+$0x0], $0xffff  }
0x349: {  	v31 =	vor.u32 v41, v18;
	v28 =	vshll.u32 v28, $0x7;
	[tilespmem:$0x1FA40] =	vst v59;
	v50 =	vld.idx.msk [tilespmem:v36+s31+$0x0], $0xffff  }
0x34a: {  	v42 =	vor.u32 s16, v10;
	v26 =	vor.u32 v16, v28;
	[tilespmem:$0x1FA60] =	vst v31;
	v49 =	vld.idx.msk [tilespmem:v37+s31+$0x0], $0xffff  }
0x34b: {  	v17 =	vshll.u32 v17, $0x7;
	[tilespmem:$0x1FB00] =	vst v26;
	v47 =	vld.idx.msk [tilespmem:v39+s31+$0x0], $0xffff;
	v39 =	vor.u32 v42, v18  }
0x34c: {  	v51 =	vld.idx.msk [tilespmem:v38+s31+$0x0], $0xffff;
	v63 =	vor.u32 s16, v7;
	v36 =	vor.u32 v16, v17;
	[tilespmem:$0x1FA70] =	vst v39  }
0x34d: {  	v25 =	vld.idx.msk [tilespmem:v54+s31+$0x0], $0xffff;
	v17 =	vshll.u32 v22, $0x7;
	v22 =	vshll.u32 v63, $0x7;
	[tilespmem:$0x1FAE0] =	vst v36  }
0x34e: {  	v48 =	vor.u32 s16, v15;
	v61 =	vld.idx.msk [tilespmem:v55+s31+$0x0], $0xffff;
	v40 =	vor.u32 v63, v18;
	[tilespmem:$0x1FA50] =	vst v22  }
0x34f: {  	v52 =	vld.idx.msk [tilespmem:v56+s31+$0x0], $0xffff;
	v18 =	vor.u32 v48, v18;
	[tilespmem:$0x1FA90] =	vst v40  }
0x350: {  	v53 =	vld.idx.msk [tilespmem:v57+s31+$0x0], $0xffff;
	v37 =	vor.u32 v16, v17;
	v17 =	vshll.u32 v33, $0x7;
	[tilespmem:$0x1FAB0] =	vst v18  }
0x351: {  	v55 =	vld.idx.msk [tilespmem:v58+s31+$0x0], $0xffff;
	v38 =	vor.u32 v16, v17;
	v17 =	vshll.u32 v19, $0x7;
	v19 =	vshll.u32 v34, $0x7;
	[tilespmem:$0x1FAF0] =	vst v37  }
0x352: {  	v54 =	vld.idx.msk [tilespmem:v59+s31+$0x0], $0xffff;
	[tilespmem:$0x1FA80] =	vst v19  }
0x353: {  	v62 =	vld.idx.msk [tilespmem:v31+s31+$0x0], $0xffff;
	v58 =	vor.u32 v16, v19;
	v19 =	vshll.u32 v42, $0x7;
	[tilespmem:$0x1FB10] =	vst v38  }
0x354: {  	[tilespmem:$0x1FAD0] =	vst v19;
	v60 =	vld.idx.msk [tilespmem:v39+s31+$0x0], $0xffff;
	v39 =	vor.u32 v16, v17;
	v17 =	vshll.u32 v20, $0x7  }
0x355: {  	v56 =	vor.u32 v16, v22;
	v22 =	vld.idx.msk [tilespmem:v40+s31+$0x0], $0xffff;
	[tilespmem:$0x1FAA0] =	vst v17  }
0x356: {  	v57 =	vld.idx.msk [tilespmem:v18+s31+$0x0], $0xffff;
	[tilespmem:v36+s5+$0x0] =	vst.idx.msk $0xffff, v44  }
0x357: {  	v43 =	vshll.u32 v43, $0x7;
	v20 =	vor.u32 v16, v17;
	v17 =	vshll.u32 v41, $0x7;
	[tilespmem:$0x1FB20] =	vst v39  }
0x358: {  	v59 =	vor.u32 v16, v43;
	v48 =	vshll.u32 v48, $0x7;
	[tilespmem:$0x1FAC0] =	vst v17  }
0x359: {  	v63 =	vor.u32 v16, v19;
	v44 =	vshll.u32 v45, $0x7;
	v45 =	vshll.u32 v46, $0x7;
	[tilespmem:v37+s5+$0x0] =	vst.idx.msk $0xffff, v47  }
0x35a: {  	v46 =	vshll.u32 v23, $0x7;
	v18 =	vor.u32 v16, v17;
	v19 =	vor.u32 v16, v44;
	[tilespmem:v26+s5+$0x0] =	vst.idx.msk $0xffff, v61  }
0x35b: {  	v17 =	vor.u32 v16, v45;
	v47 =	vshll.u32 v21, $0x7;
	v23 =	vor.u32 v16, v46;
	[tilespmem:v38+s5+$0x0] =	vst.idx.msk $0xffff, v25  }
0x35c: {  	s14 =	simm.s32 $0x0;
	s13 =	simm.s32 $0x10;
	v61 =	vor.u32 v16, v48;
	v21 =	vor.u32 v16, v47;
	[tilespmem:v39+s5+$0x0] =	vst.idx.msk $0xffff, v24  }
.LBB2_20:
0x35d: {  	p0 =	sne.s32 s13, $0x1F0  }
0x35e: {  	[tilespmem:v20+s5+$0x0] =	vst.idx.msk $0xffff, v50;
	s14 =	sadd.s32 $0x4, s14;
	s15 =	smov.u32 s13;
	s13 =	sadd.s32 $0x10, s13  }
0x35f: {  	[tilespmem:v56+s5+$0x0] =	vst.idx.msk $0xffff, v22  }
0x360: {  	[tilespmem:v23+s5+$0x0] =	vst.idx.msk $0xffff, v51  }
0x361: {  	s16 =	sand.u32 $0x70, s14;
	[tilespmem:v18+s5+$0x0] =	vst.idx.msk $0xffff, v62  }
0x362: {  	s15 =	sand.u32 $0x30, s15;
	v24 =	vor.u32 s16, v0;
	[tilespmem:v58+s5+$0x0] =	vst.idx.msk $0xffff, v55  }
0x363: {  	v23 =	vor.u32 s15, v8;
	v18 =	vor.u32 s15, v0;
	v20 =	vshll.u32 v24, $0x7;
	[tilespmem:v63+s5+$0x0] =	vst.idx.msk $0xffff, v60  }
0x364: {  	v25 =	vor.u32 s15, v1;
	v22 =	vor.u32 v18, v20;
	v55 =	vor.u32 s15, v4;
	[tilespmem:v19+s5+$0x0] =	vst.idx.msk $0xffff, v52  }
0x365: {  	v58 =	vor.u32 s15, v5;
	v50 =	vor.u32 v55, v20;
	v19 =	vor.u32 s15, v3;
	[tilespmem:v59+s5+$0x0] =	vst.idx.msk $0xffff, v53  }
0x366: {  	v51 =	vor.u32 s15, v2;
	v26 =	vor.u32 s15, v14;
	v52 =	vor.u32 v58, v20;
	[tilespmem:v17+s5+$0x0] =	vst.idx.msk $0xffff, v54  }
0x367: {  	v53 =	vor.u32 v26, v20;
	v17 =	vor.u32 v23, v20;
	v54 =	vshll.u32 v51, $0x7;
	[tilespmem:v21+s5+$0x0] =	vst.idx.msk $0xffff, v49  }
0x368: {  	v56 =	vor.u32 v19, v20;
	v59 =	vor.u32 s15, v6;
	v21 =	vor.u32 v51, v20;
	[tilespmem:v61+s5+$0x0] =	vst.idx.msk $0xffff, v57  }
0x369: {  	v28 =	vor.u32 v24, v54;
	v57 =	vor.u32 s15, v7;
	v27 =	vld.idx.msk [tilespmem:v22+s31+$0x0], $0xffff;
	v22 =	vor.u32 v25, v20  }
0x36a: {  	v60 =	vor.u32 s15, v10;
	v54 =	vor.u32 s15, v9;
	v61 =	vor.u32 s15, v11;
	v29 =	vld.idx.msk [tilespmem:v50+s31+$0x0], $0xffff  }
0x36b: {  	v62 =	vor.u32 v54, v20;
	v30 =	vor.u32 v57, v20;
	v50 =	vld.idx.msk [tilespmem:v52+s31+$0x0], $0xffff;
	v52 =	vor.u32 v61, v20  }
0x36c: {  	v33 =	vor.u32 s15, v12;
	v32 =	vor.u32 v60, v20;
	v31 =	vor.u32 v59, v20;
	v49 =	vld.idx.msk [tilespmem:v53+s31+$0x0], $0xffff  }
0x36d: {  	v34 =	vor.u32 s15, v13;
	v35 =	vor.u32 s15, v15;
	v51 =	vld.idx.msk [tilespmem:v17+s31+$0x0], $0xffff;
	v17 =	vor.u32 v33, v20  }
0x36e: {  	v37 =	vor.u32 v35, v20;
	v18 =	vshll.u32 v18, $0x7;
	v36 =	vld.idx.msk [tilespmem:v22+s31+$0x0], $0xffff;
	v22 =	vor.u32 v34, v20  }
0x36f: {  	v39 =	vor.u32 v24, v18;
	v18 =	vshll.u32 v25, $0x7;
	v20 =	vshll.u32 v57, $0x7;
	v38 =	vld.idx.msk [tilespmem:v56+s31+$0x0], $0xffff  }
0x370: {  	v40 =	vor.u32 v24, v18;
	v18 =	vshll.u32 v19, $0x7;
	v56 =	vor.u32 v24, v20;
	v25 =	vld.idx.msk [tilespmem:v21+s31+$0x0], $0xffff  }
0x371: {  	v41 =	vor.u32 v24, v18;
	v18 =	vshll.u32 v55, $0x7;
	v19 =	vshll.u32 v54, $0x7;
	v52 =	vld.idx.msk [tilespmem:v52+s31+$0x0], $0xffff  }
0x372: {  	v42 =	vor.u32 v24, v18;
	v53 =	vld.idx.msk [tilespmem:v17+s31+$0x0], $0xffff;
	v17 =	vshll.u32 v58, $0x7;
	v58 =	vor.u32 v24, v19  }
0x373: {  	v19 =	vshll.u32 v60, $0x7;
	v55 =	vld.idx.msk [tilespmem:v62+s31+$0x0], $0xffff;
	v20 =	vor.u32 v24, v17;
	v17 =	vshll.u32 v59, $0x7  }
0x374: {  	v63 =	vor.u32 v24, v19;
	v54 =	vld.idx.msk [tilespmem:v22+s31+$0x0], $0xffff;
	v18 =	vor.u32 v24, v17;
	v17 =	vshll.u32 v33, $0x7  }
0x375: {  	v19 =	vshll.u32 v61, $0x7;
	v62 =	vld.idx.msk [tilespmem:v31+s31+$0x0], $0xffff;
	v59 =	vor.u32 v24, v17;
	v17 =	vshll.u32 v34, $0x7  }
0x376: {  	v21 =	vshll.u32 v35, $0x7;
	v19 =	vor.u32 v24, v19;
	v60 =	vld.idx.msk [tilespmem:v32+s31+$0x0], $0xffff;
	v17 =	vor.u32 v24, v17  }
0x377: {  	v26 =	vshll.u32 v26, $0x7;
	v23 =	vshll.u32 v23, $0x7;
	v61 =	vor.u32 v24, v21;
	v22 =	vld.idx.msk [tilespmem:v30+s31+$0x0], $0xffff  }
0x378: {  	v23 =	vor.u32 v24, v23;
	v21 =	vor.u32 v24, v26;
	v57 =	vld.idx.msk [tilespmem:v37+s31+$0x0], $0xffff  }
.Ltmp9:
0x379: {  	[tilespmem:v39+s5+$0x0] =	vst.idx.msk $0xffff, v27;
	(pc) =	sbr.rel @p0 .LBB2_20-.Ltmp9, $4  }
0x37a: {  	[tilespmem:v40+s5+$0x0] =	vst.idx.msk $0xffff, v36  }
0x37b: {  	[tilespmem:v28+s5+$0x0] =	vst.idx.msk $0xffff, v25  }
0x37c: {  	[tilespmem:v41+s5+$0x0] =	vst.idx.msk $0xffff, v38  }
0x37d: {  	[tilespmem:v42+s5+$0x0] =	vst.idx.msk $0xffff, v29  }
0x37e: {  	_ =	sdelay $0x3  }
0x37f: {  	[tilespmem:v20+s5+$0x0] =	vst.idx.msk $0xffff, v50  }
0x380: {  	[tilespmem:v56+s5+$0x0] =	vst.idx.msk $0xffff, v22  }
0x381: {  	[tilespmem:v23+s5+$0x0] =	vst.idx.msk $0xffff, v51  }
0x382: {  	[tilespmem:v18+s5+$0x0] =	vst.idx.msk $0xffff, v62;
	v18 =	vld [tilespmem:$0x1F9D0]  }
0x383: {  	[tilespmem:v58+s5+$0x0] =	vst.idx.msk $0xffff, v55  }
0x384: {  	[tilespmem:v63+s5+$0x0] =	vst.idx.msk $0xffff, v60  }
0x385: {  	[tilespmem:v19+s5+$0x0] =	vst.idx.msk $0xffff, v52  }
0x386: {  	[tilespmem:v59+s5+$0x0] =	vst.idx.msk $0xffff, v53  }
0x387: {  	[tilespmem:v17+s5+$0x0] =	vst.idx.msk $0xffff, v54  }
0x388: {  	[tilespmem:v21+s5+$0x0] =	vst.idx.msk $0xffff, v49  }
0x389: {  	[tilespmem:v61+s5+$0x0] =	vst.idx.msk $0xffff, v57  }
0x38a: {  	v49 =	vld.idx.msk [tilespmem:v18+s0+$0x0], $0xffff  }
0x38b: {  	v18 =	vld [tilespmem:$0x1F9E0];
	_ =	sdelay $0x1  }
0x38c: {  	v22 =	vld [tilespmem:$0x1FA60];
	_ =	sdelay $0x3  }
0x38d: {  	v17 =	vld [tilespmem:$0x1F990];
	_ =	sdelay $0x1  }
0x38e: {  	v25 =	vld.idx.msk [tilespmem:v18+s0+$0x0], $0xffff  }
0x38f: {  	v18 =	vld [tilespmem:$0x1F9F0]  }
0x390: {  	v50 =	vld.idx.msk [tilespmem:v22+s0+$0x0], $0xffff  }
0x391: {  	v22 =	vld [tilespmem:$0x1FA70];
	_ =	sdelay $0x2  }
0x392: {  	v23 =	vld.idx.msk [tilespmem:v17+s0+$0x0], $0xffff  }
0x393: {  	v17 =	vld [tilespmem:$0x1F9A0];
	_ =	sdelay $0x1  }
0x394: {  	v28 =	vld.idx.msk [tilespmem:v18+s0+$0x0], $0xffff  }
0x395: {  	v18 =	vld [tilespmem:$0x1FA00]  }
0x396: {  	v30 =	vld.idx.msk [tilespmem:v22+s0+$0x0], $0xffff  }
0x397: {  	v22 =	vld [tilespmem:$0x1FA90];
	_ =	sdelay $0x1  }
0x398: {  	v21 =	vld [tilespmem:$0x1FA30]  }
0x399: {  	v33 =	vld.idx.msk [tilespmem:v17+s0+$0x0], $0xffff  }
0x39a: {  	v17 =	vld [tilespmem:$0x1F9B0]  }
0x39b: {  	v31 =	vld [tilespmem:$0x1FAA0]  }
0x39c: {  	v26 =	vld.idx.msk [tilespmem:v18+s0+$0x0], $0xffff  }
0x39d: {  	v18 =	vld [tilespmem:$0x1FA10]  }
0x39e: {  	v51 =	vld.idx.msk [tilespmem:v22+s0+$0x0], $0xffff  }
0x39f: {  	v22 =	vld [tilespmem:$0x1FA50]  }
0x3a0: {  	v24 =	vld.idx.msk [tilespmem:v21+s0+$0x0], $0xffff  }
0x3a1: {  	v21 =	vld [tilespmem:$0x1FA40]  }
0x3a2: {  	v19 =	vld.idx.msk [tilespmem:v17+s0+$0x0], $0xffff  }
0x3a3: {  	v17 =	vld [tilespmem:$0x1F9C0]  }
0x3a4: {  	v29 =	vor.u32 v16, v22;
	v22 =	vld [tilespmem:$0x1FAB0]  }
0x3a5: {  	v20 =	vld.idx.msk [tilespmem:v18+s0+$0x0], $0xffff  }
0x3a6: {  	v18 =	vld [tilespmem:$0x1FA20]  }
0x3a7: {  	v38 =	vor.u32 v16, v31;
	v31 =	vld [tilespmem:$0x1FAE0];
	_ =	sdelay $0x3  }
0x3a8: {  	v21 =	vld.idx.msk [tilespmem:v21+s0+$0x0], $0xffff  }
0x3a9: {  	v17 =	vld.idx.msk [tilespmem:v17+s0+$0x0], $0xffff  }
0x3aa: {  	v22 =	vld.idx.msk [tilespmem:v22+s0+$0x0], $0xffff  }
0x3ab: {  	v18 =	vld.idx.msk [tilespmem:v18+s0+$0x0], $0xffff  }
0x3ac: {  	[tilespmem:v31+s6+$0x0] =	vst.idx.msk $0xffff, v23;
	v23 =	vld [tilespmem:$0x1FAC0];
	_ =	sdelay $0x4  }
0x3ad: {  	v35 =	vor.u32 v16, v23;
	v23 =	vld [tilespmem:$0x1FAD0];
	_ =	sdelay $0x4  }
0x3ae: {  	v31 =	vor.u32 v16, v23;
	v23 =	vld [tilespmem:$0x1FAF0];
	_ =	sdelay $0x7  }
0x3af: {  	[tilespmem:v23+s6+$0x0] =	vst.idx.msk $0xffff, v25;
	v23 =	vld [tilespmem:$0x1FB00]  }
0x3b0: {  	v34 =	vld [tilespmem:$0x1FB10]  }
0x3b1: {  	v63 =	vld [tilespmem:$0x1FB20]  }
0x3b2: {  	v27 =	vld [tilespmem:$0x1FA80];
	_ =	sdelay $0x3  }
0x3b3: {  	v32 =	vor.u32 v16, v44  }
0x3b4: {  	v27 =	vor.u32 v16, v27;
	v25 =	vor.u32 v16, v43;
	[tilespmem:v23+s6+$0x0] =	vst.idx.msk $0xffff, v26  }
0x3b5: {  	v26 =	vor.u32 v16, v45;
	[tilespmem:v34+s6+$0x0] =	vst.idx.msk $0xffff, v28;
	v28 =	vor.u32 v16, v46  }
0x3b6: {  	s13 =	simm.s32 $0x10;
	v23 =	vor.u32 v16, v48;
	v16 =	vor.u32 v16, v47;
	[tilespmem:v63+s6+$0x0] =	vst.idx.msk $0xffff, v33  }
.LBB2_22:
0x3b7: {  	p0 =	sne.s32 s13, $0x1F0  }
0x3b8: {  	[tilespmem:v38+s6+$0x0] =	vst.idx.msk $0xffff, v19;
	s12 =	sadd.s32 $0x4, s12;
	s14 =	smov.u32 s13;
	s13 =	sadd.s32 $0x10, s13  }
0x3b9: {  	[tilespmem:v29+s6+$0x0] =	vst.idx.msk $0xffff, v51  }
0x3ba: {  	[tilespmem:v28+s6+$0x0] =	vst.idx.msk $0xffff, v49  }
0x3bb: {  	s15 =	sand.u32 $0x70, s12;
	[tilespmem:v35+s6+$0x0] =	vst.idx.msk $0xffff, v50  }
0x3bc: {  	s14 =	sand.u32 $0x30, s14;
	v33 =	vor.u32 s15, v0;
	[tilespmem:v27+s6+$0x0] =	vst.idx.msk $0xffff, v24  }
0x3bd: {  	v28 =	vor.u32 s14, v8;
	v24 =	vor.u32 s14, v0;
	v27 =	vshll.u32 v33, $0x7;
	[tilespmem:v31+s6+$0x0] =	vst.idx.msk $0xffff, v30  }
0x3be: {  	v29 =	vor.u32 s14, v1;
	v19 =	vor.u32 v24, v27;
	v30 =	vor.u32 s14, v4;
	[tilespmem:v32+s6+$0x0] =	vst.idx.msk $0xffff, v20  }
0x3bf: {  	v20 =	vor.u32 s14, v3;
	v31 =	vor.u32 v30, v27;
	v32 =	vor.u32 s14, v5;
	[tilespmem:v25+s6+$0x0] =	vst.idx.msk $0xffff, v18  }
0x3c0: {  	v34 =	vor.u32 s14, v14;
	v18 =	vor.u32 s14, v2;
	v25 =	vor.u32 v32, v27;
	[tilespmem:v26+s6+$0x0] =	vst.idx.msk $0xffff, v21  }
0x3c1: {  	v21 =	vor.u32 v28, v27;
	v26 =	vor.u32 v34, v27;
	v35 =	vshll.u32 v18, $0x7;
	[tilespmem:v16+s6+$0x0] =	vst.idx.msk $0xffff, v17  }
0x3c2: {  	v36 =	vor.u32 s14, v6;
	v16 =	vor.u32 v18, v27;
	v18 =	vor.u32 v20, v27;
	[tilespmem:v23+s6+$0x0] =	vst.idx.msk $0xffff, v22  }
0x3c3: {  	v39 =	vor.u32 v33, v35;
	v22 =	vor.u32 v29, v27;
	v23 =	vor.u32 s14, v7;
	v37 =	vld.idx.msk [tilespmem:v19+s0+$0x0], $0xffff  }
0x3c4: {  	v41 =	vor.u32 s14, v11;
	v35 =	vor.u32 s14, v10;
	v40 =	vld.idx.msk [tilespmem:v31+s0+$0x0], $0xffff;
	v31 =	vor.u32 s14, v9  }
0x3c5: {  	v38 =	vor.u32 v41, v27;
	v42 =	vor.u32 v23, v27;
	v19 =	vld.idx.msk [tilespmem:v25+s0+$0x0], $0xffff;
	v25 =	vor.u32 v31, v27  }
0x3c6: {  	v45 =	vor.u32 s14, v12;
	v43 =	vor.u32 v36, v27;
	v44 =	vor.u32 v35, v27;
	v17 =	vld.idx.msk [tilespmem:v26+s0+$0x0], $0xffff  }
0x3c7: {  	v46 =	vor.u32 s14, v15;
	v26 =	vor.u32 s14, v13;
	v49 =	vld.idx.msk [tilespmem:v21+s0+$0x0], $0xffff;
	v21 =	vor.u32 v45, v27  }
0x3c8: {  	v48 =	vor.u32 v46, v27;
	v24 =	vshll.u32 v24, $0x7;
	v47 =	vld.idx.msk [tilespmem:v22+s0+$0x0], $0xffff;
	v22 =	vor.u32 v26, v27  }
0x3c9: {  	v53 =	vor.u32 v33, v24;
	v23 =	vshll.u32 v23, $0x7;
	v52 =	vld.idx.msk [tilespmem:v18+s0+$0x0], $0xffff;
	v18 =	vshll.u32 v29, $0x7  }
0x3ca: {  	v29 =	vor.u32 v33, v23;
	v54 =	vld.idx.msk [tilespmem:v16+s0+$0x0], $0xffff;
	v55 =	vor.u32 v33, v18;
	v16 =	vshll.u32 v20, $0x7  }
0x3cb: {  	v23 =	vshll.u32 v31, $0x7;
	v20 =	vld.idx.msk [tilespmem:v38+s0+$0x0], $0xffff;
	v56 =	vor.u32 v33, v16;
	v16 =	vshll.u32 v30, $0x7  }
0x3cc: {  	v27 =	vor.u32 v33, v23;
	v18 =	vld.idx.msk [tilespmem:v21+s0+$0x0], $0xffff;
	v57 =	vor.u32 v33, v16;
	v16 =	vshll.u32 v32, $0x7  }
0x3cd: {  	v23 =	vshll.u32 v35, $0x7;
	v24 =	vld.idx.msk [tilespmem:v25+s0+$0x0], $0xffff;
	v38 =	vor.u32 v33, v16;
	v16 =	vshll.u32 v36, $0x7  }
0x3ce: {  	v31 =	vor.u32 v33, v23;
	v21 =	vld.idx.msk [tilespmem:v22+s0+$0x0], $0xffff;
	v35 =	vor.u32 v33, v16;
	v16 =	vshll.u32 v45, $0x7  }
0x3cf: {  	v22 =	vshll.u32 v41, $0x7;
	v50 =	vld.idx.msk [tilespmem:v43+s0+$0x0], $0xffff;
	v25 =	vor.u32 v33, v16;
	v16 =	vshll.u32 v26, $0x7  }
0x3d0: {  	v32 =	vor.u32 v33, v22;
	v30 =	vld.idx.msk [tilespmem:v44+s0+$0x0], $0xffff;
	v26 =	vor.u32 v33, v16;
	v16 =	vshll.u32 v46, $0x7  }
0x3d1: {  	v28 =	vshll.u32 v28, $0x7;
	v34 =	vshll.u32 v34, $0x7;
	v51 =	vld.idx.msk [tilespmem:v42+s0+$0x0], $0xffff;
	v23 =	vor.u32 v33, v16  }
0x3d2: {  	v28 =	vor.u32 v33, v28;
	v16 =	vor.u32 v33, v34;
	v22 =	vld.idx.msk [tilespmem:v48+s0+$0x0], $0xffff  }
.Ltmp10:
0x3d3: {  	[tilespmem:v53+s6+$0x0] =	vst.idx.msk $0xffff, v37;
	(pc) =	sbr.rel @p0 .LBB2_22-.Ltmp10, $4  }
0x3d4: {  	[tilespmem:v55+s6+$0x0] =	vst.idx.msk $0xffff, v47  }
0x3d5: {  	[tilespmem:v39+s6+$0x0] =	vst.idx.msk $0xffff, v54  }
0x3d6: {  	[tilespmem:v56+s6+$0x0] =	vst.idx.msk $0xffff, v52  }
0x3d7: {  	[tilespmem:v57+s6+$0x0] =	vst.idx.msk $0xffff, v40  }
0x3d8: {  	_ =	sdelay $0x3  }
0x3d9: {  	[tilespmem:v38+s6+$0x0] =	vst.idx.msk $0xffff, v19  }
0x3da: {  	[tilespmem:v29+s6+$0x0] =	vst.idx.msk $0xffff, v51  }
0x3db: {  	s12 =	simm.s32 $0x0;
	[tilespmem:v28+s6+$0x0] =	vst.idx.msk $0xffff, v49  }
0x3dc: {  	s13 =	sand.u32 $0x70, s12;
	[tilespmem:v35+s6+$0x0] =	vst.idx.msk $0xffff, v50  }
0x3dd: {  	s16 =	sand.u32 $0x30, s12;
	v35 =	vor.u32 s13, v0;
	[tilespmem:v27+s6+$0x0] =	vst.idx.msk $0xffff, v24  }
0x3de: {  	v24 =	vor.u32 s16, v0;
	v27 =	vshll.u32 v35, $0x7;
	[tilespmem:v31+s6+$0x0] =	vst.idx.msk $0xffff, v30  }
0x3df: {  	v29 =	vor.u32 s16, v2;
	v19 =	vor.u32 v24, v27;
	[tilespmem:v32+s6+$0x0] =	vst.idx.msk $0xffff, v20  }
0x3e0: {  	v41 =	vor.u32 s16, v13;
	v31 =	vor.u32 v29, v27;
	[tilespmem:v25+s6+$0x0] =	vst.idx.msk $0xffff, v18  }
0x3e1: {  	v43 =	vor.u32 s16, v6;
	v36 =	vor.u32 v41, v27;
	[tilespmem:v26+s6+$0x0] =	vst.idx.msk $0xffff, v21  }
0x3e2: {  	v28 =	vor.u32 s16, v4;
	v37 =	vor.u32 s16, v14;
	v45 =	vor.u32 v43, v27;
	[tilespmem:v16+s6+$0x0] =	vst.idx.msk $0xffff, v17  }
0x3e3: {  	v56 =	vor.u32 s16, v8;
	v18 =	vor.u32 v28, v27;
	v25 =	vor.u32 s16, v5;
	[tilespmem:v23+s6+$0x0] =	vst.idx.msk $0xffff, v22  }
0x3e4: {  	v29 =	vshll.u32 v29, $0x7;
	v24 =	vshll.u32 v24, $0x7;
	v20 =	vor.u32 v25, v27;
	v26 =	vld.idx.msk [tilespmem:v19+s2+$0x0], $0xffff  }
0x3e5: {  	v52 =	vor.u32 v35, v24;
	v21 =	vor.u32 s16, v1;
	v16 =	vor.u32 v37, v27;
	v46 =	vld.idx.msk [tilespmem:v31+s2+$0x0], $0xffff  }
0x3e6: {  	v24 =	vshll.u32 v21, $0x7;
	v22 =	vor.u32 v56, v27;
	v19 =	vor.u32 v21, v27;
	v21 =	vld.idx.msk [tilespmem:v36+s2+$0x0], $0xffff  }
0x3e7: {  	v59 =	vor.u32 v35, v29;
	v23 =	vor.u32 s16, v3;
	v29 =	vld.idx.msk [tilespmem:v45+s2+$0x0], $0xffff  }
0x3e8: {  	v30 =	vor.u32 v23, v27;
	v31 =	vor.u32 s16, v7;
	v39 =	vld.idx.msk [tilespmem:v18+s2+$0x0], $0xffff  }
0x3e9: {  	v33 =	vor.u32 s16, v11;
	v48 =	vor.u32 v31, v27;
	v17 =	vld.idx.msk [tilespmem:v20+s2+$0x0], $0xffff  }
0x3ea: {  	v40 =	vor.u32 s16, v12;
	v20 =	vor.u32 v33, v27;
	v16 =	vld.idx.msk [tilespmem:v16+s2+$0x0], $0xffff  }
0x3eb: {  	v57 =	vor.u32 s16, v9;
	v18 =	vld.idx.msk [tilespmem:v22+s2+$0x0], $0xffff;
	v22 =	vor.u32 v40, v27  }
0x3ec: {  	v58 =	vor.u32 s16, v15;
	v34 =	vor.u32 v57, v27;
	v42 =	vld.idx.msk [tilespmem:v19+s2+$0x0], $0xffff  }
0x3ed: {  	v60 =	vor.u32 v58, v27;
	v44 =	vld.idx.msk [tilespmem:v30+s2+$0x0], $0xffff;
	v30 =	vor.u32 s16, v10  }
0x3ee: {  	v38 =	vshll.u32 v56, $0x7;
	v47 =	vor.u32 v30, v27;
	v36 =	vld.idx.msk [tilespmem:v48+s2+$0x0], $0xffff  }
0x3ef: {  	v27 =	vshll.u32 v31, $0x7;
	v31 =	vor.u32 v35, v24;
	v24 =	vshll.u32 v23, $0x7;
	v19 =	vld.idx.msk [tilespmem:v20+s2+$0x0], $0xffff  }
0x3f0: {  	v63 =	vshll.u32 v37, $0x7;
	v61 =	vor.u32 v35, v24;
	v24 =	vshll.u32 v28, $0x7;
	v20 =	vld.idx.msk [tilespmem:v22+s2+$0x0], $0xffff  }
0x3f1: {  	v37 =	vor.u32 v35, v38;
	v62 =	vor.u32 v35, v24;
	v24 =	vshll.u32 v25, $0x7;
	v22 =	vld.idx.msk [tilespmem:v34+s2+$0x0], $0xffff  }
0x3f2: {  	v23 =	vor.u32 v35, v27;
	v28 =	vshll.u32 v57, $0x7;
	v34 =	vor.u32 v35, v24;
	v24 =	vld.idx.msk [tilespmem:v60+s2+$0x0], $0xffff  }
0x3f3: {  	v33 =	vshll.u32 v33, $0x7;
	v25 =	vor.u32 v35, v28;
	v28 =	vshll.u32 v43, $0x7;
	v27 =	vld.idx.msk [tilespmem:v47+s2+$0x0], $0xffff;
	[tilespmem:v52+s7+$0x0] =	vst.idx.msk $0xffff, v26  }
0x3f4: {  	v33 =	vor.u32 v35, v33;
	v32 =	vor.u32 v35, v28;
	v28 =	vshll.u32 v40, $0x7;
	[tilespmem:v31+s7+$0x0] =	vst.idx.msk $0xffff, v42  }
0x3f5: {  	v30 =	vshll.u32 v30, $0x7;
	v26 =	vor.u32 v35, v28;
	v28 =	vshll.u32 v41, $0x7;
	[tilespmem:v59+s7+$0x0] =	vst.idx.msk $0xffff, v46  }
0x3f6: {  	v30 =	vor.u32 v35, v30;
	v31 =	vor.u32 v35, v28;
	v28 =	vshll.u32 v58, $0x7;
	[tilespmem:v61+s7+$0x0] =	vst.idx.msk $0xffff, v44  }
0x3f7: {  	s13 =	simm.s32 $0x10;
	v28 =	vor.u32 v35, v28;
	v35 =	vor.u32 v35, v63;
	[tilespmem:v62+s7+$0x0] =	vst.idx.msk $0xffff, v39  }
.LBB2_24:
0x3f8: {  	p0 =	sne.s32 s13, $0x1F0  }
0x3f9: {  	[tilespmem:v34+s7+$0x0] =	vst.idx.msk $0xffff, v17;
	s12 =	sadd.s32 $0x4, s12;
	s14 =	smov.u32 s13;
	s13 =	sadd.s32 $0x10, s13  }
0x3fa: {  	[tilespmem:v23+s7+$0x0] =	vst.idx.msk $0xffff, v36  }
0x3fb: {  	[tilespmem:v37+s7+$0x0] =	vst.idx.msk $0xffff, v18  }
0x3fc: {  	s15 =	sand.u32 $0x70, s12;
	[tilespmem:v32+s7+$0x0] =	vst.idx.msk $0xffff, v29  }
0x3fd: {  	s14 =	sand.u32 $0x30, s14;
	v38 =	vor.u32 s15, v0;
	[tilespmem:v25+s7+$0x0] =	vst.idx.msk $0xffff, v22  }
0x3fe: {  	v37 =	vor.u32 s14, v8;
	v23 =	vshll.u32 v38, $0x7;
	v22 =	vor.u32 s14, v0;
	[tilespmem:v30+s7+$0x0] =	vst.idx.msk $0xffff, v27  }
0x3ff: {  	v25 =	vor.u32 s14, v1;
	v17 =	vor.u32 v22, v23;
	v27 =	vor.u32 s14, v4;
	[tilespmem:v33+s7+$0x0] =	vst.idx.msk $0xffff, v19  }
0x400: {  	v29 =	vor.u32 s14, v5;
	v19 =	vor.u32 s14, v3;
	v18 =	vor.u32 v27, v23;
	[tilespmem:v26+s7+$0x0] =	vst.idx.msk $0xffff, v20  }
0x401: {  	v39 =	vor.u32 s14, v14;
	v20 =	vor.u32 s14, v2;
	v26 =	vor.u32 v29, v23;
	[tilespmem:v31+s7+$0x0] =	vst.idx.msk $0xffff, v21  }
0x402: {  	v30 =	vor.u32 v39, v23;
	v21 =	vor.u32 v37, v23;
	v31 =	vshll.u32 v20, $0x7;
	[tilespmem:v35+s7+$0x0] =	vst.idx.msk $0xffff, v16  }
0x403: {  	v33 =	vor.u32 s14, v6;
	v32 =	vor.u32 v19, v23;
	v20 =	vor.u32 v20, v23;
	[tilespmem:v28+s7+$0x0] =	vst.idx.msk $0xffff, v24  }
0x404: {  	v41 =	vor.u32 v38, v31;
	v24 =	vor.u32 v25, v23;
	v28 =	vor.u32 s14, v7;
	v40 =	vld.idx.msk [tilespmem:v17+s2+$0x0], $0xffff  }
0x405: {  	v36 =	vor.u32 s14, v11;
	v31 =	vor.u32 s14, v9;
	v35 =	vor.u32 s14, v10;
	v42 =	vld.idx.msk [tilespmem:v18+s2+$0x0], $0xffff  }
0x406: {  	v34 =	vor.u32 v36, v23;
	v43 =	vor.u32 v28, v23;
	v17 =	vld.idx.msk [tilespmem:v26+s2+$0x0], $0xffff;
	v26 =	vor.u32 v31, v23  }
0x407: {  	v46 =	vor.u32 s14, v12;
	v44 =	vor.u32 v33, v23;
	v45 =	vor.u32 v35, v23;
	v16 =	vld.idx.msk [tilespmem:v30+s2+$0x0], $0xffff  }
0x408: {  	v47 =	vor.u32 s14, v13;
	v48 =	vor.u32 s14, v15;
	v18 =	vld.idx.msk [tilespmem:v21+s2+$0x0], $0xffff;
	v21 =	vor.u32 v46, v23  }
0x409: {  	v50 =	vor.u32 v48, v23;
	v22 =	vshll.u32 v22, $0x7;
	v49 =	vld.idx.msk [tilespmem:v24+s2+$0x0], $0xffff;
	v24 =	vor.u32 v47, v23  }
0x40a: {  	v52 =	vor.u32 v38, v22;
	v22 =	vshll.u32 v25, $0x7;
	v23 =	vshll.u32 v28, $0x7;
	v51 =	vld.idx.msk [tilespmem:v32+s2+$0x0], $0xffff  }
0x40b: {  	v54 =	vor.u32 v38, v22;
	v23 =	vor.u32 v38, v23;
	v53 =	vld.idx.msk [tilespmem:v20+s2+$0x0], $0xffff;
	v20 =	vshll.u32 v19, $0x7  }
0x40c: {  	v22 =	vshll.u32 v27, $0x7;
	v25 =	vshll.u32 v31, $0x7;
	v19 =	vld.idx.msk [tilespmem:v34+s2+$0x0], $0xffff;
	v55 =	vor.u32 v38, v20  }
0x40d: {  	v56 =	vor.u32 v38, v22;
	v25 =	vor.u32 v38, v25;
	v20 =	vld.idx.msk [tilespmem:v21+s2+$0x0], $0xffff;
	v21 =	vshll.u32 v29, $0x7  }
0x40e: {  	v27 =	vshll.u32 v35, $0x7;
	v22 =	vld.idx.msk [tilespmem:v26+s2+$0x0], $0xffff;
	v34 =	vor.u32 v38, v21;
	v26 =	vshll.u32 v33, $0x7  }
0x40f: {  	v30 =	vor.u32 v38, v27;
	v21 =	vld.idx.msk [tilespmem:v24+s2+$0x0], $0xffff;
	v32 =	vor.u32 v38, v26;
	v24 =	vshll.u32 v46, $0x7  }
0x410: {  	v28 =	vshll.u32 v36, $0x7;
	v29 =	vld.idx.msk [tilespmem:v44+s2+$0x0], $0xffff;
	v26 =	vor.u32 v38, v24;
	v24 =	vshll.u32 v47, $0x7  }
0x411: {  	v33 =	vor.u32 v38, v28;
	v27 =	vld.idx.msk [tilespmem:v45+s2+$0x0], $0xffff;
	v31 =	vor.u32 v38, v24;
	v24 =	vshll.u32 v48, $0x7  }
0x412: {  	v39 =	vshll.u32 v39, $0x7;
	v35 =	vshll.u32 v37, $0x7;
	v36 =	vld.idx.msk [tilespmem:v43+s2+$0x0], $0xffff;
	v28 =	vor.u32 v38, v24  }
0x413: {  	v37 =	vor.u32 v38, v35;
	v35 =	vor.u32 v38, v39;
	v24 =	vld.idx.msk [tilespmem:v50+s2+$0x0], $0xffff  }
.Ltmp11:
0x414: {  	[tilespmem:v52+s7+$0x0] =	vst.idx.msk $0xffff, v40;
	(pc) =	sbr.rel @p0 .LBB2_24-.Ltmp11, $4  }
0x415: {  	[tilespmem:v54+s7+$0x0] =	vst.idx.msk $0xffff, v49  }
0x416: {  	[tilespmem:v41+s7+$0x0] =	vst.idx.msk $0xffff, v53  }
0x417: {  	[tilespmem:v55+s7+$0x0] =	vst.idx.msk $0xffff, v51  }
0x418: {  	[tilespmem:v56+s7+$0x0] =	vst.idx.msk $0xffff, v42  }
0x419: {  	_ =	sdelay $0x3  }
0x41a: {  	[tilespmem:v34+s7+$0x0] =	vst.idx.msk $0xffff, v17  }
0x41b: {  	[tilespmem:v23+s7+$0x0] =	vst.idx.msk $0xffff, v36  }
0x41c: {  	[tilespmem:v37+s7+$0x0] =	vst.idx.msk $0xffff, v18  }
0x41d: {  	[tilespmem:v32+s7+$0x0] =	vst.idx.msk $0xffff, v29  }
0x41e: {  	[tilespmem:v25+s7+$0x0] =	vst.idx.msk $0xffff, v22  }
0x41f: {  	[tilespmem:v30+s7+$0x0] =	vst.idx.msk $0xffff, v27  }
0x420: {  	[tilespmem:v33+s7+$0x0] =	vst.idx.msk $0xffff, v19  }
0x421: {  	[tilespmem:v26+s7+$0x0] =	vst.idx.msk $0xffff, v20  }
0x422: {  	s11 =	sadd.s32 $0x1, s11;
	[tilespmem:v31+s7+$0x0] =	vst.idx.msk $0xffff, v21  }
0x423: {  	p0 =	sne.s32 s11, s20;
	[tilespmem:v35+s7+$0x0] =	vst.idx.msk $0xffff, v16  }
.Ltmp12:
0x424: {  	[tilespmem:v28+s7+$0x0] =	vst.idx.msk $0xffff, v24;
	(pc) =	sbr.rel @p0 .LBB2_1-.Ltmp12, $4  }
0x425: {  	[hbm4b:s19+s8] =	stream.strided.scatter [tilespmem:s5], [sflag:$0x3], $0x6000, s9, s8, $0x38;
	[tilespmem:$0x1E300] =	vst v63  }
0x426: {  	_ =	swait.ge [sflag:s21], $0x6000  }
0x427: {  	[sflag:s21] =	ssyncset.done $0x0  }
0x428: {  	[sflag:s21] =	ssyncadd.s32 $0xFFFFA000  }
0x429: {  	_ =	sfence.sel $0x180000  }
0x42a: {  	[bflag:$0x0] =	sbarrier.arrive $0xFFFF  }
0x42b: {  	_ =	strace $0x90000047  }
0x42c: {  	s0 =	stileid.u32;
	[bflag:$0x2] =	sbarrier.arrive $0xFFFF  }
0x42d: {  	p0 =	sne.s32 s0, $0x0;
	s0 =	rddreg [dreg:$0x3]  }
0x42e: {  	s0 =	sadd.s32 @!p0 $0x100000, s0  }
0x42f: {  	[sflag:s0] =	ssyncadd.tile.s32 @!p0 $0x1;
	_ =	shalt  }
.Lfunc_end2:
_tile_overlayer_lowered:
.L_overlay_start_2:
0x430: {  	(tag) =	ssettag $0x2  }
0x431: {  	s0 =	rddreg [dreg:$0x0];
	s2 =	stileid.u32  }
0x432: {  	s1 =	rddreg [dreg:$0x1];
	p0 =	sne.s32 s2, $0x0  }
0x433: {  	s3 =	rddreg [dreg:$0x2];
	[bflag:$0x3] =	sbarrier.arrive $0xFFFF;
	s2 =	simm.s32 @!p0 $0x1C03  }
0x434: {  	[timem:s3], [sflag:s2] =	dma.local @!p0 [hbm:s0], s1  }
0x435: {  	s0 =	simm.s32 @!p0 $0x3  }
0x436: {  	_ =	swait.ge @!p0 [sflag:s0], s1  }
0x437: {  	s1 =	ssub.s32 @!p0 $0x0, s1;
	[sflag:s0] =	ssyncset.done @!p0 $0x0  }
0x438: {  	[sflag:s0] =	ssyncadd.s32 @!p0 s1  }
0x439: {  	[bflag:$0x3] =	sbarrier.arrive $0xFFFF  }
0x43a: {  	_ =	shalt  }

</sc_bundles>
